<compile_context>
chip_gen: v7x
topology: tpu7x:2x2x1
jax: 0.10.2.dev20260603
libtpu: 0.0.44.dev20260713+nightly
codegen_flags: <defaults>
</compile_context>

<pallas_src>
import jax
import jax.numpy as jnp
from jax import lax
from jax.experimental import pallas as pl
from jax.experimental.pallas import tpu as pltpu
from jax.experimental.pallas import tpu_sc as plsc

N = 10000
E = 320000
DF = 128
DC = 64
CW = 16
NC = 2
NS = 16
EPT = E // NS
CB = 80
NJF = EPT // CB
NJP = NJF // NC
NB = 5
RPS = N // NS


def _fill2(ref, rows, cols, value):
    v = jnp.full((16,), value, jnp.float32)

    @pl.loop(0, rows)
    def _row(i):
        @pl.loop(0, cols // 16)
        def _col(k):
            ref[i, pl.ds(k * 16, 16)] = v


def _seg_common(acc_sh, zb, sid):
    for t in range(RPS // 25):
        pltpu.sync_copy(zb, acc_sh.at[pl.ds(sid * RPS + t * 25, 25)])


def _run_pipeline(x_hbm, gidx_v, dst_v, rows_v, sems, acc_sh, nj,
                  cnt_fn=None):
    ng = nj // NB
    for b in range(NB):
        pltpu.async_copy(x_hbm.at[gidx_v.at[b]], rows_v.at[b], sems[b])

    @pl.loop(0, ng)
    def _group(g):
        for b in range(NB):
            j = g * NB + b
            pltpu.make_async_copy(
                x_hbm.at[gidx_v.at[j]], rows_v.at[b], sems[b]).wait()
            pltpu.sync_copy(rows_v.at[b], acc_sh.at[dst_v.at[j]], add=True)
            if cnt_fn is not None:
                cnt_fn(j)

            @pl.when(g + 1 < ng)
            def _prefetch(b=b, g=g):
                pltpu.async_copy(x_hbm.at[gidx_v.at[(g + 1) * NB + b]],
                                 rows_v.at[b], sems[b])


def _make_segsum_f():
    mesh = plsc.VectorSubcoreMesh(core_axis_name="c", subcore_axis_name="s")
    out_type = [jax.ShapeDtypeStruct((N, DF), jnp.float32),
                jax.ShapeDtypeStruct((N, DF), jnp.float32)]
    scratch = [
        pltpu.VMEM((NJF, CB), jnp.int32),
        pltpu.VMEM((NJF, CB), jnp.int32),
        pltpu.VMEM((NB, CB, DC), jnp.float32),
        pltpu.VMEM((25, DC), jnp.float32),
        pltpu.VMEM_SHARED((N, DC), jnp.float32),
        pltpu.VMEM((CB, CW), jnp.float32),
        pltpu.VMEM((125, CW), jnp.float32),
        pltpu.VMEM_SHARED((N, CW), jnp.float32),
    ] + [pltpu.SemaphoreType.DMA for _ in range(NB)]

    def body(x_hbm, src_hbm, dst_hbm, out_hbm, cnt_hbm,
             src_v, dst_v, rows_v, zb, acc_sh, ones_v, zc, cnt_sh,
             *sems):
        cid = lax.axis_index("c")
        sid = lax.axis_index("s")

        pltpu.sync_copy(src_hbm.at[sid], src_v)
        pltpu.sync_copy(dst_hbm.at[sid], dst_v)
        _fill2(zb, 25, DC, 0.0)
        _fill2(ones_v, CB, CW, 1.0)
        _fill2(zc, 125, CW, 0.0)

        @pl.loop(0, NJF)
        def _xf(j):
            @pl.loop(0, CB // 16)
            def _xf16(k, j=j):
                s = src_v[j, pl.ds(k * 16, 16)]
                src_v[j, pl.ds(k * 16, 16)] = s + s + cid

        _seg_common(acc_sh, zb, sid)
        for t in range(RPS // 125):
            pltpu.sync_copy(zc, cnt_sh.at[pl.ds(sid * RPS + t * 125, 125)])
        plsc.subcore_barrier()

        def cnt_fn(j):
            @pl.when((j // NJP) == cid)
            def _():
                pltpu.sync_copy(ones_v, cnt_sh.at[dst_v.at[j]], add=True)

        _run_pipeline(x_hbm, src_v, dst_v, rows_v, sems, acc_sh, NJF,
                      cnt_fn)

        plsc.subcore_barrier()
        rows_sl = pl.ds(sid * RPS, RPS)
        pltpu.sync_copy(acc_sh.at[rows_sl],
                        out_hbm.at[rows_sl, pl.ds(cid * DC, DC)])
        pltpu.sync_copy(cnt_sh.at[rows_sl],
                        cnt_hbm.at[rows_sl, pl.ds(cid * CW, CW)])

    return pl.kernel(
        body, out_type=out_type, mesh=mesh, scratch_types=scratch,
        compiler_params=pltpu.CompilerParams(use_tc_tiling_on_sc=False))


def _make_segsum_p():
    mesh = plsc.VectorSubcoreMesh(core_axis_name="c", subcore_axis_name="s")
    out_type = [jax.ShapeDtypeStruct((N, DF), jnp.float32)]
    scratch = [
        pltpu.VMEM((NJP, CB), jnp.int32),
        pltpu.VMEM((NJP, CB), jnp.int32),
        pltpu.VMEM((NB, CB, DC), jnp.float32),
        pltpu.VMEM((25, DC), jnp.float32),
        pltpu.VMEM_SHARED((N, DC), jnp.float32),
    ] + [pltpu.SemaphoreType.DMA for _ in range(NB)]

    def body(x_hbm, src_hbm, dst_hbm, out_hbm,
             src_v, dst_v, rows_v, zb, acc_sh, *sems):
        cid = lax.axis_index("c")
        sid = lax.axis_index("s")

        pltpu.sync_copy(src_hbm.at[sid, pl.ds(cid * NJP, NJP)], src_v)
        pltpu.sync_copy(dst_hbm.at[sid, pl.ds(cid * NJP, NJP)], dst_v)
        _fill2(zb, 25, DC, 0.0)
        _seg_common(acc_sh, zb, sid)
        plsc.subcore_barrier()

        _run_pipeline(x_hbm, src_v, dst_v, rows_v, sems, acc_sh, NJP)

        plsc.subcore_barrier()
        rows_sl = pl.ds(sid * RPS, RPS)
        pltpu.sync_copy(acc_sh.at[rows_sl],
                        out_hbm.at[rows_sl, pl.ds(cid * DC, DC)])

    return pl.kernel(
        body, out_type=out_type, mesh=mesh, scratch_types=scratch,
        compiler_params=pltpu.CompilerParams(use_tc_tiling_on_sc=False))


_segsum_f = _make_segsum_f()
_segsum_p = _make_segsum_p()

_BR = 1000
_NBLK = N // _BR


def _dense1(s01, cnt, x, W1l, b1, W1r, W2l, b2, W2r):
    def body(s_ref, c_ref, x_ref, w1l_ref, b1_ref, w1r_ref,
             w2l_ref, b2_ref, w2r_ref, p_ref, r_ref):
        cc = c_ref[...]
        c = jnp.maximum(cc[:, :1] + cc[:, CW:CW + 1], 1.0)
        m = s_ref[...] * (1.0 / c)
        t = (jnp.dot(m, w1l_ref[...], preferred_element_type=jnp.float32)
             + jnp.dot(x_ref[...], w1r_ref[...],
                       preferred_element_type=jnp.float32)
             + b1_ref[...])
        nrm = jnp.sqrt(jnp.sum(t * t, axis=1, keepdims=True))
        h = jnp.maximum(t / jnp.maximum(nrm, 1e-12), 0.0)
        p_ref[...] = jnp.dot(h, w2l_ref[...],
                             preferred_element_type=jnp.float32)
        r_ref[...] = (jnp.dot(h, w2r_ref[...],
                              preferred_element_type=jnp.float32)
                      + b2_ref[...])

    return pl.pallas_call(
        body,
        grid=(_NBLK,),
        in_specs=[
            pl.BlockSpec((_BR, DF), lambda i: (i, 0)),
            pl.BlockSpec((_BR, DF), lambda i: (i, 0)),
            pl.BlockSpec((_BR, DF), lambda i: (i, 0)),
            pl.BlockSpec((DF, DF), lambda i: (0, 0)),
            pl.BlockSpec((1, DF), lambda i: (0, 0)),
            pl.BlockSpec((DF, DF), lambda i: (0, 0)),
            pl.BlockSpec((DF, DC), lambda i: (0, 0)),
            pl.BlockSpec((1, DC), lambda i: (0, 0)),
            pl.BlockSpec((DF, DC), lambda i: (0, 0)),
        ],
        out_specs=[
            pl.BlockSpec((_BR, DC), lambda i: (i, 0)),
            pl.BlockSpec((_BR, DC), lambda i: (i, 0)),
        ],
        out_shape=[
            jax.ShapeDtypeStruct((N, DC), jnp.float32),
            jax.ShapeDtypeStruct((N, DC), jnp.float32),
        ],
    )(s01, cnt, x, W1l, b1, W1r, W2l, b2, W2r)


def _dense2(acc2, cnt, r):
    def body(a_ref, c_ref, r_ref, o_ref):
        cc = c_ref[...]
        c = jnp.maximum(cc[:, :1] + cc[:, CW:CW + 1], 1.0)
        aa = a_ref[...]
        o = (aa[:, :DC] + aa[:, DC:]) / c + r_ref[...]
        nrm = jnp.sqrt(jnp.sum(o * o, axis=1, keepdims=True))
        o = o / jnp.maximum(nrm, 1e-12)
        m = jnp.max(o, axis=1, keepdims=True)
        lse = jnp.log(jnp.sum(jnp.exp(o - m), axis=1, keepdims=True))
        o_ref[...] = o - m - lse

    return pl.pallas_call(
        body,
        grid=(_NBLK,),
        in_specs=[
            pl.BlockSpec((_BR, DF), lambda i: (i, 0)),
            pl.BlockSpec((_BR, DF), lambda i: (i, 0)),
            pl.BlockSpec((_BR, DC), lambda i: (i, 0)),
        ],
        out_specs=pl.BlockSpec((_BR, DC), lambda i: (i, 0)),
        out_shape=jax.ShapeDtypeStruct((N, DC), jnp.float32),
    )(acc2, cnt, r)


def kernel(features, edge_index, W1l, b1, W1r, W2l, b2, W2r):
    src = edge_index[0].reshape(NS, NJF, CB)
    dst = edge_index[1].reshape(NS, NJF, CB)
    x2 = features.reshape(2 * N, DC)
    s01, cnt = _segsum_f(x2, src, dst)
    p, r = _dense1(s01, cnt, features, W1l, b1.reshape(1, DF), W1r,
                   W2l, b2.reshape(1, DC), W2r)
    out = _segsum_p(p, src, dst)
    acc2 = out[0] if isinstance(out, (list, tuple)) else out
    return _dense2(acc2, cnt, r)

# --- scband reference (transcript-rebuilt; emitter-appended) ---
"""Pipeline reference for scband-geo-sageconv-31894427140226 (READ-ONLY COPY).

The authoritative reference and input builder live on the scoring server;
editing this copy changes nothing except your own understanding.
"""

import jax, jax.numpy as jnp
import numpy as np

N = 10000
E = 320000
NFEAT = 128
NHID = 128
NCLASS = 64


def setup_inputs(seed: int = 0) -> dict:
    key = jax.random.key(seed)
    ks = jax.random.split(key, 8)
    features = jax.random.normal(ks[0], (N, NFEAT), dtype=jnp.float32)
    edge_index = jax.random.randint(ks[1], (2, E), 0, N, dtype=jnp.int32)
    s1 = 1.0 / np.sqrt(NFEAT)
    s2 = 1.0 / np.sqrt(NHID)
    W1l = jax.random.normal(ks[2], (NFEAT, NHID), dtype=jnp.float32) * s1
    W1r = jax.random.normal(ks[3], (NFEAT, NHID), dtype=jnp.float32) * s1
    b1 = jnp.zeros((NHID,), dtype=jnp.float32)
    W2l = jax.random.normal(ks[4], (NHID, NCLASS), dtype=jnp.float32) * s2
    W2r = jax.random.normal(ks[5], (NHID, NCLASS), dtype=jnp.float32) * s2
    b2 = jnp.zeros((NCLASS,), dtype=jnp.float32)
    return {"features": features, "edge_index": edge_index,
            "W1l": W1l, "b1": b1, "W1r": W1r,
            "W2l": W2l, "b2": b2, "W2r": W2r}


def _l2_normalize(x):
    n = jnp.linalg.norm(x, axis=-1, keepdims=True)
    return x / jnp.maximum(n, 1e-12)


def _sage_conv(x, edge_index, Wl, bl, Wr):
    # PyG SAGEConv (aggr='mean', root_weight=True, normalize=True):
    # out = lin_l(mean_{j in N(i)} x_j) + lin_r(x_i); out = l2_normalize(out)
    src = edge_index[0]
    dst = edge_index[1]
    msgs = x[src]  # gather (SparseCore-friendly)
    summed = jax.ops.segment_sum(msgs, dst, num_segments=N)
    cnt = jax.ops.segment_sum(jnp.ones((edge_index.shape[1],), dtype=x.dtype), dst, num_segments=N)
    mean = summed / jnp.clip(cnt, 1.0)[:, None]
    out = mean @ Wl + bl + x @ Wr
    return _l2_normalize(out)


def reference(features, edge_index, W1l, b1, W1r, W2l, b2, W2r):
    h = jax.nn.relu(_sage_conv(features, edge_index, W1l, b1, W1r))
    # dropout in eval mode -> identity (deterministic reference)
    out = _sage_conv(h, edge_index, W2l, b2, W2r)
    return jax.nn.log_softmax(out, axis=1)

if __name__ == "__main__":
    import jax
    _d = setup_inputs()
    print(jax.jit(kernel)(*tuple(_d.values())))

</pallas_src>

<mosaic_0001>
#map = affine_map<(d0, d1) -> (0, 0)>
#map1 = affine_map<(d0, d1) -> (0, 0, 0)>
module attributes {stable_mosaic.version = 14 : i64} {
  func.func @body(%arg0: i32, %arg1: i32, %arg2: memref<10000x64xf32, #tpu.memory_space<hbm>>, %arg3: memref<16x250x80xi32, #tpu.memory_space<hbm>>, %arg4: memref<16x250x80xi32, #tpu.memory_space<hbm>>, %arg5: memref<10000x128xf32, #tpu.memory_space<hbm>>, %arg6: memref<125x80xi32, #tpu.memory_space<vmem>>, %arg7: memref<125x80xi32, #tpu.memory_space<vmem>>, %arg8: memref<5x80x64xf32, #tpu.memory_space<vmem>>, %arg9: memref<25x64xf32, #tpu.memory_space<vmem>>, %arg10: memref<10000x64xf32, #tpu.memory_space<vmem_shared>>, %arg11: memref<!tpu.dma_semaphore, #tpu.memory_space<semaphore_mem>>, %arg12: memref<!tpu.dma_semaphore, #tpu.memory_space<semaphore_mem>>, %arg13: memref<!tpu.dma_semaphore, #tpu.memory_space<semaphore_mem>>, %arg14: memref<!tpu.dma_semaphore, #tpu.memory_space<semaphore_mem>>, %arg15: memref<!tpu.dma_semaphore, #tpu.memory_space<semaphore_mem>>) attributes {dimension_semantics = [#tpu.dimension_semantics<core_parallel>, #tpu.dimension_semantics<subcore_parallel>], iteration_bounds = array<i64: 2, 16>, scalar_prefetch = 0 : i64, scratch_operands = 10 : i64, tpu.core_type = #tpu.core_type<sc_vector_subcore>, window_params = [{transform_indices = #map}, {transform_indices = #map1}, {transform_indices = #map1}, {transform_indices = #map}]} {
    %mul3A = arith.constant 125 : i32
    %mul3A_0 = arith.muli %arg0, %mul3A : i32
    "tpu.region"() ({
      %run_scoped3A = tpu.sem_alloc : memref<!tpu.dma_semaphore, #tpu.memory_space<semaphore_mem>>
      %dma_start3A_176 = arith.constant 0 : i32
      %dma_start3A_177 = tpu.memref_slice %arg3[%arg1, %mul3A_0, %dma_start3A_176] : memref<16x250x80xi32, #tpu.memory_space<hbm>> -> memref<1x125x80xi32, #tpu.memory_space<hbm>>
      %dma_start3A_178 = tpu.memref_squeeze %dma_start3A_177 : memref<1x125x80xi32, #tpu.memory_space<hbm>> -> memref<125x80xi32, #tpu.memory_space<hbm>>
      %dma_start3A_179 = arith.constant 0 : i32
      %dma_start3A_180 = tpu.memref_slice %arg3[%arg1, %mul3A_0, %dma_start3A_179] : memref<16x250x80xi32, #tpu.memory_space<hbm>> -> memref<1x125x80xi32, #tpu.memory_space<hbm>>
      %dma_start3A_181 = tpu.memref_squeeze %dma_start3A_180 : memref<1x125x80xi32, #tpu.memory_space<hbm>> -> memref<125x80xi32, #tpu.memory_space<hbm>>
      tpu.enqueue_dma source(%dma_start3A_181 : memref<125x80xi32, #tpu.memory_space<hbm>>) target(%arg6 : memref<125x80xi32, #tpu.memory_space<vmem>>) target_semaphore(%run_scoped3A : memref<!tpu.dma_semaphore, #tpu.memory_space<semaphore_mem>>)
      %dma_wait3A = arith.constant 0 : i32
      %dma_wait3A_182 = tpu.memref_slice %arg3[%arg1, %mul3A_0, %dma_wait3A] : memref<16x250x80xi32, #tpu.memory_space<hbm>> -> memref<1x125x80xi32, #tpu.memory_space<hbm>>
      %dma_wait3A_183 = tpu.memref_squeeze %dma_wait3A_182 : memref<1x125x80xi32, #tpu.memory_space<hbm>> -> memref<125x80xi32, #tpu.memory_space<hbm>>
      %dma_wait3A_184 = arith.constant 0 : i32
      %dma_wait3A_185 = tpu.memref_slice %arg3[%arg1, %mul3A_0, %dma_wait3A_184] : memref<16x250x80xi32, #tpu.memory_space<hbm>> -> memref<1x125x80xi32, #tpu.memory_space<hbm>>
      %dma_wait3A_186 = tpu.memref_squeeze %dma_wait3A_185 : memref<1x125x80xi32, #tpu.memory_space<hbm>> -> memref<125x80xi32, #tpu.memory_space<hbm>>
      tpu.wait_dma2 semaphore(%run_scoped3A : memref<!tpu.dma_semaphore, #tpu.memory_space<semaphore_mem>>) src(%dma_wait3A_186 : memref<125x80xi32, #tpu.memory_space<hbm>>) dst(%arg6 : memref<125x80xi32, #tpu.memory_space<vmem>>)
      tpu.yield
    }) : () -> ()
    %mul3A_1 = arith.constant 125 : i32
    %mul3A_2 = arith.muli %arg0, %mul3A_1 : i32
    "tpu.region"() ({
      %run_scoped3A = tpu.sem_alloc : memref<!tpu.dma_semaphore, #tpu.memory_space<semaphore_mem>>
      %dma_start3A_176 = arith.constant 0 : i32
      %dma_start3A_177 = tpu.memref_slice %arg4[%arg1, %mul3A_2, %dma_start3A_176] : memref<16x250x80xi32, #tpu.memory_space<hbm>> -> memref<1x125x80xi32, #tpu.memory_space<hbm>>
      %dma_start3A_178 = tpu.memref_squeeze %dma_start3A_177 : memref<1x125x80xi32, #tpu.memory_space<hbm>> -> memref<125x80xi32, #tpu.memory_space<hbm>>
      %dma_start3A_179 = arith.constant 0 : i32
      %dma_start3A_180 = tpu.memref_slice %arg4[%arg1, %mul3A_2, %dma_start3A_179] : memref<16x250x80xi32, #tpu.memory_space<hbm>> -> memref<1x125x80xi32, #tpu.memory_space<hbm>>
      %dma_start3A_181 = tpu.memref_squeeze %dma_start3A_180 : memref<1x125x80xi32, #tpu.memory_space<hbm>> -> memref<125x80xi32, #tpu.memory_space<hbm>>
      tpu.enqueue_dma source(%dma_start3A_181 : memref<125x80xi32, #tpu.memory_space<hbm>>) target(%arg7 : memref<125x80xi32, #tpu.memory_space<vmem>>) target_semaphore(%run_scoped3A : memref<!tpu.dma_semaphore, #tpu.memory_space<semaphore_mem>>)
      %dma_wait3A = arith.constant 0 : i32
      %dma_wait3A_182 = tpu.memref_slice %arg4[%arg1, %mul3A_2, %dma_wait3A] : memref<16x250x80xi32, #tpu.memory_space<hbm>> -> memref<1x125x80xi32, #tpu.memory_space<hbm>>
      %dma_wait3A_183 = tpu.memref_squeeze %dma_wait3A_182 : memref<1x125x80xi32, #tpu.memory_space<hbm>> -> memref<125x80xi32, #tpu.memory_space<hbm>>
      %dma_wait3A_184 = arith.constant 0 : i32
      %dma_wait3A_185 = tpu.memref_slice %arg4[%arg1, %mul3A_2, %dma_wait3A_184] : memref<16x250x80xi32, #tpu.memory_space<hbm>> -> memref<1x125x80xi32, #tpu.memory_space<hbm>>
      %dma_wait3A_186 = tpu.memref_squeeze %dma_wait3A_185 : memref<1x125x80xi32, #tpu.memory_space<hbm>> -> memref<125x80xi32, #tpu.memory_space<hbm>>
      tpu.wait_dma2 semaphore(%run_scoped3A : memref<!tpu.dma_semaphore, #tpu.memory_space<semaphore_mem>>) src(%dma_wait3A_186 : memref<125x80xi32, #tpu.memory_space<hbm>>) dst(%arg7 : memref<125x80xi32, #tpu.memory_space<vmem>>)
      tpu.yield
    }) : () -> ()
    %broadcast_in_dim3A = arith.constant 0.000000e+00 : f32
    %broadcast_in_dim3A_3 = vector.broadcast %broadcast_in_dim3A : f32 to vector<16xf32>
    %scan3A = arith.constant 0 : i32
    %scan3A_4 = arith.constant 25 : i32
    %scan3A_5 = arith.addi %scan3A, %scan3A_4 : i32
    %scan3A_6 = arith.constant 1 : i32
    scf.for %scan3A_176 = %scan3A to %scan3A_5 step %scan3A_6  : i32 {
      %mul3A_177 = arith.constant 1 : i32
      %mul3A_178 = arith.muli %scan3A_176, %mul3A_177 : i32
      %add3A_179 = arith.constant 0 : i32
      %add3A_180 = arith.addi %add3A_179, %mul3A_178 : i32
      %scan3A_181 = arith.constant 0 : i32
      %scan3A_182 = arith.constant 4 : i32
      %scan3A_183 = arith.addi %scan3A_181, %scan3A_182 : i32
      %scan3A_184 = arith.constant 1 : i32
      scf.for %scan3A_186 = %scan3A_181 to %scan3A_183 step %scan3A_184  : i32 {
        %mul3A_187 = arith.constant 1 : i32
        %mul3A_188 = arith.muli %scan3A_186, %mul3A_187 : i32
        %add3A_189 = arith.constant 0 : i32
        %add3A_190 = arith.addi %add3A_189, %mul3A_188 : i32
        %mul3A_191 = arith.constant 16 : i32
        %mul3A_192 = arith.muli %add3A_190, %mul3A_191 : i32
        %swap3A = arith.index_cast %add3A_180 : i32 to index
        %swap3A_193 = arith.index_cast %mul3A_192 : i32 to index
        %swap3A_194 = tpu.vector_load %arg9[%swap3A, %swap3A_193] {strides = array<i32>} : memref<25x64xf32, #tpu.memory_space<vmem>>, vector<1x16xf32>,
        %swap3A_195 = vector.shape_cast %swap3A_194 : vector<1x16xf32> to vector<16xf32>
        %swap3A_196 = vector.shape_cast %broadcast_in_dim3A_3 : vector<16xf32> to vector<1x16xf32>
        tpu.vector_store %arg9[%swap3A, %swap3A_193], %swap3A_196 {strides = array<i32>} : memref<25x64xf32, #tpu.memory_space<vmem>>, vector<1x16xf32>,
      }
      %scan3A_185 = arith.constant 4 : i32
    }
    %scan3A_7 = arith.constant 25 : i32
    %mul3A_8 = arith.constant 625 : i32
    %mul3A_9 = arith.muli %arg1, %mul3A_8 : i32
    %add3A = arith.constant 0 : i32
    %add3A_10 = arith.addi %mul3A_9, %add3A : i32
    "tpu.region"() ({
      %run_scoped3A = tpu.sem_alloc : memref<!tpu.dma_semaphore, #tpu.memory_space<semaphore_mem>>
      %dma_start3A_176 = arith.constant 0 : i32
      %dma_start3A_177 = tpu.memref_slice %arg10[%add3A_10, %dma_start3A_176] : memref<10000x64xf32, #tpu.memory_space<vmem_shared>> -> memref<25x64xf32, #tpu.memory_space<vmem_shared>>
      %dma_start3A_178 = arith.constant 0 : i32
      %dma_start3A_179 = tpu.memref_slice %arg10[%add3A_10, %dma_start3A_178] : memref<10000x64xf32, #tpu.memory_space<vmem_shared>> -> memref<25x64xf32, #tpu.memory_space<vmem_shared>>
      tpu.enqueue_dma source(%arg9 : memref<25x64xf32, #tpu.memory_space<vmem>>) target(%dma_start3A_179 : memref<25x64xf32, #tpu.memory_space<vmem_shared>>) target_semaphore(%run_scoped3A : memref<!tpu.dma_semaphore, #tpu.memory_space<semaphore_mem>>)
      %dma_wait3A = arith.constant 0 : i32
      %dma_wait3A_180 = tpu.memref_slice %arg10[%add3A_10, %dma_wait3A] : memref<10000x64xf32, #tpu.memory_space<vmem_shared>> -> memref<25x64xf32, #tpu.memory_space<vmem_shared>>
      %dma_wait3A_181 = arith.constant 0 : i32
      %dma_wait3A_182 = tpu.memref_slice %arg10[%add3A_10, %dma_wait3A_181] : memref<10000x64xf32, #tpu.memory_space<vmem_shared>> -> memref<25x64xf32, #tpu.memory_space<vmem_shared>>
      tpu.wait_dma2 semaphore(%run_scoped3A : memref<!tpu.dma_semaphore, #tpu.memory_space<semaphore_mem>>) src(%arg9 : memref<25x64xf32, #tpu.memory_space<vmem>>) dst(%dma_wait3A_182 : memref<25x64xf32, #tpu.memory_space<vmem_shared>>)
      tpu.yield
    }) : () -> ()
    %mul3A_11 = arith.constant 625 : i32
    %mul3A_12 = arith.muli %arg1, %mul3A_11 : i32
    %add3A_13 = arith.constant 25 : i32
    %add3A_14 = arith.addi %mul3A_12, %add3A_13 : i32
    "tpu.region"() ({
      %run_scoped3A = tpu.sem_alloc : memref<!tpu.dma_semaphore, #tpu.memory_space<semaphore_mem>>
      %dma_start3A_176 = arith.constant 0 : i32
      %dma_start3A_177 = tpu.memref_slice %arg10[%add3A_14, %dma_start3A_176] : memref<10000x64xf32, #tpu.memory_space<vmem_shared>> -> memref<25x64xf32, #tpu.memory_space<vmem_shared>>
      %dma_start3A_178 = arith.constant 0 : i32
      %dma_start3A_179 = tpu.memref_slice %arg10[%add3A_14, %dma_start3A_178] : memref<10000x64xf32, #tpu.memory_space<vmem_shared>> -> memref<25x64xf32, #tpu.memory_space<vmem_shared>>
      tpu.enqueue_dma source(%arg9 : memref<25x64xf32, #tpu.memory_space<vmem>>) target(%dma_start3A_179 : memref<25x64xf32, #tpu.memory_space<vmem_shared>>) target_semaphore(%run_scoped3A : memref<!tpu.dma_semaphore, #tpu.memory_space<semaphore_mem>>)
      %dma_wait3A = arith.constant 0 : i32
      %dma_wait3A_180 = tpu.memref_slice %arg10[%add3A_14, %dma_wait3A] : memref<10000x64xf32, #tpu.memory_space<vmem_shared>> -> memref<25x64xf32, #tpu.memory_space<vmem_shared>>
      %dma_wait3A_181 = arith.constant 0 : i32
      %dma_wait3A_182 = tpu.memref_slice %arg10[%add3A_14, %dma_wait3A_181] : memref<10000x64xf32, #tpu.memory_space<vmem_shared>> -> memref<25x64xf32, #tpu.memory_space<vmem_shared>>
      tpu.wait_dma2 semaphore(%run_scoped3A : memref<!tpu.dma_semaphore, #tpu.memory_space<semaphore_mem>>) src(%arg9 : memref<25x64xf32, #tpu.memory_space<vmem>>) dst(%dma_wait3A_182 : memref<25x64xf32, #tpu.memory_space<vmem_shared>>)
      tpu.yield
    }) : () -> ()
    %mul3A_15 = arith.constant 625 : i32
    %mul3A_16 = arith.muli %arg1, %mul3A_15 : i32
    %add3A_17 = arith.constant 50 : i32
    %add3A_18 = arith.addi %mul3A_16, %add3A_17 : i32
    "tpu.region"() ({
      %run_scoped3A = tpu.sem_alloc : memref<!tpu.dma_semaphore, #tpu.memory_space<semaphore_mem>>
      %dma_start3A_176 = arith.constant 0 : i32
      %dma_start3A_177 = tpu.memref_slice %arg10[%add3A_18, %dma_start3A_176] : memref<10000x64xf32, #tpu.memory_space<vmem_shared>> -> memref<25x64xf32, #tpu.memory_space<vmem_shared>>
      %dma_start3A_178 = arith.constant 0 : i32
      %dma_start3A_179 = tpu.memref_slice %arg10[%add3A_18, %dma_start3A_178] : memref<10000x64xf32, #tpu.memory_space<vmem_shared>> -> memref<25x64xf32, #tpu.memory_space<vmem_shared>>
      tpu.enqueue_dma source(%arg9 : memref<25x64xf32, #tpu.memory_space<vmem>>) target(%dma_start3A_179 : memref<25x64xf32, #tpu.memory_space<vmem_shared>>) target_semaphore(%run_scoped3A : memref<!tpu.dma_semaphore, #tpu.memory_space<semaphore_mem>>)
      %dma_wait3A = arith.constant 0 : i32
      %dma_wait3A_180 = tpu.memref_slice %arg10[%add3A_18, %dma_wait3A] : memref<10000x64xf32, #tpu.memory_space<vmem_shared>> -> memref<25x64xf32, #tpu.memory_space<vmem_shared>>
      %dma_wait3A_181 = arith.constant 0 : i32
      %dma_wait3A_182 = tpu.memref_slice %arg10[%add3A_18, %dma_wait3A_181] : memref<10000x64xf32, #tpu.memory_space<vmem_shared>> -> memref<25x64xf32, #tpu.memory_space<vmem_shared>>
      tpu.wait_dma2 semaphore(%run_scoped3A : memref<!tpu.dma_semaphore, #tpu.memory_space<semaphore_mem>>) src(%arg9 : memref<25x64xf32, #tpu.memory_space<vmem>>) dst(%dma_wait3A_182 : memref<25x64xf32, #tpu.memory_space<vmem_shared>>)
      tpu.yield
    }) : () -> ()
    %mul3A_19 = arith.constant 625 : i32
    %mul3A_20 = arith.muli %arg1, %mul3A_19 : i32
    %add3A_21 = arith.constant 75 : i32
    %add3A_22 = arith.addi %mul3A_20, %add3A_21 : i32
    "tpu.region"() ({
      %run_scoped3A = tpu.sem_alloc : memref<!tpu.dma_semaphore, #tpu.memory_space<semaphore_mem>>
      %dma_start3A_176 = arith.constant 0 : i32
      %dma_start3A_177 = tpu.memref_slice %arg10[%add3A_22, %dma_start3A_176] : memref<10000x64xf32, #tpu.memory_space<vmem_shared>> -> memref<25x64xf32, #tpu.memory_space<vmem_shared>>
      %dma_start3A_178 = arith.constant 0 : i32
      %dma_start3A_179 = tpu.memref_slice %arg10[%add3A_22, %dma_start3A_178] : memref<10000x64xf32, #tpu.memory_space<vmem_shared>> -> memref<25x64xf32, #tpu.memory_space<vmem_shared>>
      tpu.enqueue_dma source(%arg9 : memref<25x64xf32, #tpu.memory_space<vmem>>) target(%dma_start3A_179 : memref<25x64xf32, #tpu.memory_space<vmem_shared>>) target_semaphore(%run_scoped3A : memref<!tpu.dma_semaphore, #tpu.memory_space<semaphore_mem>>)
      %dma_wait3A = arith.constant 0 : i32
      %dma_wait3A_180 = tpu.memref_slice %arg10[%add3A_22, %dma_wait3A] : memref<10000x64xf32, #tpu.memory_space<vmem_shared>> -> memref<25x64xf32, #tpu.memory_space<vmem_shared>>
      %dma_wait3A_181 = arith.constant 0 : i32
      %dma_wait3A_182 = tpu.memref_slice %arg10[%add3A_22, %dma_wait3A_181] : memref<10000x64xf32, #tpu.memory_space<vmem_shared>> -> memref<25x64xf32, #tpu.memory_space<vmem_shared>>
      tpu.wait_dma2 semaphore(%run_scoped3A : memref<!tpu.dma_semaphore, #tpu.memory_space<semaphore_mem>>) src(%arg9 : memref<25x64xf32, #tpu.memory_space<vmem>>) dst(%dma_wait3A_182 : memref<25x64xf32, #tpu.memory_space<vmem_shared>>)
      tpu.yield
    }) : () -> ()
    %mul3A_23 = arith.constant 625 : i32
    %mul3A_24 = arith.muli %arg1, %mul3A_23 : i32
    %add3A_25 = arith.constant 100 : i32
    %add3A_26 = arith.addi %mul3A_24, %add3A_25 : i32
    "tpu.region"() ({
      %run_scoped3A = tpu.sem_alloc : memref<!tpu.dma_semaphore, #tpu.memory_space<semaphore_mem>>
      %dma_start3A_176 = arith.constant 0 : i32
      %dma_start3A_177 = tpu.memref_slice %arg10[%add3A_26, %dma_start3A_176] : memref<10000x64xf32, #tpu.memory_space<vmem_shared>> -> memref<25x64xf32, #tpu.memory_space<vmem_shared>>
      %dma_start3A_178 = arith.constant 0 : i32
      %dma_start3A_179 = tpu.memref_slice %arg10[%add3A_26, %dma_start3A_178] : memref<10000x64xf32, #tpu.memory_space<vmem_shared>> -> memref<25x64xf32, #tpu.memory_space<vmem_shared>>
      tpu.enqueue_dma source(%arg9 : memref<25x64xf32, #tpu.memory_space<vmem>>) target(%dma_start3A_179 : memref<25x64xf32, #tpu.memory_space<vmem_shared>>) target_semaphore(%run_scoped3A : memref<!tpu.dma_semaphore, #tpu.memory_space<semaphore_mem>>)
      %dma_wait3A = arith.constant 0 : i32
      %dma_wait3A_180 = tpu.memref_slice %arg10[%add3A_26, %dma_wait3A] : memref<10000x64xf32, #tpu.memory_space<vmem_shared>> -> memref<25x64xf32, #tpu.memory_space<vmem_shared>>
      %dma_wait3A_181 = arith.constant 0 : i32
      %dma_wait3A_182 = tpu.memref_slice %arg10[%add3A_26, %dma_wait3A_181] : memref<10000x64xf32, #tpu.memory_space<vmem_shared>> -> memref<25x64xf32, #tpu.memory_space<vmem_shared>>
      tpu.wait_dma2 semaphore(%run_scoped3A : memref<!tpu.dma_semaphore, #tpu.memory_space<semaphore_mem>>) src(%arg9 : memref<25x64xf32, #tpu.memory_space<vmem>>) dst(%dma_wait3A_182 : memref<25x64xf32, #tpu.memory_space<vmem_shared>>)
      tpu.yield
    }) : () -> ()
    %mul3A_27 = arith.constant 625 : i32
    %mul3A_28 = arith.muli %arg1, %mul3A_27 : i32
    %add3A_29 = arith.constant 125 : i32
    %add3A_30 = arith.addi %mul3A_28, %add3A_29 : i32
    "tpu.region"() ({
      %run_scoped3A = tpu.sem_alloc : memref<!tpu.dma_semaphore, #tpu.memory_space<semaphore_mem>>
      %dma_start3A_176 = arith.constant 0 : i32
      %dma_start3A_177 = tpu.memref_slice %arg10[%add3A_30, %dma_start3A_176] : memref<10000x64xf32, #tpu.memory_space<vmem_shared>> -> memref<25x64xf32, #tpu.memory_space<vmem_shared>>
      %dma_start3A_178 = arith.constant 0 : i32
      %dma_start3A_179 = tpu.memref_slice %arg10[%add3A_30, %dma_start3A_178] : memref<10000x64xf32, #tpu.memory_space<vmem_shared>> -> memref<25x64xf32, #tpu.memory_space<vmem_shared>>
      tpu.enqueue_dma source(%arg9 : memref<25x64xf32, #tpu.memory_space<vmem>>) target(%dma_start3A_179 : memref<25x64xf32, #tpu.memory_space<vmem_shared>>) target_semaphore(%run_scoped3A : memref<!tpu.dma_semaphore, #tpu.memory_space<semaphore_mem>>)
      %dma_wait3A = arith.constant 0 : i32
      %dma_wait3A_180 = tpu.memref_slice %arg10[%add3A_30, %dma_wait3A] : memref<10000x64xf32, #tpu.memory_space<vmem_shared>> -> memref<25x64xf32, #tpu.memory_space<vmem_shared>>
      %dma_wait3A_181 = arith.constant 0 : i32
      %dma_wait3A_182 = tpu.memref_slice %arg10[%add3A_30, %dma_wait3A_181] : memref<10000x64xf32, #tpu.memory_space<vmem_shared>> -> memref<25x64xf32, #tpu.memory_space<vmem_shared>>
      tpu.wait_dma2 semaphore(%run_scoped3A : memref<!tpu.dma_semaphore, #tpu.memory_space<semaphore_mem>>) src(%arg9 : memref<25x64xf32, #tpu.memory_space<vmem>>) dst(%dma_wait3A_182 : memref<25x64xf32, #tpu.memory_space<vmem_shared>>)
      tpu.yield
    }) : () -> ()
    %mul3A_31 = arith.constant 625 : i32
    %mul3A_32 = arith.muli %arg1, %mul3A_31 : i32
    %add3A_33 = arith.constant 150 : i32
    %add3A_34 = arith.addi %mul3A_32, %add3A_33 : i32
    "tpu.region"() ({
      %run_scoped3A = tpu.sem_alloc : memref<!tpu.dma_semaphore, #tpu.memory_space<semaphore_mem>>
      %dma_start3A_176 = arith.constant 0 : i32
      %dma_start3A_177 = tpu.memref_slice %arg10[%add3A_34, %dma_start3A_176] : memref<10000x64xf32, #tpu.memory_space<vmem_shared>> -> memref<25x64xf32, #tpu.memory_space<vmem_shared>>
      %dma_start3A_178 = arith.constant 0 : i32
      %dma_start3A_179 = tpu.memref_slice %arg10[%add3A_34, %dma_start3A_178] : memref<10000x64xf32, #tpu.memory_space<vmem_shared>> -> memref<25x64xf32, #tpu.memory_space<vmem_shared>>
      tpu.enqueue_dma source(%arg9 : memref<25x64xf32, #tpu.memory_space<vmem>>) target(%dma_start3A_179 : memref<25x64xf32, #tpu.memory_space<vmem_shared>>) target_semaphore(%run_scoped3A : memref<!tpu.dma_semaphore, #tpu.memory_space<semaphore_mem>>)
      %dma_wait3A = arith.constant 0 : i32
      %dma_wait3A_180 = tpu.memref_slice %arg10[%add3A_34, %dma_wait3A] : memref<10000x64xf32, #tpu.memory_space<vmem_shared>> -> memref<25x64xf32, #tpu.memory_space<vmem_shared>>
      %dma_wait3A_181 = arith.constant 0 : i32
      %dma_wait3A_182 = tpu.memref_slice %arg10[%add3A_34, %dma_wait3A_181] : memref<10000x64xf32, #tpu.memory_space<vmem_shared>> -> memref<25x64xf32, #tpu.memory_space<vmem_shared>>
      tpu.wait_dma2 semaphore(%run_scoped3A : memref<!tpu.dma_semaphore, #tpu.memory_space<semaphore_mem>>) src(%arg9 : memref<25x64xf32, #tpu.memory_space<vmem>>) dst(%dma_wait3A_182 : memref<25x64xf32, #tpu.memory_space<vmem_shared>>)
      tpu.yield
    }) : () -> ()
    %mul3A_35 = arith.constant 625 : i32
    %mul3A_36 = arith.muli %arg1, %mul3A_35 : i32
    %add3A_37 = arith.constant 175 : i32
    %add3A_38 = arith.addi %mul3A_36, %add3A_37 : i32
    "tpu.region"() ({
      %run_scoped3A = tpu.sem_alloc : memref<!tpu.dma_semaphore, #tpu.memory_space<semaphore_mem>>
      %dma_start3A_176 = arith.constant 0 : i32
      %dma_start3A_177 = tpu.memref_slice %arg10[%add3A_38, %dma_start3A_176] : memref<10000x64xf32, #tpu.memory_space<vmem_shared>> -> memref<25x64xf32, #tpu.memory_space<vmem_shared>>
      %dma_start3A_178 = arith.constant 0 : i32
      %dma_start3A_179 = tpu.memref_slice %arg10[%add3A_38, %dma_start3A_178] : memref<10000x64xf32, #tpu.memory_space<vmem_shared>> -> memref<25x64xf32, #tpu.memory_space<vmem_shared>>
      tpu.enqueue_dma source(%arg9 : memref<25x64xf32, #tpu.memory_space<vmem>>) target(%dma_start3A_179 : memref<25x64xf32, #tpu.memory_space<vmem_shared>>) target_semaphore(%run_scoped3A : memref<!tpu.dma_semaphore, #tpu.memory_space<semaphore_mem>>)
      %dma_wait3A = arith.constant 0 : i32
      %dma_wait3A_180 = tpu.memref_slice %arg10[%add3A_38, %dma_wait3A] : memref<10000x64xf32, #tpu.memory_space<vmem_shared>> -> memref<25x64xf32, #tpu.memory_space<vmem_shared>>
      %dma_wait3A_181 = arith.constant 0 : i32
      %dma_wait3A_182 = tpu.memref_slice %arg10[%add3A_38, %dma_wait3A_181] : memref<10000x64xf32, #tpu.memory_space<vmem_shared>> -> memref<25x64xf32, #tpu.memory_space<vmem_shared>>
      tpu.wait_dma2 semaphore(%run_scoped3A : memref<!tpu.dma_semaphore, #tpu.memory_space<semaphore_mem>>) src(%arg9 : memref<25x64xf32, #tpu.memory_space<vmem>>) dst(%dma_wait3A_182 : memref<25x64xf32, #tpu.memory_space<vmem_shared>>)
      tpu.yield
    }) : () -> ()
    %mul3A_39 = arith.constant 625 : i32
    %mul3A_40 = arith.muli %arg1, %mul3A_39 : i32
    %add3A_41 = arith.constant 200 : i32
    %add3A_42 = arith.addi %mul3A_40, %add3A_41 : i32
    "tpu.region"() ({
      %run_scoped3A = tpu.sem_alloc : memref<!tpu.dma_semaphore, #tpu.memory_space<semaphore_mem>>
      %dma_start3A_176 = arith.constant 0 : i32
      %dma_start3A_177 = tpu.memref_slice %arg10[%add3A_42, %dma_start3A_176] : memref<10000x64xf32, #tpu.memory_space<vmem_shared>> -> memref<25x64xf32, #tpu.memory_space<vmem_shared>>
      %dma_start3A_178 = arith.constant 0 : i32
      %dma_start3A_179 = tpu.memref_slice %arg10[%add3A_42, %dma_start3A_178] : memref<10000x64xf32, #tpu.memory_space<vmem_shared>> -> memref<25x64xf32, #tpu.memory_space<vmem_shared>>
      tpu.enqueue_dma source(%arg9 : memref<25x64xf32, #tpu.memory_space<vmem>>) target(%dma_start3A_179 : memref<25x64xf32, #tpu.memory_space<vmem_shared>>) target_semaphore(%run_scoped3A : memref<!tpu.dma_semaphore, #tpu.memory_space<semaphore_mem>>)
      %dma_wait3A = arith.constant 0 : i32
      %dma_wait3A_180 = tpu.memref_slice %arg10[%add3A_42, %dma_wait3A] : memref<10000x64xf32, #tpu.memory_space<vmem_shared>> -> memref<25x64xf32, #tpu.memory_space<vmem_shared>>
      %dma_wait3A_181 = arith.constant 0 : i32
      %dma_wait3A_182 = tpu.memref_slice %arg10[%add3A_42, %dma_wait3A_181] : memref<10000x64xf32, #tpu.memory_space<vmem_shared>> -> memref<25x64xf32, #tpu.memory_space<vmem_shared>>
      tpu.wait_dma2 semaphore(%run_scoped3A : memref<!tpu.dma_semaphore, #tpu.memory_space<semaphore_mem>>) src(%arg9 : memref<25x64xf32, #tpu.memory_space<vmem>>) dst(%dma_wait3A_182 : memref<25x64xf32, #tpu.memory_space<vmem_shared>>)
      tpu.yield
    }) : () -> ()
    %mul3A_43 = arith.constant 625 : i32
    %mul3A_44 = arith.muli %arg1, %mul3A_43 : i32
    %add3A_45 = arith.constant 225 : i32
    %add3A_46 = arith.addi %mul3A_44, %add3A_45 : i32
    "tpu.region"() ({
      %run_scoped3A = tpu.sem_alloc : memref<!tpu.dma_semaphore, #tpu.memory_space<semaphore_mem>>
      %dma_start3A_176 = arith.constant 0 : i32
      %dma_start3A_177 = tpu.memref_slice %arg10[%add3A_46, %dma_start3A_176] : memref<10000x64xf32, #tpu.memory_space<vmem_shared>> -> memref<25x64xf32, #tpu.memory_space<vmem_shared>>
      %dma_start3A_178 = arith.constant 0 : i32
      %dma_start3A_179 = tpu.memref_slice %arg10[%add3A_46, %dma_start3A_178] : memref<10000x64xf32, #tpu.memory_space<vmem_shared>> -> memref<25x64xf32, #tpu.memory_space<vmem_shared>>
      tpu.enqueue_dma source(%arg9 : memref<25x64xf32, #tpu.memory_space<vmem>>) target(%dma_start3A_179 : memref<25x64xf32, #tpu.memory_space<vmem_shared>>) target_semaphore(%run_scoped3A : memref<!tpu.dma_semaphore, #tpu.memory_space<semaphore_mem>>)
      %dma_wait3A = arith.constant 0 : i32
      %dma_wait3A_180 = tpu.memref_slice %arg10[%add3A_46, %dma_wait3A] : memref<10000x64xf32, #tpu.memory_space<vmem_shared>> -> memref<25x64xf32, #tpu.memory_space<vmem_shared>>
      %dma_wait3A_181 = arith.constant 0 : i32
      %dma_wait3A_182 = tpu.memref_slice %arg10[%add3A_46, %dma_wait3A_181] : memref<10000x64xf32, #tpu.memory_space<vmem_shared>> -> memref<25x64xf32, #tpu.memory_space<vmem_shared>>
      tpu.wait_dma2 semaphore(%run_scoped3A : memref<!tpu.dma_semaphore, #tpu.memory_space<semaphore_mem>>) src(%arg9 : memref<25x64xf32, #tpu.memory_space<vmem>>) dst(%dma_wait3A_182 : memref<25x64xf32, #tpu.memory_space<vmem_shared>>)
      tpu.yield
    }) : () -> ()
    %mul3A_47 = arith.constant 625 : i32
    %mul3A_48 = arith.muli %arg1, %mul3A_47 : i32
    %add3A_49 = arith.constant 250 : i32
    %add3A_50 = arith.addi %mul3A_48, %add3A_49 : i32
    "tpu.region"() ({
      %run_scoped3A = tpu.sem_alloc : memref<!tpu.dma_semaphore, #tpu.memory_space<semaphore_mem>>
      %dma_start3A_176 = arith.constant 0 : i32
      %dma_start3A_177 = tpu.memref_slice %arg10[%add3A_50, %dma_start3A_176] : memref<10000x64xf32, #tpu.memory_space<vmem_shared>> -> memref<25x64xf32, #tpu.memory_space<vmem_shared>>
      %dma_start3A_178 = arith.constant 0 : i32
      %dma_start3A_179 = tpu.memref_slice %arg10[%add3A_50, %dma_start3A_178] : memref<10000x64xf32, #tpu.memory_space<vmem_shared>> -> memref<25x64xf32, #tpu.memory_space<vmem_shared>>
      tpu.enqueue_dma source(%arg9 : memref<25x64xf32, #tpu.memory_space<vmem>>) target(%dma_start3A_179 : memref<25x64xf32, #tpu.memory_space<vmem_shared>>) target_semaphore(%run_scoped3A : memref<!tpu.dma_semaphore, #tpu.memory_space<semaphore_mem>>)
      %dma_wait3A = arith.constant 0 : i32
      %dma_wait3A_180 = tpu.memref_slice %arg10[%add3A_50, %dma_wait3A] : memref<10000x64xf32, #tpu.memory_space<vmem_shared>> -> memref<25x64xf32, #tpu.memory_space<vmem_shared>>
      %dma_wait3A_181 = arith.constant 0 : i32
      %dma_wait3A_182 = tpu.memref_slice %arg10[%add3A_50, %dma_wait3A_181] : memref<10000x64xf32, #tpu.memory_space<vmem_shared>> -> memref<25x64xf32, #tpu.memory_space<vmem_shared>>
      tpu.wait_dma2 semaphore(%run_scoped3A : memref<!tpu.dma_semaphore, #tpu.memory_space<semaphore_mem>>) src(%arg9 : memref<25x64xf32, #tpu.memory_space<vmem>>) dst(%dma_wait3A_182 : memref<25x64xf32, #tpu.memory_space<vmem_shared>>)
      tpu.yield
    }) : () -> ()
    %mul3A_51 = arith.constant 625 : i32
    %mul3A_52 = arith.muli %arg1, %mul3A_51 : i32
    %add3A_53 = arith.constant 275 : i32
    %add3A_54 = arith.addi %mul3A_52, %add3A_53 : i32
    "tpu.region"() ({
      %run_scoped3A = tpu.sem_alloc : memref<!tpu.dma_semaphore, #tpu.memory_space<semaphore_mem>>
      %dma_start3A_176 = arith.constant 0 : i32
      %dma_start3A_177 = tpu.memref_slice %arg10[%add3A_54, %dma_start3A_176] : memref<10000x64xf32, #tpu.memory_space<vmem_shared>> -> memref<25x64xf32, #tpu.memory_space<vmem_shared>>
      %dma_start3A_178 = arith.constant 0 : i32
      %dma_start3A_179 = tpu.memref_slice %arg10[%add3A_54, %dma_start3A_178] : memref<10000x64xf32, #tpu.memory_space<vmem_shared>> -> memref<25x64xf32, #tpu.memory_space<vmem_shared>>
      tpu.enqueue_dma source(%arg9 : memref<25x64xf32, #tpu.memory_space<vmem>>) target(%dma_start3A_179 : memref<25x64xf32, #tpu.memory_space<vmem_shared>>) target_semaphore(%run_scoped3A : memref<!tpu.dma_semaphore, #tpu.memory_space<semaphore_mem>>)
      %dma_wait3A = arith.constant 0 : i32
      %dma_wait3A_180 = tpu.memref_slice %arg10[%add3A_54, %dma_wait3A] : memref<10000x64xf32, #tpu.memory_space<vmem_shared>> -> memref<25x64xf32, #tpu.memory_space<vmem_shared>>
      %dma_wait3A_181 = arith.constant 0 : i32
      %dma_wait3A_182 = tpu.memref_slice %arg10[%add3A_54, %dma_wait3A_181] : memref<10000x64xf32, #tpu.memory_space<vmem_shared>> -> memref<25x64xf32, #tpu.memory_space<vmem_shared>>
      tpu.wait_dma2 semaphore(%run_scoped3A : memref<!tpu.dma_semaphore, #tpu.memory_space<semaphore_mem>>) src(%arg9 : memref<25x64xf32, #tpu.memory_space<vmem>>) dst(%dma_wait3A_182 : memref<25x64xf32, #tpu.memory_space<vmem_shared>>)
      tpu.yield
    }) : () -> ()
    %mul3A_55 = arith.constant 625 : i32
    %mul3A_56 = arith.muli %arg1, %mul3A_55 : i32
    %add3A_57 = arith.constant 300 : i32
    %add3A_58 = arith.addi %mul3A_56, %add3A_57 : i32
    "tpu.region"() ({
      %run_scoped3A = tpu.sem_alloc : memref<!tpu.dma_semaphore, #tpu.memory_space<semaphore_mem>>
      %dma_start3A_176 = arith.constant 0 : i32
      %dma_start3A_177 = tpu.memref_slice %arg10[%add3A_58, %dma_start3A_176] : memref<10000x64xf32, #tpu.memory_space<vmem_shared>> -> memref<25x64xf32, #tpu.memory_space<vmem_shared>>
      %dma_start3A_178 = arith.constant 0 : i32
      %dma_start3A_179 = tpu.memref_slice %arg10[%add3A_58, %dma_start3A_178] : memref<10000x64xf32, #tpu.memory_space<vmem_shared>> -> memref<25x64xf32, #tpu.memory_space<vmem_shared>>
      tpu.enqueue_dma source(%arg9 : memref<25x64xf32, #tpu.memory_space<vmem>>) target(%dma_start3A_179 : memref<25x64xf32, #tpu.memory_space<vmem_shared>>) target_semaphore(%run_scoped3A : memref<!tpu.dma_semaphore, #tpu.memory_space<semaphore_mem>>)
      %dma_wait3A = arith.constant 0 : i32
      %dma_wait3A_180 = tpu.memref_slice %arg10[%add3A_58, %dma_wait3A] : memref<10000x64xf32, #tpu.memory_space<vmem_shared>> -> memref<25x64xf32, #tpu.memory_space<vmem_shared>>
      %dma_wait3A_181 = arith.constant 0 : i32
      %dma_wait3A_182 = tpu.memref_slice %arg10[%add3A_58, %dma_wait3A_181] : memref<10000x64xf32, #tpu.memory_space<vmem_shared>> -> memref<25x64xf32, #tpu.memory_space<vmem_shared>>
      tpu.wait_dma2 semaphore(%run_scoped3A : memref<!tpu.dma_semaphore, #tpu.memory_space<semaphore_mem>>) src(%arg9 : memref<25x64xf32, #tpu.memory_space<vmem>>) dst(%dma_wait3A_182 : memref<25x64xf32, #tpu.memory_space<vmem_shared>>)
      tpu.yield
    }) : () -> ()
    %mul3A_59 = arith.constant 625 : i32
    %mul3A_60 = arith.muli %arg1, %mul3A_59 : i32
    %add3A_61 = arith.constant 325 : i32
    %add3A_62 = arith.addi %mul3A_60, %add3A_61 : i32
    "tpu.region"() ({
      %run_scoped3A = tpu.sem_alloc : memref<!tpu.dma_semaphore, #tpu.memory_space<semaphore_mem>>
      %dma_start3A_176 = arith.constant 0 : i32
      %dma_start3A_177 = tpu.memref_slice %arg10[%add3A_62, %dma_start3A_176] : memref<10000x64xf32, #tpu.memory_space<vmem_shared>> -> memref<25x64xf32, #tpu.memory_space<vmem_shared>>
      %dma_start3A_178 = arith.constant 0 : i32
      %dma_start3A_179 = tpu.memref_slice %arg10[%add3A_62, %dma_start3A_178] : memref<10000x64xf32, #tpu.memory_space<vmem_shared>> -> memref<25x64xf32, #tpu.memory_space<vmem_shared>>
      tpu.enqueue_dma source(%arg9 : memref<25x64xf32, #tpu.memory_space<vmem>>) target(%dma_start3A_179 : memref<25x64xf32, #tpu.memory_space<vmem_shared>>) target_semaphore(%run_scoped3A : memref<!tpu.dma_semaphore, #tpu.memory_space<semaphore_mem>>)
      %dma_wait3A = arith.constant 0 : i32
      %dma_wait3A_180 = tpu.memref_slice %arg10[%add3A_62, %dma_wait3A] : memref<10000x64xf32, #tpu.memory_space<vmem_shared>> -> memref<25x64xf32, #tpu.memory_space<vmem_shared>>
      %dma_wait3A_181 = arith.constant 0 : i32
      %dma_wait3A_182 = tpu.memref_slice %arg10[%add3A_62, %dma_wait3A_181] : memref<10000x64xf32, #tpu.memory_space<vmem_shared>> -> memref<25x64xf32, #tpu.memory_space<vmem_shared>>
      tpu.wait_dma2 semaphore(%run_scoped3A : memref<!tpu.dma_semaphore, #tpu.memory_space<semaphore_mem>>) src(%arg9 : memref<25x64xf32, #tpu.memory_space<vmem>>) dst(%dma_wait3A_182 : memref<25x64xf32, #tpu.memory_space<vmem_shared>>)
      tpu.yield
    }) : () -> ()
    %mul3A_63 = arith.constant 625 : i32
    %mul3A_64 = arith.muli %arg1, %mul3A_63 : i32
    %add3A_65 = arith.constant 350 : i32
    %add3A_66 = arith.addi %mul3A_64, %add3A_65 : i32
    "tpu.region"() ({
      %run_scoped3A = tpu.sem_alloc : memref<!tpu.dma_semaphore, #tpu.memory_space<semaphore_mem>>
      %dma_start3A_176 = arith.constant 0 : i32
      %dma_start3A_177 = tpu.memref_slice %arg10[%add3A_66, %dma_start3A_176] : memref<10000x64xf32, #tpu.memory_space<vmem_shared>> -> memref<25x64xf32, #tpu.memory_space<vmem_shared>>
      %dma_start3A_178 = arith.constant 0 : i32
      %dma_start3A_179 = tpu.memref_slice %arg10[%add3A_66, %dma_start3A_178] : memref<10000x64xf32, #tpu.memory_space<vmem_shared>> -> memref<25x64xf32, #tpu.memory_space<vmem_shared>>
      tpu.enqueue_dma source(%arg9 : memref<25x64xf32, #tpu.memory_space<vmem>>) target(%dma_start3A_179 : memref<25x64xf32, #tpu.memory_space<vmem_shared>>) target_semaphore(%run_scoped3A : memref<!tpu.dma_semaphore, #tpu.memory_space<semaphore_mem>>)
      %dma_wait3A = arith.constant 0 : i32
      %dma_wait3A_180 = tpu.memref_slice %arg10[%add3A_66, %dma_wait3A] : memref<10000x64xf32, #tpu.memory_space<vmem_shared>> -> memref<25x64xf32, #tpu.memory_space<vmem_shared>>
      %dma_wait3A_181 = arith.constant 0 : i32
      %dma_wait3A_182 = tpu.memref_slice %arg10[%add3A_66, %dma_wait3A_181] : memref<10000x64xf32, #tpu.memory_space<vmem_shared>> -> memref<25x64xf32, #tpu.memory_space<vmem_shared>>
      tpu.wait_dma2 semaphore(%run_scoped3A : memref<!tpu.dma_semaphore, #tpu.memory_space<semaphore_mem>>) src(%arg9 : memref<25x64xf32, #tpu.memory_space<vmem>>) dst(%dma_wait3A_182 : memref<25x64xf32, #tpu.memory_space<vmem_shared>>)
      tpu.yield
    }) : () -> ()
    %mul3A_67 = arith.constant 625 : i32
    %mul3A_68 = arith.muli %arg1, %mul3A_67 : i32
    %add3A_69 = arith.constant 375 : i32
    %add3A_70 = arith.addi %mul3A_68, %add3A_69 : i32
    "tpu.region"() ({
      %run_scoped3A = tpu.sem_alloc : memref<!tpu.dma_semaphore, #tpu.memory_space<semaphore_mem>>
      %dma_start3A_176 = arith.constant 0 : i32
      %dma_start3A_177 = tpu.memref_slice %arg10[%add3A_70, %dma_start3A_176] : memref<10000x64xf32, #tpu.memory_space<vmem_shared>> -> memref<25x64xf32, #tpu.memory_space<vmem_shared>>
      %dma_start3A_178 = arith.constant 0 : i32
      %dma_start3A_179 = tpu.memref_slice %arg10[%add3A_70, %dma_start3A_178] : memref<10000x64xf32, #tpu.memory_space<vmem_shared>> -> memref<25x64xf32, #tpu.memory_space<vmem_shared>>
      tpu.enqueue_dma source(%arg9 : memref<25x64xf32, #tpu.memory_space<vmem>>) target(%dma_start3A_179 : memref<25x64xf32, #tpu.memory_space<vmem_shared>>) target_semaphore(%run_scoped3A : memref<!tpu.dma_semaphore, #tpu.memory_space<semaphore_mem>>)
      %dma_wait3A = arith.constant 0 : i32
      %dma_wait3A_180 = tpu.memref_slice %arg10[%add3A_70, %dma_wait3A] : memref<10000x64xf32, #tpu.memory_space<vmem_shared>> -> memref<25x64xf32, #tpu.memory_space<vmem_shared>>
      %dma_wait3A_181 = arith.constant 0 : i32
      %dma_wait3A_182 = tpu.memref_slice %arg10[%add3A_70, %dma_wait3A_181] : memref<10000x64xf32, #tpu.memory_space<vmem_shared>> -> memref<25x64xf32, #tpu.memory_space<vmem_shared>>
      tpu.wait_dma2 semaphore(%run_scoped3A : memref<!tpu.dma_semaphore, #tpu.memory_space<semaphore_mem>>) src(%arg9 : memref<25x64xf32, #tpu.memory_space<vmem>>) dst(%dma_wait3A_182 : memref<25x64xf32, #tpu.memory_space<vmem_shared>>)
      tpu.yield
    }) : () -> ()
    %mul3A_71 = arith.constant 625 : i32
    %mul3A_72 = arith.muli %arg1, %mul3A_71 : i32
    %add3A_73 = arith.constant 400 : i32
    %add3A_74 = arith.addi %mul3A_72, %add3A_73 : i32
    "tpu.region"() ({
      %run_scoped3A = tpu.sem_alloc : memref<!tpu.dma_semaphore, #tpu.memory_space<semaphore_mem>>
      %dma_start3A_176 = arith.constant 0 : i32
      %dma_start3A_177 = tpu.memref_slice %arg10[%add3A_74, %dma_start3A_176] : memref<10000x64xf32, #tpu.memory_space<vmem_shared>> -> memref<25x64xf32, #tpu.memory_space<vmem_shared>>
      %dma_start3A_178 = arith.constant 0 : i32
      %dma_start3A_179 = tpu.memref_slice %arg10[%add3A_74, %dma_start3A_178] : memref<10000x64xf32, #tpu.memory_space<vmem_shared>> -> memref<25x64xf32, #tpu.memory_space<vmem_shared>>
      tpu.enqueue_dma source(%arg9 : memref<25x64xf32, #tpu.memory_space<vmem>>) target(%dma_start3A_179 : memref<25x64xf32, #tpu.memory_space<vmem_shared>>) target_semaphore(%run_scoped3A : memref<!tpu.dma_semaphore, #tpu.memory_space<semaphore_mem>>)
      %dma_wait3A = arith.constant 0 : i32
      %dma_wait3A_180 = tpu.memref_slice %arg10[%add3A_74, %dma_wait3A] : memref<10000x64xf32, #tpu.memory_space<vmem_shared>> -> memref<25x64xf32, #tpu.memory_space<vmem_shared>>
      %dma_wait3A_181 = arith.constant 0 : i32
      %dma_wait3A_182 = tpu.memref_slice %arg10[%add3A_74, %dma_wait3A_181] : memref<10000x64xf32, #tpu.memory_space<vmem_shared>> -> memref<25x64xf32, #tpu.memory_space<vmem_shared>>
      tpu.wait_dma2 semaphore(%run_scoped3A : memref<!tpu.dma_semaphore, #tpu.memory_space<semaphore_mem>>) src(%arg9 : memref<25x64xf32, #tpu.memory_space<vmem>>) dst(%dma_wait3A_182 : memref<25x64xf32, #tpu.memory_space<vmem_shared>>)
      tpu.yield
    }) : () -> ()
    %mul3A_75 = arith.constant 625 : i32
    %mul3A_76 = arith.muli %arg1, %mul3A_75 : i32
    %add3A_77 = arith.constant 425 : i32
    %add3A_78 = arith.addi %mul3A_76, %add3A_77 : i32
    "tpu.region"() ({
      %run_scoped3A = tpu.sem_alloc : memref<!tpu.dma_semaphore, #tpu.memory_space<semaphore_mem>>
      %dma_start3A_176 = arith.constant 0 : i32
      %dma_start3A_177 = tpu.memref_slice %arg10[%add3A_78, %dma_start3A_176] : memref<10000x64xf32, #tpu.memory_space<vmem_shared>> -> memref<25x64xf32, #tpu.memory_space<vmem_shared>>
      %dma_start3A_178 = arith.constant 0 : i32
      %dma_start3A_179 = tpu.memref_slice %arg10[%add3A_78, %dma_start3A_178] : memref<10000x64xf32, #tpu.memory_space<vmem_shared>> -> memref<25x64xf32, #tpu.memory_space<vmem_shared>>
      tpu.enqueue_dma source(%arg9 : memref<25x64xf32, #tpu.memory_space<vmem>>) target(%dma_start3A_179 : memref<25x64xf32, #tpu.memory_space<vmem_shared>>) target_semaphore(%run_scoped3A : memref<!tpu.dma_semaphore, #tpu.memory_space<semaphore_mem>>)
      %dma_wait3A = arith.constant 0 : i32
      %dma_wait3A_180 = tpu.memref_slice %arg10[%add3A_78, %dma_wait3A] : memref<10000x64xf32, #tpu.memory_space<vmem_shared>> -> memref<25x64xf32, #tpu.memory_space<vmem_shared>>
      %dma_wait3A_181 = arith.constant 0 : i32
      %dma_wait3A_182 = tpu.memref_slice %arg10[%add3A_78, %dma_wait3A_181] : memref<10000x64xf32, #tpu.memory_space<vmem_shared>> -> memref<25x64xf32, #tpu.memory_space<vmem_shared>>
      tpu.wait_dma2 semaphore(%run_scoped3A : memref<!tpu.dma_semaphore, #tpu.memory_space<semaphore_mem>>) src(%arg9 : memref<25x64xf32, #tpu.memory_space<vmem>>) dst(%dma_wait3A_182 : memref<25x64xf32, #tpu.memory_space<vmem_shared>>)
      tpu.yield
    }) : () -> ()
    %mul3A_79 = arith.constant 625 : i32
    %mul3A_80 = arith.muli %arg1, %mul3A_79 : i32
    %add3A_81 = arith.constant 450 : i32
    %add3A_82 = arith.addi %mul3A_80, %add3A_81 : i32
    "tpu.region"() ({
      %run_scoped3A = tpu.sem_alloc : memref<!tpu.dma_semaphore, #tpu.memory_space<semaphore_mem>>
      %dma_start3A_176 = arith.constant 0 : i32
      %dma_start3A_177 = tpu.memref_slice %arg10[%add3A_82, %dma_start3A_176] : memref<10000x64xf32, #tpu.memory_space<vmem_shared>> -> memref<25x64xf32, #tpu.memory_space<vmem_shared>>
      %dma_start3A_178 = arith.constant 0 : i32
      %dma_start3A_179 = tpu.memref_slice %arg10[%add3A_82, %dma_start3A_178] : memref<10000x64xf32, #tpu.memory_space<vmem_shared>> -> memref<25x64xf32, #tpu.memory_space<vmem_shared>>
      tpu.enqueue_dma source(%arg9 : memref<25x64xf32, #tpu.memory_space<vmem>>) target(%dma_start3A_179 : memref<25x64xf32, #tpu.memory_space<vmem_shared>>) target_semaphore(%run_scoped3A : memref<!tpu.dma_semaphore, #tpu.memory_space<semaphore_mem>>)
      %dma_wait3A = arith.constant 0 : i32
      %dma_wait3A_180 = tpu.memref_slice %arg10[%add3A_82, %dma_wait3A] : memref<10000x64xf32, #tpu.memory_space<vmem_shared>> -> memref<25x64xf32, #tpu.memory_space<vmem_shared>>
      %dma_wait3A_181 = arith.constant 0 : i32
      %dma_wait3A_182 = tpu.memref_slice %arg10[%add3A_82, %dma_wait3A_181] : memref<10000x64xf32, #tpu.memory_space<vmem_shared>> -> memref<25x64xf32, #tpu.memory_space<vmem_shared>>
      tpu.wait_dma2 semaphore(%run_scoped3A : memref<!tpu.dma_semaphore, #tpu.memory_space<semaphore_mem>>) src(%arg9 : memref<25x64xf32, #tpu.memory_space<vmem>>) dst(%dma_wait3A_182 : memref<25x64xf32, #tpu.memory_space<vmem_shared>>)
      tpu.yield
    }) : () -> ()
    %mul3A_83 = arith.constant 625 : i32
    %mul3A_84 = arith.muli %arg1, %mul3A_83 : i32
    %add3A_85 = arith.constant 475 : i32
    %add3A_86 = arith.addi %mul3A_84, %add3A_85 : i32
    "tpu.region"() ({
      %run_scoped3A = tpu.sem_alloc : memref<!tpu.dma_semaphore, #tpu.memory_space<semaphore_mem>>
      %dma_start3A_176 = arith.constant 0 : i32
      %dma_start3A_177 = tpu.memref_slice %arg10[%add3A_86, %dma_start3A_176] : memref<10000x64xf32, #tpu.memory_space<vmem_shared>> -> memref<25x64xf32, #tpu.memory_space<vmem_shared>>
      %dma_start3A_178 = arith.constant 0 : i32
      %dma_start3A_179 = tpu.memref_slice %arg10[%add3A_86, %dma_start3A_178] : memref<10000x64xf32, #tpu.memory_space<vmem_shared>> -> memref<25x64xf32, #tpu.memory_space<vmem_shared>>
      tpu.enqueue_dma source(%arg9 : memref<25x64xf32, #tpu.memory_space<vmem>>) target(%dma_start3A_179 : memref<25x64xf32, #tpu.memory_space<vmem_shared>>) target_semaphore(%run_scoped3A : memref<!tpu.dma_semaphore, #tpu.memory_space<semaphore_mem>>)
      %dma_wait3A = arith.constant 0 : i32
      %dma_wait3A_180 = tpu.memref_slice %arg10[%add3A_86, %dma_wait3A] : memref<10000x64xf32, #tpu.memory_space<vmem_shared>> -> memref<25x64xf32, #tpu.memory_space<vmem_shared>>
      %dma_wait3A_181 = arith.constant 0 : i32
      %dma_wait3A_182 = tpu.memref_slice %arg10[%add3A_86, %dma_wait3A_181] : memref<10000x64xf32, #tpu.memory_space<vmem_shared>> -> memref<25x64xf32, #tpu.memory_space<vmem_shared>>
      tpu.wait_dma2 semaphore(%run_scoped3A : memref<!tpu.dma_semaphore, #tpu.memory_space<semaphore_mem>>) src(%arg9 : memref<25x64xf32, #tpu.memory_space<vmem>>) dst(%dma_wait3A_182 : memref<25x64xf32, #tpu.memory_space<vmem_shared>>)
      tpu.yield
    }) : () -> ()
    %mul3A_87 = arith.constant 625 : i32
    %mul3A_88 = arith.muli %arg1, %mul3A_87 : i32
    %add3A_89 = arith.constant 500 : i32
    %add3A_90 = arith.addi %mul3A_88, %add3A_89 : i32
    "tpu.region"() ({
      %run_scoped3A = tpu.sem_alloc : memref<!tpu.dma_semaphore, #tpu.memory_space<semaphore_mem>>
      %dma_start3A_176 = arith.constant 0 : i32
      %dma_start3A_177 = tpu.memref_slice %arg10[%add3A_90, %dma_start3A_176] : memref<10000x64xf32, #tpu.memory_space<vmem_shared>> -> memref<25x64xf32, #tpu.memory_space<vmem_shared>>
      %dma_start3A_178 = arith.constant 0 : i32
      %dma_start3A_179 = tpu.memref_slice %arg10[%add3A_90, %dma_start3A_178] : memref<10000x64xf32, #tpu.memory_space<vmem_shared>> -> memref<25x64xf32, #tpu.memory_space<vmem_shared>>
      tpu.enqueue_dma source(%arg9 : memref<25x64xf32, #tpu.memory_space<vmem>>) target(%dma_start3A_179 : memref<25x64xf32, #tpu.memory_space<vmem_shared>>) target_semaphore(%run_scoped3A : memref<!tpu.dma_semaphore, #tpu.memory_space<semaphore_mem>>)
      %dma_wait3A = arith.constant 0 : i32
      %dma_wait3A_180 = tpu.memref_slice %arg10[%add3A_90, %dma_wait3A] : memref<10000x64xf32, #tpu.memory_space<vmem_shared>> -> memref<25x64xf32, #tpu.memory_space<vmem_shared>>
      %dma_wait3A_181 = arith.constant 0 : i32
      %dma_wait3A_182 = tpu.memref_slice %arg10[%add3A_90, %dma_wait3A_181] : memref<10000x64xf32, #tpu.memory_space<vmem_shared>> -> memref<25x64xf32, #tpu.memory_space<vmem_shared>>
      tpu.wait_dma2 semaphore(%run_scoped3A : memref<!tpu.dma_semaphore, #tpu.memory_space<semaphore_mem>>) src(%arg9 : memref<25x64xf32, #tpu.memory_space<vmem>>) dst(%dma_wait3A_182 : memref<25x64xf32, #tpu.memory_space<vmem_shared>>)
      tpu.yield
    }) : () -> ()
    %mul3A_91 = arith.constant 625 : i32
    %mul3A_92 = arith.muli %arg1, %mul3A_91 : i32
    %add3A_93 = arith.constant 525 : i32
    %add3A_94 = arith.addi %mul3A_92, %add3A_93 : i32
    "tpu.region"() ({
      %run_scoped3A = tpu.sem_alloc : memref<!tpu.dma_semaphore, #tpu.memory_space<semaphore_mem>>
      %dma_start3A_176 = arith.constant 0 : i32
      %dma_start3A_177 = tpu.memref_slice %arg10[%add3A_94, %dma_start3A_176] : memref<10000x64xf32, #tpu.memory_space<vmem_shared>> -> memref<25x64xf32, #tpu.memory_space<vmem_shared>>
      %dma_start3A_178 = arith.constant 0 : i32
      %dma_start3A_179 = tpu.memref_slice %arg10[%add3A_94, %dma_start3A_178] : memref<10000x64xf32, #tpu.memory_space<vmem_shared>> -> memref<25x64xf32, #tpu.memory_space<vmem_shared>>
      tpu.enqueue_dma source(%arg9 : memref<25x64xf32, #tpu.memory_space<vmem>>) target(%dma_start3A_179 : memref<25x64xf32, #tpu.memory_space<vmem_shared>>) target_semaphore(%run_scoped3A : memref<!tpu.dma_semaphore, #tpu.memory_space<semaphore_mem>>)
      %dma_wait3A = arith.constant 0 : i32
      %dma_wait3A_180 = tpu.memref_slice %arg10[%add3A_94, %dma_wait3A] : memref<10000x64xf32, #tpu.memory_space<vmem_shared>> -> memref<25x64xf32, #tpu.memory_space<vmem_shared>>
      %dma_wait3A_181 = arith.constant 0 : i32
      %dma_wait3A_182 = tpu.memref_slice %arg10[%add3A_94, %dma_wait3A_181] : memref<10000x64xf32, #tpu.memory_space<vmem_shared>> -> memref<25x64xf32, #tpu.memory_space<vmem_shared>>
      tpu.wait_dma2 semaphore(%run_scoped3A : memref<!tpu.dma_semaphore, #tpu.memory_space<semaphore_mem>>) src(%arg9 : memref<25x64xf32, #tpu.memory_space<vmem>>) dst(%dma_wait3A_182 : memref<25x64xf32, #tpu.memory_space<vmem_shared>>)
      tpu.yield
    }) : () -> ()
    %mul3A_95 = arith.constant 625 : i32
    %mul3A_96 = arith.muli %arg1, %mul3A_95 : i32
    %add3A_97 = arith.constant 550 : i32
    %add3A_98 = arith.addi %mul3A_96, %add3A_97 : i32
    "tpu.region"() ({
      %run_scoped3A = tpu.sem_alloc : memref<!tpu.dma_semaphore, #tpu.memory_space<semaphore_mem>>
      %dma_start3A_176 = arith.constant 0 : i32
      %dma_start3A_177 = tpu.memref_slice %arg10[%add3A_98, %dma_start3A_176] : memref<10000x64xf32, #tpu.memory_space<vmem_shared>> -> memref<25x64xf32, #tpu.memory_space<vmem_shared>>
      %dma_start3A_178 = arith.constant 0 : i32
      %dma_start3A_179 = tpu.memref_slice %arg10[%add3A_98, %dma_start3A_178] : memref<10000x64xf32, #tpu.memory_space<vmem_shared>> -> memref<25x64xf32, #tpu.memory_space<vmem_shared>>
      tpu.enqueue_dma source(%arg9 : memref<25x64xf32, #tpu.memory_space<vmem>>) target(%dma_start3A_179 : memref<25x64xf32, #tpu.memory_space<vmem_shared>>) target_semaphore(%run_scoped3A : memref<!tpu.dma_semaphore, #tpu.memory_space<semaphore_mem>>)
      %dma_wait3A = arith.constant 0 : i32
      %dma_wait3A_180 = tpu.memref_slice %arg10[%add3A_98, %dma_wait3A] : memref<10000x64xf32, #tpu.memory_space<vmem_shared>> -> memref<25x64xf32, #tpu.memory_space<vmem_shared>>
      %dma_wait3A_181 = arith.constant 0 : i32
      %dma_wait3A_182 = tpu.memref_slice %arg10[%add3A_98, %dma_wait3A_181] : memref<10000x64xf32, #tpu.memory_space<vmem_shared>> -> memref<25x64xf32, #tpu.memory_space<vmem_shared>>
      tpu.wait_dma2 semaphore(%run_scoped3A : memref<!tpu.dma_semaphore, #tpu.memory_space<semaphore_mem>>) src(%arg9 : memref<25x64xf32, #tpu.memory_space<vmem>>) dst(%dma_wait3A_182 : memref<25x64xf32, #tpu.memory_space<vmem_shared>>)
      tpu.yield
    }) : () -> ()
    %mul3A_99 = arith.constant 625 : i32
    %mul3A_100 = arith.muli %arg1, %mul3A_99 : i32
    %add3A_101 = arith.constant 575 : i32
    %add3A_102 = arith.addi %mul3A_100, %add3A_101 : i32
    "tpu.region"() ({
      %run_scoped3A = tpu.sem_alloc : memref<!tpu.dma_semaphore, #tpu.memory_space<semaphore_mem>>
      %dma_start3A_176 = arith.constant 0 : i32
      %dma_start3A_177 = tpu.memref_slice %arg10[%add3A_102, %dma_start3A_176] : memref<10000x64xf32, #tpu.memory_space<vmem_shared>> -> memref<25x64xf32, #tpu.memory_space<vmem_shared>>
      %dma_start3A_178 = arith.constant 0 : i32
      %dma_start3A_179 = tpu.memref_slice %arg10[%add3A_102, %dma_start3A_178] : memref<10000x64xf32, #tpu.memory_space<vmem_shared>> -> memref<25x64xf32, #tpu.memory_space<vmem_shared>>
      tpu.enqueue_dma source(%arg9 : memref<25x64xf32, #tpu.memory_space<vmem>>) target(%dma_start3A_179 : memref<25x64xf32, #tpu.memory_space<vmem_shared>>) target_semaphore(%run_scoped3A : memref<!tpu.dma_semaphore, #tpu.memory_space<semaphore_mem>>)
      %dma_wait3A = arith.constant 0 : i32
      %dma_wait3A_180 = tpu.memref_slice %arg10[%add3A_102, %dma_wait3A] : memref<10000x64xf32, #tpu.memory_space<vmem_shared>> -> memref<25x64xf32, #tpu.memory_space<vmem_shared>>
      %dma_wait3A_181 = arith.constant 0 : i32
      %dma_wait3A_182 = tpu.memref_slice %arg10[%add3A_102, %dma_wait3A_181] : memref<10000x64xf32, #tpu.memory_space<vmem_shared>> -> memref<25x64xf32, #tpu.memory_space<vmem_shared>>
      tpu.wait_dma2 semaphore(%run_scoped3A : memref<!tpu.dma_semaphore, #tpu.memory_space<semaphore_mem>>) src(%arg9 : memref<25x64xf32, #tpu.memory_space<vmem>>) dst(%dma_wait3A_182 : memref<25x64xf32, #tpu.memory_space<vmem_shared>>)
      tpu.yield
    }) : () -> ()
    %mul3A_103 = arith.constant 625 : i32
    %mul3A_104 = arith.muli %arg1, %mul3A_103 : i32
    %add3A_105 = arith.constant 600 : i32
    %add3A_106 = arith.addi %mul3A_104, %add3A_105 : i32
    "tpu.region"() ({
      %run_scoped3A = tpu.sem_alloc : memref<!tpu.dma_semaphore, #tpu.memory_space<semaphore_mem>>
      %dma_start3A_176 = arith.constant 0 : i32
      %dma_start3A_177 = tpu.memref_slice %arg10[%add3A_106, %dma_start3A_176] : memref<10000x64xf32, #tpu.memory_space<vmem_shared>> -> memref<25x64xf32, #tpu.memory_space<vmem_shared>>
      %dma_start3A_178 = arith.constant 0 : i32
      %dma_start3A_179 = tpu.memref_slice %arg10[%add3A_106, %dma_start3A_178] : memref<10000x64xf32, #tpu.memory_space<vmem_shared>> -> memref<25x64xf32, #tpu.memory_space<vmem_shared>>
      tpu.enqueue_dma source(%arg9 : memref<25x64xf32, #tpu.memory_space<vmem>>) target(%dma_start3A_179 : memref<25x64xf32, #tpu.memory_space<vmem_shared>>) target_semaphore(%run_scoped3A : memref<!tpu.dma_semaphore, #tpu.memory_space<semaphore_mem>>)
      %dma_wait3A = arith.constant 0 : i32
      %dma_wait3A_180 = tpu.memref_slice %arg10[%add3A_106, %dma_wait3A] : memref<10000x64xf32, #tpu.memory_space<vmem_shared>> -> memref<25x64xf32, #tpu.memory_space<vmem_shared>>
      %dma_wait3A_181 = arith.constant 0 : i32
      %dma_wait3A_182 = tpu.memref_slice %arg10[%add3A_106, %dma_wait3A_181] : memref<10000x64xf32, #tpu.memory_space<vmem_shared>> -> memref<25x64xf32, #tpu.memory_space<vmem_shared>>
      tpu.wait_dma2 semaphore(%run_scoped3A : memref<!tpu.dma_semaphore, #tpu.memory_space<semaphore_mem>>) src(%arg9 : memref<25x64xf32, #tpu.memory_space<vmem>>) dst(%dma_wait3A_182 : memref<25x64xf32, #tpu.memory_space<vmem_shared>>)
      tpu.yield
    }) : () -> ()
    %barrier3A = arith.constant 0 : index
    tpu.barrier barrier_id(%barrier3A)
    %dma_start3A = arith.constant 0 : i32
    %dma_start3A_107 = arith.constant 0 : i32
    %dma_start3A_108 = arith.constant 0 : i32
    %dma_start3A_109 = arith.constant 0 : i32
    %dma_start3A_110 = tpu.memref_slice %arg8[%dma_start3A_107, %dma_start3A_108, %dma_start3A_109] : memref<5x80x64xf32, #tpu.memory_space<vmem>> -> memref<1x80x64xf32, #tpu.memory_space<vmem>>
    %dma_start3A_111 = tpu.memref_squeeze %dma_start3A_110 : memref<1x80x64xf32, #tpu.memory_space<vmem>> -> memref<80x64xf32, #tpu.memory_space<vmem>>
    %dma_start3A_112 = arith.constant 0 : i32
    %dma_start3A_113 = tpu.memref_slice %arg6[%dma_start3A, %dma_start3A_112] : memref<125x80xi32, #tpu.memory_space<vmem>> -> memref<1x80xi32, #tpu.memory_space<vmem>>
    %dma_start3A_114 = tpu.memref_squeeze %dma_start3A_113 : memref<1x80xi32, #tpu.memory_space<vmem>> -> memref<80xi32, #tpu.memory_space<vmem>>
    %dma_start3A_115 = arith.constant 0 : i32
    %dma_start3A_116 = arith.constant 0 : i32
    %dma_start3A_117 = tpu.memref_slice %arg2[%dma_start3A_115, %dma_start3A_116] : memref<10000x64xf32, #tpu.memory_space<hbm>> -> memref<10000x64xf32, #tpu.memory_space<hbm>>
    tpu.enqueue_indirect_dma source(%dma_start3A_117 : memref<10000x64xf32, #tpu.memory_space<hbm>>) target(%dma_start3A_111 : memref<80x64xf32, #tpu.memory_space<vmem>>) offsets(%dma_start3A_114 : memref<80xi32, #tpu.memory_space<vmem>>) semaphore(%arg11 : memref<!tpu.dma_semaphore, #tpu.memory_space<semaphore_mem>>)
    %dma_start3A_118 = arith.constant 1 : i32
    %dma_start3A_119 = arith.constant 1 : i32
    %dma_start3A_120 = arith.constant 0 : i32
    %dma_start3A_121 = arith.constant 0 : i32
    %dma_start3A_122 = tpu.memref_slice %arg8[%dma_start3A_119, %dma_start3A_120, %dma_start3A_121] : memref<5x80x64xf32, #tpu.memory_space<vmem>> -> memref<1x80x64xf32, #tpu.memory_space<vmem>>
    %dma_start3A_123 = tpu.memref_squeeze %dma_start3A_122 : memref<1x80x64xf32, #tpu.memory_space<vmem>> -> memref<80x64xf32, #tpu.memory_space<vmem>>
    %dma_start3A_124 = arith.constant 0 : i32
    %dma_start3A_125 = tpu.memref_slice %arg6[%dma_start3A_118, %dma_start3A_124] : memref<125x80xi32, #tpu.memory_space<vmem>> -> memref<1x80xi32, #tpu.memory_space<vmem>>
    %dma_start3A_126 = tpu.memref_squeeze %dma_start3A_125 : memref<1x80xi32, #tpu.memory_space<vmem>> -> memref<80xi32, #tpu.memory_space<vmem>>
    %dma_start3A_127 = arith.constant 0 : i32
    %dma_start3A_128 = arith.constant 0 : i32
    %dma_start3A_129 = tpu.memref_slice %arg2[%dma_start3A_127, %dma_start3A_128] : memref<10000x64xf32, #tpu.memory_space<hbm>> -> memref<10000x64xf32, #tpu.memory_space<hbm>>
    tpu.enqueue_indirect_dma source(%dma_start3A_129 : memref<10000x64xf32, #tpu.memory_space<hbm>>) target(%dma_start3A_123 : memref<80x64xf32, #tpu.memory_space<vmem>>) offsets(%dma_start3A_126 : memref<80xi32, #tpu.memory_space<vmem>>) semaphore(%arg12 : memref<!tpu.dma_semaphore, #tpu.memory_space<semaphore_mem>>)
    %dma_start3A_130 = arith.constant 2 : i32
    %dma_start3A_131 = arith.constant 2 : i32
    %dma_start3A_132 = arith.constant 0 : i32
    %dma_start3A_133 = arith.constant 0 : i32
    %dma_start3A_134 = tpu.memref_slice %arg8[%dma_start3A_131, %dma_start3A_132, %dma_start3A_133] : memref<5x80x64xf32, #tpu.memory_space<vmem>> -> memref<1x80x64xf32, #tpu.memory_space<vmem>>
    %dma_start3A_135 = tpu.memref_squeeze %dma_start3A_134 : memref<1x80x64xf32, #tpu.memory_space<vmem>> -> memref<80x64xf32, #tpu.memory_space<vmem>>
    %dma_start3A_136 = arith.constant 0 : i32
    %dma_start3A_137 = tpu.memref_slice %arg6[%dma_start3A_130, %dma_start3A_136] : memref<125x80xi32, #tpu.memory_space<vmem>> -> memref<1x80xi32, #tpu.memory_space<vmem>>
    %dma_start3A_138 = tpu.memref_squeeze %dma_start3A_137 : memref<1x80xi32, #tpu.memory_space<vmem>> -> memref<80xi32, #tpu.memory_space<vmem>>
    %dma_start3A_139 = arith.constant 0 : i32
    %dma_start3A_140 = arith.constant 0 : i32
    %dma_start3A_141 = tpu.memref_slice %arg2[%dma_start3A_139, %dma_start3A_140] : memref<10000x64xf32, #tpu.memory_space<hbm>> -> memref<10000x64xf32, #tpu.memory_space<hbm>>
    tpu.enqueue_indirect_dma source(%dma_start3A_141 : memref<10000x64xf32, #tpu.memory_space<hbm>>) target(%dma_start3A_135 : memref<80x64xf32, #tpu.memory_space<vmem>>) offsets(%dma_start3A_138 : memref<80xi32, #tpu.memory_space<vmem>>) semaphore(%arg13 : memref<!tpu.dma_semaphore, #tpu.memory_space<semaphore_mem>>)
    %dma_start3A_142 = arith.constant 3 : i32
    %dma_start3A_143 = arith.constant 3 : i32
    %dma_start3A_144 = arith.constant 0 : i32
    %dma_start3A_145 = arith.constant 0 : i32
    %dma_start3A_146 = tpu.memref_slice %arg8[%dma_start3A_143, %dma_start3A_144, %dma_start3A_145] : memref<5x80x64xf32, #tpu.memory_space<vmem>> -> memref<1x80x64xf32, #tpu.memory_space<vmem>>
    %dma_start3A_147 = tpu.memref_squeeze %dma_start3A_146 : memref<1x80x64xf32, #tpu.memory_space<vmem>> -> memref<80x64xf32, #tpu.memory_space<vmem>>
    %dma_start3A_148 = arith.constant 0 : i32
    %dma_start3A_149 = tpu.memref_slice %arg6[%dma_start3A_142, %dma_start3A_148] : memref<125x80xi32, #tpu.memory_space<vmem>> -> memref<1x80xi32, #tpu.memory_space<vmem>>
    %dma_start3A_150 = tpu.memref_squeeze %dma_start3A_149 : memref<1x80xi32, #tpu.memory_space<vmem>> -> memref<80xi32, #tpu.memory_space<vmem>>
    %dma_start3A_151 = arith.constant 0 : i32
    %dma_start3A_152 = arith.constant 0 : i32
    %dma_start3A_153 = tpu.memref_slice %arg2[%dma_start3A_151, %dma_start3A_152] : memref<10000x64xf32, #tpu.memory_space<hbm>> -> memref<10000x64xf32, #tpu.memory_space<hbm>>
    tpu.enqueue_indirect_dma source(%dma_start3A_153 : memref<10000x64xf32, #tpu.memory_space<hbm>>) target(%dma_start3A_147 : memref<80x64xf32, #tpu.memory_space<vmem>>) offsets(%dma_start3A_150 : memref<80xi32, #tpu.memory_space<vmem>>) semaphore(%arg14 : memref<!tpu.dma_semaphore, #tpu.memory_space<semaphore_mem>>)
    %dma_start3A_154 = arith.constant 4 : i32
    %dma_start3A_155 = arith.constant 4 : i32
    %dma_start3A_156 = arith.constant 0 : i32
    %dma_start3A_157 = arith.constant 0 : i32
    %dma_start3A_158 = tpu.memref_slice %arg8[%dma_start3A_155, %dma_start3A_156, %dma_start3A_157] : memref<5x80x64xf32, #tpu.memory_space<vmem>> -> memref<1x80x64xf32, #tpu.memory_space<vmem>>
    %dma_start3A_159 = tpu.memref_squeeze %dma_start3A_158 : memref<1x80x64xf32, #tpu.memory_space<vmem>> -> memref<80x64xf32, #tpu.memory_space<vmem>>
    %dma_start3A_160 = arith.constant 0 : i32
    %dma_start3A_161 = tpu.memref_slice %arg6[%dma_start3A_154, %dma_start3A_160] : memref<125x80xi32, #tpu.memory_space<vmem>> -> memref<1x80xi32, #tpu.memory_space<vmem>>
    %dma_start3A_162 = tpu.memref_squeeze %dma_start3A_161 : memref<1x80xi32, #tpu.memory_space<vmem>> -> memref<80xi32, #tpu.memory_space<vmem>>
    %dma_start3A_163 = arith.constant 0 : i32
    %dma_start3A_164 = arith.constant 0 : i32
    %dma_start3A_165 = tpu.memref_slice %arg2[%dma_start3A_163, %dma_start3A_164] : memref<10000x64xf32, #tpu.memory_space<hbm>> -> memref<10000x64xf32, #tpu.memory_space<hbm>>
    tpu.enqueue_indirect_dma source(%dma_start3A_165 : memref<10000x64xf32, #tpu.memory_space<hbm>>) target(%dma_start3A_159 : memref<80x64xf32, #tpu.memory_space<vmem>>) offsets(%dma_start3A_162 : memref<80xi32, #tpu.memory_space<vmem>>) semaphore(%arg15 : memref<!tpu.dma_semaphore, #tpu.memory_space<semaphore_mem>>)
    %scan3A_166 = arith.constant 0 : i32
    %scan3A_167 = arith.constant 25 : i32
    %scan3A_168 = arith.addi %scan3A_166, %scan3A_167 : i32
    %scan3A_169 = arith.constant 1 : i32
    scf.for %scan3A_176 = %scan3A_166 to %scan3A_168 step %scan3A_169  : i32 {
      %mul3A_177 = arith.constant 1 : i32
      %mul3A_178 = arith.muli %scan3A_176, %mul3A_177 : i32
      %add3A_179 = arith.constant 0 : i32
      %add3A_180 = arith.addi %add3A_179, %mul3A_178 : i32
      %mul3A_181 = arith.constant 5 : i32
      %mul3A_182 = arith.muli %add3A_180, %mul3A_181 : i32
      %add3A_183 = arith.constant 0 : i32
      %add3A_184 = arith.addi %mul3A_182, %add3A_183 : i32
      %dma_wait3A = arith.constant 0 : i32
      %dma_wait3A_185 = arith.constant 0 : i32
      %dma_wait3A_186 = arith.constant 0 : i32
      %dma_wait3A_187 = tpu.memref_slice %arg8[%dma_wait3A, %dma_wait3A_185, %dma_wait3A_186] : memref<5x80x64xf32, #tpu.memory_space<vmem>> -> memref<1x80x64xf32, #tpu.memory_space<vmem>>
      %dma_wait3A_188 = tpu.memref_squeeze %dma_wait3A_187 : memref<1x80x64xf32, #tpu.memory_space<vmem>> -> memref<80x64xf32, #tpu.memory_space<vmem>>
      %dma_wait3A_189 = arith.constant 0 : i32
      %dma_wait3A_190 = tpu.memref_slice %arg6[%add3A_184, %dma_wait3A_189] : memref<125x80xi32, #tpu.memory_space<vmem>> -> memref<1x80xi32, #tpu.memory_space<vmem>>
      %dma_wait3A_191 = tpu.memref_squeeze %dma_wait3A_190 : memref<1x80xi32, #tpu.memory_space<vmem>> -> memref<80xi32, #tpu.memory_space<vmem>>
      %dma_wait3A_192 = arith.constant 0 : i32
      %dma_wait3A_193 = arith.constant 0 : i32
      %dma_wait3A_194 = tpu.memref_slice %arg2[%dma_wait3A_192, %dma_wait3A_193] : memref<10000x64xf32, #tpu.memory_space<hbm>> -> memref<10000x64xf32, #tpu.memory_space<hbm>>
      tpu.wait_indirect_dma semaphore(%arg11 : memref<!tpu.dma_semaphore, #tpu.memory_space<semaphore_mem>>) src(%dma_wait3A_194 : memref<10000x64xf32, #tpu.memory_space<hbm>>) dst(%dma_wait3A_188 : memref<80x64xf32, #tpu.memory_space<vmem>>)
      %run_scoped3A = arith.constant 0 : i32
      "tpu.region"() ({
        %run_scoped3A_291 = tpu.sem_alloc : memref<!tpu.dma_semaphore, #tpu.memory_space<semaphore_mem>>
        %dma_start3A_292 = arith.constant 0 : i32
        %dma_start3A_293 = arith.constant 0 : i32
        %dma_start3A_294 = tpu.memref_slice %arg8[%run_scoped3A, %dma_start3A_292, %dma_start3A_293] : memref<5x80x64xf32, #tpu.memory_space<vmem>> -> memref<1x80x64xf32, #tpu.memory_space<vmem>>
        %dma_start3A_295 = tpu.memref_squeeze %dma_start3A_294 : memref<1x80x64xf32, #tpu.memory_space<vmem>> -> memref<80x64xf32, #tpu.memory_space<vmem>>
        %dma_start3A_296 = arith.constant 0 : i32
        %dma_start3A_297 = tpu.memref_slice %arg7[%add3A_184, %dma_start3A_296] : memref<125x80xi32, #tpu.memory_space<vmem>> -> memref<1x80xi32, #tpu.memory_space<vmem>>
        %dma_start3A_298 = tpu.memref_squeeze %dma_start3A_297 : memref<1x80xi32, #tpu.memory_space<vmem>> -> memref<80xi32, #tpu.memory_space<vmem>>
        %dma_start3A_299 = arith.constant 0 : i32
        %dma_start3A_300 = arith.constant 0 : i32
        %dma_start3A_301 = tpu.memref_slice %arg10[%dma_start3A_299, %dma_start3A_300] : memref<10000x64xf32, #tpu.memory_space<vmem_shared>> -> memref<10000x64xf32, #tpu.memory_space<vmem_shared>>
        tpu.enqueue_indirect_dma source(%dma_start3A_295 : memref<80x64xf32, #tpu.memory_space<vmem>>) target(%dma_start3A_301 : memref<10000x64xf32, #tpu.memory_space<vmem_shared>>) offsets(%dma_start3A_298 : memref<80xi32, #tpu.memory_space<vmem>>) semaphore(%run_scoped3A_291 : memref<!tpu.dma_semaphore, #tpu.memory_space<semaphore_mem>>) {add = true}
        %dma_wait3A_302 = arith.constant 0 : i32
        %dma_wait3A_303 = arith.constant 0 : i32
        %dma_wait3A_304 = tpu.memref_slice %arg8[%run_scoped3A, %dma_wait3A_302, %dma_wait3A_303] : memref<5x80x64xf32, #tpu.memory_space<vmem>> -> memref<1x80x64xf32, #tpu.memory_space<vmem>>
        %dma_wait3A_305 = tpu.memref_squeeze %dma_wait3A_304 : memref<1x80x64xf32, #tpu.memory_space<vmem>> -> memref<80x64xf32, #tpu.memory_space<vmem>>
        %dma_wait3A_306 = arith.constant 0 : i32
        %dma_wait3A_307 = tpu.memref_slice %arg7[%add3A_184, %dma_wait3A_306] : memref<125x80xi32, #tpu.memory_space<vmem>> -> memref<1x80xi32, #tpu.memory_space<vmem>>
        %dma_wait3A_308 = tpu.memref_squeeze %dma_wait3A_307 : memref<1x80xi32, #tpu.memory_space<vmem>> -> memref<80xi32, #tpu.memory_space<vmem>>
        %dma_wait3A_309 = arith.constant 0 : i32
        %dma_wait3A_310 = arith.constant 0 : i32
        %dma_wait3A_311 = tpu.memref_slice %arg10[%dma_wait3A_309, %dma_wait3A_310] : memref<10000x64xf32, #tpu.memory_space<vmem_shared>> -> memref<10000x64xf32, #tpu.memory_space<vmem_shared>>
        tpu.wait_indirect_dma semaphore(%run_scoped3A_291 : memref<!tpu.dma_semaphore, #tpu.memory_space<semaphore_mem>>) src(%dma_wait3A_305 : memref<80x64xf32, #tpu.memory_space<vmem>>) dst(%dma_wait3A_311 : memref<10000x64xf32, #tpu.memory_space<vmem_shared>>)
        tpu.yield
      }) : () -> ()
      %add3A_195 = arith.constant 1 : i32
      %add3A_196 = arith.addi %add3A_180, %add3A_195 : i32
      %lt3A = arith.constant 25 : i32
      %lt3A_197 = arith.cmpi slt, %add3A_196, %lt3A : i32
      %convert_element_type3A = arith.extui %lt3A_197 : i1 to i32
      %cond3A = arith.constant 0 : i32
      %cond3A_198 = arith.cmpi ne, %convert_element_type3A, %cond3A : i32
      scf.if %cond3A_198 {
        %add3A_291 = arith.constant 1 : i32
        %add3A_292 = arith.addi %add3A_180, %add3A_291 : i32
        %mul3A_293 = arith.constant 5 : i32
        %mul3A_294 = arith.muli %add3A_292, %mul3A_293 : i32
        %add3A_295 = arith.constant 0 : i32
        %add3A_296 = arith.addi %mul3A_294, %add3A_295 : i32
        %dma_start3A_297 = arith.constant 0 : i32
        %dma_start3A_298 = arith.constant 0 : i32
        %dma_start3A_299 = arith.constant 0 : i32
        %dma_start3A_300 = tpu.memref_slice %arg8[%dma_start3A_297, %dma_start3A_298, %dma_start3A_299] : memref<5x80x64xf32, #tpu.memory_space<vmem>> -> memref<1x80x64xf32, #tpu.memory_space<vmem>>
        %dma_start3A_301 = tpu.memref_squeeze %dma_start3A_300 : memref<1x80x64xf32, #tpu.memory_space<vmem>> -> memref<80x64xf32, #tpu.memory_space<vmem>>
        %dma_start3A_302 = arith.constant 0 : i32
        %dma_start3A_303 = tpu.memref_slice %arg6[%add3A_296, %dma_start3A_302] : memref<125x80xi32, #tpu.memory_space<vmem>> -> memref<1x80xi32, #tpu.memory_space<vmem>>
        %dma_start3A_304 = tpu.memref_squeeze %dma_start3A_303 : memref<1x80xi32, #tpu.memory_space<vmem>> -> memref<80xi32, #tpu.memory_space<vmem>>
        %dma_start3A_305 = arith.constant 0 : i32
        %dma_start3A_306 = arith.constant 0 : i32
        %dma_start3A_307 = tpu.memref_slice %arg2[%dma_start3A_305, %dma_start3A_306] : memref<10000x64xf32, #tpu.memory_space<hbm>> -> memref<10000x64xf32, #tpu.memory_space<hbm>>
        tpu.enqueue_indirect_dma source(%dma_start3A_307 : memref<10000x64xf32, #tpu.memory_space<hbm>>) target(%dma_start3A_301 : memref<80x64xf32, #tpu.memory_space<vmem>>) offsets(%dma_start3A_304 : memref<80xi32, #tpu.memory_space<vmem>>) semaphore(%arg11 : memref<!tpu.dma_semaphore, #tpu.memory_space<semaphore_mem>>)
      } else {
      }
      %mul3A_199 = arith.constant 5 : i32
      %mul3A_200 = arith.muli %add3A_180, %mul3A_199 : i32
      %add3A_201 = arith.constant 1 : i32
      %add3A_202 = arith.addi %mul3A_200, %add3A_201 : i32
      %dma_wait3A_203 = arith.constant 1 : i32
      %dma_wait3A_204 = arith.constant 0 : i32
      %dma_wait3A_205 = arith.constant 0 : i32
      %dma_wait3A_206 = tpu.memref_slice %arg8[%dma_wait3A_203, %dma_wait3A_204, %dma_wait3A_205] : memref<5x80x64xf32, #tpu.memory_space<vmem>> -> memref<1x80x64xf32, #tpu.memory_space<vmem>>
      %dma_wait3A_207 = tpu.memref_squeeze %dma_wait3A_206 : memref<1x80x64xf32, #tpu.memory_space<vmem>> -> memref<80x64xf32, #tpu.memory_space<vmem>>
      %dma_wait3A_208 = arith.constant 0 : i32
      %dma_wait3A_209 = tpu.memref_slice %arg6[%add3A_202, %dma_wait3A_208] : memref<125x80xi32, #tpu.memory_space<vmem>> -> memref<1x80xi32, #tpu.memory_space<vmem>>
      %dma_wait3A_210 = tpu.memref_squeeze %dma_wait3A_209 : memref<1x80xi32, #tpu.memory_space<vmem>> -> memref<80xi32, #tpu.memory_space<vmem>>
      %dma_wait3A_211 = arith.constant 0 : i32
      %dma_wait3A_212 = arith.constant 0 : i32
      %dma_wait3A_213 = tpu.memref_slice %arg2[%dma_wait3A_211, %dma_wait3A_212] : memref<10000x64xf32, #tpu.memory_space<hbm>> -> memref<10000x64xf32, #tpu.memory_space<hbm>>
      tpu.wait_indirect_dma semaphore(%arg12 : memref<!tpu.dma_semaphore, #tpu.memory_space<semaphore_mem>>) src(%dma_wait3A_213 : memref<10000x64xf32, #tpu.memory_space<hbm>>) dst(%dma_wait3A_207 : memref<80x64xf32, #tpu.memory_space<vmem>>)
      %run_scoped3A_214 = arith.constant 1 : i32
      "tpu.region"() ({
        %run_scoped3A_291 = tpu.sem_alloc : memref<!tpu.dma_semaphore, #tpu.memory_space<semaphore_mem>>
        %dma_start3A_292 = arith.constant 0 : i32
        %dma_start3A_293 = arith.constant 0 : i32
        %dma_start3A_294 = tpu.memref_slice %arg8[%run_scoped3A_214, %dma_start3A_292, %dma_start3A_293] : memref<5x80x64xf32, #tpu.memory_space<vmem>> -> memref<1x80x64xf32, #tpu.memory_space<vmem>>
        %dma_start3A_295 = tpu.memref_squeeze %dma_start3A_294 : memref<1x80x64xf32, #tpu.memory_space<vmem>> -> memref<80x64xf32, #tpu.memory_space<vmem>>
        %dma_start3A_296 = arith.constant 0 : i32
        %dma_start3A_297 = tpu.memref_slice %arg7[%add3A_202, %dma_start3A_296] : memref<125x80xi32, #tpu.memory_space<vmem>> -> memref<1x80xi32, #tpu.memory_space<vmem>>
        %dma_start3A_298 = tpu.memref_squeeze %dma_start3A_297 : memref<1x80xi32, #tpu.memory_space<vmem>> -> memref<80xi32, #tpu.memory_space<vmem>>
        %dma_start3A_299 = arith.constant 0 : i32
        %dma_start3A_300 = arith.constant 0 : i32
        %dma_start3A_301 = tpu.memref_slice %arg10[%dma_start3A_299, %dma_start3A_300] : memref<10000x64xf32, #tpu.memory_space<vmem_shared>> -> memref<10000x64xf32, #tpu.memory_space<vmem_shared>>
        tpu.enqueue_indirect_dma source(%dma_start3A_295 : memref<80x64xf32, #tpu.memory_space<vmem>>) target(%dma_start3A_301 : memref<10000x64xf32, #tpu.memory_space<vmem_shared>>) offsets(%dma_start3A_298 : memref<80xi32, #tpu.memory_space<vmem>>) semaphore(%run_scoped3A_291 : memref<!tpu.dma_semaphore, #tpu.memory_space<semaphore_mem>>) {add = true}
        %dma_wait3A_302 = arith.constant 0 : i32
        %dma_wait3A_303 = arith.constant 0 : i32
        %dma_wait3A_304 = tpu.memref_slice %arg8[%run_scoped3A_214, %dma_wait3A_302, %dma_wait3A_303] : memref<5x80x64xf32, #tpu.memory_space<vmem>> -> memref<1x80x64xf32, #tpu.memory_space<vmem>>
        %dma_wait3A_305 = tpu.memref_squeeze %dma_wait3A_304 : memref<1x80x64xf32, #tpu.memory_space<vmem>> -> memref<80x64xf32, #tpu.memory_space<vmem>>
        %dma_wait3A_306 = arith.constant 0 : i32
        %dma_wait3A_307 = tpu.memref_slice %arg7[%add3A_202, %dma_wait3A_306] : memref<125x80xi32, #tpu.memory_space<vmem>> -> memref<1x80xi32, #tpu.memory_space<vmem>>
        %dma_wait3A_308 = tpu.memref_squeeze %dma_wait3A_307 : memref<1x80xi32, #tpu.memory_space<vmem>> -> memref<80xi32, #tpu.memory_space<vmem>>
        %dma_wait3A_309 = arith.constant 0 : i32
        %dma_wait3A_310 = arith.constant 0 : i32
        %dma_wait3A_311 = tpu.memref_slice %arg10[%dma_wait3A_309, %dma_wait3A_310] : memref<10000x64xf32, #tpu.memory_space<vmem_shared>> -> memref<10000x64xf32, #tpu.memory_space<vmem_shared>>
        tpu.wait_indirect_dma semaphore(%run_scoped3A_291 : memref<!tpu.dma_semaphore, #tpu.memory_space<semaphore_mem>>) src(%dma_wait3A_305 : memref<80x64xf32, #tpu.memory_space<vmem>>) dst(%dma_wait3A_311 : memref<10000x64xf32, #tpu.memory_space<vmem_shared>>)
        tpu.yield
      }) : () -> ()
      %add3A_215 = arith.constant 1 : i32
      %add3A_216 = arith.addi %add3A_180, %add3A_215 : i32
      %lt3A_217 = arith.constant 25 : i32
      %lt3A_218 = arith.cmpi slt, %add3A_216, %lt3A_217 : i32
      %convert_element_type3A_219 = arith.extui %lt3A_218 : i1 to i32
      %cond3A_220 = arith.constant 0 : i32
      %cond3A_221 = arith.cmpi ne, %convert_element_type3A_219, %cond3A_220 : i32
      scf.if %cond3A_221 {
        %add3A_291 = arith.constant 1 : i32
        %add3A_292 = arith.addi %add3A_180, %add3A_291 : i32
        %mul3A_293 = arith.constant 5 : i32
        %mul3A_294 = arith.muli %add3A_292, %mul3A_293 : i32
        %add3A_295 = arith.constant 1 : i32
        %add3A_296 = arith.addi %mul3A_294, %add3A_295 : i32
        %dma_start3A_297 = arith.constant 1 : i32
        %dma_start3A_298 = arith.constant 0 : i32
        %dma_start3A_299 = arith.constant 0 : i32
        %dma_start3A_300 = tpu.memref_slice %arg8[%dma_start3A_297, %dma_start3A_298, %dma_start3A_299] : memref<5x80x64xf32, #tpu.memory_space<vmem>> -> memref<1x80x64xf32, #tpu.memory_space<vmem>>
        %dma_start3A_301 = tpu.memref_squeeze %dma_start3A_300 : memref<1x80x64xf32, #tpu.memory_space<vmem>> -> memref<80x64xf32, #tpu.memory_space<vmem>>
        %dma_start3A_302 = arith.constant 0 : i32
        %dma_start3A_303 = tpu.memref_slice %arg6[%add3A_296, %dma_start3A_302] : memref<125x80xi32, #tpu.memory_space<vmem>> -> memref<1x80xi32, #tpu.memory_space<vmem>>
        %dma_start3A_304 = tpu.memref_squeeze %dma_start3A_303 : memref<1x80xi32, #tpu.memory_space<vmem>> -> memref<80xi32, #tpu.memory_space<vmem>>
        %dma_start3A_305 = arith.constant 0 : i32
        %dma_start3A_306 = arith.constant 0 : i32
        %dma_start3A_307 = tpu.memref_slice %arg2[%dma_start3A_305, %dma_start3A_306] : memref<10000x64xf32, #tpu.memory_space<hbm>> -> memref<10000x64xf32, #tpu.memory_space<hbm>>
        tpu.enqueue_indirect_dma source(%dma_start3A_307 : memref<10000x64xf32, #tpu.memory_space<hbm>>) target(%dma_start3A_301 : memref<80x64xf32, #tpu.memory_space<vmem>>) offsets(%dma_start3A_304 : memref<80xi32, #tpu.memory_space<vmem>>) semaphore(%arg12 : memref<!tpu.dma_semaphore, #tpu.memory_space<semaphore_mem>>)
      } else {
      }
      %mul3A_222 = arith.constant 5 : i32
      %mul3A_223 = arith.muli %add3A_180, %mul3A_222 : i32
      %add3A_224 = arith.constant 2 : i32
      %add3A_225 = arith.addi %mul3A_223, %add3A_224 : i32
      %dma_wait3A_226 = arith.constant 2 : i32
      %dma_wait3A_227 = arith.constant 0 : i32
      %dma_wait3A_228 = arith.constant 0 : i32
      %dma_wait3A_229 = tpu.memref_slice %arg8[%dma_wait3A_226, %dma_wait3A_227, %dma_wait3A_228] : memref<5x80x64xf32, #tpu.memory_space<vmem>> -> memref<1x80x64xf32, #tpu.memory_space<vmem>>
      %dma_wait3A_230 = tpu.memref_squeeze %dma_wait3A_229 : memref<1x80x64xf32, #tpu.memory_space<vmem>> -> memref<80x64xf32, #tpu.memory_space<vmem>>
      %dma_wait3A_231 = arith.constant 0 : i32
      %dma_wait3A_232 = tpu.memref_slice %arg6[%add3A_225, %dma_wait3A_231] : memref<125x80xi32, #tpu.memory_space<vmem>> -> memref<1x80xi32, #tpu.memory_space<vmem>>
      %dma_wait3A_233 = tpu.memref_squeeze %dma_wait3A_232 : memref<1x80xi32, #tpu.memory_space<vmem>> -> memref<80xi32, #tpu.memory_space<vmem>>
      %dma_wait3A_234 = arith.constant 0 : i32
      %dma_wait3A_235 = arith.constant 0 : i32
      %dma_wait3A_236 = tpu.memref_slice %arg2[%dma_wait3A_234, %dma_wait3A_235] : memref<10000x64xf32, #tpu.memory_space<hbm>> -> memref<10000x64xf32, #tpu.memory_space<hbm>>
      tpu.wait_indirect_dma semaphore(%arg13 : memref<!tpu.dma_semaphore, #tpu.memory_space<semaphore_mem>>) src(%dma_wait3A_236 : memref<10000x64xf32, #tpu.memory_space<hbm>>) dst(%dma_wait3A_230 : memref<80x64xf32, #tpu.memory_space<vmem>>)
      %run_scoped3A_237 = arith.constant 2 : i32
      "tpu.region"() ({
        %run_scoped3A_291 = tpu.sem_alloc : memref<!tpu.dma_semaphore, #tpu.memory_space<semaphore_mem>>
        %dma_start3A_292 = arith.constant 0 : i32
        %dma_start3A_293 = arith.constant 0 : i32
        %dma_start3A_294 = tpu.memref_slice %arg8[%run_scoped3A_237, %dma_start3A_292, %dma_start3A_293] : memref<5x80x64xf32, #tpu.memory_space<vmem>> -> memref<1x80x64xf32, #tpu.memory_space<vmem>>
        %dma_start3A_295 = tpu.memref_squeeze %dma_start3A_294 : memref<1x80x64xf32, #tpu.memory_space<vmem>> -> memref<80x64xf32, #tpu.memory_space<vmem>>
        %dma_start3A_296 = arith.constant 0 : i32
        %dma_start3A_297 = tpu.memref_slice %arg7[%add3A_225, %dma_start3A_296] : memref<125x80xi32, #tpu.memory_space<vmem>> -> memref<1x80xi32, #tpu.memory_space<vmem>>
        %dma_start3A_298 = tpu.memref_squeeze %dma_start3A_297 : memref<1x80xi32, #tpu.memory_space<vmem>> -> memref<80xi32, #tpu.memory_space<vmem>>
        %dma_start3A_299 = arith.constant 0 : i32
        %dma_start3A_300 = arith.constant 0 : i32
        %dma_start3A_301 = tpu.memref_slice %arg10[%dma_start3A_299, %dma_start3A_300] : memref<10000x64xf32, #tpu.memory_space<vmem_shared>> -> memref<10000x64xf32, #tpu.memory_space<vmem_shared>>
        tpu.enqueue_indirect_dma source(%dma_start3A_295 : memref<80x64xf32, #tpu.memory_space<vmem>>) target(%dma_start3A_301 : memref<10000x64xf32, #tpu.memory_space<vmem_shared>>) offsets(%dma_start3A_298 : memref<80xi32, #tpu.memory_space<vmem>>) semaphore(%run_scoped3A_291 : memref<!tpu.dma_semaphore, #tpu.memory_space<semaphore_mem>>) {add = true}
        %dma_wait3A_302 = arith.constant 0 : i32
        %dma_wait3A_303 = arith.constant 0 : i32
        %dma_wait3A_304 = tpu.memref_slice %arg8[%run_scoped3A_237, %dma_wait3A_302, %dma_wait3A_303] : memref<5x80x64xf32, #tpu.memory_space<vmem>> -> memref<1x80x64xf32, #tpu.memory_space<vmem>>
        %dma_wait3A_305 = tpu.memref_squeeze %dma_wait3A_304 : memref<1x80x64xf32, #tpu.memory_space<vmem>> -> memref<80x64xf32, #tpu.memory_space<vmem>>
        %dma_wait3A_306 = arith.constant 0 : i32
        %dma_wait3A_307 = tpu.memref_slice %arg7[%add3A_225, %dma_wait3A_306] : memref<125x80xi32, #tpu.memory_space<vmem>> -> memref<1x80xi32, #tpu.memory_space<vmem>>
        %dma_wait3A_308 = tpu.memref_squeeze %dma_wait3A_307 : memref<1x80xi32, #tpu.memory_space<vmem>> -> memref<80xi32, #tpu.memory_space<vmem>>
        %dma_wait3A_309 = arith.constant 0 : i32
        %dma_wait3A_310 = arith.constant 0 : i32
        %dma_wait3A_311 = tpu.memref_slice %arg10[%dma_wait3A_309, %dma_wait3A_310] : memref<10000x64xf32, #tpu.memory_space<vmem_shared>> -> memref<10000x64xf32, #tpu.memory_space<vmem_shared>>
        tpu.wait_indirect_dma semaphore(%run_scoped3A_291 : memref<!tpu.dma_semaphore, #tpu.memory_space<semaphore_mem>>) src(%dma_wait3A_305 : memref<80x64xf32, #tpu.memory_space<vmem>>) dst(%dma_wait3A_311 : memref<10000x64xf32, #tpu.memory_space<vmem_shared>>)
        tpu.yield
      }) : () -> ()
      %add3A_238 = arith.constant 1 : i32
      %add3A_239 = arith.addi %add3A_180, %add3A_238 : i32
      %lt3A_240 = arith.constant 25 : i32
      %lt3A_241 = arith.cmpi slt, %add3A_239, %lt3A_240 : i32
      %convert_element_type3A_242 = arith.extui %lt3A_241 : i1 to i32
      %cond3A_243 = arith.constant 0 : i32
      %cond3A_244 = arith.cmpi ne, %convert_element_type3A_242, %cond3A_243 : i32
      scf.if %cond3A_244 {
        %add3A_291 = arith.constant 1 : i32
        %add3A_292 = arith.addi %add3A_180, %add3A_291 : i32
        %mul3A_293 = arith.constant 5 : i32
        %mul3A_294 = arith.muli %add3A_292, %mul3A_293 : i32
        %add3A_295 = arith.constant 2 : i32
        %add3A_296 = arith.addi %mul3A_294, %add3A_295 : i32
        %dma_start3A_297 = arith.constant 2 : i32
        %dma_start3A_298 = arith.constant 0 : i32
        %dma_start3A_299 = arith.constant 0 : i32
        %dma_start3A_300 = tpu.memref_slice %arg8[%dma_start3A_297, %dma_start3A_298, %dma_start3A_299] : memref<5x80x64xf32, #tpu.memory_space<vmem>> -> memref<1x80x64xf32, #tpu.memory_space<vmem>>
        %dma_start3A_301 = tpu.memref_squeeze %dma_start3A_300 : memref<1x80x64xf32, #tpu.memory_space<vmem>> -> memref<80x64xf32, #tpu.memory_space<vmem>>
        %dma_start3A_302 = arith.constant 0 : i32
        %dma_start3A_303 = tpu.memref_slice %arg6[%add3A_296, %dma_start3A_302] : memref<125x80xi32, #tpu.memory_space<vmem>> -> memref<1x80xi32, #tpu.memory_space<vmem>>
        %dma_start3A_304 = tpu.memref_squeeze %dma_start3A_303 : memref<1x80xi32, #tpu.memory_space<vmem>> -> memref<80xi32, #tpu.memory_space<vmem>>
        %dma_start3A_305 = arith.constant 0 : i32
        %dma_start3A_306 = arith.constant 0 : i32
        %dma_start3A_307 = tpu.memref_slice %arg2[%dma_start3A_305, %dma_start3A_306] : memref<10000x64xf32, #tpu.memory_space<hbm>> -> memref<10000x64xf32, #tpu.memory_space<hbm>>
        tpu.enqueue_indirect_dma source(%dma_start3A_307 : memref<10000x64xf32, #tpu.memory_space<hbm>>) target(%dma_start3A_301 : memref<80x64xf32, #tpu.memory_space<vmem>>) offsets(%dma_start3A_304 : memref<80xi32, #tpu.memory_space<vmem>>) semaphore(%arg13 : memref<!tpu.dma_semaphore, #tpu.memory_space<semaphore_mem>>)
      } else {
      }
      %mul3A_245 = arith.constant 5 : i32
      %mul3A_246 = arith.muli %add3A_180, %mul3A_245 : i32
      %add3A_247 = arith.constant 3 : i32
      %add3A_248 = arith.addi %mul3A_246, %add3A_247 : i32
      %dma_wait3A_249 = arith.constant 3 : i32
      %dma_wait3A_250 = arith.constant 0 : i32
      %dma_wait3A_251 = arith.constant 0 : i32
      %dma_wait3A_252 = tpu.memref_slice %arg8[%dma_wait3A_249, %dma_wait3A_250, %dma_wait3A_251] : memref<5x80x64xf32, #tpu.memory_space<vmem>> -> memref<1x80x64xf32, #tpu.memory_space<vmem>>
      %dma_wait3A_253 = tpu.memref_squeeze %dma_wait3A_252 : memref<1x80x64xf32, #tpu.memory_space<vmem>> -> memref<80x64xf32, #tpu.memory_space<vmem>>
      %dma_wait3A_254 = arith.constant 0 : i32
      %dma_wait3A_255 = tpu.memref_slice %arg6[%add3A_248, %dma_wait3A_254] : memref<125x80xi32, #tpu.memory_space<vmem>> -> memref<1x80xi32, #tpu.memory_space<vmem>>
      %dma_wait3A_256 = tpu.memref_squeeze %dma_wait3A_255 : memref<1x80xi32, #tpu.memory_space<vmem>> -> memref<80xi32, #tpu.memory_space<vmem>>
      %dma_wait3A_257 = arith.constant 0 : i32
      %dma_wait3A_258 = arith.constant 0 : i32
      %dma_wait3A_259 = tpu.memref_slice %arg2[%dma_wait3A_257, %dma_wait3A_258] : memref<10000x64xf32, #tpu.memory_space<hbm>> -> memref<10000x64xf32, #tpu.memory_space<hbm>>
      tpu.wait_indirect_dma semaphore(%arg14 : memref<!tpu.dma_semaphore, #tpu.memory_space<semaphore_mem>>) src(%dma_wait3A_259 : memref<10000x64xf32, #tpu.memory_space<hbm>>) dst(%dma_wait3A_253 : memref<80x64xf32, #tpu.memory_space<vmem>>)
      %run_scoped3A_260 = arith.constant 3 : i32
      "tpu.region"() ({
        %run_scoped3A_291 = tpu.sem_alloc : memref<!tpu.dma_semaphore, #tpu.memory_space<semaphore_mem>>
        %dma_start3A_292 = arith.constant 0 : i32
        %dma_start3A_293 = arith.constant 0 : i32
        %dma_start3A_294 = tpu.memref_slice %arg8[%run_scoped3A_260, %dma_start3A_292, %dma_start3A_293] : memref<5x80x64xf32, #tpu.memory_space<vmem>> -> memref<1x80x64xf32, #tpu.memory_space<vmem>>
        %dma_start3A_295 = tpu.memref_squeeze %dma_start3A_294 : memref<1x80x64xf32, #tpu.memory_space<vmem>> -> memref<80x64xf32, #tpu.memory_space<vmem>>
        %dma_start3A_296 = arith.constant 0 : i32
        %dma_start3A_297 = tpu.memref_slice %arg7[%add3A_248, %dma_start3A_296] : memref<125x80xi32, #tpu.memory_space<vmem>> -> memref<1x80xi32, #tpu.memory_space<vmem>>
        %dma_start3A_298 = tpu.memref_squeeze %dma_start3A_297 : memref<1x80xi32, #tpu.memory_space<vmem>> -> memref<80xi32, #tpu.memory_space<vmem>>
        %dma_start3A_299 = arith.constant 0 : i32
        %dma_start3A_300 = arith.constant 0 : i32
        %dma_start3A_301 = tpu.memref_slice %arg10[%dma_start3A_299, %dma_start3A_300] : memref<10000x64xf32, #tpu.memory_space<vmem_shared>> -> memref<10000x64xf32, #tpu.memory_space<vmem_shared>>
        tpu.enqueue_indirect_dma source(%dma_start3A_295 : memref<80x64xf32, #tpu.memory_space<vmem>>) target(%dma_start3A_301 : memref<10000x64xf32, #tpu.memory_space<vmem_shared>>) offsets(%dma_start3A_298 : memref<80xi32, #tpu.memory_space<vmem>>) semaphore(%run_scoped3A_291 : memref<!tpu.dma_semaphore, #tpu.memory_space<semaphore_mem>>) {add = true}
        %dma_wait3A_302 = arith.constant 0 : i32
        %dma_wait3A_303 = arith.constant 0 : i32
        %dma_wait3A_304 = tpu.memref_slice %arg8[%run_scoped3A_260, %dma_wait3A_302, %dma_wait3A_303] : memref<5x80x64xf32, #tpu.memory_space<vmem>> -> memref<1x80x64xf32, #tpu.memory_space<vmem>>
        %dma_wait3A_305 = tpu.memref_squeeze %dma_wait3A_304 : memref<1x80x64xf32, #tpu.memory_space<vmem>> -> memref<80x64xf32, #tpu.memory_space<vmem>>
        %dma_wait3A_306 = arith.constant 0 : i32
        %dma_wait3A_307 = tpu.memref_slice %arg7[%add3A_248, %dma_wait3A_306] : memref<125x80xi32, #tpu.memory_space<vmem>> -> memref<1x80xi32, #tpu.memory_space<vmem>>
        %dma_wait3A_308 = tpu.memref_squeeze %dma_wait3A_307 : memref<1x80xi32, #tpu.memory_space<vmem>> -> memref<80xi32, #tpu.memory_space<vmem>>
        %dma_wait3A_309 = arith.constant 0 : i32
        %dma_wait3A_310 = arith.constant 0 : i32
        %dma_wait3A_311 = tpu.memref_slice %arg10[%dma_wait3A_309, %dma_wait3A_310] : memref<10000x64xf32, #tpu.memory_space<vmem_shared>> -> memref<10000x64xf32, #tpu.memory_space<vmem_shared>>
        tpu.wait_indirect_dma semaphore(%run_scoped3A_291 : memref<!tpu.dma_semaphore, #tpu.memory_space<semaphore_mem>>) src(%dma_wait3A_305 : memref<80x64xf32, #tpu.memory_space<vmem>>) dst(%dma_wait3A_311 : memref<10000x64xf32, #tpu.memory_space<vmem_shared>>)
        tpu.yield
      }) : () -> ()
      %add3A_261 = arith.constant 1 : i32
      %add3A_262 = arith.addi %add3A_180, %add3A_261 : i32
      %lt3A_263 = arith.constant 25 : i32
      %lt3A_264 = arith.cmpi slt, %add3A_262, %lt3A_263 : i32
      %convert_element_type3A_265 = arith.extui %lt3A_264 : i1 to i32
      %cond3A_266 = arith.constant 0 : i32
      %cond3A_267 = arith.cmpi ne, %convert_element_type3A_265, %cond3A_266 : i32
      scf.if %cond3A_267 {
        %add3A_291 = arith.constant 1 : i32
        %add3A_292 = arith.addi %add3A_180, %add3A_291 : i32
        %mul3A_293 = arith.constant 5 : i32
        %mul3A_294 = arith.muli %add3A_292, %mul3A_293 : i32
        %add3A_295 = arith.constant 3 : i32
        %add3A_296 = arith.addi %mul3A_294, %add3A_295 : i32
        %dma_start3A_297 = arith.constant 3 : i32
        %dma_start3A_298 = arith.constant 0 : i32
        %dma_start3A_299 = arith.constant 0 : i32
        %dma_start3A_300 = tpu.memref_slice %arg8[%dma_start3A_297, %dma_start3A_298, %dma_start3A_299] : memref<5x80x64xf32, #tpu.memory_space<vmem>> -> memref<1x80x64xf32, #tpu.memory_space<vmem>>
        %dma_start3A_301 = tpu.memref_squeeze %dma_start3A_300 : memref<1x80x64xf32, #tpu.memory_space<vmem>> -> memref<80x64xf32, #tpu.memory_space<vmem>>
        %dma_start3A_302 = arith.constant 0 : i32
        %dma_start3A_303 = tpu.memref_slice %arg6[%add3A_296, %dma_start3A_302] : memref<125x80xi32, #tpu.memory_space<vmem>> -> memref<1x80xi32, #tpu.memory_space<vmem>>
        %dma_start3A_304 = tpu.memref_squeeze %dma_start3A_303 : memref<1x80xi32, #tpu.memory_space<vmem>> -> memref<80xi32, #tpu.memory_space<vmem>>
        %dma_start3A_305 = arith.constant 0 : i32
        %dma_start3A_306 = arith.constant 0 : i32
        %dma_start3A_307 = tpu.memref_slice %arg2[%dma_start3A_305, %dma_start3A_306] : memref<10000x64xf32, #tpu.memory_space<hbm>> -> memref<10000x64xf32, #tpu.memory_space<hbm>>
        tpu.enqueue_indirect_dma source(%dma_start3A_307 : memref<10000x64xf32, #tpu.memory_space<hbm>>) target(%dma_start3A_301 : memref<80x64xf32, #tpu.memory_space<vmem>>) offsets(%dma_start3A_304 : memref<80xi32, #tpu.memory_space<vmem>>) semaphore(%arg14 : memref<!tpu.dma_semaphore, #tpu.memory_space<semaphore_mem>>)
      } else {
      }
      %mul3A_268 = arith.constant 5 : i32
      %mul3A_269 = arith.muli %add3A_180, %mul3A_268 : i32
      %add3A_270 = arith.constant 4 : i32
      %add3A_271 = arith.addi %mul3A_269, %add3A_270 : i32
      %dma_wait3A_272 = arith.constant 4 : i32
      %dma_wait3A_273 = arith.constant 0 : i32
      %dma_wait3A_274 = arith.constant 0 : i32
      %dma_wait3A_275 = tpu.memref_slice %arg8[%dma_wait3A_272, %dma_wait3A_273, %dma_wait3A_274] : memref<5x80x64xf32, #tpu.memory_space<vmem>> -> memref<1x80x64xf32, #tpu.memory_space<vmem>>
      %dma_wait3A_276 = tpu.memref_squeeze %dma_wait3A_275 : memref<1x80x64xf32, #tpu.memory_space<vmem>> -> memref<80x64xf32, #tpu.memory_space<vmem>>
      %dma_wait3A_277 = arith.constant 0 : i32
      %dma_wait3A_278 = tpu.memref_slice %arg6[%add3A_271, %dma_wait3A_277] : memref<125x80xi32, #tpu.memory_space<vmem>> -> memref<1x80xi32, #tpu.memory_space<vmem>>
      %dma_wait3A_279 = tpu.memref_squeeze %dma_wait3A_278 : memref<1x80xi32, #tpu.memory_space<vmem>> -> memref<80xi32, #tpu.memory_space<vmem>>
      %dma_wait3A_280 = arith.constant 0 : i32
      %dma_wait3A_281 = arith.constant 0 : i32
      %dma_wait3A_282 = tpu.memref_slice %arg2[%dma_wait3A_280, %dma_wait3A_281] : memref<10000x64xf32, #tpu.memory_space<hbm>> -> memref<10000x64xf32, #tpu.memory_space<hbm>>
      tpu.wait_indirect_dma semaphore(%arg15 : memref<!tpu.dma_semaphore, #tpu.memory_space<semaphore_mem>>) src(%dma_wait3A_282 : memref<10000x64xf32, #tpu.memory_space<hbm>>) dst(%dma_wait3A_276 : memref<80x64xf32, #tpu.memory_space<vmem>>)
      %run_scoped3A_283 = arith.constant 4 : i32
      "tpu.region"() ({
        %run_scoped3A_291 = tpu.sem_alloc : memref<!tpu.dma_semaphore, #tpu.memory_space<semaphore_mem>>
        %dma_start3A_292 = arith.constant 0 : i32
        %dma_start3A_293 = arith.constant 0 : i32
        %dma_start3A_294 = tpu.memref_slice %arg8[%run_scoped3A_283, %dma_start3A_292, %dma_start3A_293] : memref<5x80x64xf32, #tpu.memory_space<vmem>> -> memref<1x80x64xf32, #tpu.memory_space<vmem>>
        %dma_start3A_295 = tpu.memref_squeeze %dma_start3A_294 : memref<1x80x64xf32, #tpu.memory_space<vmem>> -> memref<80x64xf32, #tpu.memory_space<vmem>>
        %dma_start3A_296 = arith.constant 0 : i32
        %dma_start3A_297 = tpu.memref_slice %arg7[%add3A_271, %dma_start3A_296] : memref<125x80xi32, #tpu.memory_space<vmem>> -> memref<1x80xi32, #tpu.memory_space<vmem>>
        %dma_start3A_298 = tpu.memref_squeeze %dma_start3A_297 : memref<1x80xi32, #tpu.memory_space<vmem>> -> memref<80xi32, #tpu.memory_space<vmem>>
        %dma_start3A_299 = arith.constant 0 : i32
        %dma_start3A_300 = arith.constant 0 : i32
        %dma_start3A_301 = tpu.memref_slice %arg10[%dma_start3A_299, %dma_start3A_300] : memref<10000x64xf32, #tpu.memory_space<vmem_shared>> -> memref<10000x64xf32, #tpu.memory_space<vmem_shared>>
        tpu.enqueue_indirect_dma source(%dma_start3A_295 : memref<80x64xf32, #tpu.memory_space<vmem>>) target(%dma_start3A_301 : memref<10000x64xf32, #tpu.memory_space<vmem_shared>>) offsets(%dma_start3A_298 : memref<80xi32, #tpu.memory_space<vmem>>) semaphore(%run_scoped3A_291 : memref<!tpu.dma_semaphore, #tpu.memory_space<semaphore_mem>>) {add = true}
        %dma_wait3A_302 = arith.constant 0 : i32
        %dma_wait3A_303 = arith.constant 0 : i32
        %dma_wait3A_304 = tpu.memref_slice %arg8[%run_scoped3A_283, %dma_wait3A_302, %dma_wait3A_303] : memref<5x80x64xf32, #tpu.memory_space<vmem>> -> memref<1x80x64xf32, #tpu.memory_space<vmem>>
        %dma_wait3A_305 = tpu.memref_squeeze %dma_wait3A_304 : memref<1x80x64xf32, #tpu.memory_space<vmem>> -> memref<80x64xf32, #tpu.memory_space<vmem>>
        %dma_wait3A_306 = arith.constant 0 : i32
        %dma_wait3A_307 = tpu.memref_slice %arg7[%add3A_271, %dma_wait3A_306] : memref<125x80xi32, #tpu.memory_space<vmem>> -> memref<1x80xi32, #tpu.memory_space<vmem>>
        %dma_wait3A_308 = tpu.memref_squeeze %dma_wait3A_307 : memref<1x80xi32, #tpu.memory_space<vmem>> -> memref<80xi32, #tpu.memory_space<vmem>>
        %dma_wait3A_309 = arith.constant 0 : i32
        %dma_wait3A_310 = arith.constant 0 : i32
        %dma_wait3A_311 = tpu.memref_slice %arg10[%dma_wait3A_309, %dma_wait3A_310] : memref<10000x64xf32, #tpu.memory_space<vmem_shared>> -> memref<10000x64xf32, #tpu.memory_space<vmem_shared>>
        tpu.wait_indirect_dma semaphore(%run_scoped3A_291 : memref<!tpu.dma_semaphore, #tpu.memory_space<semaphore_mem>>) src(%dma_wait3A_305 : memref<80x64xf32, #tpu.memory_space<vmem>>) dst(%dma_wait3A_311 : memref<10000x64xf32, #tpu.memory_space<vmem_shared>>)
        tpu.yield
      }) : () -> ()
      %add3A_284 = arith.constant 1 : i32
      %add3A_285 = arith.addi %add3A_180, %add3A_284 : i32
      %lt3A_286 = arith.constant 25 : i32
      %lt3A_287 = arith.cmpi slt, %add3A_285, %lt3A_286 : i32
      %convert_element_type3A_288 = arith.extui %lt3A_287 : i1 to i32
      %cond3A_289 = arith.constant 0 : i32
      %cond3A_290 = arith.cmpi ne, %convert_element_type3A_288, %cond3A_289 : i32
      scf.if %cond3A_290 {
        %add3A_291 = arith.constant 1 : i32
        %add3A_292 = arith.addi %add3A_180, %add3A_291 : i32
        %mul3A_293 = arith.constant 5 : i32
        %mul3A_294 = arith.muli %add3A_292, %mul3A_293 : i32
        %add3A_295 = arith.constant 4 : i32
        %add3A_296 = arith.addi %mul3A_294, %add3A_295 : i32
        %dma_start3A_297 = arith.constant 4 : i32
        %dma_start3A_298 = arith.constant 0 : i32
        %dma_start3A_299 = arith.constant 0 : i32
        %dma_start3A_300 = tpu.memref_slice %arg8[%dma_start3A_297, %dma_start3A_298, %dma_start3A_299] : memref<5x80x64xf32, #tpu.memory_space<vmem>> -> memref<1x80x64xf32, #tpu.memory_space<vmem>>
        %dma_start3A_301 = tpu.memref_squeeze %dma_start3A_300 : memref<1x80x64xf32, #tpu.memory_space<vmem>> -> memref<80x64xf32, #tpu.memory_space<vmem>>
        %dma_start3A_302 = arith.constant 0 : i32
        %dma_start3A_303 = tpu.memref_slice %arg6[%add3A_296, %dma_start3A_302] : memref<125x80xi32, #tpu.memory_space<vmem>> -> memref<1x80xi32, #tpu.memory_space<vmem>>
        %dma_start3A_304 = tpu.memref_squeeze %dma_start3A_303 : memref<1x80xi32, #tpu.memory_space<vmem>> -> memref<80xi32, #tpu.memory_space<vmem>>
        %dma_start3A_305 = arith.constant 0 : i32
        %dma_start3A_306 = arith.constant 0 : i32
        %dma_start3A_307 = tpu.memref_slice %arg2[%dma_start3A_305, %dma_start3A_306] : memref<10000x64xf32, #tpu.memory_space<hbm>> -> memref<10000x64xf32, #tpu.memory_space<hbm>>
        tpu.enqueue_indirect_dma source(%dma_start3A_307 : memref<10000x64xf32, #tpu.memory_space<hbm>>) target(%dma_start3A_301 : memref<80x64xf32, #tpu.memory_space<vmem>>) offsets(%dma_start3A_304 : memref<80xi32, #tpu.memory_space<vmem>>) semaphore(%arg15 : memref<!tpu.dma_semaphore, #tpu.memory_space<semaphore_mem>>)
      } else {
      }
    }
    %scan3A_170 = arith.constant 25 : i32
    %barrier3A_171 = arith.constant 0 : index
    tpu.barrier barrier_id(%barrier3A_171)
    %mul3A_172 = arith.constant 625 : i32
    %mul3A_173 = arith.muli %arg1, %mul3A_172 : i32
    %mul3A_174 = arith.constant 64 : i32
    %mul3A_175 = arith.muli %arg0, %mul3A_174 : i32
    "tpu.region"() ({
      %run_scoped3A = tpu.sem_alloc : memref<!tpu.dma_semaphore, #tpu.memory_space<semaphore_mem>>
      %dma_start3A_176 = tpu.memref_slice %arg5[%mul3A_173, %mul3A_175] : memref<10000x128xf32, #tpu.memory_space<hbm>> -> memref<625x64xf32, #tpu.memory_space<hbm>>
      %dma_start3A_177 = arith.constant 0 : i32
      %dma_start3A_178 = tpu.memref_slice %arg10[%mul3A_173, %dma_start3A_177] : memref<10000x64xf32, #tpu.memory_space<vmem_shared>> -> memref<625x64xf32, #tpu.memory_space<vmem_shared>>
      tpu.enqueue_dma source(%dma_start3A_178 : memref<625x64xf32, #tpu.memory_space<vmem_shared>>) target(%dma_start3A_176 : memref<625x64xf32, #tpu.memory_space<hbm>>) target_semaphore(%run_scoped3A : memref<!tpu.dma_semaphore, #tpu.memory_space<semaphore_mem>>)
      %dma_wait3A = tpu.memref_slice %arg5[%mul3A_173, %mul3A_175] : memref<10000x128xf32, #tpu.memory_space<hbm>> -> memref<625x64xf32, #tpu.memory_space<hbm>>
      %dma_wait3A_179 = arith.constant 0 : i32
      %dma_wait3A_180 = tpu.memref_slice %arg10[%mul3A_173, %dma_wait3A_179] : memref<10000x64xf32, #tpu.memory_space<vmem_shared>> -> memref<625x64xf32, #tpu.memory_space<vmem_shared>>
      tpu.wait_dma2 semaphore(%run_scoped3A : memref<!tpu.dma_semaphore, #tpu.memory_space<semaphore_mem>>) src(%dma_wait3A_180 : memref<625x64xf32, #tpu.memory_space<vmem_shared>>) dst(%dma_wait3A : memref<625x64xf32, #tpu.memory_space<hbm>>)
      tpu.yield
    }) : () -> ()
    return
  }
}

#map = affine_map<(d0, d1) -> (0, 0)>
#map1 = affine_map<(d0, d1) -> (0, 0, 0)>
module attributes {stable_mosaic.version = 14 : i64} {
  func.func @body(%arg0: i32, %arg1: i32, %arg2: memref<20000x64xf32, #tpu.memory_space<hbm>>, %arg3: memref<16x250x80xi32, #tpu.memory_space<hbm>>, %arg4: memref<16x250x80xi32, #tpu.memory_space<hbm>>, %arg5: memref<10000x128xf32, #tpu.memory_space<hbm>>, %arg6: memref<10000x128xf32, #tpu.memory_space<hbm>>, %arg7: memref<250x80xi32, #tpu.memory_space<vmem>>, %arg8: memref<250x80xi32, #tpu.memory_space<vmem>>, %arg9: memref<5x80x64xf32, #tpu.memory_space<vmem>>, %arg10: memref<25x64xf32, #tpu.memory_space<vmem>>, %arg11: memref<10000x64xf32, #tpu.memory_space<vmem_shared>>, %arg12: memref<80x16xf32, #tpu.memory_space<vmem>>, %arg13: memref<125x16xf32, #tpu.memory_space<vmem>>, %arg14: memref<10000x16xf32, #tpu.memory_space<vmem_shared>>, %arg15: memref<!tpu.dma_semaphore, #tpu.memory_space<semaphore_mem>>, %arg16: memref<!tpu.dma_semaphore, #tpu.memory_space<semaphore_mem>>, %arg17: memref<!tpu.dma_semaphore, #tpu.memory_space<semaphore_mem>>, %arg18: memref<!tpu.dma_semaphore, #tpu.memory_space<semaphore_mem>>, %arg19: memref<!tpu.dma_semaphore, #tpu.memory_space<semaphore_mem>>) attributes {dimension_semantics = [#tpu.dimension_semantics<core_parallel>, #tpu.dimension_semantics<subcore_parallel>], iteration_bounds = array<i64: 2, 16>, scalar_prefetch = 0 : i64, scratch_operands = 13 : i64, tpu.core_type = #tpu.core_type<sc_vector_subcore>, window_params = [{transform_indices = #map}, {transform_indices = #map1}, {transform_indices = #map1}, {transform_indices = #map}, {transform_indices = #map}]} {
    "tpu.region"() ({
      %run_scoped3A = tpu.sem_alloc : memref<!tpu.dma_semaphore, #tpu.memory_space<semaphore_mem>>
      %dma_start3A_213 = arith.constant 0 : i32
      %dma_start3A_214 = arith.constant 0 : i32
      %dma_start3A_215 = tpu.memref_slice %arg3[%arg1, %dma_start3A_213, %dma_start3A_214] : memref<16x250x80xi32, #tpu.memory_space<hbm>> -> memref<1x250x80xi32, #tpu.memory_space<hbm>>
      %dma_start3A_216 = tpu.memref_squeeze %dma_start3A_215 : memref<1x250x80xi32, #tpu.memory_space<hbm>> -> memref<250x80xi32, #tpu.memory_space<hbm>>
      %dma_start3A_217 = arith.constant 0 : i32
      %dma_start3A_218 = arith.constant 0 : i32
      %dma_start3A_219 = tpu.memref_slice %arg3[%arg1, %dma_start3A_217, %dma_start3A_218] : memref<16x250x80xi32, #tpu.memory_space<hbm>> -> memref<1x250x80xi32, #tpu.memory_space<hbm>>
      %dma_start3A_220 = tpu.memref_squeeze %dma_start3A_219 : memref<1x250x80xi32, #tpu.memory_space<hbm>> -> memref<250x80xi32, #tpu.memory_space<hbm>>
      tpu.enqueue_dma source(%dma_start3A_220 : memref<250x80xi32, #tpu.memory_space<hbm>>) target(%arg7 : memref<250x80xi32, #tpu.memory_space<vmem>>) target_semaphore(%run_scoped3A : memref<!tpu.dma_semaphore, #tpu.memory_space<semaphore_mem>>)
      %dma_wait3A = arith.constant 0 : i32
      %dma_wait3A_221 = arith.constant 0 : i32
      %dma_wait3A_222 = tpu.memref_slice %arg3[%arg1, %dma_wait3A, %dma_wait3A_221] : memref<16x250x80xi32, #tpu.memory_space<hbm>> -> memref<1x250x80xi32, #tpu.memory_space<hbm>>
      %dma_wait3A_223 = tpu.memref_squeeze %dma_wait3A_222 : memref<1x250x80xi32, #tpu.memory_space<hbm>> -> memref<250x80xi32, #tpu.memory_space<hbm>>
      %dma_wait3A_224 = arith.constant 0 : i32
      %dma_wait3A_225 = arith.constant 0 : i32
      %dma_wait3A_226 = tpu.memref_slice %arg3[%arg1, %dma_wait3A_224, %dma_wait3A_225] : memref<16x250x80xi32, #tpu.memory_space<hbm>> -> memref<1x250x80xi32, #tpu.memory_space<hbm>>
      %dma_wait3A_227 = tpu.memref_squeeze %dma_wait3A_226 : memref<1x250x80xi32, #tpu.memory_space<hbm>> -> memref<250x80xi32, #tpu.memory_space<hbm>>
      tpu.wait_dma2 semaphore(%run_scoped3A : memref<!tpu.dma_semaphore, #tpu.memory_space<semaphore_mem>>) src(%dma_wait3A_227 : memref<250x80xi32, #tpu.memory_space<hbm>>) dst(%arg7 : memref<250x80xi32, #tpu.memory_space<vmem>>)
      tpu.yield
    }) : () -> ()
    "tpu.region"() ({
      %run_scoped3A = tpu.sem_alloc : memref<!tpu.dma_semaphore, #tpu.memory_space<semaphore_mem>>
      %dma_start3A_213 = arith.constant 0 : i32
      %dma_start3A_214 = arith.constant 0 : i32
      %dma_start3A_215 = tpu.memref_slice %arg4[%arg1, %dma_start3A_213, %dma_start3A_214] : memref<16x250x80xi32, #tpu.memory_space<hbm>> -> memref<1x250x80xi32, #tpu.memory_space<hbm>>
      %dma_start3A_216 = tpu.memref_squeeze %dma_start3A_215 : memref<1x250x80xi32, #tpu.memory_space<hbm>> -> memref<250x80xi32, #tpu.memory_space<hbm>>
      %dma_start3A_217 = arith.constant 0 : i32
      %dma_start3A_218 = arith.constant 0 : i32
      %dma_start3A_219 = tpu.memref_slice %arg4[%arg1, %dma_start3A_217, %dma_start3A_218] : memref<16x250x80xi32, #tpu.memory_space<hbm>> -> memref<1x250x80xi32, #tpu.memory_space<hbm>>
      %dma_start3A_220 = tpu.memref_squeeze %dma_start3A_219 : memref<1x250x80xi32, #tpu.memory_space<hbm>> -> memref<250x80xi32, #tpu.memory_space<hbm>>
      tpu.enqueue_dma source(%dma_start3A_220 : memref<250x80xi32, #tpu.memory_space<hbm>>) target(%arg8 : memref<250x80xi32, #tpu.memory_space<vmem>>) target_semaphore(%run_scoped3A : memref<!tpu.dma_semaphore, #tpu.memory_space<semaphore_mem>>)
      %dma_wait3A = arith.constant 0 : i32
      %dma_wait3A_221 = arith.constant 0 : i32
      %dma_wait3A_222 = tpu.memref_slice %arg4[%arg1, %dma_wait3A, %dma_wait3A_221] : memref<16x250x80xi32, #tpu.memory_space<hbm>> -> memref<1x250x80xi32, #tpu.memory_space<hbm>>
      %dma_wait3A_223 = tpu.memref_squeeze %dma_wait3A_222 : memref<1x250x80xi32, #tpu.memory_space<hbm>> -> memref<250x80xi32, #tpu.memory_space<hbm>>
      %dma_wait3A_224 = arith.constant 0 : i32
      %dma_wait3A_225 = arith.constant 0 : i32
      %dma_wait3A_226 = tpu.memref_slice %arg4[%arg1, %dma_wait3A_224, %dma_wait3A_225] : memref<16x250x80xi32, #tpu.memory_space<hbm>> -> memref<1x250x80xi32, #tpu.memory_space<hbm>>
      %dma_wait3A_227 = tpu.memref_squeeze %dma_wait3A_226 : memref<1x250x80xi32, #tpu.memory_space<hbm>> -> memref<250x80xi32, #tpu.memory_space<hbm>>
      tpu.wait_dma2 semaphore(%run_scoped3A : memref<!tpu.dma_semaphore, #tpu.memory_space<semaphore_mem>>) src(%dma_wait3A_227 : memref<250x80xi32, #tpu.memory_space<hbm>>) dst(%arg8 : memref<250x80xi32, #tpu.memory_space<vmem>>)
      tpu.yield
    }) : () -> ()
    %broadcast_in_dim3A = arith.constant 0.000000e+00 : f32
    %broadcast_in_dim3A_0 = vector.broadcast %broadcast_in_dim3A : f32 to vector<16xf32>
    %scan3A = arith.constant 0 : i32
    %scan3A_1 = arith.constant 25 : i32
    %scan3A_2 = arith.addi %scan3A, %scan3A_1 : i32
    %scan3A_3 = arith.constant 1 : i32
    scf.for %scan3A_213 = %scan3A to %scan3A_2 step %scan3A_3  : i32 {
      %mul3A_214 = arith.constant 1 : i32
      %mul3A_215 = arith.muli %scan3A_213, %mul3A_214 : i32
      %add3A_216 = arith.constant 0 : i32
      %add3A_217 = arith.addi %add3A_216, %mul3A_215 : i32
      %scan3A_218 = arith.constant 0 : i32
      %scan3A_219 = arith.constant 4 : i32
      %scan3A_220 = arith.addi %scan3A_218, %scan3A_219 : i32
      %scan3A_221 = arith.constant 1 : i32
      scf.for %scan3A_223 = %scan3A_218 to %scan3A_220 step %scan3A_221  : i32 {
        %mul3A_224 = arith.constant 1 : i32
        %mul3A_225 = arith.muli %scan3A_223, %mul3A_224 : i32
        %add3A_226 = arith.constant 0 : i32
        %add3A_227 = arith.addi %add3A_226, %mul3A_225 : i32
        %mul3A_228 = arith.constant 16 : i32
        %mul3A_229 = arith.muli %add3A_227, %mul3A_228 : i32
        %swap3A = arith.index_cast %add3A_217 : i32 to index
        %swap3A_230 = arith.index_cast %mul3A_229 : i32 to index
        %swap3A_231 = tpu.vector_load %arg10[%swap3A, %swap3A_230] {strides = array<i32>} : memref<25x64xf32, #tpu.memory_space<vmem>>, vector<1x16xf32>,
        %swap3A_232 = vector.shape_cast %swap3A_231 : vector<1x16xf32> to vector<16xf32>
        %swap3A_233 = vector.shape_cast %broadcast_in_dim3A_0 : vector<16xf32> to vector<1x16xf32>
        tpu.vector_store %arg10[%swap3A, %swap3A_230], %swap3A_233 {strides = array<i32>} : memref<25x64xf32, #tpu.memory_space<vmem>>, vector<1x16xf32>,
      }
      %scan3A_222 = arith.constant 4 : i32
    }
    %scan3A_4 = arith.constant 25 : i32
    %broadcast_in_dim3A_5 = arith.constant 1.000000e+00 : f32
    %broadcast_in_dim3A_6 = vector.broadcast %broadcast_in_dim3A_5 : f32 to vector<16xf32>
    %scan3A_7 = arith.constant 0 : i32
    %scan3A_8 = arith.constant 80 : i32
    %scan3A_9 = arith.addi %scan3A_7, %scan3A_8 : i32
    %scan3A_10 = arith.constant 1 : i32
    scf.for %scan3A_213 = %scan3A_7 to %scan3A_9 step %scan3A_10  : i32 {
      %mul3A_214 = arith.constant 1 : i32
      %mul3A_215 = arith.muli %scan3A_213, %mul3A_214 : i32
      %add3A_216 = arith.constant 0 : i32
      %add3A_217 = arith.addi %add3A_216, %mul3A_215 : i32
      %scan3A_218 = arith.constant 0 : i32
      %mul3A_219 = arith.constant 1 : i32
      %mul3A_220 = arith.muli %scan3A_218, %mul3A_219 : i32
      %add3A_221 = arith.constant 0 : i32
      %add3A_222 = arith.addi %add3A_221, %mul3A_220 : i32
      %mul3A_223 = arith.constant 16 : i32
      %mul3A_224 = arith.muli %add3A_222, %mul3A_223 : i32
      %swap3A = arith.index_cast %add3A_217 : i32 to index
      %swap3A_225 = arith.index_cast %mul3A_224 : i32 to index
      %swap3A_226 = tpu.vector_load %arg12[%swap3A, %swap3A_225] {strides = array<i32>} : memref<80x16xf32, #tpu.memory_space<vmem>>, vector<1x16xf32>,
      %swap3A_227 = vector.shape_cast %swap3A_226 : vector<1x16xf32> to vector<16xf32>
      %swap3A_228 = vector.shape_cast %broadcast_in_dim3A_6 : vector<16xf32> to vector<1x16xf32>
      tpu.vector_store %arg12[%swap3A, %swap3A_225], %swap3A_228 {strides = array<i32>} : memref<80x16xf32, #tpu.memory_space<vmem>>, vector<1x16xf32>,
      %scan3A_229 = arith.constant 1 : i32
    }
    %scan3A_11 = arith.constant 80 : i32
    %broadcast_in_dim3A_12 = arith.constant 0.000000e+00 : f32
    %broadcast_in_dim3A_13 = vector.broadcast %broadcast_in_dim3A_12 : f32 to vector<16xf32>
    %scan3A_14 = arith.constant 0 : i32
    %scan3A_15 = arith.constant 125 : i32
    %scan3A_16 = arith.addi %scan3A_14, %scan3A_15 : i32
    %scan3A_17 = arith.constant 1 : i32
    scf.for %scan3A_213 = %scan3A_14 to %scan3A_16 step %scan3A_17  : i32 {
      %mul3A_214 = arith.constant 1 : i32
      %mul3A_215 = arith.muli %scan3A_213, %mul3A_214 : i32
      %add3A_216 = arith.constant 0 : i32
      %add3A_217 = arith.addi %add3A_216, %mul3A_215 : i32
      %scan3A_218 = arith.constant 0 : i32
      %mul3A_219 = arith.constant 1 : i32
      %mul3A_220 = arith.muli %scan3A_218, %mul3A_219 : i32
      %add3A_221 = arith.constant 0 : i32
      %add3A_222 = arith.addi %add3A_221, %mul3A_220 : i32
      %mul3A_223 = arith.constant 16 : i32
      %mul3A_224 = arith.muli %add3A_222, %mul3A_223 : i32
      %swap3A = arith.index_cast %add3A_217 : i32 to index
      %swap3A_225 = arith.index_cast %mul3A_224 : i32 to index
      %swap3A_226 = tpu.vector_load %arg13[%swap3A, %swap3A_225] {strides = array<i32>} : memref<125x16xf32, #tpu.memory_space<vmem>>, vector<1x16xf32>,
      %swap3A_227 = vector.shape_cast %swap3A_226 : vector<1x16xf32> to vector<16xf32>
      %swap3A_228 = vector.shape_cast %broadcast_in_dim3A_13 : vector<16xf32> to vector<1x16xf32>
      tpu.vector_store %arg13[%swap3A, %swap3A_225], %swap3A_228 {strides = array<i32>} : memref<125x16xf32, #tpu.memory_space<vmem>>, vector<1x16xf32>,
      %scan3A_229 = arith.constant 1 : i32
    }
    %scan3A_18 = arith.constant 125 : i32
    %scan3A_19 = arith.constant 0 : i32
    %scan3A_20 = arith.constant 250 : i32
    %scan3A_21 = arith.addi %scan3A_19, %scan3A_20 : i32
    %scan3A_22 = arith.constant 1 : i32
    scf.for %scan3A_213 = %scan3A_19 to %scan3A_21 step %scan3A_22  : i32 {
      %mul3A_214 = arith.constant 1 : i32
      %mul3A_215 = arith.muli %scan3A_213, %mul3A_214 : i32
      %add3A_216 = arith.constant 0 : i32
      %add3A_217 = arith.addi %add3A_216, %mul3A_215 : i32
      %scan3A_218 = arith.constant 0 : i32
      %scan3A_219 = arith.constant 5 : i32
      %scan3A_220 = arith.addi %scan3A_218, %scan3A_219 : i32
      %scan3A_221 = arith.constant 1 : i32
      scf.for %scan3A_223 = %scan3A_218 to %scan3A_220 step %scan3A_221  : i32 {
        %mul3A_224 = arith.constant 1 : i32
        %mul3A_225 = arith.muli %scan3A_223, %mul3A_224 : i32
        %add3A_226 = arith.constant 0 : i32
        %add3A_227 = arith.addi %add3A_226, %mul3A_225 : i32
        %mul3A_228 = arith.constant 16 : i32
        %mul3A_229 = arith.muli %add3A_227, %mul3A_228 : i32
        %get3A = arith.index_cast %add3A_217 : i32 to index
        %get3A_230 = arith.index_cast %mul3A_229 : i32 to index
        %get3A_231 = tpu.vector_load %arg7[%get3A, %get3A_230] {strides = array<i32>} : memref<250x80xi32, #tpu.memory_space<vmem>>, vector<1x16xi32>,
        %get3A_232 = vector.shape_cast %get3A_231 : vector<1x16xi32> to vector<16xi32>
        %add3A_233 = arith.addi %get3A_232, %get3A_232 : vector<16xi32>
        %add3A_234 = vector.broadcast %arg0 : i32 to vector<16xi32>
        %add3A_235 = arith.addi %add3A_233, %add3A_234 : vector<16xi32>
        %mul3A_236 = arith.constant 16 : i32
        %mul3A_237 = arith.muli %add3A_227, %mul3A_236 : i32
        %swap3A = arith.index_cast %add3A_217 : i32 to index
        %swap3A_238 = arith.index_cast %mul3A_237 : i32 to index
        %swap3A_239 = tpu.vector_load %arg7[%swap3A, %swap3A_238] {strides = array<i32>} : memref<250x80xi32, #tpu.memory_space<vmem>>, vector<1x16xi32>,
        %swap3A_240 = vector.shape_cast %swap3A_239 : vector<1x16xi32> to vector<16xi32>
        %swap3A_241 = vector.shape_cast %add3A_235 : vector<16xi32> to vector<1x16xi32>
        tpu.vector_store %arg7[%swap3A, %swap3A_238], %swap3A_241 {strides = array<i32>} : memref<250x80xi32, #tpu.memory_space<vmem>>, vector<1x16xi32>,
      }
      %scan3A_222 = arith.constant 5 : i32
    }
    %scan3A_23 = arith.constant 250 : i32
    %mul3A = arith.constant 625 : i32
    %mul3A_24 = arith.muli %arg1, %mul3A : i32
    %add3A = arith.constant 0 : i32
    %add3A_25 = arith.addi %mul3A_24, %add3A : i32
    "tpu.region"() ({
      %run_scoped3A = tpu.sem_alloc : memref<!tpu.dma_semaphore, #tpu.memory_space<semaphore_mem>>
      %dma_start3A_213 = arith.constant 0 : i32
      %dma_start3A_214 = tpu.memref_slice %arg11[%add3A_25, %dma_start3A_213] : memref<10000x64xf32, #tpu.memory_space<vmem_shared>> -> memref<25x64xf32, #tpu.memory_space<vmem_shared>>
      %dma_start3A_215 = arith.constant 0 : i32
      %dma_start3A_216 = tpu.memref_slice %arg11[%add3A_25, %dma_start3A_215] : memref<10000x64xf32, #tpu.memory_space<vmem_shared>> -> memref<25x64xf32, #tpu.memory_space<vmem_shared>>
      tpu.enqueue_dma source(%arg10 : memref<25x64xf32, #tpu.memory_space<vmem>>) target(%dma_start3A_216 : memref<25x64xf32, #tpu.memory_space<vmem_shared>>) target_semaphore(%run_scoped3A : memref<!tpu.dma_semaphore, #tpu.memory_space<semaphore_mem>>)
      %dma_wait3A = arith.constant 0 : i32
      %dma_wait3A_217 = tpu.memref_slice %arg11[%add3A_25, %dma_wait3A] : memref<10000x64xf32, #tpu.memory_space<vmem_shared>> -> memref<25x64xf32, #tpu.memory_space<vmem_shared>>
      %dma_wait3A_218 = arith.constant 0 : i32
      %dma_wait3A_219 = tpu.memref_slice %arg11[%add3A_25, %dma_wait3A_218] : memref<10000x64xf32, #tpu.memory_space<vmem_shared>> -> memref<25x64xf32, #tpu.memory_space<vmem_shared>>
      tpu.wait_dma2 semaphore(%run_scoped3A : memref<!tpu.dma_semaphore, #tpu.memory_space<semaphore_mem>>) src(%arg10 : memref<25x64xf32, #tpu.memory_space<vmem>>) dst(%dma_wait3A_219 : memref<25x64xf32, #tpu.memory_space<vmem_shared>>)
      tpu.yield
    }) : () -> ()
    %mul3A_26 = arith.constant 625 : i32
    %mul3A_27 = arith.muli %arg1, %mul3A_26 : i32
    %add3A_28 = arith.constant 25 : i32
    %add3A_29 = arith.addi %mul3A_27, %add3A_28 : i32
    "tpu.region"() ({
      %run_scoped3A = tpu.sem_alloc : memref<!tpu.dma_semaphore, #tpu.memory_space<semaphore_mem>>
      %dma_start3A_213 = arith.constant 0 : i32
      %dma_start3A_214 = tpu.memref_slice %arg11[%add3A_29, %dma_start3A_213] : memref<10000x64xf32, #tpu.memory_space<vmem_shared>> -> memref<25x64xf32, #tpu.memory_space<vmem_shared>>
      %dma_start3A_215 = arith.constant 0 : i32
      %dma_start3A_216 = tpu.memref_slice %arg11[%add3A_29, %dma_start3A_215] : memref<10000x64xf32, #tpu.memory_space<vmem_shared>> -> memref<25x64xf32, #tpu.memory_space<vmem_shared>>
      tpu.enqueue_dma source(%arg10 : memref<25x64xf32, #tpu.memory_space<vmem>>) target(%dma_start3A_216 : memref<25x64xf32, #tpu.memory_space<vmem_shared>>) target_semaphore(%run_scoped3A : memref<!tpu.dma_semaphore, #tpu.memory_space<semaphore_mem>>)
      %dma_wait3A = arith.constant 0 : i32
      %dma_wait3A_217 = tpu.memref_slice %arg11[%add3A_29, %dma_wait3A] : memref<10000x64xf32, #tpu.memory_space<vmem_shared>> -> memref<25x64xf32, #tpu.memory_space<vmem_shared>>
      %dma_wait3A_218 = arith.constant 0 : i32
      %dma_wait3A_219 = tpu.memref_slice %arg11[%add3A_29, %dma_wait3A_218] : memref<10000x64xf32, #tpu.memory_space<vmem_shared>> -> memref<25x64xf32, #tpu.memory_space<vmem_shared>>
      tpu.wait_dma2 semaphore(%run_scoped3A : memref<!tpu.dma_semaphore, #tpu.memory_space<semaphore_mem>>) src(%arg10 : memref<25x64xf32, #tpu.memory_space<vmem>>) dst(%dma_wait3A_219 : memref<25x64xf32, #tpu.memory_space<vmem_shared>>)
      tpu.yield
    }) : () -> ()
    %mul3A_30 = arith.constant 625 : i32
    %mul3A_31 = arith.muli %arg1, %mul3A_30 : i32
    %add3A_32 = arith.constant 50 : i32
    %add3A_33 = arith.addi %mul3A_31, %add3A_32 : i32
    "tpu.region"() ({
      %run_scoped3A = tpu.sem_alloc : memref<!tpu.dma_semaphore, #tpu.memory_space<semaphore_mem>>
      %dma_start3A_213 = arith.constant 0 : i32
      %dma_start3A_214 = tpu.memref_slice %arg11[%add3A_33, %dma_start3A_213] : memref<10000x64xf32, #tpu.memory_space<vmem_shared>> -> memref<25x64xf32, #tpu.memory_space<vmem_shared>>
      %dma_start3A_215 = arith.constant 0 : i32
      %dma_start3A_216 = tpu.memref_slice %arg11[%add3A_33, %dma_start3A_215] : memref<10000x64xf32, #tpu.memory_space<vmem_shared>> -> memref<25x64xf32, #tpu.memory_space<vmem_shared>>
      tpu.enqueue_dma source(%arg10 : memref<25x64xf32, #tpu.memory_space<vmem>>) target(%dma_start3A_216 : memref<25x64xf32, #tpu.memory_space<vmem_shared>>) target_semaphore(%run_scoped3A : memref<!tpu.dma_semaphore, #tpu.memory_space<semaphore_mem>>)
      %dma_wait3A = arith.constant 0 : i32
      %dma_wait3A_217 = tpu.memref_slice %arg11[%add3A_33, %dma_wait3A] : memref<10000x64xf32, #tpu.memory_space<vmem_shared>> -> memref<25x64xf32, #tpu.memory_space<vmem_shared>>
      %dma_wait3A_218 = arith.constant 0 : i32
      %dma_wait3A_219 = tpu.memref_slice %arg11[%add3A_33, %dma_wait3A_218] : memref<10000x64xf32, #tpu.memory_space<vmem_shared>> -> memref<25x64xf32, #tpu.memory_space<vmem_shared>>
      tpu.wait_dma2 semaphore(%run_scoped3A : memref<!tpu.dma_semaphore, #tpu.memory_space<semaphore_mem>>) src(%arg10 : memref<25x64xf32, #tpu.memory_space<vmem>>) dst(%dma_wait3A_219 : memref<25x64xf32, #tpu.memory_space<vmem_shared>>)
      tpu.yield
    }) : () -> ()
    %mul3A_34 = arith.constant 625 : i32
    %mul3A_35 = arith.muli %arg1, %mul3A_34 : i32
    %add3A_36 = arith.constant 75 : i32
    %add3A_37 = arith.addi %mul3A_35, %add3A_36 : i32
    "tpu.region"() ({
      %run_scoped3A = tpu.sem_alloc : memref<!tpu.dma_semaphore, #tpu.memory_space<semaphore_mem>>
      %dma_start3A_213 = arith.constant 0 : i32
      %dma_start3A_214 = tpu.memref_slice %arg11[%add3A_37, %dma_start3A_213] : memref<10000x64xf32, #tpu.memory_space<vmem_shared>> -> memref<25x64xf32, #tpu.memory_space<vmem_shared>>
      %dma_start3A_215 = arith.constant 0 : i32
      %dma_start3A_216 = tpu.memref_slice %arg11[%add3A_37, %dma_start3A_215] : memref<10000x64xf32, #tpu.memory_space<vmem_shared>> -> memref<25x64xf32, #tpu.memory_space<vmem_shared>>
      tpu.enqueue_dma source(%arg10 : memref<25x64xf32, #tpu.memory_space<vmem>>) target(%dma_start3A_216 : memref<25x64xf32, #tpu.memory_space<vmem_shared>>) target_semaphore(%run_scoped3A : memref<!tpu.dma_semaphore, #tpu.memory_space<semaphore_mem>>)
      %dma_wait3A = arith.constant 0 : i32
      %dma_wait3A_217 = tpu.memref_slice %arg11[%add3A_37, %dma_wait3A] : memref<10000x64xf32, #tpu.memory_space<vmem_shared>> -> memref<25x64xf32, #tpu.memory_space<vmem_shared>>
      %dma_wait3A_218 = arith.constant 0 : i32
      %dma_wait3A_219 = tpu.memref_slice %arg11[%add3A_37, %dma_wait3A_218] : memref<10000x64xf32, #tpu.memory_space<vmem_shared>> -> memref<25x64xf32, #tpu.memory_space<vmem_shared>>
      tpu.wait_dma2 semaphore(%run_scoped3A : memref<!tpu.dma_semaphore, #tpu.memory_space<semaphore_mem>>) src(%arg10 : memref<25x64xf32, #tpu.memory_space<vmem>>) dst(%dma_wait3A_219 : memref<25x64xf32, #tpu.memory_space<vmem_shared>>)
      tpu.yield
    }) : () -> ()
    %mul3A_38 = arith.constant 625 : i32
    %mul3A_39 = arith.muli %arg1, %mul3A_38 : i32
    %add3A_40 = arith.constant 100 : i32
    %add3A_41 = arith.addi %mul3A_39, %add3A_40 : i32
    "tpu.region"() ({
      %run_scoped3A = tpu.sem_alloc : memref<!tpu.dma_semaphore, #tpu.memory_space<semaphore_mem>>
      %dma_start3A_213 = arith.constant 0 : i32
      %dma_start3A_214 = tpu.memref_slice %arg11[%add3A_41, %dma_start3A_213] : memref<10000x64xf32, #tpu.memory_space<vmem_shared>> -> memref<25x64xf32, #tpu.memory_space<vmem_shared>>
      %dma_start3A_215 = arith.constant 0 : i32
      %dma_start3A_216 = tpu.memref_slice %arg11[%add3A_41, %dma_start3A_215] : memref<10000x64xf32, #tpu.memory_space<vmem_shared>> -> memref<25x64xf32, #tpu.memory_space<vmem_shared>>
      tpu.enqueue_dma source(%arg10 : memref<25x64xf32, #tpu.memory_space<vmem>>) target(%dma_start3A_216 : memref<25x64xf32, #tpu.memory_space<vmem_shared>>) target_semaphore(%run_scoped3A : memref<!tpu.dma_semaphore, #tpu.memory_space<semaphore_mem>>)
      %dma_wait3A = arith.constant 0 : i32
      %dma_wait3A_217 = tpu.memref_slice %arg11[%add3A_41, %dma_wait3A] : memref<10000x64xf32, #tpu.memory_space<vmem_shared>> -> memref<25x64xf32, #tpu.memory_space<vmem_shared>>
      %dma_wait3A_218 = arith.constant 0 : i32
      %dma_wait3A_219 = tpu.memref_slice %arg11[%add3A_41, %dma_wait3A_218] : memref<10000x64xf32, #tpu.memory_space<vmem_shared>> -> memref<25x64xf32, #tpu.memory_space<vmem_shared>>
      tpu.wait_dma2 semaphore(%run_scoped3A : memref<!tpu.dma_semaphore, #tpu.memory_space<semaphore_mem>>) src(%arg10 : memref<25x64xf32, #tpu.memory_space<vmem>>) dst(%dma_wait3A_219 : memref<25x64xf32, #tpu.memory_space<vmem_shared>>)
      tpu.yield
    }) : () -> ()
    %mul3A_42 = arith.constant 625 : i32
    %mul3A_43 = arith.muli %arg1, %mul3A_42 : i32
    %add3A_44 = arith.constant 125 : i32
    %add3A_45 = arith.addi %mul3A_43, %add3A_44 : i32
    "tpu.region"() ({
      %run_scoped3A = tpu.sem_alloc : memref<!tpu.dma_semaphore, #tpu.memory_space<semaphore_mem>>
      %dma_start3A_213 = arith.constant 0 : i32
      %dma_start3A_214 = tpu.memref_slice %arg11[%add3A_45, %dma_start3A_213] : memref<10000x64xf32, #tpu.memory_space<vmem_shared>> -> memref<25x64xf32, #tpu.memory_space<vmem_shared>>
      %dma_start3A_215 = arith.constant 0 : i32
      %dma_start3A_216 = tpu.memref_slice %arg11[%add3A_45, %dma_start3A_215] : memref<10000x64xf32, #tpu.memory_space<vmem_shared>> -> memref<25x64xf32, #tpu.memory_space<vmem_shared>>
      tpu.enqueue_dma source(%arg10 : memref<25x64xf32, #tpu.memory_space<vmem>>) target(%dma_start3A_216 : memref<25x64xf32, #tpu.memory_space<vmem_shared>>) target_semaphore(%run_scoped3A : memref<!tpu.dma_semaphore, #tpu.memory_space<semaphore_mem>>)
      %dma_wait3A = arith.constant 0 : i32
      %dma_wait3A_217 = tpu.memref_slice %arg11[%add3A_45, %dma_wait3A] : memref<10000x64xf32, #tpu.memory_space<vmem_shared>> -> memref<25x64xf32, #tpu.memory_space<vmem_shared>>
      %dma_wait3A_218 = arith.constant 0 : i32
      %dma_wait3A_219 = tpu.memref_slice %arg11[%add3A_45, %dma_wait3A_218] : memref<10000x64xf32, #tpu.memory_space<vmem_shared>> -> memref<25x64xf32, #tpu.memory_space<vmem_shared>>
      tpu.wait_dma2 semaphore(%run_scoped3A : memref<!tpu.dma_semaphore, #tpu.memory_space<semaphore_mem>>) src(%arg10 : memref<25x64xf32, #tpu.memory_space<vmem>>) dst(%dma_wait3A_219 : memref<25x64xf32, #tpu.memory_space<vmem_shared>>)
      tpu.yield
    }) : () -> ()
    %mul3A_46 = arith.constant 625 : i32
    %mul3A_47 = arith.muli %arg1, %mul3A_46 : i32
    %add3A_48 = arith.constant 150 : i32
    %add3A_49 = arith.addi %mul3A_47, %add3A_48 : i32
    "tpu.region"() ({
      %run_scoped3A = tpu.sem_alloc : memref<!tpu.dma_semaphore, #tpu.memory_space<semaphore_mem>>
      %dma_start3A_213 = arith.constant 0 : i32
      %dma_start3A_214 = tpu.memref_slice %arg11[%add3A_49, %dma_start3A_213] : memref<10000x64xf32, #tpu.memory_space<vmem_shared>> -> memref<25x64xf32, #tpu.memory_space<vmem_shared>>
      %dma_start3A_215 = arith.constant 0 : i32
      %dma_start3A_216 = tpu.memref_slice %arg11[%add3A_49, %dma_start3A_215] : memref<10000x64xf32, #tpu.memory_space<vmem_shared>> -> memref<25x64xf32, #tpu.memory_space<vmem_shared>>
      tpu.enqueue_dma source(%arg10 : memref<25x64xf32, #tpu.memory_space<vmem>>) target(%dma_start3A_216 : memref<25x64xf32, #tpu.memory_space<vmem_shared>>) target_semaphore(%run_scoped3A : memref<!tpu.dma_semaphore, #tpu.memory_space<semaphore_mem>>)
      %dma_wait3A = arith.constant 0 : i32
      %dma_wait3A_217 = tpu.memref_slice %arg11[%add3A_49, %dma_wait3A] : memref<10000x64xf32, #tpu.memory_space<vmem_shared>> -> memref<25x64xf32, #tpu.memory_space<vmem_shared>>
      %dma_wait3A_218 = arith.constant 0 : i32
      %dma_wait3A_219 = tpu.memref_slice %arg11[%add3A_49, %dma_wait3A_218] : memref<10000x64xf32, #tpu.memory_space<vmem_shared>> -> memref<25x64xf32, #tpu.memory_space<vmem_shared>>
      tpu.wait_dma2 semaphore(%run_scoped3A : memref<!tpu.dma_semaphore, #tpu.memory_space<semaphore_mem>>) src(%arg10 : memref<25x64xf32, #tpu.memory_space<vmem>>) dst(%dma_wait3A_219 : memref<25x64xf32, #tpu.memory_space<vmem_shared>>)
      tpu.yield
    }) : () -> ()
    %mul3A_50 = arith.constant 625 : i32
    %mul3A_51 = arith.muli %arg1, %mul3A_50 : i32
    %add3A_52 = arith.constant 175 : i32
    %add3A_53 = arith.addi %mul3A_51, %add3A_52 : i32
    "tpu.region"() ({
      %run_scoped3A = tpu.sem_alloc : memref<!tpu.dma_semaphore, #tpu.memory_space<semaphore_mem>>
      %dma_start3A_213 = arith.constant 0 : i32
      %dma_start3A_214 = tpu.memref_slice %arg11[%add3A_53, %dma_start3A_213] : memref<10000x64xf32, #tpu.memory_space<vmem_shared>> -> memref<25x64xf32, #tpu.memory_space<vmem_shared>>
      %dma_start3A_215 = arith.constant 0 : i32
      %dma_start3A_216 = tpu.memref_slice %arg11[%add3A_53, %dma_start3A_215] : memref<10000x64xf32, #tpu.memory_space<vmem_shared>> -> memref<25x64xf32, #tpu.memory_space<vmem_shared>>
      tpu.enqueue_dma source(%arg10 : memref<25x64xf32, #tpu.memory_space<vmem>>) target(%dma_start3A_216 : memref<25x64xf32, #tpu.memory_space<vmem_shared>>) target_semaphore(%run_scoped3A : memref<!tpu.dma_semaphore, #tpu.memory_space<semaphore_mem>>)
      %dma_wait3A = arith.constant 0 : i32
      %dma_wait3A_217 = tpu.memref_slice %arg11[%add3A_53, %dma_wait3A] : memref<10000x64xf32, #tpu.memory_space<vmem_shared>> -> memref<25x64xf32, #tpu.memory_space<vmem_shared>>
      %dma_wait3A_218 = arith.constant 0 : i32
      %dma_wait3A_219 = tpu.memref_slice %arg11[%add3A_53, %dma_wait3A_218] : memref<10000x64xf32, #tpu.memory_space<vmem_shared>> -> memref<25x64xf32, #tpu.memory_space<vmem_shared>>
      tpu.wait_dma2 semaphore(%run_scoped3A : memref<!tpu.dma_semaphore, #tpu.memory_space<semaphore_mem>>) src(%arg10 : memref<25x64xf32, #tpu.memory_space<vmem>>) dst(%dma_wait3A_219 : memref<25x64xf32, #tpu.memory_space<vmem_shared>>)
      tpu.yield
    }) : () -> ()
    %mul3A_54 = arith.constant 625 : i32
    %mul3A_55 = arith.muli %arg1, %mul3A_54 : i32
    %add3A_56 = arith.constant 200 : i32
    %add3A_57 = arith.addi %mul3A_55, %add3A_56 : i32
    "tpu.region"() ({
      %run_scoped3A = tpu.sem_alloc : memref<!tpu.dma_semaphore, #tpu.memory_space<semaphore_mem>>
      %dma_start3A_213 = arith.constant 0 : i32
      %dma_start3A_214 = tpu.memref_slice %arg11[%add3A_57, %dma_start3A_213] : memref<10000x64xf32, #tpu.memory_space<vmem_shared>> -> memref<25x64xf32, #tpu.memory_space<vmem_shared>>
      %dma_start3A_215 = arith.constant 0 : i32
      %dma_start3A_216 = tpu.memref_slice %arg11[%add3A_57, %dma_start3A_215] : memref<10000x64xf32, #tpu.memory_space<vmem_shared>> -> memref<25x64xf32, #tpu.memory_space<vmem_shared>>
      tpu.enqueue_dma source(%arg10 : memref<25x64xf32, #tpu.memory_space<vmem>>) target(%dma_start3A_216 : memref<25x64xf32, #tpu.memory_space<vmem_shared>>) target_semaphore(%run_scoped3A : memref<!tpu.dma_semaphore, #tpu.memory_space<semaphore_mem>>)
      %dma_wait3A = arith.constant 0 : i32
      %dma_wait3A_217 = tpu.memref_slice %arg11[%add3A_57, %dma_wait3A] : memref<10000x64xf32, #tpu.memory_space<vmem_shared>> -> memref<25x64xf32, #tpu.memory_space<vmem_shared>>
      %dma_wait3A_218 = arith.constant 0 : i32
      %dma_wait3A_219 = tpu.memref_slice %arg11[%add3A_57, %dma_wait3A_218] : memref<10000x64xf32, #tpu.memory_space<vmem_shared>> -> memref<25x64xf32, #tpu.memory_space<vmem_shared>>
      tpu.wait_dma2 semaphore(%run_scoped3A : memref<!tpu.dma_semaphore, #tpu.memory_space<semaphore_mem>>) src(%arg10 : memref<25x64xf32, #tpu.memory_space<vmem>>) dst(%dma_wait3A_219 : memref<25x64xf32, #tpu.memory_space<vmem_shared>>)
      tpu.yield
    }) : () -> ()
    %mul3A_58 = arith.constant 625 : i32
    %mul3A_59 = arith.muli %arg1, %mul3A_58 : i32
    %add3A_60 = arith.constant 225 : i32
    %add3A_61 = arith.addi %mul3A_59, %add3A_60 : i32
    "tpu.region"() ({
      %run_scoped3A = tpu.sem_alloc : memref<!tpu.dma_semaphore, #tpu.memory_space<semaphore_mem>>
      %dma_start3A_213 = arith.constant 0 : i32
      %dma_start3A_214 = tpu.memref_slice %arg11[%add3A_61, %dma_start3A_213] : memref<10000x64xf32, #tpu.memory_space<vmem_shared>> -> memref<25x64xf32, #tpu.memory_space<vmem_shared>>
      %dma_start3A_215 = arith.constant 0 : i32
      %dma_start3A_216 = tpu.memref_slice %arg11[%add3A_61, %dma_start3A_215] : memref<10000x64xf32, #tpu.memory_space<vmem_shared>> -> memref<25x64xf32, #tpu.memory_space<vmem_shared>>
      tpu.enqueue_dma source(%arg10 : memref<25x64xf32, #tpu.memory_space<vmem>>) target(%dma_start3A_216 : memref<25x64xf32, #tpu.memory_space<vmem_shared>>) target_semaphore(%run_scoped3A : memref<!tpu.dma_semaphore, #tpu.memory_space<semaphore_mem>>)
      %dma_wait3A = arith.constant 0 : i32
      %dma_wait3A_217 = tpu.memref_slice %arg11[%add3A_61, %dma_wait3A] : memref<10000x64xf32, #tpu.memory_space<vmem_shared>> -> memref<25x64xf32, #tpu.memory_space<vmem_shared>>
      %dma_wait3A_218 = arith.constant 0 : i32
      %dma_wait3A_219 = tpu.memref_slice %arg11[%add3A_61, %dma_wait3A_218] : memref<10000x64xf32, #tpu.memory_space<vmem_shared>> -> memref<25x64xf32, #tpu.memory_space<vmem_shared>>
      tpu.wait_dma2 semaphore(%run_scoped3A : memref<!tpu.dma_semaphore, #tpu.memory_space<semaphore_mem>>) src(%arg10 : memref<25x64xf32, #tpu.memory_space<vmem>>) dst(%dma_wait3A_219 : memref<25x64xf32, #tpu.memory_space<vmem_shared>>)
      tpu.yield
    }) : () -> ()
    %mul3A_62 = arith.constant 625 : i32
    %mul3A_63 = arith.muli %arg1, %mul3A_62 : i32
    %add3A_64 = arith.constant 250 : i32
    %add3A_65 = arith.addi %mul3A_63, %add3A_64 : i32
    "tpu.region"() ({
      %run_scoped3A = tpu.sem_alloc : memref<!tpu.dma_semaphore, #tpu.memory_space<semaphore_mem>>
      %dma_start3A_213 = arith.constant 0 : i32
      %dma_start3A_214 = tpu.memref_slice %arg11[%add3A_65, %dma_start3A_213] : memref<10000x64xf32, #tpu.memory_space<vmem_shared>> -> memref<25x64xf32, #tpu.memory_space<vmem_shared>>
      %dma_start3A_215 = arith.constant 0 : i32
      %dma_start3A_216 = tpu.memref_slice %arg11[%add3A_65, %dma_start3A_215] : memref<10000x64xf32, #tpu.memory_space<vmem_shared>> -> memref<25x64xf32, #tpu.memory_space<vmem_shared>>
      tpu.enqueue_dma source(%arg10 : memref<25x64xf32, #tpu.memory_space<vmem>>) target(%dma_start3A_216 : memref<25x64xf32, #tpu.memory_space<vmem_shared>>) target_semaphore(%run_scoped3A : memref<!tpu.dma_semaphore, #tpu.memory_space<semaphore_mem>>)
      %dma_wait3A = arith.constant 0 : i32
      %dma_wait3A_217 = tpu.memref_slice %arg11[%add3A_65, %dma_wait3A] : memref<10000x64xf32, #tpu.memory_space<vmem_shared>> -> memref<25x64xf32, #tpu.memory_space<vmem_shared>>
      %dma_wait3A_218 = arith.constant 0 : i32
      %dma_wait3A_219 = tpu.memref_slice %arg11[%add3A_65, %dma_wait3A_218] : memref<10000x64xf32, #tpu.memory_space<vmem_shared>> -> memref<25x64xf32, #tpu.memory_space<vmem_shared>>
      tpu.wait_dma2 semaphore(%run_scoped3A : memref<!tpu.dma_semaphore, #tpu.memory_space<semaphore_mem>>) src(%arg10 : memref<25x64xf32, #tpu.memory_space<vmem>>) dst(%dma_wait3A_219 : memref<25x64xf32, #tpu.memory_space<vmem_shared>>)
      tpu.yield
    }) : () -> ()
    %mul3A_66 = arith.constant 625 : i32
    %mul3A_67 = arith.muli %arg1, %mul3A_66 : i32
    %add3A_68 = arith.constant 275 : i32
    %add3A_69 = arith.addi %mul3A_67, %add3A_68 : i32
    "tpu.region"() ({
      %run_scoped3A = tpu.sem_alloc : memref<!tpu.dma_semaphore, #tpu.memory_space<semaphore_mem>>
      %dma_start3A_213 = arith.constant 0 : i32
      %dma_start3A_214 = tpu.memref_slice %arg11[%add3A_69, %dma_start3A_213] : memref<10000x64xf32, #tpu.memory_space<vmem_shared>> -> memref<25x64xf32, #tpu.memory_space<vmem_shared>>
      %dma_start3A_215 = arith.constant 0 : i32
      %dma_start3A_216 = tpu.memref_slice %arg11[%add3A_69, %dma_start3A_215] : memref<10000x64xf32, #tpu.memory_space<vmem_shared>> -> memref<25x64xf32, #tpu.memory_space<vmem_shared>>
      tpu.enqueue_dma source(%arg10 : memref<25x64xf32, #tpu.memory_space<vmem>>) target(%dma_start3A_216 : memref<25x64xf32, #tpu.memory_space<vmem_shared>>) target_semaphore(%run_scoped3A : memref<!tpu.dma_semaphore, #tpu.memory_space<semaphore_mem>>)
      %dma_wait3A = arith.constant 0 : i32
      %dma_wait3A_217 = tpu.memref_slice %arg11[%add3A_69, %dma_wait3A] : memref<10000x64xf32, #tpu.memory_space<vmem_shared>> -> memref<25x64xf32, #tpu.memory_space<vmem_shared>>
      %dma_wait3A_218 = arith.constant 0 : i32
      %dma_wait3A_219 = tpu.memref_slice %arg11[%add3A_69, %dma_wait3A_218] : memref<10000x64xf32, #tpu.memory_space<vmem_shared>> -> memref<25x64xf32, #tpu.memory_space<vmem_shared>>
      tpu.wait_dma2 semaphore(%run_scoped3A : memref<!tpu.dma_semaphore, #tpu.memory_space<semaphore_mem>>) src(%arg10 : memref<25x64xf32, #tpu.memory_space<vmem>>) dst(%dma_wait3A_219 : memref<25x64xf32, #tpu.memory_space<vmem_shared>>)
      tpu.yield
    }) : () -> ()
    %mul3A_70 = arith.constant 625 : i32
    %mul3A_71 = arith.muli %arg1, %mul3A_70 : i32
    %add3A_72 = arith.constant 300 : i32
    %add3A_73 = arith.addi %mul3A_71, %add3A_72 : i32
    "tpu.region"() ({
      %run_scoped3A = tpu.sem_alloc : memref<!tpu.dma_semaphore, #tpu.memory_space<semaphore_mem>>
      %dma_start3A_213 = arith.constant 0 : i32
      %dma_start3A_214 = tpu.memref_slice %arg11[%add3A_73, %dma_start3A_213] : memref<10000x64xf32, #tpu.memory_space<vmem_shared>> -> memref<25x64xf32, #tpu.memory_space<vmem_shared>>
      %dma_start3A_215 = arith.constant 0 : i32
      %dma_start3A_216 = tpu.memref_slice %arg11[%add3A_73, %dma_start3A_215] : memref<10000x64xf32, #tpu.memory_space<vmem_shared>> -> memref<25x64xf32, #tpu.memory_space<vmem_shared>>
      tpu.enqueue_dma source(%arg10 : memref<25x64xf32, #tpu.memory_space<vmem>>) target(%dma_start3A_216 : memref<25x64xf32, #tpu.memory_space<vmem_shared>>) target_semaphore(%run_scoped3A : memref<!tpu.dma_semaphore, #tpu.memory_space<semaphore_mem>>)
      %dma_wait3A = arith.constant 0 : i32
      %dma_wait3A_217 = tpu.memref_slice %arg11[%add3A_73, %dma_wait3A] : memref<10000x64xf32, #tpu.memory_space<vmem_shared>> -> memref<25x64xf32, #tpu.memory_space<vmem_shared>>
      %dma_wait3A_218 = arith.constant 0 : i32
      %dma_wait3A_219 = tpu.memref_slice %arg11[%add3A_73, %dma_wait3A_218] : memref<10000x64xf32, #tpu.memory_space<vmem_shared>> -> memref<25x64xf32, #tpu.memory_space<vmem_shared>>
      tpu.wait_dma2 semaphore(%run_scoped3A : memref<!tpu.dma_semaphore, #tpu.memory_space<semaphore_mem>>) src(%arg10 : memref<25x64xf32, #tpu.memory_space<vmem>>) dst(%dma_wait3A_219 : memref<25x64xf32, #tpu.memory_space<vmem_shared>>)
      tpu.yield
    }) : () -> ()
    %mul3A_74 = arith.constant 625 : i32
    %mul3A_75 = arith.muli %arg1, %mul3A_74 : i32
    %add3A_76 = arith.constant 325 : i32
    %add3A_77 = arith.addi %mul3A_75, %add3A_76 : i32
    "tpu.region"() ({
      %run_scoped3A = tpu.sem_alloc : memref<!tpu.dma_semaphore, #tpu.memory_space<semaphore_mem>>
      %dma_start3A_213 = arith.constant 0 : i32
      %dma_start3A_214 = tpu.memref_slice %arg11[%add3A_77, %dma_start3A_213] : memref<10000x64xf32, #tpu.memory_space<vmem_shared>> -> memref<25x64xf32, #tpu.memory_space<vmem_shared>>
      %dma_start3A_215 = arith.constant 0 : i32
      %dma_start3A_216 = tpu.memref_slice %arg11[%add3A_77, %dma_start3A_215] : memref<10000x64xf32, #tpu.memory_space<vmem_shared>> -> memref<25x64xf32, #tpu.memory_space<vmem_shared>>
      tpu.enqueue_dma source(%arg10 : memref<25x64xf32, #tpu.memory_space<vmem>>) target(%dma_start3A_216 : memref<25x64xf32, #tpu.memory_space<vmem_shared>>) target_semaphore(%run_scoped3A : memref<!tpu.dma_semaphore, #tpu.memory_space<semaphore_mem>>)
      %dma_wait3A = arith.constant 0 : i32
      %dma_wait3A_217 = tpu.memref_slice %arg11[%add3A_77, %dma_wait3A] : memref<10000x64xf32, #tpu.memory_space<vmem_shared>> -> memref<25x64xf32, #tpu.memory_space<vmem_shared>>
      %dma_wait3A_218 = arith.constant 0 : i32
      %dma_wait3A_219 = tpu.memref_slice %arg11[%add3A_77, %dma_wait3A_218] : memref<10000x64xf32, #tpu.memory_space<vmem_shared>> -> memref<25x64xf32, #tpu.memory_space<vmem_shared>>
      tpu.wait_dma2 semaphore(%run_scoped3A : memref<!tpu.dma_semaphore, #tpu.memory_space<semaphore_mem>>) src(%arg10 : memref<25x64xf32, #tpu.memory_space<vmem>>) dst(%dma_wait3A_219 : memref<25x64xf32, #tpu.memory_space<vmem_shared>>)
      tpu.yield
    }) : () -> ()
    %mul3A_78 = arith.constant 625 : i32
    %mul3A_79 = arith.muli %arg1, %mul3A_78 : i32
    %add3A_80 = arith.constant 350 : i32
    %add3A_81 = arith.addi %mul3A_79, %add3A_80 : i32
    "tpu.region"() ({
      %run_scoped3A = tpu.sem_alloc : memref<!tpu.dma_semaphore, #tpu.memory_space<semaphore_mem>>
      %dma_start3A_213 = arith.constant 0 : i32
      %dma_start3A_214 = tpu.memref_slice %arg11[%add3A_81, %dma_start3A_213] : memref<10000x64xf32, #tpu.memory_space<vmem_shared>> -> memref<25x64xf32, #tpu.memory_space<vmem_shared>>
      %dma_start3A_215 = arith.constant 0 : i32
      %dma_start3A_216 = tpu.memref_slice %arg11[%add3A_81, %dma_start3A_215] : memref<10000x64xf32, #tpu.memory_space<vmem_shared>> -> memref<25x64xf32, #tpu.memory_space<vmem_shared>>
      tpu.enqueue_dma source(%arg10 : memref<25x64xf32, #tpu.memory_space<vmem>>) target(%dma_start3A_216 : memref<25x64xf32, #tpu.memory_space<vmem_shared>>) target_semaphore(%run_scoped3A : memref<!tpu.dma_semaphore, #tpu.memory_space<semaphore_mem>>)
      %dma_wait3A = arith.constant 0 : i32
      %dma_wait3A_217 = tpu.memref_slice %arg11[%add3A_81, %dma_wait3A] : memref<10000x64xf32, #tpu.memory_space<vmem_shared>> -> memref<25x64xf32, #tpu.memory_space<vmem_shared>>
      %dma_wait3A_218 = arith.constant 0 : i32
      %dma_wait3A_219 = tpu.memref_slice %arg11[%add3A_81, %dma_wait3A_218] : memref<10000x64xf32, #tpu.memory_space<vmem_shared>> -> memref<25x64xf32, #tpu.memory_space<vmem_shared>>
      tpu.wait_dma2 semaphore(%run_scoped3A : memref<!tpu.dma_semaphore, #tpu.memory_space<semaphore_mem>>) src(%arg10 : memref<25x64xf32, #tpu.memory_space<vmem>>) dst(%dma_wait3A_219 : memref<25x64xf32, #tpu.memory_space<vmem_shared>>)
      tpu.yield
    }) : () -> ()
    %mul3A_82 = arith.constant 625 : i32
    %mul3A_83 = arith.muli %arg1, %mul3A_82 : i32
    %add3A_84 = arith.constant 375 : i32
    %add3A_85 = arith.addi %mul3A_83, %add3A_84 : i32
    "tpu.region"() ({
      %run_scoped3A = tpu.sem_alloc : memref<!tpu.dma_semaphore, #tpu.memory_space<semaphore_mem>>
      %dma_start3A_213 = arith.constant 0 : i32
      %dma_start3A_214 = tpu.memref_slice %arg11[%add3A_85, %dma_start3A_213] : memref<10000x64xf32, #tpu.memory_space<vmem_shared>> -> memref<25x64xf32, #tpu.memory_space<vmem_shared>>
      %dma_start3A_215 = arith.constant 0 : i32
      %dma_start3A_216 = tpu.memref_slice %arg11[%add3A_85, %dma_start3A_215] : memref<10000x64xf32, #tpu.memory_space<vmem_shared>> -> memref<25x64xf32, #tpu.memory_space<vmem_shared>>
      tpu.enqueue_dma source(%arg10 : memref<25x64xf32, #tpu.memory_space<vmem>>) target(%dma_start3A_216 : memref<25x64xf32, #tpu.memory_space<vmem_shared>>) target_semaphore(%run_scoped3A : memref<!tpu.dma_semaphore, #tpu.memory_space<semaphore_mem>>)
      %dma_wait3A = arith.constant 0 : i32
      %dma_wait3A_217 = tpu.memref_slice %arg11[%add3A_85, %dma_wait3A] : memref<10000x64xf32, #tpu.memory_space<vmem_shared>> -> memref<25x64xf32, #tpu.memory_space<vmem_shared>>
      %dma_wait3A_218 = arith.constant 0 : i32
      %dma_wait3A_219 = tpu.memref_slice %arg11[%add3A_85, %dma_wait3A_218] : memref<10000x64xf32, #tpu.memory_space<vmem_shared>> -> memref<25x64xf32, #tpu.memory_space<vmem_shared>>
      tpu.wait_dma2 semaphore(%run_scoped3A : memref<!tpu.dma_semaphore, #tpu.memory_space<semaphore_mem>>) src(%arg10 : memref<25x64xf32, #tpu.memory_space<vmem>>) dst(%dma_wait3A_219 : memref<25x64xf32, #tpu.memory_space<vmem_shared>>)
      tpu.yield
    }) : () -> ()
    %mul3A_86 = arith.constant 625 : i32
    %mul3A_87 = arith.muli %arg1, %mul3A_86 : i32
    %add3A_88 = arith.constant 400 : i32
    %add3A_89 = arith.addi %mul3A_87, %add3A_88 : i32
    "tpu.region"() ({
      %run_scoped3A = tpu.sem_alloc : memref<!tpu.dma_semaphore, #tpu.memory_space<semaphore_mem>>
      %dma_start3A_213 = arith.constant 0 : i32
      %dma_start3A_214 = tpu.memref_slice %arg11[%add3A_89, %dma_start3A_213] : memref<10000x64xf32, #tpu.memory_space<vmem_shared>> -> memref<25x64xf32, #tpu.memory_space<vmem_shared>>
      %dma_start3A_215 = arith.constant 0 : i32
      %dma_start3A_216 = tpu.memref_slice %arg11[%add3A_89, %dma_start3A_215] : memref<10000x64xf32, #tpu.memory_space<vmem_shared>> -> memref<25x64xf32, #tpu.memory_space<vmem_shared>>
      tpu.enqueue_dma source(%arg10 : memref<25x64xf32, #tpu.memory_space<vmem>>) target(%dma_start3A_216 : memref<25x64xf32, #tpu.memory_space<vmem_shared>>) target_semaphore(%run_scoped3A : memref<!tpu.dma_semaphore, #tpu.memory_space<semaphore_mem>>)
      %dma_wait3A = arith.constant 0 : i32
      %dma_wait3A_217 = tpu.memref_slice %arg11[%add3A_89, %dma_wait3A] : memref<10000x64xf32, #tpu.memory_space<vmem_shared>> -> memref<25x64xf32, #tpu.memory_space<vmem_shared>>
      %dma_wait3A_218 = arith.constant 0 : i32
      %dma_wait3A_219 = tpu.memref_slice %arg11[%add3A_89, %dma_wait3A_218] : memref<10000x64xf32, #tpu.memory_space<vmem_shared>> -> memref<25x64xf32, #tpu.memory_space<vmem_shared>>
      tpu.wait_dma2 semaphore(%run_scoped3A : memref<!tpu.dma_semaphore, #tpu.memory_space<semaphore_mem>>) src(%arg10 : memref<25x64xf32, #tpu.memory_space<vmem>>) dst(%dma_wait3A_219 : memref<25x64xf32, #tpu.memory_space<vmem_shared>>)
      tpu.yield
    }) : () -> ()
    %mul3A_90 = arith.constant 625 : i32
    %mul3A_91 = arith.muli %arg1, %mul3A_90 : i32
    %add3A_92 = arith.constant 425 : i32
    %add3A_93 = arith.addi %mul3A_91, %add3A_92 : i32
    "tpu.region"() ({
      %run_scoped3A = tpu.sem_alloc : memref<!tpu.dma_semaphore, #tpu.memory_space<semaphore_mem>>
      %dma_start3A_213 = arith.constant 0 : i32
      %dma_start3A_214 = tpu.memref_slice %arg11[%add3A_93, %dma_start3A_213] : memref<10000x64xf32, #tpu.memory_space<vmem_shared>> -> memref<25x64xf32, #tpu.memory_space<vmem_shared>>
      %dma_start3A_215 = arith.constant 0 : i32
      %dma_start3A_216 = tpu.memref_slice %arg11[%add3A_93, %dma_start3A_215] : memref<10000x64xf32, #tpu.memory_space<vmem_shared>> -> memref<25x64xf32, #tpu.memory_space<vmem_shared>>
      tpu.enqueue_dma source(%arg10 : memref<25x64xf32, #tpu.memory_space<vmem>>) target(%dma_start3A_216 : memref<25x64xf32, #tpu.memory_space<vmem_shared>>) target_semaphore(%run_scoped3A : memref<!tpu.dma_semaphore, #tpu.memory_space<semaphore_mem>>)
      %dma_wait3A = arith.constant 0 : i32
      %dma_wait3A_217 = tpu.memref_slice %arg11[%add3A_93, %dma_wait3A] : memref<10000x64xf32, #tpu.memory_space<vmem_shared>> -> memref<25x64xf32, #tpu.memory_space<vmem_shared>>
      %dma_wait3A_218 = arith.constant 0 : i32
      %dma_wait3A_219 = tpu.memref_slice %arg11[%add3A_93, %dma_wait3A_218] : memref<10000x64xf32, #tpu.memory_space<vmem_shared>> -> memref<25x64xf32, #tpu.memory_space<vmem_shared>>
      tpu.wait_dma2 semaphore(%run_scoped3A : memref<!tpu.dma_semaphore, #tpu.memory_space<semaphore_mem>>) src(%arg10 : memref<25x64xf32, #tpu.memory_space<vmem>>) dst(%dma_wait3A_219 : memref<25x64xf32, #tpu.memory_space<vmem_shared>>)
      tpu.yield
    }) : () -> ()
    %mul3A_94 = arith.constant 625 : i32
    %mul3A_95 = arith.muli %arg1, %mul3A_94 : i32
    %add3A_96 = arith.constant 450 : i32
    %add3A_97 = arith.addi %mul3A_95, %add3A_96 : i32
    "tpu.region"() ({
      %run_scoped3A = tpu.sem_alloc : memref<!tpu.dma_semaphore, #tpu.memory_space<semaphore_mem>>
      %dma_start3A_213 = arith.constant 0 : i32
      %dma_start3A_214 = tpu.memref_slice %arg11[%add3A_97, %dma_start3A_213] : memref<10000x64xf32, #tpu.memory_space<vmem_shared>> -> memref<25x64xf32, #tpu.memory_space<vmem_shared>>
      %dma_start3A_215 = arith.constant 0 : i32
      %dma_start3A_216 = tpu.memref_slice %arg11[%add3A_97, %dma_start3A_215] : memref<10000x64xf32, #tpu.memory_space<vmem_shared>> -> memref<25x64xf32, #tpu.memory_space<vmem_shared>>
      tpu.enqueue_dma source(%arg10 : memref<25x64xf32, #tpu.memory_space<vmem>>) target(%dma_start3A_216 : memref<25x64xf32, #tpu.memory_space<vmem_shared>>) target_semaphore(%run_scoped3A : memref<!tpu.dma_semaphore, #tpu.memory_space<semaphore_mem>>)
      %dma_wait3A = arith.constant 0 : i32
      %dma_wait3A_217 = tpu.memref_slice %arg11[%add3A_97, %dma_wait3A] : memref<10000x64xf32, #tpu.memory_space<vmem_shared>> -> memref<25x64xf32, #tpu.memory_space<vmem_shared>>
      %dma_wait3A_218 = arith.constant 0 : i32
      %dma_wait3A_219 = tpu.memref_slice %arg11[%add3A_97, %dma_wait3A_218] : memref<10000x64xf32, #tpu.memory_space<vmem_shared>> -> memref<25x64xf32, #tpu.memory_space<vmem_shared>>
      tpu.wait_dma2 semaphore(%run_scoped3A : memref<!tpu.dma_semaphore, #tpu.memory_space<semaphore_mem>>) src(%arg10 : memref<25x64xf32, #tpu.memory_space<vmem>>) dst(%dma_wait3A_219 : memref<25x64xf32, #tpu.memory_space<vmem_shared>>)
      tpu.yield
    }) : () -> ()
    %mul3A_98 = arith.constant 625 : i32
    %mul3A_99 = arith.muli %arg1, %mul3A_98 : i32
    %add3A_100 = arith.constant 475 : i32
    %add3A_101 = arith.addi %mul3A_99, %add3A_100 : i32
    "tpu.region"() ({
      %run_scoped3A = tpu.sem_alloc : memref<!tpu.dma_semaphore, #tpu.memory_space<semaphore_mem>>
      %dma_start3A_213 = arith.constant 0 : i32
      %dma_start3A_214 = tpu.memref_slice %arg11[%add3A_101, %dma_start3A_213] : memref<10000x64xf32, #tpu.memory_space<vmem_shared>> -> memref<25x64xf32, #tpu.memory_space<vmem_shared>>
      %dma_start3A_215 = arith.constant 0 : i32
      %dma_start3A_216 = tpu.memref_slice %arg11[%add3A_101, %dma_start3A_215] : memref<10000x64xf32, #tpu.memory_space<vmem_shared>> -> memref<25x64xf32, #tpu.memory_space<vmem_shared>>
      tpu.enqueue_dma source(%arg10 : memref<25x64xf32, #tpu.memory_space<vmem>>) target(%dma_start3A_216 : memref<25x64xf32, #tpu.memory_space<vmem_shared>>) target_semaphore(%run_scoped3A : memref<!tpu.dma_semaphore, #tpu.memory_space<semaphore_mem>>)
      %dma_wait3A = arith.constant 0 : i32
      %dma_wait3A_217 = tpu.memref_slice %arg11[%add3A_101, %dma_wait3A] : memref<10000x64xf32, #tpu.memory_space<vmem_shared>> -> memref<25x64xf32, #tpu.memory_space<vmem_shared>>
      %dma_wait3A_218 = arith.constant 0 : i32
      %dma_wait3A_219 = tpu.memref_slice %arg11[%add3A_101, %dma_wait3A_218] : memref<10000x64xf32, #tpu.memory_space<vmem_shared>> -> memref<25x64xf32, #tpu.memory_space<vmem_shared>>
      tpu.wait_dma2 semaphore(%run_scoped3A : memref<!tpu.dma_semaphore, #tpu.memory_space<semaphore_mem>>) src(%arg10 : memref<25x64xf32, #tpu.memory_space<vmem>>) dst(%dma_wait3A_219 : memref<25x64xf32, #tpu.memory_space<vmem_shared>>)
      tpu.yield
    }) : () -> ()
    %mul3A_102 = arith.constant 625 : i32
    %mul3A_103 = arith.muli %arg1, %mul3A_102 : i32
    %add3A_104 = arith.constant 500 : i32
    %add3A_105 = arith.addi %mul3A_103, %add3A_104 : i32
    "tpu.region"() ({
      %run_scoped3A = tpu.sem_alloc : memref<!tpu.dma_semaphore, #tpu.memory_space<semaphore_mem>>
      %dma_start3A_213 = arith.constant 0 : i32
      %dma_start3A_214 = tpu.memref_slice %arg11[%add3A_105, %dma_start3A_213] : memref<10000x64xf32, #tpu.memory_space<vmem_shared>> -> memref<25x64xf32, #tpu.memory_space<vmem_shared>>
      %dma_start3A_215 = arith.constant 0 : i32
      %dma_start3A_216 = tpu.memref_slice %arg11[%add3A_105, %dma_start3A_215] : memref<10000x64xf32, #tpu.memory_space<vmem_shared>> -> memref<25x64xf32, #tpu.memory_space<vmem_shared>>
      tpu.enqueue_dma source(%arg10 : memref<25x64xf32, #tpu.memory_space<vmem>>) target(%dma_start3A_216 : memref<25x64xf32, #tpu.memory_space<vmem_shared>>) target_semaphore(%run_scoped3A : memref<!tpu.dma_semaphore, #tpu.memory_space<semaphore_mem>>)
      %dma_wait3A = arith.constant 0 : i32
      %dma_wait3A_217 = tpu.memref_slice %arg11[%add3A_105, %dma_wait3A] : memref<10000x64xf32, #tpu.memory_space<vmem_shared>> -> memref<25x64xf32, #tpu.memory_space<vmem_shared>>
      %dma_wait3A_218 = arith.constant 0 : i32
      %dma_wait3A_219 = tpu.memref_slice %arg11[%add3A_105, %dma_wait3A_218] : memref<10000x64xf32, #tpu.memory_space<vmem_shared>> -> memref<25x64xf32, #tpu.memory_space<vmem_shared>>
      tpu.wait_dma2 semaphore(%run_scoped3A : memref<!tpu.dma_semaphore, #tpu.memory_space<semaphore_mem>>) src(%arg10 : memref<25x64xf32, #tpu.memory_space<vmem>>) dst(%dma_wait3A_219 : memref<25x64xf32, #tpu.memory_space<vmem_shared>>)
      tpu.yield
    }) : () -> ()
    %mul3A_106 = arith.constant 625 : i32
    %mul3A_107 = arith.muli %arg1, %mul3A_106 : i32
    %add3A_108 = arith.constant 525 : i32
    %add3A_109 = arith.addi %mul3A_107, %add3A_108 : i32
    "tpu.region"() ({
      %run_scoped3A = tpu.sem_alloc : memref<!tpu.dma_semaphore, #tpu.memory_space<semaphore_mem>>
      %dma_start3A_213 = arith.constant 0 : i32
      %dma_start3A_214 = tpu.memref_slice %arg11[%add3A_109, %dma_start3A_213] : memref<10000x64xf32, #tpu.memory_space<vmem_shared>> -> memref<25x64xf32, #tpu.memory_space<vmem_shared>>
      %dma_start3A_215 = arith.constant 0 : i32
      %dma_start3A_216 = tpu.memref_slice %arg11[%add3A_109, %dma_start3A_215] : memref<10000x64xf32, #tpu.memory_space<vmem_shared>> -> memref<25x64xf32, #tpu.memory_space<vmem_shared>>
      tpu.enqueue_dma source(%arg10 : memref<25x64xf32, #tpu.memory_space<vmem>>) target(%dma_start3A_216 : memref<25x64xf32, #tpu.memory_space<vmem_shared>>) target_semaphore(%run_scoped3A : memref<!tpu.dma_semaphore, #tpu.memory_space<semaphore_mem>>)
      %dma_wait3A = arith.constant 0 : i32
      %dma_wait3A_217 = tpu.memref_slice %arg11[%add3A_109, %dma_wait3A] : memref<10000x64xf32, #tpu.memory_space<vmem_shared>> -> memref<25x64xf32, #tpu.memory_space<vmem_shared>>
      %dma_wait3A_218 = arith.constant 0 : i32
      %dma_wait3A_219 = tpu.memref_slice %arg11[%add3A_109, %dma_wait3A_218] : memref<10000x64xf32, #tpu.memory_space<vmem_shared>> -> memref<25x64xf32, #tpu.memory_space<vmem_shared>>
      tpu.wait_dma2 semaphore(%run_scoped3A : memref<!tpu.dma_semaphore, #tpu.memory_space<semaphore_mem>>) src(%arg10 : memref<25x64xf32, #tpu.memory_space<vmem>>) dst(%dma_wait3A_219 : memref<25x64xf32, #tpu.memory_space<vmem_shared>>)
      tpu.yield
    }) : () -> ()
    %mul3A_110 = arith.constant 625 : i32
    %mul3A_111 = arith.muli %arg1, %mul3A_110 : i32
    %add3A_112 = arith.constant 550 : i32
    %add3A_113 = arith.addi %mul3A_111, %add3A_112 : i32
    "tpu.region"() ({
      %run_scoped3A = tpu.sem_alloc : memref<!tpu.dma_semaphore, #tpu.memory_space<semaphore_mem>>
      %dma_start3A_213 = arith.constant 0 : i32
      %dma_start3A_214 = tpu.memref_slice %arg11[%add3A_113, %dma_start3A_213] : memref<10000x64xf32, #tpu.memory_space<vmem_shared>> -> memref<25x64xf32, #tpu.memory_space<vmem_shared>>
      %dma_start3A_215 = arith.constant 0 : i32
      %dma_start3A_216 = tpu.memref_slice %arg11[%add3A_113, %dma_start3A_215] : memref<10000x64xf32, #tpu.memory_space<vmem_shared>> -> memref<25x64xf32, #tpu.memory_space<vmem_shared>>
      tpu.enqueue_dma source(%arg10 : memref<25x64xf32, #tpu.memory_space<vmem>>) target(%dma_start3A_216 : memref<25x64xf32, #tpu.memory_space<vmem_shared>>) target_semaphore(%run_scoped3A : memref<!tpu.dma_semaphore, #tpu.memory_space<semaphore_mem>>)
      %dma_wait3A = arith.constant 0 : i32
      %dma_wait3A_217 = tpu.memref_slice %arg11[%add3A_113, %dma_wait3A] : memref<10000x64xf32, #tpu.memory_space<vmem_shared>> -> memref<25x64xf32, #tpu.memory_space<vmem_shared>>
      %dma_wait3A_218 = arith.constant 0 : i32
      %dma_wait3A_219 = tpu.memref_slice %arg11[%add3A_113, %dma_wait3A_218] : memref<10000x64xf32, #tpu.memory_space<vmem_shared>> -> memref<25x64xf32, #tpu.memory_space<vmem_shared>>
      tpu.wait_dma2 semaphore(%run_scoped3A : memref<!tpu.dma_semaphore, #tpu.memory_space<semaphore_mem>>) src(%arg10 : memref<25x64xf32, #tpu.memory_space<vmem>>) dst(%dma_wait3A_219 : memref<25x64xf32, #tpu.memory_space<vmem_shared>>)
      tpu.yield
    }) : () -> ()
    %mul3A_114 = arith.constant 625 : i32
    %mul3A_115 = arith.muli %arg1, %mul3A_114 : i32
    %add3A_116 = arith.constant 575 : i32
    %add3A_117 = arith.addi %mul3A_115, %add3A_116 : i32
    "tpu.region"() ({
      %run_scoped3A = tpu.sem_alloc : memref<!tpu.dma_semaphore, #tpu.memory_space<semaphore_mem>>
      %dma_start3A_213 = arith.constant 0 : i32
      %dma_start3A_214 = tpu.memref_slice %arg11[%add3A_117, %dma_start3A_213] : memref<10000x64xf32, #tpu.memory_space<vmem_shared>> -> memref<25x64xf32, #tpu.memory_space<vmem_shared>>
      %dma_start3A_215 = arith.constant 0 : i32
      %dma_start3A_216 = tpu.memref_slice %arg11[%add3A_117, %dma_start3A_215] : memref<10000x64xf32, #tpu.memory_space<vmem_shared>> -> memref<25x64xf32, #tpu.memory_space<vmem_shared>>
      tpu.enqueue_dma source(%arg10 : memref<25x64xf32, #tpu.memory_space<vmem>>) target(%dma_start3A_216 : memref<25x64xf32, #tpu.memory_space<vmem_shared>>) target_semaphore(%run_scoped3A : memref<!tpu.dma_semaphore, #tpu.memory_space<semaphore_mem>>)
      %dma_wait3A = arith.constant 0 : i32
      %dma_wait3A_217 = tpu.memref_slice %arg11[%add3A_117, %dma_wait3A] : memref<10000x64xf32, #tpu.memory_space<vmem_shared>> -> memref<25x64xf32, #tpu.memory_space<vmem_shared>>
      %dma_wait3A_218 = arith.constant 0 : i32
      %dma_wait3A_219 = tpu.memref_slice %arg11[%add3A_117, %dma_wait3A_218] : memref<10000x64xf32, #tpu.memory_space<vmem_shared>> -> memref<25x64xf32, #tpu.memory_space<vmem_shared>>
      tpu.wait_dma2 semaphore(%run_scoped3A : memref<!tpu.dma_semaphore, #tpu.memory_space<semaphore_mem>>) src(%arg10 : memref<25x64xf32, #tpu.memory_space<vmem>>) dst(%dma_wait3A_219 : memref<25x64xf32, #tpu.memory_space<vmem_shared>>)
      tpu.yield
    }) : () -> ()
    %mul3A_118 = arith.constant 625 : i32
    %mul3A_119 = arith.muli %arg1, %mul3A_118 : i32
    %add3A_120 = arith.constant 600 : i32
    %add3A_121 = arith.addi %mul3A_119, %add3A_120 : i32
    "tpu.region"() ({
      %run_scoped3A = tpu.sem_alloc : memref<!tpu.dma_semaphore, #tpu.memory_space<semaphore_mem>>
      %dma_start3A_213 = arith.constant 0 : i32
      %dma_start3A_214 = tpu.memref_slice %arg11[%add3A_121, %dma_start3A_213] : memref<10000x64xf32, #tpu.memory_space<vmem_shared>> -> memref<25x64xf32, #tpu.memory_space<vmem_shared>>
      %dma_start3A_215 = arith.constant 0 : i32
      %dma_start3A_216 = tpu.memref_slice %arg11[%add3A_121, %dma_start3A_215] : memref<10000x64xf32, #tpu.memory_space<vmem_shared>> -> memref<25x64xf32, #tpu.memory_space<vmem_shared>>
      tpu.enqueue_dma source(%arg10 : memref<25x64xf32, #tpu.memory_space<vmem>>) target(%dma_start3A_216 : memref<25x64xf32, #tpu.memory_space<vmem_shared>>) target_semaphore(%run_scoped3A : memref<!tpu.dma_semaphore, #tpu.memory_space<semaphore_mem>>)
      %dma_wait3A = arith.constant 0 : i32
      %dma_wait3A_217 = tpu.memref_slice %arg11[%add3A_121, %dma_wait3A] : memref<10000x64xf32, #tpu.memory_space<vmem_shared>> -> memref<25x64xf32, #tpu.memory_space<vmem_shared>>
      %dma_wait3A_218 = arith.constant 0 : i32
      %dma_wait3A_219 = tpu.memref_slice %arg11[%add3A_121, %dma_wait3A_218] : memref<10000x64xf32, #tpu.memory_space<vmem_shared>> -> memref<25x64xf32, #tpu.memory_space<vmem_shared>>
      tpu.wait_dma2 semaphore(%run_scoped3A : memref<!tpu.dma_semaphore, #tpu.memory_space<semaphore_mem>>) src(%arg10 : memref<25x64xf32, #tpu.memory_space<vmem>>) dst(%dma_wait3A_219 : memref<25x64xf32, #tpu.memory_space<vmem_shared>>)
      tpu.yield
    }) : () -> ()
    %mul3A_122 = arith.constant 625 : i32
    %mul3A_123 = arith.muli %arg1, %mul3A_122 : i32
    %add3A_124 = arith.constant 0 : i32
    %add3A_125 = arith.addi %mul3A_123, %add3A_124 : i32
    "tpu.region"() ({
      %run_scoped3A = tpu.sem_alloc : memref<!tpu.dma_semaphore, #tpu.memory_space<semaphore_mem>>
      %dma_start3A_213 = arith.constant 0 : i32
      %dma_start3A_214 = tpu.memref_slice %arg14[%add3A_125, %dma_start3A_213] : memref<10000x16xf32, #tpu.memory_space<vmem_shared>> -> memref<125x16xf32, #tpu.memory_space<vmem_shared>>
      %dma_start3A_215 = arith.constant 0 : i32
      %dma_start3A_216 = tpu.memref_slice %arg14[%add3A_125, %dma_start3A_215] : memref<10000x16xf32, #tpu.memory_space<vmem_shared>> -> memref<125x16xf32, #tpu.memory_space<vmem_shared>>
      tpu.enqueue_dma source(%arg13 : memref<125x16xf32, #tpu.memory_space<vmem>>) target(%dma_start3A_216 : memref<125x16xf32, #tpu.memory_space<vmem_shared>>) target_semaphore(%run_scoped3A : memref<!tpu.dma_semaphore, #tpu.memory_space<semaphore_mem>>)
      %dma_wait3A = arith.constant 0 : i32
      %dma_wait3A_217 = tpu.memref_slice %arg14[%add3A_125, %dma_wait3A] : memref<10000x16xf32, #tpu.memory_space<vmem_shared>> -> memref<125x16xf32, #tpu.memory_space<vmem_shared>>
      %dma_wait3A_218 = arith.constant 0 : i32
      %dma_wait3A_219 = tpu.memref_slice %arg14[%add3A_125, %dma_wait3A_218] : memref<10000x16xf32, #tpu.memory_space<vmem_shared>> -> memref<125x16xf32, #tpu.memory_space<vmem_shared>>
      tpu.wait_dma2 semaphore(%run_scoped3A : memref<!tpu.dma_semaphore, #tpu.memory_space<semaphore_mem>>) src(%arg13 : memref<125x16xf32, #tpu.memory_space<vmem>>) dst(%dma_wait3A_219 : memref<125x16xf32, #tpu.memory_space<vmem_shared>>)
      tpu.yield
    }) : () -> ()
    %mul3A_126 = arith.constant 625 : i32
    %mul3A_127 = arith.muli %arg1, %mul3A_126 : i32
    %add3A_128 = arith.constant 125 : i32
    %add3A_129 = arith.addi %mul3A_127, %add3A_128 : i32
    "tpu.region"() ({
      %run_scoped3A = tpu.sem_alloc : memref<!tpu.dma_semaphore, #tpu.memory_space<semaphore_mem>>
      %dma_start3A_213 = arith.constant 0 : i32
      %dma_start3A_214 = tpu.memref_slice %arg14[%add3A_129, %dma_start3A_213] : memref<10000x16xf32, #tpu.memory_space<vmem_shared>> -> memref<125x16xf32, #tpu.memory_space<vmem_shared>>
      %dma_start3A_215 = arith.constant 0 : i32
      %dma_start3A_216 = tpu.memref_slice %arg14[%add3A_129, %dma_start3A_215] : memref<10000x16xf32, #tpu.memory_space<vmem_shared>> -> memref<125x16xf32, #tpu.memory_space<vmem_shared>>
      tpu.enqueue_dma source(%arg13 : memref<125x16xf32, #tpu.memory_space<vmem>>) target(%dma_start3A_216 : memref<125x16xf32, #tpu.memory_space<vmem_shared>>) target_semaphore(%run_scoped3A : memref<!tpu.dma_semaphore, #tpu.memory_space<semaphore_mem>>)
      %dma_wait3A = arith.constant 0 : i32
      %dma_wait3A_217 = tpu.memref_slice %arg14[%add3A_129, %dma_wait3A] : memref<10000x16xf32, #tpu.memory_space<vmem_shared>> -> memref<125x16xf32, #tpu.memory_space<vmem_shared>>
      %dma_wait3A_218 = arith.constant 0 : i32
      %dma_wait3A_219 = tpu.memref_slice %arg14[%add3A_129, %dma_wait3A_218] : memref<10000x16xf32, #tpu.memory_space<vmem_shared>> -> memref<125x16xf32, #tpu.memory_space<vmem_shared>>
      tpu.wait_dma2 semaphore(%run_scoped3A : memref<!tpu.dma_semaphore, #tpu.memory_space<semaphore_mem>>) src(%arg13 : memref<125x16xf32, #tpu.memory_space<vmem>>) dst(%dma_wait3A_219 : memref<125x16xf32, #tpu.memory_space<vmem_shared>>)
      tpu.yield
    }) : () -> ()
    %mul3A_130 = arith.constant 625 : i32
    %mul3A_131 = arith.muli %arg1, %mul3A_130 : i32
    %add3A_132 = arith.constant 250 : i32
    %add3A_133 = arith.addi %mul3A_131, %add3A_132 : i32
    "tpu.region"() ({
      %run_scoped3A = tpu.sem_alloc : memref<!tpu.dma_semaphore, #tpu.memory_space<semaphore_mem>>
      %dma_start3A_213 = arith.constant 0 : i32
      %dma_start3A_214 = tpu.memref_slice %arg14[%add3A_133, %dma_start3A_213] : memref<10000x16xf32, #tpu.memory_space<vmem_shared>> -> memref<125x16xf32, #tpu.memory_space<vmem_shared>>
      %dma_start3A_215 = arith.constant 0 : i32
      %dma_start3A_216 = tpu.memref_slice %arg14[%add3A_133, %dma_start3A_215] : memref<10000x16xf32, #tpu.memory_space<vmem_shared>> -> memref<125x16xf32, #tpu.memory_space<vmem_shared>>
      tpu.enqueue_dma source(%arg13 : memref<125x16xf32, #tpu.memory_space<vmem>>) target(%dma_start3A_216 : memref<125x16xf32, #tpu.memory_space<vmem_shared>>) target_semaphore(%run_scoped3A : memref<!tpu.dma_semaphore, #tpu.memory_space<semaphore_mem>>)
      %dma_wait3A = arith.constant 0 : i32
      %dma_wait3A_217 = tpu.memref_slice %arg14[%add3A_133, %dma_wait3A] : memref<10000x16xf32, #tpu.memory_space<vmem_shared>> -> memref<125x16xf32, #tpu.memory_space<vmem_shared>>
      %dma_wait3A_218 = arith.constant 0 : i32
      %dma_wait3A_219 = tpu.memref_slice %arg14[%add3A_133, %dma_wait3A_218] : memref<10000x16xf32, #tpu.memory_space<vmem_shared>> -> memref<125x16xf32, #tpu.memory_space<vmem_shared>>
      tpu.wait_dma2 semaphore(%run_scoped3A : memref<!tpu.dma_semaphore, #tpu.memory_space<semaphore_mem>>) src(%arg13 : memref<125x16xf32, #tpu.memory_space<vmem>>) dst(%dma_wait3A_219 : memref<125x16xf32, #tpu.memory_space<vmem_shared>>)
      tpu.yield
    }) : () -> ()
    %mul3A_134 = arith.constant 625 : i32
    %mul3A_135 = arith.muli %arg1, %mul3A_134 : i32
    %add3A_136 = arith.constant 375 : i32
    %add3A_137 = arith.addi %mul3A_135, %add3A_136 : i32
    "tpu.region"() ({
      %run_scoped3A = tpu.sem_alloc : memref<!tpu.dma_semaphore, #tpu.memory_space<semaphore_mem>>
      %dma_start3A_213 = arith.constant 0 : i32
      %dma_start3A_214 = tpu.memref_slice %arg14[%add3A_137, %dma_start3A_213] : memref<10000x16xf32, #tpu.memory_space<vmem_shared>> -> memref<125x16xf32, #tpu.memory_space<vmem_shared>>
      %dma_start3A_215 = arith.constant 0 : i32
      %dma_start3A_216 = tpu.memref_slice %arg14[%add3A_137, %dma_start3A_215] : memref<10000x16xf32, #tpu.memory_space<vmem_shared>> -> memref<125x16xf32, #tpu.memory_space<vmem_shared>>
      tpu.enqueue_dma source(%arg13 : memref<125x16xf32, #tpu.memory_space<vmem>>) target(%dma_start3A_216 : memref<125x16xf32, #tpu.memory_space<vmem_shared>>) target_semaphore(%run_scoped3A : memref<!tpu.dma_semaphore, #tpu.memory_space<semaphore_mem>>)
      %dma_wait3A = arith.constant 0 : i32
      %dma_wait3A_217 = tpu.memref_slice %arg14[%add3A_137, %dma_wait3A] : memref<10000x16xf32, #tpu.memory_space<vmem_shared>> -> memref<125x16xf32, #tpu.memory_space<vmem_shared>>
      %dma_wait3A_218 = arith.constant 0 : i32
      %dma_wait3A_219 = tpu.memref_slice %arg14[%add3A_137, %dma_wait3A_218] : memref<10000x16xf32, #tpu.memory_space<vmem_shared>> -> memref<125x16xf32, #tpu.memory_space<vmem_shared>>
      tpu.wait_dma2 semaphore(%run_scoped3A : memref<!tpu.dma_semaphore, #tpu.memory_space<semaphore_mem>>) src(%arg13 : memref<125x16xf32, #tpu.memory_space<vmem>>) dst(%dma_wait3A_219 : memref<125x16xf32, #tpu.memory_space<vmem_shared>>)
      tpu.yield
    }) : () -> ()
    %mul3A_138 = arith.constant 625 : i32
    %mul3A_139 = arith.muli %arg1, %mul3A_138 : i32
    %add3A_140 = arith.constant 500 : i32
    %add3A_141 = arith.addi %mul3A_139, %add3A_140 : i32
    "tpu.region"() ({
      %run_scoped3A = tpu.sem_alloc : memref<!tpu.dma_semaphore, #tpu.memory_space<semaphore_mem>>
      %dma_start3A_213 = arith.constant 0 : i32
      %dma_start3A_214 = tpu.memref_slice %arg14[%add3A_141, %dma_start3A_213] : memref<10000x16xf32, #tpu.memory_space<vmem_shared>> -> memref<125x16xf32, #tpu.memory_space<vmem_shared>>
      %dma_start3A_215 = arith.constant 0 : i32
      %dma_start3A_216 = tpu.memref_slice %arg14[%add3A_141, %dma_start3A_215] : memref<10000x16xf32, #tpu.memory_space<vmem_shared>> -> memref<125x16xf32, #tpu.memory_space<vmem_shared>>
      tpu.enqueue_dma source(%arg13 : memref<125x16xf32, #tpu.memory_space<vmem>>) target(%dma_start3A_216 : memref<125x16xf32, #tpu.memory_space<vmem_shared>>) target_semaphore(%run_scoped3A : memref<!tpu.dma_semaphore, #tpu.memory_space<semaphore_mem>>)
      %dma_wait3A = arith.constant 0 : i32
      %dma_wait3A_217 = tpu.memref_slice %arg14[%add3A_141, %dma_wait3A] : memref<10000x16xf32, #tpu.memory_space<vmem_shared>> -> memref<125x16xf32, #tpu.memory_space<vmem_shared>>
      %dma_wait3A_218 = arith.constant 0 : i32
      %dma_wait3A_219 = tpu.memref_slice %arg14[%add3A_141, %dma_wait3A_218] : memref<10000x16xf32, #tpu.memory_space<vmem_shared>> -> memref<125x16xf32, #tpu.memory_space<vmem_shared>>
      tpu.wait_dma2 semaphore(%run_scoped3A : memref<!tpu.dma_semaphore, #tpu.memory_space<semaphore_mem>>) src(%arg13 : memref<125x16xf32, #tpu.memory_space<vmem>>) dst(%dma_wait3A_219 : memref<125x16xf32, #tpu.memory_space<vmem_shared>>)
      tpu.yield
    }) : () -> ()
    %barrier3A = arith.constant 0 : index
    tpu.barrier barrier_id(%barrier3A)
    %dma_start3A = arith.constant 0 : i32
    %dma_start3A_142 = arith.constant 0 : i32
    %dma_start3A_143 = arith.constant 0 : i32
    %dma_start3A_144 = arith.constant 0 : i32
    %dma_start3A_145 = tpu.memref_slice %arg9[%dma_start3A_142, %dma_start3A_143, %dma_start3A_144] : memref<5x80x64xf32, #tpu.memory_space<vmem>> -> memref<1x80x64xf32, #tpu.memory_space<vmem>>
    %dma_start3A_146 = tpu.memref_squeeze %dma_start3A_145 : memref<1x80x64xf32, #tpu.memory_space<vmem>> -> memref<80x64xf32, #tpu.memory_space<vmem>>
    %dma_start3A_147 = arith.constant 0 : i32
    %dma_start3A_148 = tpu.memref_slice %arg7[%dma_start3A, %dma_start3A_147] : memref<250x80xi32, #tpu.memory_space<vmem>> -> memref<1x80xi32, #tpu.memory_space<vmem>>
    %dma_start3A_149 = tpu.memref_squeeze %dma_start3A_148 : memref<1x80xi32, #tpu.memory_space<vmem>> -> memref<80xi32, #tpu.memory_space<vmem>>
    %dma_start3A_150 = arith.constant 0 : i32
    %dma_start3A_151 = arith.constant 0 : i32
    %dma_start3A_152 = tpu.memref_slice %arg2[%dma_start3A_150, %dma_start3A_151] : memref<20000x64xf32, #tpu.memory_space<hbm>> -> memref<20000x64xf32, #tpu.memory_space<hbm>>
    tpu.enqueue_indirect_dma source(%dma_start3A_152 : memref<20000x64xf32, #tpu.memory_space<hbm>>) target(%dma_start3A_146 : memref<80x64xf32, #tpu.memory_space<vmem>>) offsets(%dma_start3A_149 : memref<80xi32, #tpu.memory_space<vmem>>) semaphore(%arg15 : memref<!tpu.dma_semaphore, #tpu.memory_space<semaphore_mem>>)
    %dma_start3A_153 = arith.constant 1 : i32
    %dma_start3A_154 = arith.constant 1 : i32
    %dma_start3A_155 = arith.constant 0 : i32
    %dma_start3A_156 = arith.constant 0 : i32
    %dma_start3A_157 = tpu.memref_slice %arg9[%dma_start3A_154, %dma_start3A_155, %dma_start3A_156] : memref<5x80x64xf32, #tpu.memory_space<vmem>> -> memref<1x80x64xf32, #tpu.memory_space<vmem>>
    %dma_start3A_158 = tpu.memref_squeeze %dma_start3A_157 : memref<1x80x64xf32, #tpu.memory_space<vmem>> -> memref<80x64xf32, #tpu.memory_space<vmem>>
    %dma_start3A_159 = arith.constant 0 : i32
    %dma_start3A_160 = tpu.memref_slice %arg7[%dma_start3A_153, %dma_start3A_159] : memref<250x80xi32, #tpu.memory_space<vmem>> -> memref<1x80xi32, #tpu.memory_space<vmem>>
    %dma_start3A_161 = tpu.memref_squeeze %dma_start3A_160 : memref<1x80xi32, #tpu.memory_space<vmem>> -> memref<80xi32, #tpu.memory_space<vmem>>
    %dma_start3A_162 = arith.constant 0 : i32
    %dma_start3A_163 = arith.constant 0 : i32
    %dma_start3A_164 = tpu.memref_slice %arg2[%dma_start3A_162, %dma_start3A_163] : memref<20000x64xf32, #tpu.memory_space<hbm>> -> memref<20000x64xf32, #tpu.memory_space<hbm>>
    tpu.enqueue_indirect_dma source(%dma_start3A_164 : memref<20000x64xf32, #tpu.memory_space<hbm>>) target(%dma_start3A_158 : memref<80x64xf32, #tpu.memory_space<vmem>>) offsets(%dma_start3A_161 : memref<80xi32, #tpu.memory_space<vmem>>) semaphore(%arg16 : memref<!tpu.dma_semaphore, #tpu.memory_space<semaphore_mem>>)
    %dma_start3A_165 = arith.constant 2 : i32
    %dma_start3A_166 = arith.constant 2 : i32
    %dma_start3A_167 = arith.constant 0 : i32
    %dma_start3A_168 = arith.constant 0 : i32
    %dma_start3A_169 = tpu.memref_slice %arg9[%dma_start3A_166, %dma_start3A_167, %dma_start3A_168] : memref<5x80x64xf32, #tpu.memory_space<vmem>> -> memref<1x80x64xf32, #tpu.memory_space<vmem>>
    %dma_start3A_170 = tpu.memref_squeeze %dma_start3A_169 : memref<1x80x64xf32, #tpu.memory_space<vmem>> -> memref<80x64xf32, #tpu.memory_space<vmem>>
    %dma_start3A_171 = arith.constant 0 : i32
    %dma_start3A_172 = tpu.memref_slice %arg7[%dma_start3A_165, %dma_start3A_171] : memref<250x80xi32, #tpu.memory_space<vmem>> -> memref<1x80xi32, #tpu.memory_space<vmem>>
    %dma_start3A_173 = tpu.memref_squeeze %dma_start3A_172 : memref<1x80xi32, #tpu.memory_space<vmem>> -> memref<80xi32, #tpu.memory_space<vmem>>
    %dma_start3A_174 = arith.constant 0 : i32
    %dma_start3A_175 = arith.constant 0 : i32
    %dma_start3A_176 = tpu.memref_slice %arg2[%dma_start3A_174, %dma_start3A_175] : memref<20000x64xf32, #tpu.memory_space<hbm>> -> memref<20000x64xf32, #tpu.memory_space<hbm>>
    tpu.enqueue_indirect_dma source(%dma_start3A_176 : memref<20000x64xf32, #tpu.memory_space<hbm>>) target(%dma_start3A_170 : memref<80x64xf32, #tpu.memory_space<vmem>>) offsets(%dma_start3A_173 : memref<80xi32, #tpu.memory_space<vmem>>) semaphore(%arg17 : memref<!tpu.dma_semaphore, #tpu.memory_space<semaphore_mem>>)
    %dma_start3A_177 = arith.constant 3 : i32
    %dma_start3A_178 = arith.constant 3 : i32
    %dma_start3A_179 = arith.constant 0 : i32
    %dma_start3A_180 = arith.constant 0 : i32
    %dma_start3A_181 = tpu.memref_slice %arg9[%dma_start3A_178, %dma_start3A_179, %dma_start3A_180] : memref<5x80x64xf32, #tpu.memory_space<vmem>> -> memref<1x80x64xf32, #tpu.memory_space<vmem>>
    %dma_start3A_182 = tpu.memref_squeeze %dma_start3A_181 : memref<1x80x64xf32, #tpu.memory_space<vmem>> -> memref<80x64xf32, #tpu.memory_space<vmem>>
    %dma_start3A_183 = arith.constant 0 : i32
    %dma_start3A_184 = tpu.memref_slice %arg7[%dma_start3A_177, %dma_start3A_183] : memref<250x80xi32, #tpu.memory_space<vmem>> -> memref<1x80xi32, #tpu.memory_space<vmem>>
    %dma_start3A_185 = tpu.memref_squeeze %dma_start3A_184 : memref<1x80xi32, #tpu.memory_space<vmem>> -> memref<80xi32, #tpu.memory_space<vmem>>
    %dma_start3A_186 = arith.constant 0 : i32
    %dma_start3A_187 = arith.constant 0 : i32
    %dma_start3A_188 = tpu.memref_slice %arg2[%dma_start3A_186, %dma_start3A_187] : memref<20000x64xf32, #tpu.memory_space<hbm>> -> memref<20000x64xf32, #tpu.memory_space<hbm>>
    tpu.enqueue_indirect_dma source(%dma_start3A_188 : memref<20000x64xf32, #tpu.memory_space<hbm>>) target(%dma_start3A_182 : memref<80x64xf32, #tpu.memory_space<vmem>>) offsets(%dma_start3A_185 : memref<80xi32, #tpu.memory_space<vmem>>) semaphore(%arg18 : memref<!tpu.dma_semaphore, #tpu.memory_space<semaphore_mem>>)
    %dma_start3A_189 = arith.constant 4 : i32
    %dma_start3A_190 = arith.constant 4 : i32
    %dma_start3A_191 = arith.constant 0 : i32
    %dma_start3A_192 = arith.constant 0 : i32
    %dma_start3A_193 = tpu.memref_slice %arg9[%dma_start3A_190, %dma_start3A_191, %dma_start3A_192] : memref<5x80x64xf32, #tpu.memory_space<vmem>> -> memref<1x80x64xf32, #tpu.memory_space<vmem>>
    %dma_start3A_194 = tpu.memref_squeeze %dma_start3A_193 : memref<1x80x64xf32, #tpu.memory_space<vmem>> -> memref<80x64xf32, #tpu.memory_space<vmem>>
    %dma_start3A_195 = arith.constant 0 : i32
    %dma_start3A_196 = tpu.memref_slice %arg7[%dma_start3A_189, %dma_start3A_195] : memref<250x80xi32, #tpu.memory_space<vmem>> -> memref<1x80xi32, #tpu.memory_space<vmem>>
    %dma_start3A_197 = tpu.memref_squeeze %dma_start3A_196 : memref<1x80xi32, #tpu.memory_space<vmem>> -> memref<80xi32, #tpu.memory_space<vmem>>
    %dma_start3A_198 = arith.constant 0 : i32
    %dma_start3A_199 = arith.constant 0 : i32
    %dma_start3A_200 = tpu.memref_slice %arg2[%dma_start3A_198, %dma_start3A_199] : memref<20000x64xf32, #tpu.memory_space<hbm>> -> memref<20000x64xf32, #tpu.memory_space<hbm>>
    tpu.enqueue_indirect_dma source(%dma_start3A_200 : memref<20000x64xf32, #tpu.memory_space<hbm>>) target(%dma_start3A_194 : memref<80x64xf32, #tpu.memory_space<vmem>>) offsets(%dma_start3A_197 : memref<80xi32, #tpu.memory_space<vmem>>) semaphore(%arg19 : memref<!tpu.dma_semaphore, #tpu.memory_space<semaphore_mem>>)
    %scan3A_201 = arith.constant 0 : i32
    %scan3A_202 = arith.constant 50 : i32
    %scan3A_203 = arith.addi %scan3A_201, %scan3A_202 : i32
    %scan3A_204 = arith.constant 1 : i32
    scf.for %scan3A_213 = %scan3A_201 to %scan3A_203 step %scan3A_204  : i32 {
      %mul3A_214 = arith.constant 1 : i32
      %mul3A_215 = arith.muli %scan3A_213, %mul3A_214 : i32
      %add3A_216 = arith.constant 0 : i32
      %add3A_217 = arith.addi %add3A_216, %mul3A_215 : i32
      %mul3A_218 = arith.constant 5 : i32
      %mul3A_219 = arith.muli %add3A_217, %mul3A_218 : i32
      %add3A_220 = arith.constant 0 : i32
      %add3A_221 = arith.addi %mul3A_219, %add3A_220 : i32
      %dma_wait3A = arith.constant 0 : i32
      %dma_wait3A_222 = arith.constant 0 : i32
      %dma_wait3A_223 = arith.constant 0 : i32
      %dma_wait3A_224 = tpu.memref_slice %arg9[%dma_wait3A, %dma_wait3A_222, %dma_wait3A_223] : memref<5x80x64xf32, #tpu.memory_space<vmem>> -> memref<1x80x64xf32, #tpu.memory_space<vmem>>
      %dma_wait3A_225 = tpu.memref_squeeze %dma_wait3A_224 : memref<1x80x64xf32, #tpu.memory_space<vmem>> -> memref<80x64xf32, #tpu.memory_space<vmem>>
      %dma_wait3A_226 = arith.constant 0 : i32
      %dma_wait3A_227 = tpu.memref_slice %arg7[%add3A_221, %dma_wait3A_226] : memref<250x80xi32, #tpu.memory_space<vmem>> -> memref<1x80xi32, #tpu.memory_space<vmem>>
      %dma_wait3A_228 = tpu.memref_squeeze %dma_wait3A_227 : memref<1x80xi32, #tpu.memory_space<vmem>> -> memref<80xi32, #tpu.memory_space<vmem>>
      %dma_wait3A_229 = arith.constant 0 : i32
      %dma_wait3A_230 = arith.constant 0 : i32
      %dma_wait3A_231 = tpu.memref_slice %arg2[%dma_wait3A_229, %dma_wait3A_230] : memref<20000x64xf32, #tpu.memory_space<hbm>> -> memref<20000x64xf32, #tpu.memory_space<hbm>>
      tpu.wait_indirect_dma semaphore(%arg15 : memref<!tpu.dma_semaphore, #tpu.memory_space<semaphore_mem>>) src(%dma_wait3A_231 : memref<20000x64xf32, #tpu.memory_space<hbm>>) dst(%dma_wait3A_225 : memref<80x64xf32, #tpu.memory_space<vmem>>)
      %run_scoped3A = arith.constant 0 : i32
      "tpu.region"() ({
        %run_scoped3A_459 = tpu.sem_alloc : memref<!tpu.dma_semaphore, #tpu.memory_space<semaphore_mem>>
        %dma_start3A_460 = arith.constant 0 : i32
        %dma_start3A_461 = arith.constant 0 : i32
        %dma_start3A_462 = tpu.memref_slice %arg9[%run_scoped3A, %dma_start3A_460, %dma_start3A_461] : memref<5x80x64xf32, #tpu.memory_space<vmem>> -> memref<1x80x64xf32, #tpu.memory_space<vmem>>
        %dma_start3A_463 = tpu.memref_squeeze %dma_start3A_462 : memref<1x80x64xf32, #tpu.memory_space<vmem>> -> memref<80x64xf32, #tpu.memory_space<vmem>>
        %dma_start3A_464 = arith.constant 0 : i32
        %dma_start3A_465 = tpu.memref_slice %arg8[%add3A_221, %dma_start3A_464] : memref<250x80xi32, #tpu.memory_space<vmem>> -> memref<1x80xi32, #tpu.memory_space<vmem>>
        %dma_start3A_466 = tpu.memref_squeeze %dma_start3A_465 : memref<1x80xi32, #tpu.memory_space<vmem>> -> memref<80xi32, #tpu.memory_space<vmem>>
        %dma_start3A_467 = arith.constant 0 : i32
        %dma_start3A_468 = arith.constant 0 : i32
        %dma_start3A_469 = tpu.memref_slice %arg11[%dma_start3A_467, %dma_start3A_468] : memref<10000x64xf32, #tpu.memory_space<vmem_shared>> -> memref<10000x64xf32, #tpu.memory_space<vmem_shared>>
        tpu.enqueue_indirect_dma source(%dma_start3A_463 : memref<80x64xf32, #tpu.memory_space<vmem>>) target(%dma_start3A_469 : memref<10000x64xf32, #tpu.memory_space<vmem_shared>>) offsets(%dma_start3A_466 : memref<80xi32, #tpu.memory_space<vmem>>) semaphore(%run_scoped3A_459 : memref<!tpu.dma_semaphore, #tpu.memory_space<semaphore_mem>>) {add = true}
        %dma_wait3A_470 = arith.constant 0 : i32
        %dma_wait3A_471 = arith.constant 0 : i32
        %dma_wait3A_472 = tpu.memref_slice %arg9[%run_scoped3A, %dma_wait3A_470, %dma_wait3A_471] : memref<5x80x64xf32, #tpu.memory_space<vmem>> -> memref<1x80x64xf32, #tpu.memory_space<vmem>>
        %dma_wait3A_473 = tpu.memref_squeeze %dma_wait3A_472 : memref<1x80x64xf32, #tpu.memory_space<vmem>> -> memref<80x64xf32, #tpu.memory_space<vmem>>
        %dma_wait3A_474 = arith.constant 0 : i32
        %dma_wait3A_475 = tpu.memref_slice %arg8[%add3A_221, %dma_wait3A_474] : memref<250x80xi32, #tpu.memory_space<vmem>> -> memref<1x80xi32, #tpu.memory_space<vmem>>
        %dma_wait3A_476 = tpu.memref_squeeze %dma_wait3A_475 : memref<1x80xi32, #tpu.memory_space<vmem>> -> memref<80xi32, #tpu.memory_space<vmem>>
        %dma_wait3A_477 = arith.constant 0 : i32
        %dma_wait3A_478 = arith.constant 0 : i32
        %dma_wait3A_479 = tpu.memref_slice %arg11[%dma_wait3A_477, %dma_wait3A_478] : memref<10000x64xf32, #tpu.memory_space<vmem_shared>> -> memref<10000x64xf32, #tpu.memory_space<vmem_shared>>
        tpu.wait_indirect_dma semaphore(%run_scoped3A_459 : memref<!tpu.dma_semaphore, #tpu.memory_space<semaphore_mem>>) src(%dma_wait3A_473 : memref<80x64xf32, #tpu.memory_space<vmem>>) dst(%dma_wait3A_479 : memref<10000x64xf32, #tpu.memory_space<vmem_shared>>)
        tpu.yield
      }) : () -> ()
      %jit3A = arith.constant 125 : i32
      %div3A = arith.divsi %add3A_221, %jit3A : i32
      %sign3A = arith.constant 0 : i32
      %sign3A_232 = arith.cmpi sgt, %add3A_221, %sign3A : i32
      %sign3A_233 = arith.extui %sign3A_232 : i1 to i32
      %sign3A_234 = arith.constant 0 : i32
      %sign3A_235 = arith.cmpi slt, %add3A_221, %sign3A_234 : i32
      %sign3A_236 = arith.extui %sign3A_235 : i1 to i32
      %sign3A_237 = arith.subi %sign3A_233, %sign3A_236 : i32
      %sign3A_238 = arith.constant 0 : i32
      %sign3A_239 = arith.cmpi sgt, %jit3A, %sign3A_238 : i32
      %sign3A_240 = arith.extui %sign3A_239 : i1 to i32
      %sign3A_241 = arith.constant 0 : i32
      %sign3A_242 = arith.cmpi slt, %jit3A, %sign3A_241 : i32
      %sign3A_243 = arith.extui %sign3A_242 : i1 to i32
      %sign3A_244 = arith.subi %sign3A_240, %sign3A_243 : i32
      %ne3A = arith.cmpi ne, %sign3A_237, %sign3A_244 : i32
      %rem3A = arith.remsi %add3A_221, %jit3A : i32
      %ne3A_245 = arith.constant 0 : i32
      %ne3A_246 = arith.cmpi ne, %rem3A, %ne3A_245 : i32
      %and3A = arith.andi %ne3A, %ne3A_246 : i1
      %sub3A = arith.constant 1 : i32
      %sub3A_247 = arith.subi %div3A, %sub3A : i32
      %select_n3A = arith.select %and3A, %sub3A_247, %div3A : i32
      %eq3A = arith.cmpi eq, %select_n3A, %arg0 : i32
      %convert_element_type3A = arith.extui %eq3A : i1 to i32
      %cond3A = arith.constant 0 : i32
      %cond3A_248 = arith.cmpi ne, %convert_element_type3A, %cond3A : i32
      scf.if %cond3A_248 {
        "tpu.region"() ({
          %run_scoped3A_459 = tpu.sem_alloc : memref<!tpu.dma_semaphore, #tpu.memory_space<semaphore_mem>>
          %dma_start3A_460 = arith.constant 0 : i32
          %dma_start3A_461 = tpu.memref_slice %arg8[%add3A_221, %dma_start3A_460] : memref<250x80xi32, #tpu.memory_space<vmem>> -> memref<1x80xi32, #tpu.memory_space<vmem>>
          %dma_start3A_462 = tpu.memref_squeeze %dma_start3A_461 : memref<1x80xi32, #tpu.memory_space<vmem>> -> memref<80xi32, #tpu.memory_space<vmem>>
          %dma_start3A_463 = arith.constant 0 : i32
          %dma_start3A_464 = arith.constant 0 : i32
          %dma_start3A_465 = tpu.memref_slice %arg14[%dma_start3A_463, %dma_start3A_464] : memref<10000x16xf32, #tpu.memory_space<vmem_shared>> -> memref<10000x16xf32, #tpu.memory_space<vmem_shared>>
          tpu.enqueue_indirect_dma source(%arg12 : memref<80x16xf32, #tpu.memory_space<vmem>>) target(%dma_start3A_465 : memref<10000x16xf32, #tpu.memory_space<vmem_shared>>) offsets(%dma_start3A_462 : memref<80xi32, #tpu.memory_space<vmem>>) semaphore(%run_scoped3A_459 : memref<!tpu.dma_semaphore, #tpu.memory_space<semaphore_mem>>) {add = true}
          %dma_wait3A_466 = arith.constant 0 : i32
          %dma_wait3A_467 = tpu.memref_slice %arg8[%add3A_221, %dma_wait3A_466] : memref<250x80xi32, #tpu.memory_space<vmem>> -> memref<1x80xi32, #tpu.memory_space<vmem>>
          %dma_wait3A_468 = tpu.memref_squeeze %dma_wait3A_467 : memref<1x80xi32, #tpu.memory_space<vmem>> -> memref<80xi32, #tpu.memory_space<vmem>>
          %dma_wait3A_469 = arith.constant 0 : i32
          %dma_wait3A_470 = arith.constant 0 : i32
          %dma_wait3A_471 = tpu.memref_slice %arg14[%dma_wait3A_469, %dma_wait3A_470] : memref<10000x16xf32, #tpu.memory_space<vmem_shared>> -> memref<10000x16xf32, #tpu.memory_space<vmem_shared>>
          tpu.wait_indirect_dma semaphore(%run_scoped3A_459 : memref<!tpu.dma_semaphore, #tpu.memory_space<semaphore_mem>>) src(%arg12 : memref<80x16xf32, #tpu.memory_space<vmem>>) dst(%dma_wait3A_471 : memref<10000x16xf32, #tpu.memory_space<vmem_shared>>)
          tpu.yield
        }) : () -> ()
      } else {
      }
      %add3A_249 = arith.constant 1 : i32
      %add3A_250 = arith.addi %add3A_217, %add3A_249 : i32
      %lt3A = arith.constant 50 : i32
      %lt3A_251 = arith.cmpi slt, %add3A_250, %lt3A : i32
      %convert_element_type3A_252 = arith.extui %lt3A_251 : i1 to i32
      %cond3A_253 = arith.constant 0 : i32
      %cond3A_254 = arith.cmpi ne, %convert_element_type3A_252, %cond3A_253 : i32
      scf.if %cond3A_254 {
        %add3A_459 = arith.constant 1 : i32
        %add3A_460 = arith.addi %add3A_217, %add3A_459 : i32
        %mul3A_461 = arith.constant 5 : i32
        %mul3A_462 = arith.muli %add3A_460, %mul3A_461 : i32
        %add3A_463 = arith.constant 0 : i32
        %add3A_464 = arith.addi %mul3A_462, %add3A_463 : i32
        %dma_start3A_465 = arith.constant 0 : i32
        %dma_start3A_466 = arith.constant 0 : i32
        %dma_start3A_467 = arith.constant 0 : i32
        %dma_start3A_468 = tpu.memref_slice %arg9[%dma_start3A_465, %dma_start3A_466, %dma_start3A_467] : memref<5x80x64xf32, #tpu.memory_space<vmem>> -> memref<1x80x64xf32, #tpu.memory_space<vmem>>
        %dma_start3A_469 = tpu.memref_squeeze %dma_start3A_468 : memref<1x80x64xf32, #tpu.memory_space<vmem>> -> memref<80x64xf32, #tpu.memory_space<vmem>>
        %dma_start3A_470 = arith.constant 0 : i32
        %dma_start3A_471 = tpu.memref_slice %arg7[%add3A_464, %dma_start3A_470] : memref<250x80xi32, #tpu.memory_space<vmem>> -> memref<1x80xi32, #tpu.memory_space<vmem>>
        %dma_start3A_472 = tpu.memref_squeeze %dma_start3A_471 : memref<1x80xi32, #tpu.memory_space<vmem>> -> memref<80xi32, #tpu.memory_space<vmem>>
        %dma_start3A_473 = arith.constant 0 : i32
        %dma_start3A_474 = arith.constant 0 : i32
        %dma_start3A_475 = tpu.memref_slice %arg2[%dma_start3A_473, %dma_start3A_474] : memref<20000x64xf32, #tpu.memory_space<hbm>> -> memref<20000x64xf32, #tpu.memory_space<hbm>>
        tpu.enqueue_indirect_dma source(%dma_start3A_475 : memref<20000x64xf32, #tpu.memory_space<hbm>>) target(%dma_start3A_469 : memref<80x64xf32, #tpu.memory_space<vmem>>) offsets(%dma_start3A_472 : memref<80xi32, #tpu.memory_space<vmem>>) semaphore(%arg15 : memref<!tpu.dma_semaphore, #tpu.memory_space<semaphore_mem>>)
      } else {
      }
      %mul3A_255 = arith.constant 5 : i32
      %mul3A_256 = arith.muli %add3A_217, %mul3A_255 : i32
      %add3A_257 = arith.constant 1 : i32
      %add3A_258 = arith.addi %mul3A_256, %add3A_257 : i32
      %dma_wait3A_259 = arith.constant 1 : i32
      %dma_wait3A_260 = arith.constant 0 : i32
      %dma_wait3A_261 = arith.constant 0 : i32
      %dma_wait3A_262 = tpu.memref_slice %arg9[%dma_wait3A_259, %dma_wait3A_260, %dma_wait3A_261] : memref<5x80x64xf32, #tpu.memory_space<vmem>> -> memref<1x80x64xf32, #tpu.memory_space<vmem>>
      %dma_wait3A_263 = tpu.memref_squeeze %dma_wait3A_262 : memref<1x80x64xf32, #tpu.memory_space<vmem>> -> memref<80x64xf32, #tpu.memory_space<vmem>>
      %dma_wait3A_264 = arith.constant 0 : i32
      %dma_wait3A_265 = tpu.memref_slice %arg7[%add3A_258, %dma_wait3A_264] : memref<250x80xi32, #tpu.memory_space<vmem>> -> memref<1x80xi32, #tpu.memory_space<vmem>>
      %dma_wait3A_266 = tpu.memref_squeeze %dma_wait3A_265 : memref<1x80xi32, #tpu.memory_space<vmem>> -> memref<80xi32, #tpu.memory_space<vmem>>
      %dma_wait3A_267 = arith.constant 0 : i32
      %dma_wait3A_268 = arith.constant 0 : i32
      %dma_wait3A_269 = tpu.memref_slice %arg2[%dma_wait3A_267, %dma_wait3A_268] : memref<20000x64xf32, #tpu.memory_space<hbm>> -> memref<20000x64xf32, #tpu.memory_space<hbm>>
      tpu.wait_indirect_dma semaphore(%arg16 : memref<!tpu.dma_semaphore, #tpu.memory_space<semaphore_mem>>) src(%dma_wait3A_269 : memref<20000x64xf32, #tpu.memory_space<hbm>>) dst(%dma_wait3A_263 : memref<80x64xf32, #tpu.memory_space<vmem>>)
      %run_scoped3A_270 = arith.constant 1 : i32
      "tpu.region"() ({
        %run_scoped3A_459 = tpu.sem_alloc : memref<!tpu.dma_semaphore, #tpu.memory_space<semaphore_mem>>
        %dma_start3A_460 = arith.constant 0 : i32
        %dma_start3A_461 = arith.constant 0 : i32
        %dma_start3A_462 = tpu.memref_slice %arg9[%run_scoped3A_270, %dma_start3A_460, %dma_start3A_461] : memref<5x80x64xf32, #tpu.memory_space<vmem>> -> memref<1x80x64xf32, #tpu.memory_space<vmem>>
        %dma_start3A_463 = tpu.memref_squeeze %dma_start3A_462 : memref<1x80x64xf32, #tpu.memory_space<vmem>> -> memref<80x64xf32, #tpu.memory_space<vmem>>
        %dma_start3A_464 = arith.constant 0 : i32
        %dma_start3A_465 = tpu.memref_slice %arg8[%add3A_258, %dma_start3A_464] : memref<250x80xi32, #tpu.memory_space<vmem>> -> memref<1x80xi32, #tpu.memory_space<vmem>>
        %dma_start3A_466 = tpu.memref_squeeze %dma_start3A_465 : memref<1x80xi32, #tpu.memory_space<vmem>> -> memref<80xi32, #tpu.memory_space<vmem>>
        %dma_start3A_467 = arith.constant 0 : i32
        %dma_start3A_468 = arith.constant 0 : i32
        %dma_start3A_469 = tpu.memref_slice %arg11[%dma_start3A_467, %dma_start3A_468] : memref<10000x64xf32, #tpu.memory_space<vmem_shared>> -> memref<10000x64xf32, #tpu.memory_space<vmem_shared>>
        tpu.enqueue_indirect_dma source(%dma_start3A_463 : memref<80x64xf32, #tpu.memory_space<vmem>>) target(%dma_start3A_469 : memref<10000x64xf32, #tpu.memory_space<vmem_shared>>) offsets(%dma_start3A_466 : memref<80xi32, #tpu.memory_space<vmem>>) semaphore(%run_scoped3A_459 : memref<!tpu.dma_semaphore, #tpu.memory_space<semaphore_mem>>) {add = true}
        %dma_wait3A_470 = arith.constant 0 : i32
        %dma_wait3A_471 = arith.constant 0 : i32
        %dma_wait3A_472 = tpu.memref_slice %arg9[%run_scoped3A_270, %dma_wait3A_470, %dma_wait3A_471] : memref<5x80x64xf32, #tpu.memory_space<vmem>> -> memref<1x80x64xf32, #tpu.memory_space<vmem>>
        %dma_wait3A_473 = tpu.memref_squeeze %dma_wait3A_472 : memref<1x80x64xf32, #tpu.memory_space<vmem>> -> memref<80x64xf32, #tpu.memory_space<vmem>>
        %dma_wait3A_474 = arith.constant 0 : i32
        %dma_wait3A_475 = tpu.memref_slice %arg8[%add3A_258, %dma_wait3A_474] : memref<250x80xi32, #tpu.memory_space<vmem>> -> memref<1x80xi32, #tpu.memory_space<vmem>>
        %dma_wait3A_476 = tpu.memref_squeeze %dma_wait3A_475 : memref<1x80xi32, #tpu.memory_space<vmem>> -> memref<80xi32, #tpu.memory_space<vmem>>
        %dma_wait3A_477 = arith.constant 0 : i32
        %dma_wait3A_478 = arith.constant 0 : i32
        %dma_wait3A_479 = tpu.memref_slice %arg11[%dma_wait3A_477, %dma_wait3A_478] : memref<10000x64xf32, #tpu.memory_space<vmem_shared>> -> memref<10000x64xf32, #tpu.memory_space<vmem_shared>>
        tpu.wait_indirect_dma semaphore(%run_scoped3A_459 : memref<!tpu.dma_semaphore, #tpu.memory_space<semaphore_mem>>) src(%dma_wait3A_473 : memref<80x64xf32, #tpu.memory_space<vmem>>) dst(%dma_wait3A_479 : memref<10000x64xf32, #tpu.memory_space<vmem_shared>>)
        tpu.yield
      }) : () -> ()
      %jit3A_271 = arith.constant 125 : i32
      %div3A_272 = arith.divsi %add3A_258, %jit3A_271 : i32
      %sign3A_273 = arith.constant 0 : i32
      %sign3A_274 = arith.cmpi sgt, %add3A_258, %sign3A_273 : i32
      %sign3A_275 = arith.extui %sign3A_274 : i1 to i32
      %sign3A_276 = arith.constant 0 : i32
      %sign3A_277 = arith.cmpi slt, %add3A_258, %sign3A_276 : i32
      %sign3A_278 = arith.extui %sign3A_277 : i1 to i32
      %sign3A_279 = arith.subi %sign3A_275, %sign3A_278 : i32
      %sign3A_280 = arith.constant 0 : i32
      %sign3A_281 = arith.cmpi sgt, %jit3A_271, %sign3A_280 : i32
      %sign3A_282 = arith.extui %sign3A_281 : i1 to i32
      %sign3A_283 = arith.constant 0 : i32
      %sign3A_284 = arith.cmpi slt, %jit3A_271, %sign3A_283 : i32
      %sign3A_285 = arith.extui %sign3A_284 : i1 to i32
      %sign3A_286 = arith.subi %sign3A_282, %sign3A_285 : i32
      %ne3A_287 = arith.cmpi ne, %sign3A_279, %sign3A_286 : i32
      %rem3A_288 = arith.remsi %add3A_258, %jit3A_271 : i32
      %ne3A_289 = arith.constant 0 : i32
      %ne3A_290 = arith.cmpi ne, %rem3A_288, %ne3A_289 : i32
      %and3A_291 = arith.andi %ne3A_287, %ne3A_290 : i1
      %sub3A_292 = arith.constant 1 : i32
      %sub3A_293 = arith.subi %div3A_272, %sub3A_292 : i32
      %select_n3A_294 = arith.select %and3A_291, %sub3A_293, %div3A_272 : i32
      %eq3A_295 = arith.cmpi eq, %select_n3A_294, %arg0 : i32
      %convert_element_type3A_296 = arith.extui %eq3A_295 : i1 to i32
      %cond3A_297 = arith.constant 0 : i32
      %cond3A_298 = arith.cmpi ne, %convert_element_type3A_296, %cond3A_297 : i32
      scf.if %cond3A_298 {
        "tpu.region"() ({
          %run_scoped3A_459 = tpu.sem_alloc : memref<!tpu.dma_semaphore, #tpu.memory_space<semaphore_mem>>
          %dma_start3A_460 = arith.constant 0 : i32
          %dma_start3A_461 = tpu.memref_slice %arg8[%add3A_258, %dma_start3A_460] : memref<250x80xi32, #tpu.memory_space<vmem>> -> memref<1x80xi32, #tpu.memory_space<vmem>>
          %dma_start3A_462 = tpu.memref_squeeze %dma_start3A_461 : memref<1x80xi32, #tpu.memory_space<vmem>> -> memref<80xi32, #tpu.memory_space<vmem>>
          %dma_start3A_463 = arith.constant 0 : i32
          %dma_start3A_464 = arith.constant 0 : i32
          %dma_start3A_465 = tpu.memref_slice %arg14[%dma_start3A_463, %dma_start3A_464] : memref<10000x16xf32, #tpu.memory_space<vmem_shared>> -> memref<10000x16xf32, #tpu.memory_space<vmem_shared>>
          tpu.enqueue_indirect_dma source(%arg12 : memref<80x16xf32, #tpu.memory_space<vmem>>) target(%dma_start3A_465 : memref<10000x16xf32, #tpu.memory_space<vmem_shared>>) offsets(%dma_start3A_462 : memref<80xi32, #tpu.memory_space<vmem>>) semaphore(%run_scoped3A_459 : memref<!tpu.dma_semaphore, #tpu.memory_space<semaphore_mem>>) {add = true}
          %dma_wait3A_466 = arith.constant 0 : i32
          %dma_wait3A_467 = tpu.memref_slice %arg8[%add3A_258, %dma_wait3A_466] : memref<250x80xi32, #tpu.memory_space<vmem>> -> memref<1x80xi32, #tpu.memory_space<vmem>>
          %dma_wait3A_468 = tpu.memref_squeeze %dma_wait3A_467 : memref<1x80xi32, #tpu.memory_space<vmem>> -> memref<80xi32, #tpu.memory_space<vmem>>
          %dma_wait3A_469 = arith.constant 0 : i32
          %dma_wait3A_470 = arith.constant 0 : i32
          %dma_wait3A_471 = tpu.memref_slice %arg14[%dma_wait3A_469, %dma_wait3A_470] : memref<10000x16xf32, #tpu.memory_space<vmem_shared>> -> memref<10000x16xf32, #tpu.memory_space<vmem_shared>>
          tpu.wait_indirect_dma semaphore(%run_scoped3A_459 : memref<!tpu.dma_semaphore, #tpu.memory_space<semaphore_mem>>) src(%arg12 : memref<80x16xf32, #tpu.memory_space<vmem>>) dst(%dma_wait3A_471 : memref<10000x16xf32, #tpu.memory_space<vmem_shared>>)
          tpu.yield
        }) : () -> ()
      } else {
      }
      %add3A_299 = arith.constant 1 : i32
      %add3A_300 = arith.addi %add3A_217, %add3A_299 : i32
      %lt3A_301 = arith.constant 50 : i32
      %lt3A_302 = arith.cmpi slt, %add3A_300, %lt3A_301 : i32
      %convert_element_type3A_303 = arith.extui %lt3A_302 : i1 to i32
      %cond3A_304 = arith.constant 0 : i32
      %cond3A_305 = arith.cmpi ne, %convert_element_type3A_303, %cond3A_304 : i32
      scf.if %cond3A_305 {
        %add3A_459 = arith.constant 1 : i32
        %add3A_460 = arith.addi %add3A_217, %add3A_459 : i32
        %mul3A_461 = arith.constant 5 : i32
        %mul3A_462 = arith.muli %add3A_460, %mul3A_461 : i32
        %add3A_463 = arith.constant 1 : i32
        %add3A_464 = arith.addi %mul3A_462, %add3A_463 : i32
        %dma_start3A_465 = arith.constant 1 : i32
        %dma_start3A_466 = arith.constant 0 : i32
        %dma_start3A_467 = arith.constant 0 : i32
        %dma_start3A_468 = tpu.memref_slice %arg9[%dma_start3A_465, %dma_start3A_466, %dma_start3A_467] : memref<5x80x64xf32, #tpu.memory_space<vmem>> -> memref<1x80x64xf32, #tpu.memory_space<vmem>>
        %dma_start3A_469 = tpu.memref_squeeze %dma_start3A_468 : memref<1x80x64xf32, #tpu.memory_space<vmem>> -> memref<80x64xf32, #tpu.memory_space<vmem>>
        %dma_start3A_470 = arith.constant 0 : i32
        %dma_start3A_471 = tpu.memref_slice %arg7[%add3A_464, %dma_start3A_470] : memref<250x80xi32, #tpu.memory_space<vmem>> -> memref<1x80xi32, #tpu.memory_space<vmem>>
        %dma_start3A_472 = tpu.memref_squeeze %dma_start3A_471 : memref<1x80xi32, #tpu.memory_space<vmem>> -> memref<80xi32, #tpu.memory_space<vmem>>
        %dma_start3A_473 = arith.constant 0 : i32
        %dma_start3A_474 = arith.constant 0 : i32
        %dma_start3A_475 = tpu.memref_slice %arg2[%dma_start3A_473, %dma_start3A_474] : memref<20000x64xf32, #tpu.memory_space<hbm>> -> memref<20000x64xf32, #tpu.memory_space<hbm>>
        tpu.enqueue_indirect_dma source(%dma_start3A_475 : memref<20000x64xf32, #tpu.memory_space<hbm>>) target(%dma_start3A_469 : memref<80x64xf32, #tpu.memory_space<vmem>>) offsets(%dma_start3A_472 : memref<80xi32, #tpu.memory_space<vmem>>) semaphore(%arg16 : memref<!tpu.dma_semaphore, #tpu.memory_space<semaphore_mem>>)
      } else {
      }
      %mul3A_306 = arith.constant 5 : i32
      %mul3A_307 = arith.muli %add3A_217, %mul3A_306 : i32
      %add3A_308 = arith.constant 2 : i32
      %add3A_309 = arith.addi %mul3A_307, %add3A_308 : i32
      %dma_wait3A_310 = arith.constant 2 : i32
      %dma_wait3A_311 = arith.constant 0 : i32
      %dma_wait3A_312 = arith.constant 0 : i32
      %dma_wait3A_313 = tpu.memref_slice %arg9[%dma_wait3A_310, %dma_wait3A_311, %dma_wait3A_312] : memref<5x80x64xf32, #tpu.memory_space<vmem>> -> memref<1x80x64xf32, #tpu.memory_space<vmem>>
      %dma_wait3A_314 = tpu.memref_squeeze %dma_wait3A_313 : memref<1x80x64xf32, #tpu.memory_space<vmem>> -> memref<80x64xf32, #tpu.memory_space<vmem>>
      %dma_wait3A_315 = arith.constant 0 : i32
      %dma_wait3A_316 = tpu.memref_slice %arg7[%add3A_309, %dma_wait3A_315] : memref<250x80xi32, #tpu.memory_space<vmem>> -> memref<1x80xi32, #tpu.memory_space<vmem>>
      %dma_wait3A_317 = tpu.memref_squeeze %dma_wait3A_316 : memref<1x80xi32, #tpu.memory_space<vmem>> -> memref<80xi32, #tpu.memory_space<vmem>>
      %dma_wait3A_318 = arith.constant 0 : i32
      %dma_wait3A_319 = arith.constant 0 : i32
      %dma_wait3A_320 = tpu.memref_slice %arg2[%dma_wait3A_318, %dma_wait3A_319] : memref<20000x64xf32, #tpu.memory_space<hbm>> -> memref<20000x64xf32, #tpu.memory_space<hbm>>
      tpu.wait_indirect_dma semaphore(%arg17 : memref<!tpu.dma_semaphore, #tpu.memory_space<semaphore_mem>>) src(%dma_wait3A_320 : memref<20000x64xf32, #tpu.memory_space<hbm>>) dst(%dma_wait3A_314 : memref<80x64xf32, #tpu.memory_space<vmem>>)
      %run_scoped3A_321 = arith.constant 2 : i32
      "tpu.region"() ({
        %run_scoped3A_459 = tpu.sem_alloc : memref<!tpu.dma_semaphore, #tpu.memory_space<semaphore_mem>>
        %dma_start3A_460 = arith.constant 0 : i32
        %dma_start3A_461 = arith.constant 0 : i32
        %dma_start3A_462 = tpu.memref_slice %arg9[%run_scoped3A_321, %dma_start3A_460, %dma_start3A_461] : memref<5x80x64xf32, #tpu.memory_space<vmem>> -> memref<1x80x64xf32, #tpu.memory_space<vmem>>
        %dma_start3A_463 = tpu.memref_squeeze %dma_start3A_462 : memref<1x80x64xf32, #tpu.memory_space<vmem>> -> memref<80x64xf32, #tpu.memory_space<vmem>>
        %dma_start3A_464 = arith.constant 0 : i32
        %dma_start3A_465 = tpu.memref_slice %arg8[%add3A_309, %dma_start3A_464] : memref<250x80xi32, #tpu.memory_space<vmem>> -> memref<1x80xi32, #tpu.memory_space<vmem>>
        %dma_start3A_466 = tpu.memref_squeeze %dma_start3A_465 : memref<1x80xi32, #tpu.memory_space<vmem>> -> memref<80xi32, #tpu.memory_space<vmem>>
        %dma_start3A_467 = arith.constant 0 : i32
        %dma_start3A_468 = arith.constant 0 : i32
        %dma_start3A_469 = tpu.memref_slice %arg11[%dma_start3A_467, %dma_start3A_468] : memref<10000x64xf32, #tpu.memory_space<vmem_shared>> -> memref<10000x64xf32, #tpu.memory_space<vmem_shared>>
        tpu.enqueue_indirect_dma source(%dma_start3A_463 : memref<80x64xf32, #tpu.memory_space<vmem>>) target(%dma_start3A_469 : memref<10000x64xf32, #tpu.memory_space<vmem_shared>>) offsets(%dma_start3A_466 : memref<80xi32, #tpu.memory_space<vmem>>) semaphore(%run_scoped3A_459 : memref<!tpu.dma_semaphore, #tpu.memory_space<semaphore_mem>>) {add = true}
        %dma_wait3A_470 = arith.constant 0 : i32
        %dma_wait3A_471 = arith.constant 0 : i32
        %dma_wait3A_472 = tpu.memref_slice %arg9[%run_scoped3A_321, %dma_wait3A_470, %dma_wait3A_471] : memref<5x80x64xf32, #tpu.memory_space<vmem>> -> memref<1x80x64xf32, #tpu.memory_space<vmem>>
        %dma_wait3A_473 = tpu.memref_squeeze %dma_wait3A_472 : memref<1x80x64xf32, #tpu.memory_space<vmem>> -> memref<80x64xf32, #tpu.memory_space<vmem>>
        %dma_wait3A_474 = arith.constant 0 : i32
        %dma_wait3A_475 = tpu.memref_slice %arg8[%add3A_309, %dma_wait3A_474] : memref<250x80xi32, #tpu.memory_space<vmem>> -> memref<1x80xi32, #tpu.memory_space<vmem>>
        %dma_wait3A_476 = tpu.memref_squeeze %dma_wait3A_475 : memref<1x80xi32, #tpu.memory_space<vmem>> -> memref<80xi32, #tpu.memory_space<vmem>>
        %dma_wait3A_477 = arith.constant 0 : i32
        %dma_wait3A_478 = arith.constant 0 : i32
        %dma_wait3A_479 = tpu.memref_slice %arg11[%dma_wait3A_477, %dma_wait3A_478] : memref<10000x64xf32, #tpu.memory_space<vmem_shared>> -> memref<10000x64xf32, #tpu.memory_space<vmem_shared>>
        tpu.wait_indirect_dma semaphore(%run_scoped3A_459 : memref<!tpu.dma_semaphore, #tpu.memory_space<semaphore_mem>>) src(%dma_wait3A_473 : memref<80x64xf32, #tpu.memory_space<vmem>>) dst(%dma_wait3A_479 : memref<10000x64xf32, #tpu.memory_space<vmem_shared>>)
        tpu.yield
      }) : () -> ()
      %jit3A_322 = arith.constant 125 : i32
      %div3A_323 = arith.divsi %add3A_309, %jit3A_322 : i32
      %sign3A_324 = arith.constant 0 : i32
      %sign3A_325 = arith.cmpi sgt, %add3A_309, %sign3A_324 : i32
      %sign3A_326 = arith.extui %sign3A_325 : i1 to i32
      %sign3A_327 = arith.constant 0 : i32
      %sign3A_328 = arith.cmpi slt, %add3A_309, %sign3A_327 : i32
      %sign3A_329 = arith.extui %sign3A_328 : i1 to i32
      %sign3A_330 = arith.subi %sign3A_326, %sign3A_329 : i32
      %sign3A_331 = arith.constant 0 : i32
      %sign3A_332 = arith.cmpi sgt, %jit3A_322, %sign3A_331 : i32
      %sign3A_333 = arith.extui %sign3A_332 : i1 to i32
      %sign3A_334 = arith.constant 0 : i32
      %sign3A_335 = arith.cmpi slt, %jit3A_322, %sign3A_334 : i32
      %sign3A_336 = arith.extui %sign3A_335 : i1 to i32
      %sign3A_337 = arith.subi %sign3A_333, %sign3A_336 : i32
      %ne3A_338 = arith.cmpi ne, %sign3A_330, %sign3A_337 : i32
      %rem3A_339 = arith.remsi %add3A_309, %jit3A_322 : i32
      %ne3A_340 = arith.constant 0 : i32
      %ne3A_341 = arith.cmpi ne, %rem3A_339, %ne3A_340 : i32
      %and3A_342 = arith.andi %ne3A_338, %ne3A_341 : i1
      %sub3A_343 = arith.constant 1 : i32
      %sub3A_344 = arith.subi %div3A_323, %sub3A_343 : i32
      %select_n3A_345 = arith.select %and3A_342, %sub3A_344, %div3A_323 : i32
      %eq3A_346 = arith.cmpi eq, %select_n3A_345, %arg0 : i32
      %convert_element_type3A_347 = arith.extui %eq3A_346 : i1 to i32
      %cond3A_348 = arith.constant 0 : i32
      %cond3A_349 = arith.cmpi ne, %convert_element_type3A_347, %cond3A_348 : i32
      scf.if %cond3A_349 {
        "tpu.region"() ({
          %run_scoped3A_459 = tpu.sem_alloc : memref<!tpu.dma_semaphore, #tpu.memory_space<semaphore_mem>>
          %dma_start3A_460 = arith.constant 0 : i32
          %dma_start3A_461 = tpu.memref_slice %arg8[%add3A_309, %dma_start3A_460] : memref<250x80xi32, #tpu.memory_space<vmem>> -> memref<1x80xi32, #tpu.memory_space<vmem>>
          %dma_start3A_462 = tpu.memref_squeeze %dma_start3A_461 : memref<1x80xi32, #tpu.memory_space<vmem>> -> memref<80xi32, #tpu.memory_space<vmem>>
          %dma_start3A_463 = arith.constant 0 : i32
          %dma_start3A_464 = arith.constant 0 : i32
          %dma_start3A_465 = tpu.memref_slice %arg14[%dma_start3A_463, %dma_start3A_464] : memref<10000x16xf32, #tpu.memory_space<vmem_shared>> -> memref<10000x16xf32, #tpu.memory_space<vmem_shared>>
          tpu.enqueue_indirect_dma source(%arg12 : memref<80x16xf32, #tpu.memory_space<vmem>>) target(%dma_start3A_465 : memref<10000x16xf32, #tpu.memory_space<vmem_shared>>) offsets(%dma_start3A_462 : memref<80xi32, #tpu.memory_space<vmem>>) semaphore(%run_scoped3A_459 : memref<!tpu.dma_semaphore, #tpu.memory_space<semaphore_mem>>) {add = true}
          %dma_wait3A_466 = arith.constant 0 : i32
          %dma_wait3A_467 = tpu.memref_slice %arg8[%add3A_309, %dma_wait3A_466] : memref<250x80xi32, #tpu.memory_space<vmem>> -> memref<1x80xi32, #tpu.memory_space<vmem>>
          %dma_wait3A_468 = tpu.memref_squeeze %dma_wait3A_467 : memref<1x80xi32, #tpu.memory_space<vmem>> -> memref<80xi32, #tpu.memory_space<vmem>>
          %dma_wait3A_469 = arith.constant 0 : i32
          %dma_wait3A_470 = arith.constant 0 : i32
          %dma_wait3A_471 = tpu.memref_slice %arg14[%dma_wait3A_469, %dma_wait3A_470] : memref<10000x16xf32, #tpu.memory_space<vmem_shared>> -> memref<10000x16xf32, #tpu.memory_space<vmem_shared>>
          tpu.wait_indirect_dma semaphore(%run_scoped3A_459 : memref<!tpu.dma_semaphore, #tpu.memory_space<semaphore_mem>>) src(%arg12 : memref<80x16xf32, #tpu.memory_space<vmem>>) dst(%dma_wait3A_471 : memref<10000x16xf32, #tpu.memory_space<vmem_shared>>)
          tpu.yield
        }) : () -> ()
      } else {
      }
      %add3A_350 = arith.constant 1 : i32
      %add3A_351 = arith.addi %add3A_217, %add3A_350 : i32
      %lt3A_352 = arith.constant 50 : i32
      %lt3A_353 = arith.cmpi slt, %add3A_351, %lt3A_352 : i32
      %convert_element_type3A_354 = arith.extui %lt3A_353 : i1 to i32
      %cond3A_355 = arith.constant 0 : i32
      %cond3A_356 = arith.cmpi ne, %convert_element_type3A_354, %cond3A_355 : i32
      scf.if %cond3A_356 {
        %add3A_459 = arith.constant 1 : i32
        %add3A_460 = arith.addi %add3A_217, %add3A_459 : i32
        %mul3A_461 = arith.constant 5 : i32
        %mul3A_462 = arith.muli %add3A_460, %mul3A_461 : i32
        %add3A_463 = arith.constant 2 : i32
        %add3A_464 = arith.addi %mul3A_462, %add3A_463 : i32
        %dma_start3A_465 = arith.constant 2 : i32
        %dma_start3A_466 = arith.constant 0 : i32
        %dma_start3A_467 = arith.constant 0 : i32
        %dma_start3A_468 = tpu.memref_slice %arg9[%dma_start3A_465, %dma_start3A_466, %dma_start3A_467] : memref<5x80x64xf32, #tpu.memory_space<vmem>> -> memref<1x80x64xf32, #tpu.memory_space<vmem>>
        %dma_start3A_469 = tpu.memref_squeeze %dma_start3A_468 : memref<1x80x64xf32, #tpu.memory_space<vmem>> -> memref<80x64xf32, #tpu.memory_space<vmem>>
        %dma_start3A_470 = arith.constant 0 : i32
        %dma_start3A_471 = tpu.memref_slice %arg7[%add3A_464, %dma_start3A_470] : memref<250x80xi32, #tpu.memory_space<vmem>> -> memref<1x80xi32, #tpu.memory_space<vmem>>
        %dma_start3A_472 = tpu.memref_squeeze %dma_start3A_471 : memref<1x80xi32, #tpu.memory_space<vmem>> -> memref<80xi32, #tpu.memory_space<vmem>>
        %dma_start3A_473 = arith.constant 0 : i32
        %dma_start3A_474 = arith.constant 0 : i32
        %dma_start3A_475 = tpu.memref_slice %arg2[%dma_start3A_473, %dma_start3A_474] : memref<20000x64xf32, #tpu.memory_space<hbm>> -> memref<20000x64xf32, #tpu.memory_space<hbm>>
        tpu.enqueue_indirect_dma source(%dma_start3A_475 : memref<20000x64xf32, #tpu.memory_space<hbm>>) target(%dma_start3A_469 : memref<80x64xf32, #tpu.memory_space<vmem>>) offsets(%dma_start3A_472 : memref<80xi32, #tpu.memory_space<vmem>>) semaphore(%arg17 : memref<!tpu.dma_semaphore, #tpu.memory_space<semaphore_mem>>)
      } else {
      }
      %mul3A_357 = arith.constant 5 : i32
      %mul3A_358 = arith.muli %add3A_217, %mul3A_357 : i32
      %add3A_359 = arith.constant 3 : i32
      %add3A_360 = arith.addi %mul3A_358, %add3A_359 : i32
      %dma_wait3A_361 = arith.constant 3 : i32
      %dma_wait3A_362 = arith.constant 0 : i32
      %dma_wait3A_363 = arith.constant 0 : i32
      %dma_wait3A_364 = tpu.memref_slice %arg9[%dma_wait3A_361, %dma_wait3A_362, %dma_wait3A_363] : memref<5x80x64xf32, #tpu.memory_space<vmem>> -> memref<1x80x64xf32, #tpu.memory_space<vmem>>
      %dma_wait3A_365 = tpu.memref_squeeze %dma_wait3A_364 : memref<1x80x64xf32, #tpu.memory_space<vmem>> -> memref<80x64xf32, #tpu.memory_space<vmem>>
      %dma_wait3A_366 = arith.constant 0 : i32
      %dma_wait3A_367 = tpu.memref_slice %arg7[%add3A_360, %dma_wait3A_366] : memref<250x80xi32, #tpu.memory_space<vmem>> -> memref<1x80xi32, #tpu.memory_space<vmem>>
      %dma_wait3A_368 = tpu.memref_squeeze %dma_wait3A_367 : memref<1x80xi32, #tpu.memory_space<vmem>> -> memref<80xi32, #tpu.memory_space<vmem>>
      %dma_wait3A_369 = arith.constant 0 : i32
      %dma_wait3A_370 = arith.constant 0 : i32
      %dma_wait3A_371 = tpu.memref_slice %arg2[%dma_wait3A_369, %dma_wait3A_370] : memref<20000x64xf32, #tpu.memory_space<hbm>> -> memref<20000x64xf32, #tpu.memory_space<hbm>>
      tpu.wait_indirect_dma semaphore(%arg18 : memref<!tpu.dma_semaphore, #tpu.memory_space<semaphore_mem>>) src(%dma_wait3A_371 : memref<20000x64xf32, #tpu.memory_space<hbm>>) dst(%dma_wait3A_365 : memref<80x64xf32, #tpu.memory_space<vmem>>)
      %run_scoped3A_372 = arith.constant 3 : i32
      "tpu.region"() ({
        %run_scoped3A_459 = tpu.sem_alloc : memref<!tpu.dma_semaphore, #tpu.memory_space<semaphore_mem>>
        %dma_start3A_460 = arith.constant 0 : i32
        %dma_start3A_461 = arith.constant 0 : i32
        %dma_start3A_462 = tpu.memref_slice %arg9[%run_scoped3A_372, %dma_start3A_460, %dma_start3A_461] : memref<5x80x64xf32, #tpu.memory_space<vmem>> -> memref<1x80x64xf32, #tpu.memory_space<vmem>>
        %dma_start3A_463 = tpu.memref_squeeze %dma_start3A_462 : memref<1x80x64xf32, #tpu.memory_space<vmem>> -> memref<80x64xf32, #tpu.memory_space<vmem>>
        %dma_start3A_464 = arith.constant 0 : i32
        %dma_start3A_465 = tpu.memref_slice %arg8[%add3A_360, %dma_start3A_464] : memref<250x80xi32, #tpu.memory_space<vmem>> -> memref<1x80xi32, #tpu.memory_space<vmem>>
        %dma_start3A_466 = tpu.memref_squeeze %dma_start3A_465 : memref<1x80xi32, #tpu.memory_space<vmem>> -> memref<80xi32, #tpu.memory_space<vmem>>
        %dma_start3A_467 = arith.constant 0 : i32
        %dma_start3A_468 = arith.constant 0 : i32
        %dma_start3A_469 = tpu.memref_slice %arg11[%dma_start3A_467, %dma_start3A_468] : memref<10000x64xf32, #tpu.memory_space<vmem_shared>> -> memref<10000x64xf32, #tpu.memory_space<vmem_shared>>
        tpu.enqueue_indirect_dma source(%dma_start3A_463 : memref<80x64xf32, #tpu.memory_space<vmem>>) target(%dma_start3A_469 : memref<10000x64xf32, #tpu.memory_space<vmem_shared>>) offsets(%dma_start3A_466 : memref<80xi32, #tpu.memory_space<vmem>>) semaphore(%run_scoped3A_459 : memref<!tpu.dma_semaphore, #tpu.memory_space<semaphore_mem>>) {add = true}
        %dma_wait3A_470 = arith.constant 0 : i32
        %dma_wait3A_471 = arith.constant 0 : i32
        %dma_wait3A_472 = tpu.memref_slice %arg9[%run_scoped3A_372, %dma_wait3A_470, %dma_wait3A_471] : memref<5x80x64xf32, #tpu.memory_space<vmem>> -> memref<1x80x64xf32, #tpu.memory_space<vmem>>
        %dma_wait3A_473 = tpu.memref_squeeze %dma_wait3A_472 : memref<1x80x64xf32, #tpu.memory_space<vmem>> -> memref<80x64xf32, #tpu.memory_space<vmem>>
        %dma_wait3A_474 = arith.constant 0 : i32
        %dma_wait3A_475 = tpu.memref_slice %arg8[%add3A_360, %dma_wait3A_474] : memref<250x80xi32, #tpu.memory_space<vmem>> -> memref<1x80xi32, #tpu.memory_space<vmem>>
        %dma_wait3A_476 = tpu.memref_squeeze %dma_wait3A_475 : memref<1x80xi32, #tpu.memory_space<vmem>> -> memref<80xi32, #tpu.memory_space<vmem>>
        %dma_wait3A_477 = arith.constant 0 : i32
        %dma_wait3A_478 = arith.constant 0 : i32
        %dma_wait3A_479 = tpu.memref_slice %arg11[%dma_wait3A_477, %dma_wait3A_478] : memref<10000x64xf32, #tpu.memory_space<vmem_shared>> -> memref<10000x64xf32, #tpu.memory_space<vmem_shared>>
        tpu.wait_indirect_dma semaphore(%run_scoped3A_459 : memref<!tpu.dma_semaphore, #tpu.memory_space<semaphore_mem>>) src(%dma_wait3A_473 : memref<80x64xf32, #tpu.memory_space<vmem>>) dst(%dma_wait3A_479 : memref<10000x64xf32, #tpu.memory_space<vmem_shared>>)
        tpu.yield
      }) : () -> ()
      %jit3A_373 = arith.constant 125 : i32
      %div3A_374 = arith.divsi %add3A_360, %jit3A_373 : i32
      %sign3A_375 = arith.constant 0 : i32
      %sign3A_376 = arith.cmpi sgt, %add3A_360, %sign3A_375 : i32
      %sign3A_377 = arith.extui %sign3A_376 : i1 to i32
      %sign3A_378 = arith.constant 0 : i32
      %sign3A_379 = arith.cmpi slt, %add3A_360, %sign3A_378 : i32
      %sign3A_380 = arith.extui %sign3A_379 : i1 to i32
      %sign3A_381 = arith.subi %sign3A_377, %sign3A_380 : i32
      %sign3A_382 = arith.constant 0 : i32
      %sign3A_383 = arith.cmpi sgt, %jit3A_373, %sign3A_382 : i32
      %sign3A_384 = arith.extui %sign3A_383 : i1 to i32
      %sign3A_385 = arith.constant 0 : i32
      %sign3A_386 = arith.cmpi slt, %jit3A_373, %sign3A_385 : i32
      %sign3A_387 = arith.extui %sign3A_386 : i1 to i32
      %sign3A_388 = arith.subi %sign3A_384, %sign3A_387 : i32
      %ne3A_389 = arith.cmpi ne, %sign3A_381, %sign3A_388 : i32
      %rem3A_390 = arith.remsi %add3A_360, %jit3A_373 : i32
      %ne3A_391 = arith.constant 0 : i32
      %ne3A_392 = arith.cmpi ne, %rem3A_390, %ne3A_391 : i32
      %and3A_393 = arith.andi %ne3A_389, %ne3A_392 : i1
      %sub3A_394 = arith.constant 1 : i32
      %sub3A_395 = arith.subi %div3A_374, %sub3A_394 : i32
      %select_n3A_396 = arith.select %and3A_393, %sub3A_395, %div3A_374 : i32
      %eq3A_397 = arith.cmpi eq, %select_n3A_396, %arg0 : i32
      %convert_element_type3A_398 = arith.extui %eq3A_397 : i1 to i32
      %cond3A_399 = arith.constant 0 : i32
      %cond3A_400 = arith.cmpi ne, %convert_element_type3A_398, %cond3A_399 : i32
      scf.if %cond3A_400 {
        "tpu.region"() ({
          %run_scoped3A_459 = tpu.sem_alloc : memref<!tpu.dma_semaphore, #tpu.memory_space<semaphore_mem>>
          %dma_start3A_460 = arith.constant 0 : i32
          %dma_start3A_461 = tpu.memref_slice %arg8[%add3A_360, %dma_start3A_460] : memref<250x80xi32, #tpu.memory_space<vmem>> -> memref<1x80xi32, #tpu.memory_space<vmem>>
          %dma_start3A_462 = tpu.memref_squeeze %dma_start3A_461 : memref<1x80xi32, #tpu.memory_space<vmem>> -> memref<80xi32, #tpu.memory_space<vmem>>
          %dma_start3A_463 = arith.constant 0 : i32
          %dma_start3A_464 = arith.constant 0 : i32
          %dma_start3A_465 = tpu.memref_slice %arg14[%dma_start3A_463, %dma_start3A_464] : memref<10000x16xf32, #tpu.memory_space<vmem_shared>> -> memref<10000x16xf32, #tpu.memory_space<vmem_shared>>
          tpu.enqueue_indirect_dma source(%arg12 : memref<80x16xf32, #tpu.memory_space<vmem>>) target(%dma_start3A_465 : memref<10000x16xf32, #tpu.memory_space<vmem_shared>>) offsets(%dma_start3A_462 : memref<80xi32, #tpu.memory_space<vmem>>) semaphore(%run_scoped3A_459 : memref<!tpu.dma_semaphore, #tpu.memory_space<semaphore_mem>>) {add = true}
          %dma_wait3A_466 = arith.constant 0 : i32
          %dma_wait3A_467 = tpu.memref_slice %arg8[%add3A_360, %dma_wait3A_466] : memref<250x80xi32, #tpu.memory_space<vmem>> -> memref<1x80xi32, #tpu.memory_space<vmem>>
          %dma_wait3A_468 = tpu.memref_squeeze %dma_wait3A_467 : memref<1x80xi32, #tpu.memory_space<vmem>> -> memref<80xi32, #tpu.memory_space<vmem>>
          %dma_wait3A_469 = arith.constant 0 : i32
          %dma_wait3A_470 = arith.constant 0 : i32
          %dma_wait3A_471 = tpu.memref_slice %arg14[%dma_wait3A_469, %dma_wait3A_470] : memref<10000x16xf32, #tpu.memory_space<vmem_shared>> -> memref<10000x16xf32, #tpu.memory_space<vmem_shared>>
          tpu.wait_indirect_dma semaphore(%run_scoped3A_459 : memref<!tpu.dma_semaphore, #tpu.memory_space<semaphore_mem>>) src(%arg12 : memref<80x16xf32, #tpu.memory_space<vmem>>) dst(%dma_wait3A_471 : memref<10000x16xf32, #tpu.memory_space<vmem_shared>>)
          tpu.yield
        }) : () -> ()
      } else {
      }
      %add3A_401 = arith.constant 1 : i32
      %add3A_402 = arith.addi %add3A_217, %add3A_401 : i32
      %lt3A_403 = arith.constant 50 : i32
      %lt3A_404 = arith.cmpi slt, %add3A_402, %lt3A_403 : i32
      %convert_element_type3A_405 = arith.extui %lt3A_404 : i1 to i32
      %cond3A_406 = arith.constant 0 : i32
      %cond3A_407 = arith.cmpi ne, %convert_element_type3A_405, %cond3A_406 : i32
      scf.if %cond3A_407 {
        %add3A_459 = arith.constant 1 : i32
        %add3A_460 = arith.addi %add3A_217, %add3A_459 : i32
        %mul3A_461 = arith.constant 5 : i32
        %mul3A_462 = arith.muli %add3A_460, %mul3A_461 : i32
        %add3A_463 = arith.constant 3 : i32
        %add3A_464 = arith.addi %mul3A_462, %add3A_463 : i32
        %dma_start3A_465 = arith.constant 3 : i32
        %dma_start3A_466 = arith.constant 0 : i32
        %dma_start3A_467 = arith.constant 0 : i32
        %dma_start3A_468 = tpu.memref_slice %arg9[%dma_start3A_465, %dma_start3A_466, %dma_start3A_467] : memref<5x80x64xf32, #tpu.memory_space<vmem>> -> memref<1x80x64xf32, #tpu.memory_space<vmem>>
        %dma_start3A_469 = tpu.memref_squeeze %dma_start3A_468 : memref<1x80x64xf32, #tpu.memory_space<vmem>> -> memref<80x64xf32, #tpu.memory_space<vmem>>
        %dma_start3A_470 = arith.constant 0 : i32
        %dma_start3A_471 = tpu.memref_slice %arg7[%add3A_464, %dma_start3A_470] : memref<250x80xi32, #tpu.memory_space<vmem>> -> memref<1x80xi32, #tpu.memory_space<vmem>>
        %dma_start3A_472 = tpu.memref_squeeze %dma_start3A_471 : memref<1x80xi32, #tpu.memory_space<vmem>> -> memref<80xi32, #tpu.memory_space<vmem>>
        %dma_start3A_473 = arith.constant 0 : i32
        %dma_start3A_474 = arith.constant 0 : i32
        %dma_start3A_475 = tpu.memref_slice %arg2[%dma_start3A_473, %dma_start3A_474] : memref<20000x64xf32, #tpu.memory_space<hbm>> -> memref<20000x64xf32, #tpu.memory_space<hbm>>
        tpu.enqueue_indirect_dma source(%dma_start3A_475 : memref<20000x64xf32, #tpu.memory_space<hbm>>) target(%dma_start3A_469 : memref<80x64xf32, #tpu.memory_space<vmem>>) offsets(%dma_start3A_472 : memref<80xi32, #tpu.memory_space<vmem>>) semaphore(%arg18 : memref<!tpu.dma_semaphore, #tpu.memory_space<semaphore_mem>>)
      } else {
      }
      %mul3A_408 = arith.constant 5 : i32
      %mul3A_409 = arith.muli %add3A_217, %mul3A_408 : i32
      %add3A_410 = arith.constant 4 : i32
      %add3A_411 = arith.addi %mul3A_409, %add3A_410 : i32
      %dma_wait3A_412 = arith.constant 4 : i32
      %dma_wait3A_413 = arith.constant 0 : i32
      %dma_wait3A_414 = arith.constant 0 : i32
      %dma_wait3A_415 = tpu.memref_slice %arg9[%dma_wait3A_412, %dma_wait3A_413, %dma_wait3A_414] : memref<5x80x64xf32, #tpu.memory_space<vmem>> -> memref<1x80x64xf32, #tpu.memory_space<vmem>>
      %dma_wait3A_416 = tpu.memref_squeeze %dma_wait3A_415 : memref<1x80x64xf32, #tpu.memory_space<vmem>> -> memref<80x64xf32, #tpu.memory_space<vmem>>
      %dma_wait3A_417 = arith.constant 0 : i32
      %dma_wait3A_418 = tpu.memref_slice %arg7[%add3A_411, %dma_wait3A_417] : memref<250x80xi32, #tpu.memory_space<vmem>> -> memref<1x80xi32, #tpu.memory_space<vmem>>
      %dma_wait3A_419 = tpu.memref_squeeze %dma_wait3A_418 : memref<1x80xi32, #tpu.memory_space<vmem>> -> memref<80xi32, #tpu.memory_space<vmem>>
      %dma_wait3A_420 = arith.constant 0 : i32
      %dma_wait3A_421 = arith.constant 0 : i32
      %dma_wait3A_422 = tpu.memref_slice %arg2[%dma_wait3A_420, %dma_wait3A_421] : memref<20000x64xf32, #tpu.memory_space<hbm>> -> memref<20000x64xf32, #tpu.memory_space<hbm>>
      tpu.wait_indirect_dma semaphore(%arg19 : memref<!tpu.dma_semaphore, #tpu.memory_space<semaphore_mem>>) src(%dma_wait3A_422 : memref<20000x64xf32, #tpu.memory_space<hbm>>) dst(%dma_wait3A_416 : memref<80x64xf32, #tpu.memory_space<vmem>>)
      %run_scoped3A_423 = arith.constant 4 : i32
      "tpu.region"() ({
        %run_scoped3A_459 = tpu.sem_alloc : memref<!tpu.dma_semaphore, #tpu.memory_space<semaphore_mem>>
        %dma_start3A_460 = arith.constant 0 : i32
        %dma_start3A_461 = arith.constant 0 : i32
        %dma_start3A_462 = tpu.memref_slice %arg9[%run_scoped3A_423, %dma_start3A_460, %dma_start3A_461] : memref<5x80x64xf32, #tpu.memory_space<vmem>> -> memref<1x80x64xf32, #tpu.memory_space<vmem>>
        %dma_start3A_463 = tpu.memref_squeeze %dma_start3A_462 : memref<1x80x64xf32, #tpu.memory_space<vmem>> -> memref<80x64xf32, #tpu.memory_space<vmem>>
        %dma_start3A_464 = arith.constant 0 : i32
        %dma_start3A_465 = tpu.memref_slice %arg8[%add3A_411, %dma_start3A_464] : memref<250x80xi32, #tpu.memory_space<vmem>> -> memref<1x80xi32, #tpu.memory_space<vmem>>
        %dma_start3A_466 = tpu.memref_squeeze %dma_start3A_465 : memref<1x80xi32, #tpu.memory_space<vmem>> -> memref<80xi32, #tpu.memory_space<vmem>>
        %dma_start3A_467 = arith.constant 0 : i32
        %dma_start3A_468 = arith.constant 0 : i32
        %dma_start3A_469 = tpu.memref_slice %arg11[%dma_start3A_467, %dma_start3A_468] : memref<10000x64xf32, #tpu.memory_space<vmem_shared>> -> memref<10000x64xf32, #tpu.memory_space<vmem_shared>>
        tpu.enqueue_indirect_dma source(%dma_start3A_463 : memref<80x64xf32, #tpu.memory_space<vmem>>) target(%dma_start3A_469 : memref<10000x64xf32, #tpu.memory_space<vmem_shared>>) offsets(%dma_start3A_466 : memref<80xi32, #tpu.memory_space<vmem>>) semaphore(%run_scoped3A_459 : memref<!tpu.dma_semaphore, #tpu.memory_space<semaphore_mem>>) {add = true}
        %dma_wait3A_470 = arith.constant 0 : i32
        %dma_wait3A_471 = arith.constant 0 : i32
        %dma_wait3A_472 = tpu.memref_slice %arg9[%run_scoped3A_423, %dma_wait3A_470, %dma_wait3A_471] : memref<5x80x64xf32, #tpu.memory_space<vmem>> -> memref<1x80x64xf32, #tpu.memory_space<vmem>>
        %dma_wait3A_473 = tpu.memref_squeeze %dma_wait3A_472 : memref<1x80x64xf32, #tpu.memory_space<vmem>> -> memref<80x64xf32, #tpu.memory_space<vmem>>
        %dma_wait3A_474 = arith.constant 0 : i32
        %dma_wait3A_475 = tpu.memref_slice %arg8[%add3A_411, %dma_wait3A_474] : memref<250x80xi32, #tpu.memory_space<vmem>> -> memref<1x80xi32, #tpu.memory_space<vmem>>
        %dma_wait3A_476 = tpu.memref_squeeze %dma_wait3A_475 : memref<1x80xi32, #tpu.memory_space<vmem>> -> memref<80xi32, #tpu.memory_space<vmem>>
        %dma_wait3A_477 = arith.constant 0 : i32
        %dma_wait3A_478 = arith.constant 0 : i32
        %dma_wait3A_479 = tpu.memref_slice %arg11[%dma_wait3A_477, %dma_wait3A_478] : memref<10000x64xf32, #tpu.memory_space<vmem_shared>> -> memref<10000x64xf32, #tpu.memory_space<vmem_shared>>
        tpu.wait_indirect_dma semaphore(%run_scoped3A_459 : memref<!tpu.dma_semaphore, #tpu.memory_space<semaphore_mem>>) src(%dma_wait3A_473 : memref<80x64xf32, #tpu.memory_space<vmem>>) dst(%dma_wait3A_479 : memref<10000x64xf32, #tpu.memory_space<vmem_shared>>)
        tpu.yield
      }) : () -> ()
      %jit3A_424 = arith.constant 125 : i32
      %div3A_425 = arith.divsi %add3A_411, %jit3A_424 : i32
      %sign3A_426 = arith.constant 0 : i32
      %sign3A_427 = arith.cmpi sgt, %add3A_411, %sign3A_426 : i32
      %sign3A_428 = arith.extui %sign3A_427 : i1 to i32
      %sign3A_429 = arith.constant 0 : i32
      %sign3A_430 = arith.cmpi slt, %add3A_411, %sign3A_429 : i32
      %sign3A_431 = arith.extui %sign3A_430 : i1 to i32
      %sign3A_432 = arith.subi %sign3A_428, %sign3A_431 : i32
      %sign3A_433 = arith.constant 0 : i32
      %sign3A_434 = arith.cmpi sgt, %jit3A_424, %sign3A_433 : i32
      %sign3A_435 = arith.extui %sign3A_434 : i1 to i32
      %sign3A_436 = arith.constant 0 : i32
      %sign3A_437 = arith.cmpi slt, %jit3A_424, %sign3A_436 : i32
      %sign3A_438 = arith.extui %sign3A_437 : i1 to i32
      %sign3A_439 = arith.subi %sign3A_435, %sign3A_438 : i32
      %ne3A_440 = arith.cmpi ne, %sign3A_432, %sign3A_439 : i32
      %rem3A_441 = arith.remsi %add3A_411, %jit3A_424 : i32
      %ne3A_442 = arith.constant 0 : i32
      %ne3A_443 = arith.cmpi ne, %rem3A_441, %ne3A_442 : i32
      %and3A_444 = arith.andi %ne3A_440, %ne3A_443 : i1
      %sub3A_445 = arith.constant 1 : i32
      %sub3A_446 = arith.subi %div3A_425, %sub3A_445 : i32
      %select_n3A_447 = arith.select %and3A_444, %sub3A_446, %div3A_425 : i32
      %eq3A_448 = arith.cmpi eq, %select_n3A_447, %arg0 : i32
      %convert_element_type3A_449 = arith.extui %eq3A_448 : i1 to i32
      %cond3A_450 = arith.constant 0 : i32
      %cond3A_451 = arith.cmpi ne, %convert_element_type3A_449, %cond3A_450 : i32
      scf.if %cond3A_451 {
        "tpu.region"() ({
          %run_scoped3A_459 = tpu.sem_alloc : memref<!tpu.dma_semaphore, #tpu.memory_space<semaphore_mem>>
          %dma_start3A_460 = arith.constant 0 : i32
          %dma_start3A_461 = tpu.memref_slice %arg8[%add3A_411, %dma_start3A_460] : memref<250x80xi32, #tpu.memory_space<vmem>> -> memref<1x80xi32, #tpu.memory_space<vmem>>
          %dma_start3A_462 = tpu.memref_squeeze %dma_start3A_461 : memref<1x80xi32, #tpu.memory_space<vmem>> -> memref<80xi32, #tpu.memory_space<vmem>>
          %dma_start3A_463 = arith.constant 0 : i32
          %dma_start3A_464 = arith.constant 0 : i32
          %dma_start3A_465 = tpu.memref_slice %arg14[%dma_start3A_463, %dma_start3A_464] : memref<10000x16xf32, #tpu.memory_space<vmem_shared>> -> memref<10000x16xf32, #tpu.memory_space<vmem_shared>>
          tpu.enqueue_indirect_dma source(%arg12 : memref<80x16xf32, #tpu.memory_space<vmem>>) target(%dma_start3A_465 : memref<10000x16xf32, #tpu.memory_space<vmem_shared>>) offsets(%dma_start3A_462 : memref<80xi32, #tpu.memory_space<vmem>>) semaphore(%run_scoped3A_459 : memref<!tpu.dma_semaphore, #tpu.memory_space<semaphore_mem>>) {add = true}
          %dma_wait3A_466 = arith.constant 0 : i32
          %dma_wait3A_467 = tpu.memref_slice %arg8[%add3A_411, %dma_wait3A_466] : memref<250x80xi32, #tpu.memory_space<vmem>> -> memref<1x80xi32, #tpu.memory_space<vmem>>
          %dma_wait3A_468 = tpu.memref_squeeze %dma_wait3A_467 : memref<1x80xi32, #tpu.memory_space<vmem>> -> memref<80xi32, #tpu.memory_space<vmem>>
          %dma_wait3A_469 = arith.constant 0 : i32
          %dma_wait3A_470 = arith.constant 0 : i32
          %dma_wait3A_471 = tpu.memref_slice %arg14[%dma_wait3A_469, %dma_wait3A_470] : memref<10000x16xf32, #tpu.memory_space<vmem_shared>> -> memref<10000x16xf32, #tpu.memory_space<vmem_shared>>
          tpu.wait_indirect_dma semaphore(%run_scoped3A_459 : memref<!tpu.dma_semaphore, #tpu.memory_space<semaphore_mem>>) src(%arg12 : memref<80x16xf32, #tpu.memory_space<vmem>>) dst(%dma_wait3A_471 : memref<10000x16xf32, #tpu.memory_space<vmem_shared>>)
          tpu.yield
        }) : () -> ()
      } else {
      }
      %add3A_452 = arith.constant 1 : i32
      %add3A_453 = arith.addi %add3A_217, %add3A_452 : i32
      %lt3A_454 = arith.constant 50 : i32
      %lt3A_455 = arith.cmpi slt, %add3A_453, %lt3A_454 : i32
      %convert_element_type3A_456 = arith.extui %lt3A_455 : i1 to i32
      %cond3A_457 = arith.constant 0 : i32
      %cond3A_458 = arith.cmpi ne, %convert_element_type3A_456, %cond3A_457 : i32
      scf.if %cond3A_458 {
        %add3A_459 = arith.constant 1 : i32
        %add3A_460 = arith.addi %add3A_217, %add3A_459 : i32
        %mul3A_461 = arith.constant 5 : i32
        %mul3A_462 = arith.muli %add3A_460, %mul3A_461 : i32
        %add3A_463 = arith.constant 4 : i32
        %add3A_464 = arith.addi %mul3A_462, %add3A_463 : i32
        %dma_start3A_465 = arith.constant 4 : i32
        %dma_start3A_466 = arith.constant 0 : i32
        %dma_start3A_467 = arith.constant 0 : i32
        %dma_start3A_468 = tpu.memref_slice %arg9[%dma_start3A_465, %dma_start3A_466, %dma_start3A_467] : memref<5x80x64xf32, #tpu.memory_space<vmem>> -> memref<1x80x64xf32, #tpu.memory_space<vmem>>
        %dma_start3A_469 = tpu.memref_squeeze %dma_start3A_468 : memref<1x80x64xf32, #tpu.memory_space<vmem>> -> memref<80x64xf32, #tpu.memory_space<vmem>>
        %dma_start3A_470 = arith.constant 0 : i32
        %dma_start3A_471 = tpu.memref_slice %arg7[%add3A_464, %dma_start3A_470] : memref<250x80xi32, #tpu.memory_space<vmem>> -> memref<1x80xi32, #tpu.memory_space<vmem>>
        %dma_start3A_472 = tpu.memref_squeeze %dma_start3A_471 : memref<1x80xi32, #tpu.memory_space<vmem>> -> memref<80xi32, #tpu.memory_space<vmem>>
        %dma_start3A_473 = arith.constant 0 : i32
        %dma_start3A_474 = arith.constant 0 : i32
        %dma_start3A_475 = tpu.memref_slice %arg2[%dma_start3A_473, %dma_start3A_474] : memref<20000x64xf32, #tpu.memory_space<hbm>> -> memref<20000x64xf32, #tpu.memory_space<hbm>>
        tpu.enqueue_indirect_dma source(%dma_start3A_475 : memref<20000x64xf32, #tpu.memory_space<hbm>>) target(%dma_start3A_469 : memref<80x64xf32, #tpu.memory_space<vmem>>) offsets(%dma_start3A_472 : memref<80xi32, #tpu.memory_space<vmem>>) semaphore(%arg19 : memref<!tpu.dma_semaphore, #tpu.memory_space<semaphore_mem>>)
      } else {
      }
    }
    %scan3A_205 = arith.constant 50 : i32
    %barrier3A_206 = arith.constant 0 : index
    tpu.barrier barrier_id(%barrier3A_206)
    %mul3A_207 = arith.constant 625 : i32
    %mul3A_208 = arith.muli %arg1, %mul3A_207 : i32
    %mul3A_209 = arith.constant 64 : i32
    %mul3A_210 = arith.muli %arg0, %mul3A_209 : i32
    "tpu.region"() ({
      %run_scoped3A = tpu.sem_alloc : memref<!tpu.dma_semaphore, #tpu.memory_space<semaphore_mem>>
      %dma_start3A_213 = tpu.memref_slice %arg5[%mul3A_208, %mul3A_210] : memref<10000x128xf32, #tpu.memory_space<hbm>> -> memref<625x64xf32, #tpu.memory_space<hbm>>
      %dma_start3A_214 = arith.constant 0 : i32
      %dma_start3A_215 = tpu.memref_slice %arg11[%mul3A_208, %dma_start3A_214] : memref<10000x64xf32, #tpu.memory_space<vmem_shared>> -> memref<625x64xf32, #tpu.memory_space<vmem_shared>>
      tpu.enqueue_dma source(%dma_start3A_215 : memref<625x64xf32, #tpu.memory_space<vmem_shared>>) target(%dma_start3A_213 : memref<625x64xf32, #tpu.memory_space<hbm>>) target_semaphore(%run_scoped3A : memref<!tpu.dma_semaphore, #tpu.memory_space<semaphore_mem>>)
      %dma_wait3A = tpu.memref_slice %arg5[%mul3A_208, %mul3A_210] : memref<10000x128xf32, #tpu.memory_space<hbm>> -> memref<625x64xf32, #tpu.memory_space<hbm>>
      %dma_wait3A_216 = arith.constant 0 : i32
      %dma_wait3A_217 = tpu.memref_slice %arg11[%mul3A_208, %dma_wait3A_216] : memref<10000x64xf32, #tpu.memory_space<vmem_shared>> -> memref<625x64xf32, #tpu.memory_space<vmem_shared>>
      tpu.wait_dma2 semaphore(%run_scoped3A : memref<!tpu.dma_semaphore, #tpu.memory_space<semaphore_mem>>) src(%dma_wait3A_217 : memref<625x64xf32, #tpu.memory_space<vmem_shared>>) dst(%dma_wait3A : memref<625x64xf32, #tpu.memory_space<hbm>>)
      tpu.yield
    }) : () -> ()
    %mul3A_211 = arith.constant 16 : i32
    %mul3A_212 = arith.muli %arg0, %mul3A_211 : i32
    "tpu.region"() ({
      %run_scoped3A = tpu.sem_alloc : memref<!tpu.dma_semaphore, #tpu.memory_space<semaphore_mem>>
      %dma_start3A_213 = tpu.memref_slice %arg6[%mul3A_208, %mul3A_212] : memref<10000x128xf32, #tpu.memory_space<hbm>> -> memref<625x16xf32, #tpu.memory_space<hbm>>
      %dma_start3A_214 = arith.constant 0 : i32
      %dma_start3A_215 = tpu.memref_slice %arg14[%mul3A_208, %dma_start3A_214] : memref<10000x16xf32, #tpu.memory_space<vmem_shared>> -> memref<625x16xf32, #tpu.memory_space<vmem_shared>>
      tpu.enqueue_dma source(%dma_start3A_215 : memref<625x16xf32, #tpu.memory_space<vmem_shared>>) target(%dma_start3A_213 : memref<625x16xf32, #tpu.memory_space<hbm>>) target_semaphore(%run_scoped3A : memref<!tpu.dma_semaphore, #tpu.memory_space<semaphore_mem>>)
      %dma_wait3A = tpu.memref_slice %arg6[%mul3A_208, %mul3A_212] : memref<10000x128xf32, #tpu.memory_space<hbm>> -> memref<625x16xf32, #tpu.memory_space<hbm>>
      %dma_wait3A_216 = arith.constant 0 : i32
      %dma_wait3A_217 = tpu.memref_slice %arg14[%mul3A_208, %dma_wait3A_216] : memref<10000x16xf32, #tpu.memory_space<vmem_shared>> -> memref<625x16xf32, #tpu.memory_space<vmem_shared>>
      tpu.wait_dma2 semaphore(%run_scoped3A : memref<!tpu.dma_semaphore, #tpu.memory_space<semaphore_mem>>) src(%dma_wait3A_217 : memref<625x16xf32, #tpu.memory_space<vmem_shared>>) dst(%dma_wait3A : memref<625x16xf32, #tpu.memory_space<hbm>>)
      tpu.yield
    }) : () -> ()
    return
  }
}

module attributes {stable_mosaic.version = 14 : i64} {
  func.func @body(%arg0: i32, %arg1: memref<1000x128xf32, #tpu.memory_space<vmem>>, %arg2: memref<1000x128xf32, #tpu.memory_space<vmem>>, %arg3: memref<1000x128xf32, #tpu.memory_space<vmem>>, %arg4: memref<128x128xf32, #tpu.memory_space<vmem>>, %arg5: memref<1x128xf32, #tpu.memory_space<vmem>>, %arg6: memref<128x128xf32, #tpu.memory_space<vmem>>, %arg7: memref<128x64xf32, #tpu.memory_space<vmem>>, %arg8: memref<1x64xf32, #tpu.memory_space<vmem>>, %arg9: memref<128x64xf32, #tpu.memory_space<vmem>>, %arg10: memref<1000x64xf32, #tpu.memory_space<vmem>>, %arg11: memref<1000x64xf32, #tpu.memory_space<vmem>>) attributes {dimension_semantics = [#tpu.dimension_semantics<arbitrary>], iteration_bounds = array<i64: 10>, scalar_prefetch = 0 : i64, scratch_operands = 0 : i64, tpu.core_type = #tpu.core_type<tc>, window_params = [{transform_indices = @transform_0, window_bounds = array<i64: 1000, 128>}, {transform_indices = @transform_1, window_bounds = array<i64: 1000, 128>}, {transform_indices = @transform_2, window_bounds = array<i64: 1000, 128>}, {pipeline_mode = #tpu.pipeline_mode<synchronous>, transform_indices = @transform_3, window_bounds = array<i64: 128, 128>}, {pipeline_mode = #tpu.pipeline_mode<synchronous>, transform_indices = @transform_4, window_bounds = array<i64: 1, 128>}, {pipeline_mode = #tpu.pipeline_mode<synchronous>, transform_indices = @transform_5, window_bounds = array<i64: 128, 128>}, {pipeline_mode = #tpu.pipeline_mode<synchronous>, transform_indices = @transform_6, window_bounds = array<i64: 128, 64>}, {pipeline_mode = #tpu.pipeline_mode<synchronous>, transform_indices = @transform_7, window_bounds = array<i64: 1, 64>}, {pipeline_mode = #tpu.pipeline_mode<synchronous>, transform_indices = @transform_8, window_bounds = array<i64: 128, 64>}, {transform_indices = @transform_9, window_bounds = array<i64: 1000, 64>}, {transform_indices = @transform_10, window_bounds = array<i64: 1000, 64>}]} {
    %get3A = arith.constant 0 : index
    %get3A_0 = arith.constant 0 : index
    %get3A_1 = vector.load %arg2[%get3A, %get3A_0] : memref<1000x128xf32, #tpu.memory_space<vmem>>, vector<1000x128xf32>
    %slice3A = vector.extract_strided_slice %get3A_1 {offsets = [0, 0], sizes = [1000, 1], strides = [1, 1]} : vector<1000x128xf32> to vector<1000x1xf32>
    %slice3A_2 = vector.extract_strided_slice %get3A_1 {offsets = [0, 16], sizes = [1000, 1], strides = [1, 1]} : vector<1000x128xf32> to vector<1000x1xf32>
    %add3A = arith.addf %slice3A, %slice3A_2 : vector<1000x1xf32>
    %max3A = arith.constant 1.000000e+00 : f32
    %max3A_3 = vector.broadcast %max3A : f32 to vector<1000x1xf32>
    %max3A_4 = arith.maximumf %add3A, %max3A_3 : vector<1000x1xf32>
    %get3A_5 = arith.constant 0 : index
    %get3A_6 = arith.constant 0 : index
    %get3A_7 = vector.load %arg1[%get3A_5, %get3A_6] : memref<1000x128xf32, #tpu.memory_space<vmem>>, vector<1000x128xf32>
    %div3A = arith.constant 1.000000e+00 : f32
    %div3A_8 = vector.broadcast %div3A : f32 to vector<1000x1xf32>
    %div3A_9 = arith.divf %div3A_8, %max3A_4 : vector<1000x1xf32>
    %mul3A = vector.broadcast %div3A_9 : vector<1000x1xf32> to vector<1000x128xf32>
    %mul3A_10 = arith.mulf %get3A_7, %mul3A : vector<1000x128xf32>
    %get3A_11 = arith.constant 0 : index
    %get3A_12 = arith.constant 0 : index
    %get3A_13 = vector.load %arg4[%get3A_11, %get3A_12] : memref<128x128xf32, #tpu.memory_space<vmem>>, vector<128x128xf32>
    %dot_general3A = arith.constant dense<0.000000e+00> : vector<1000x128xf32>
    %dot_general3A_14 = tpu.matmul %mul3A_10, %get3A_13, %dot_general3A {dimension_numbers = #tpu.dot_dimension_numbers<[1], [0], [0], [1], [0, 0, 1, 1], [], []>, transpose_lhs_hint = false} : vector<1000x128xf32>, vector<128x128xf32>, vector<1000x128xf32> -> vector<1000x128xf32>
    %get3A_15 = arith.constant 0 : index
    %get3A_16 = arith.constant 0 : index
    %get3A_17 = vector.load %arg3[%get3A_15, %get3A_16] : memref<1000x128xf32, #tpu.memory_space<vmem>>, vector<1000x128xf32>
    %get3A_18 = arith.constant 0 : index
    %get3A_19 = arith.constant 0 : index
    %get3A_20 = vector.load %arg6[%get3A_18, %get3A_19] : memref<128x128xf32, #tpu.memory_space<vmem>>, vector<128x128xf32>
    %dot_general3A_21 = arith.constant dense<0.000000e+00> : vector<1000x128xf32>
    %dot_general3A_22 = tpu.matmul %get3A_17, %get3A_20, %dot_general3A_21 {dimension_numbers = #tpu.dot_dimension_numbers<[1], [0], [0], [1], [0, 0, 1, 1], [], []>, transpose_lhs_hint = false} : vector<1000x128xf32>, vector<128x128xf32>, vector<1000x128xf32> -> vector<1000x128xf32>
    %add3A_23 = arith.addf %dot_general3A_14, %dot_general3A_22 : vector<1000x128xf32>
    %get3A_24 = arith.constant 0 : index
    %get3A_25 = arith.constant 0 : index
    %get3A_26 = vector.load %arg5[%get3A_24, %get3A_25] : memref<1x128xf32, #tpu.memory_space<vmem>>, vector<1x128xf32>
    %add3A_27 = vector.broadcast %get3A_26 : vector<1x128xf32> to vector<1000x128xf32>
    %add3A_28 = arith.addf %add3A_23, %add3A_27 : vector<1000x128xf32>
    %mul3A_29 = arith.mulf %add3A_28, %add3A_28 : vector<1000x128xf32>
    %reduce_sum3A = arith.constant dense<0.000000e+00> : vector<1000xf32>
    %reduce_sum3A_30 = vector.multi_reduction <add>, %mul3A_29, %reduce_sum3A [1] : vector<1000x128xf32> to vector<1000xf32>
    %broadcast_in_dim3A = vector.shape_cast %reduce_sum3A_30 : vector<1000xf32> to vector<1000x1xf32>
    %sqrt3A = math.sqrt %broadcast_in_dim3A : vector<1000x1xf32>
    %max3A_31 = arith.constant 9.99999996E-13 : f32
    %max3A_32 = vector.broadcast %max3A_31 : f32 to vector<1000x1xf32>
    %max3A_33 = arith.maximumf %sqrt3A, %max3A_32 : vector<1000x1xf32>
    %div3A_34 = vector.broadcast %max3A_33 : vector<1000x1xf32> to vector<1000x128xf32>
    %div3A_35 = arith.divf %add3A_28, %div3A_34 : vector<1000x128xf32>
    %max3A_36 = arith.constant 0.000000e+00 : f32
    %max3A_37 = vector.broadcast %max3A_36 : f32 to vector<1000x128xf32>
    %max3A_38 = arith.maximumf %div3A_35, %max3A_37 : vector<1000x128xf32>
    %get3A_39 = arith.constant 0 : index
    %get3A_40 = arith.constant 0 : index
    %get3A_41 = vector.load %arg7[%get3A_39, %get3A_40] : memref<128x64xf32, #tpu.memory_space<vmem>>, vector<128x64xf32>
    %dot_general3A_42 = arith.constant dense<0.000000e+00> : vector<1000x64xf32>
    %dot_general3A_43 = tpu.matmul %max3A_38, %get3A_41, %dot_general3A_42 {dimension_numbers = #tpu.dot_dimension_numbers<[1], [0], [0], [1], [0, 0, 1, 1], [], []>, transpose_lhs_hint = false} : vector<1000x128xf32>, vector<128x64xf32>, vector<1000x64xf32> -> vector<1000x64xf32>
    %swap3A = arith.constant 0 : index
    %swap3A_44 = arith.constant 0 : index
    %swap3A_45 = vector.load %arg10[%swap3A, %swap3A_44] : memref<1000x64xf32, #tpu.memory_space<vmem>>, vector<1000x64xf32>
    tpu.vector_store %arg10[%swap3A, %swap3A_44], %dot_general3A_43 {strides = array<i32>} : memref<1000x64xf32, #tpu.memory_space<vmem>>, vector<1000x64xf32>,
    %get3A_46 = arith.constant 0 : index
    %get3A_47 = arith.constant 0 : index
    %get3A_48 = vector.load %arg9[%get3A_46, %get3A_47] : memref<128x64xf32, #tpu.memory_space<vmem>>, vector<128x64xf32>
    %dot_general3A_49 = arith.constant dense<0.000000e+00> : vector<1000x64xf32>
    %dot_general3A_50 = tpu.matmul %max3A_38, %get3A_48, %dot_general3A_49 {dimension_numbers = #tpu.dot_dimension_numbers<[1], [0], [0], [1], [0, 0, 1, 1], [], []>, transpose_lhs_hint = false} : vector<1000x128xf32>, vector<128x64xf32>, vector<1000x64xf32> -> vector<1000x64xf32>
    %get3A_51 = arith.constant 0 : index
    %get3A_52 = arith.constant 0 : index
    %get3A_53 = vector.load %arg8[%get3A_51, %get3A_52] : memref<1x64xf32, #tpu.memory_space<vmem>>, vector<1x64xf32>
    %add3A_54 = vector.broadcast %get3A_53 : vector<1x64xf32> to vector<1000x64xf32>
    %add3A_55 = arith.addf %dot_general3A_50, %add3A_54 : vector<1000x64xf32>
    %swap3A_56 = arith.constant 0 : index
    %swap3A_57 = arith.constant 0 : index
    %swap3A_58 = vector.load %arg11[%swap3A_56, %swap3A_57] : memref<1000x64xf32, #tpu.memory_space<vmem>>, vector<1000x64xf32>
    tpu.vector_store %arg11[%swap3A_56, %swap3A_57], %add3A_55 {strides = array<i32>} : memref<1000x64xf32, #tpu.memory_space<vmem>>, vector<1000x64xf32>,
    return
  }
  func.func @transform_0(%arg0: i32) -> (i32, i32) {
    %c0_i32 = arith.constant 0 : i32
    %c0_i32_0 = arith.constant 0 : i32
    return %arg0, %c0_i32 : i32, i32
  }
  func.func @transform_1(%arg0: i32) -> (i32, i32) {
    %c0_i32 = arith.constant 0 : i32
    %c0_i32_0 = arith.constant 0 : i32
    return %arg0, %c0_i32 : i32, i32
  }
  func.func @transform_2(%arg0: i32) -> (i32, i32) {
    %c0_i32 = arith.constant 0 : i32
    %c0_i32_0 = arith.constant 0 : i32
    return %arg0, %c0_i32 : i32, i32
  }
  func.func @transform_3(%arg0: i32) -> (i32, i32) {
    %c0_i32 = arith.constant 0 : i32
    %c0_i32_0 = arith.constant 0 : i32
    %c0_i32_1 = arith.constant 0 : i32
    return %c0_i32, %c0_i32_0 : i32, i32
  }
  func.func @transform_4(%arg0: i32) -> (i32, i32) {
    %c0_i32 = arith.constant 0 : i32
    %c0_i32_0 = arith.constant 0 : i32
    %c0_i32_1 = arith.constant 0 : i32
    return %c0_i32, %c0_i32_0 : i32, i32
  }
  func.func @transform_5(%arg0: i32) -> (i32, i32) {
    %c0_i32 = arith.constant 0 : i32
    %c0_i32_0 = arith.constant 0 : i32
    %c0_i32_1 = arith.constant 0 : i32
    return %c0_i32, %c0_i32_0 : i32, i32
  }
  func.func @transform_6(%arg0: i32) -> (i32, i32) {
    %c0_i32 = arith.constant 0 : i32
    %c0_i32_0 = arith.constant 0 : i32
    %c0_i32_1 = arith.constant 0 : i32
    return %c0_i32, %c0_i32_0 : i32, i32
  }
  func.func @transform_7(%arg0: i32) -> (i32, i32) {
    %c0_i32 = arith.constant 0 : i32
    %c0_i32_0 = arith.constant 0 : i32
    %c0_i32_1 = arith.constant 0 : i32
    return %c0_i32, %c0_i32_0 : i32, i32
  }
  func.func @transform_8(%arg0: i32) -> (i32, i32) {
    %c0_i32 = arith.constant 0 : i32
    %c0_i32_0 = arith.constant 0 : i32
    %c0_i32_1 = arith.constant 0 : i32
    return %c0_i32, %c0_i32_0 : i32, i32
  }
  func.func @transform_9(%arg0: i32) -> (i32, i32) {
    %c0_i32 = arith.constant 0 : i32
    %c0_i32_0 = arith.constant 0 : i32
    return %arg0, %c0_i32 : i32, i32
  }
  func.func @transform_10(%arg0: i32) -> (i32, i32) {
    %c0_i32 = arith.constant 0 : i32
    %c0_i32_0 = arith.constant 0 : i32
    return %arg0, %c0_i32 : i32, i32
  }
}

module attributes {stable_mosaic.version = 14 : i64} {
  func.func @body(%arg0: i32, %arg1: memref<1000x128xf32, #tpu.memory_space<vmem>>, %arg2: memref<1000x128xf32, #tpu.memory_space<vmem>>, %arg3: memref<1000x64xf32, #tpu.memory_space<vmem>>, %arg4: memref<1000x64xf32, #tpu.memory_space<vmem>>) attributes {dimension_semantics = [#tpu.dimension_semantics<arbitrary>], iteration_bounds = array<i64: 10>, scalar_prefetch = 0 : i64, scratch_operands = 0 : i64, tpu.core_type = #tpu.core_type<tc>, window_params = [{transform_indices = @transform_0, window_bounds = array<i64: 1000, 128>}, {transform_indices = @transform_1, window_bounds = array<i64: 1000, 128>}, {transform_indices = @transform_2, window_bounds = array<i64: 1000, 64>}, {transform_indices = @transform_3, window_bounds = array<i64: 1000, 64>}]} {
    %get3A = arith.constant 0 : index
    %get3A_0 = arith.constant 0 : index
    %get3A_1 = vector.load %arg2[%get3A, %get3A_0] : memref<1000x128xf32, #tpu.memory_space<vmem>>, vector<1000x128xf32>
    %slice3A = vector.extract_strided_slice %get3A_1 {offsets = [0, 0], sizes = [1000, 1], strides = [1, 1]} : vector<1000x128xf32> to vector<1000x1xf32>
    %slice3A_2 = vector.extract_strided_slice %get3A_1 {offsets = [0, 16], sizes = [1000, 1], strides = [1, 1]} : vector<1000x128xf32> to vector<1000x1xf32>
    %add3A = arith.addf %slice3A, %slice3A_2 : vector<1000x1xf32>
    %max3A = arith.constant 1.000000e+00 : f32
    %max3A_3 = vector.broadcast %max3A : f32 to vector<1000x1xf32>
    %max3A_4 = arith.maximumf %add3A, %max3A_3 : vector<1000x1xf32>
    %get3A_5 = arith.constant 0 : index
    %get3A_6 = arith.constant 0 : index
    %get3A_7 = vector.load %arg1[%get3A_5, %get3A_6] : memref<1000x128xf32, #tpu.memory_space<vmem>>, vector<1000x128xf32>
    %slice3A_8 = vector.extract_strided_slice %get3A_7 {offsets = [0, 0], sizes = [1000, 64], strides = [1, 1]} : vector<1000x128xf32> to vector<1000x64xf32>
    %slice3A_9 = vector.extract_strided_slice %get3A_7 {offsets = [0, 64], sizes = [1000, 64], strides = [1, 1]} : vector<1000x128xf32> to vector<1000x64xf32>
    %add3A_10 = arith.addf %slice3A_8, %slice3A_9 : vector<1000x64xf32>
    %div3A = vector.broadcast %max3A_4 : vector<1000x1xf32> to vector<1000x64xf32>
    %div3A_11 = arith.divf %add3A_10, %div3A : vector<1000x64xf32>
    %get3A_12 = arith.constant 0 : index
    %get3A_13 = arith.constant 0 : index
    %get3A_14 = vector.load %arg3[%get3A_12, %get3A_13] : memref<1000x64xf32, #tpu.memory_space<vmem>>, vector<1000x64xf32>
    %add3A_15 = arith.addf %div3A_11, %get3A_14 : vector<1000x64xf32>
    %mul3A = arith.mulf %add3A_15, %add3A_15 : vector<1000x64xf32>
    %reduce_sum3A = arith.constant dense<0.000000e+00> : vector<1000xf32>
    %reduce_sum3A_16 = vector.multi_reduction <add>, %mul3A, %reduce_sum3A [1] : vector<1000x64xf32> to vector<1000xf32>
    %broadcast_in_dim3A = vector.shape_cast %reduce_sum3A_16 : vector<1000xf32> to vector<1000x1xf32>
    %sqrt3A = math.sqrt %broadcast_in_dim3A : vector<1000x1xf32>
    %max3A_17 = arith.constant 9.99999996E-13 : f32
    %max3A_18 = vector.broadcast %max3A_17 : f32 to vector<1000x1xf32>
    %max3A_19 = arith.maximumf %sqrt3A, %max3A_18 : vector<1000x1xf32>
    %div3A_20 = vector.broadcast %max3A_19 : vector<1000x1xf32> to vector<1000x64xf32>
    %div3A_21 = arith.divf %add3A_15, %div3A_20 : vector<1000x64xf32>
    %reduce_max3A = arith.constant dense<0xFF800000> : vector<1000xf32>
    %reduce_max3A_22 = vector.multi_reduction <maximumf>, %div3A_21, %reduce_max3A [1] : vector<1000x64xf32> to vector<1000xf32>
    %broadcast_in_dim3A_23 = vector.shape_cast %reduce_max3A_22 : vector<1000xf32> to vector<1000x1xf32>
    %sub3A = vector.broadcast %broadcast_in_dim3A_23 : vector<1000x1xf32> to vector<1000x64xf32>
    %sub3A_24 = arith.subf %div3A_21, %sub3A : vector<1000x64xf32>
    %exp3A = math.exp %sub3A_24 : vector<1000x64xf32>
    %reduce_sum3A_25 = arith.constant dense<0.000000e+00> : vector<1000xf32>
    %reduce_sum3A_26 = vector.multi_reduction <add>, %exp3A, %reduce_sum3A_25 [1] : vector<1000x64xf32> to vector<1000xf32>
    %broadcast_in_dim3A_27 = vector.shape_cast %reduce_sum3A_26 : vector<1000xf32> to vector<1000x1xf32>
    %log3A = math.log %broadcast_in_dim3A_27 : vector<1000x1xf32>
    %sub3A_28 = vector.broadcast %broadcast_in_dim3A_23 : vector<1000x1xf32> to vector<1000x64xf32>
    %sub3A_29 = arith.subf %div3A_21, %sub3A_28 : vector<1000x64xf32>
    %sub3A_30 = vector.broadcast %log3A : vector<1000x1xf32> to vector<1000x64xf32>
    %sub3A_31 = arith.subf %sub3A_29, %sub3A_30 : vector<1000x64xf32>
    %swap3A = arith.constant 0 : index
    %swap3A_32 = arith.constant 0 : index
    %swap3A_33 = vector.load %arg4[%swap3A, %swap3A_32] : memref<1000x64xf32, #tpu.memory_space<vmem>>, vector<1000x64xf32>
    tpu.vector_store %arg4[%swap3A, %swap3A_32], %sub3A_31 {strides = array<i32>} : memref<1000x64xf32, #tpu.memory_space<vmem>>, vector<1000x64xf32>,
    return
  }
  func.func @transform_0(%arg0: i32) -> (i32, i32) {
    %c0_i32 = arith.constant 0 : i32
    %c0_i32_0 = arith.constant 0 : i32
    return %arg0, %c0_i32 : i32, i32
  }
  func.func @transform_1(%arg0: i32) -> (i32, i32) {
    %c0_i32 = arith.constant 0 : i32
    %c0_i32_0 = arith.constant 0 : i32
    return %arg0, %c0_i32 : i32, i32
  }
  func.func @transform_2(%arg0: i32) -> (i32, i32) {
    %c0_i32 = arith.constant 0 : i32
    %c0_i32_0 = arith.constant 0 : i32
    return %arg0, %c0_i32 : i32, i32
  }
  func.func @transform_3(%arg0: i32) -> (i32, i32) {
    %c0_i32 = arith.constant 0 : i32
    %c0_i32_0 = arith.constant 0 : i32
    return %arg0, %c0_i32 : i32, i32
  }
}

</mosaic_0001>

<sc_bundles>
// kernel: kernel.6.cloned.1.call-start
scs
__scs_entry_jumppad:
0x0: {  	(pc) =	sbr.rel $0x88, $3  }
0x1: {  	(tag) =	ssettag $0x0;
	lr =	simm.s32 $0x1  }
0x2: {  	[smem:$0x3F99] =	sst lr;
	_ =	strace $0xD0000000  }
0x3: {  	_ = 	snop  }
0x4: {  	_ = 	snop  }
0x5: {  	_ = 	snop  }
0x6: {  	_ = 	snop  }
0x7: {  	_ = 	snop  }
__scs_overlays_trampoline_lowered:
0x8: {  	[smem:$0x3FA8] =	sst s0  }
0x9: {  	[smem:$0x3FA9] =	sst s1  }
0xa: {  	[smem:$0x3FAA] =	sst s2  }
0xb: {  	[smem:$0x3FAB] =	sst s3  }
0xc: {  	[smem:$0x3FAC] =	sst s4  }
0xd: {  	[smem:$0x3FAD] =	sst s5  }
0xe: {  	[smem:$0x3FAE] =	sst s6  }
0xf: {  	[smem:$0x3FAF] =	sst s7  }
0x10: {  	[smem:$0x3FB0] =	sst s8  }
0x11: {  	[smem:$0x3FB1] =	sst s9;
	s0 =	simm.s32 @!p0 $0x0  }
0x12: {  	s1 =	sld [smem:$0x3F97];
	s0 =	simm.s32 @p0 $0x1  }
0x13: {  	[smem:$0x3FB2] =	sst s0;
	s0 =	simm.s32 @!p1 $0x0  }
0x14: {  	s2 =	sld [smem:$0x3F96];
	s0 =	simm.s32 @p1 $0x1  }
0x15: {  	[smem:$0x3FB3] =	sst s0;
	s0 =	simm.s32 @!p2 $0x0  }
0x16: {  	s3 =	sld [smem:$0x3FDB];
	s0 =	simm.s32 @p2 $0x1  }
0x17: {  	s4 =	simm.s32 $0x1BF5;
	[smem:$0x3FB5] =	sst s0  }
0x18: {  	s0 =	sld [smem:$0x3F98];
	_ =	swait.ge [sflag:s4], $0x0  }
0x19: {  	s7 =	sld [smem:$0x3F99]  }
0x1a: {  	s8 =	sadd.s32 $0xFFFFE003, lr  }
0x1b: {  	s9 =	sadd.s32 $0xFFFFFEF7, lr;
	s5 =	simm.s32 $0xFFFFFFFF;
	p2 =	slt.u32 s8, $0xFFFFF086  }
0x1c: {  	p1 =	slt.u32 s9, $0xF7A;
	s5 =	simm.s32 @!p2 $0x0  }
0x1d: {  	s5 =	simm.s32 @p1 $0x1;
	p0 =	seq.s32 s7, s2  }
0x1e: {  	s7 =	smul.u32 @!p0 $0xF7A, s2;
	p2 =	seq.s32 @!p0 s5, $0x0  }
0x1f: {  	s9 =	smul.u32 $0xF7A, s1;
	s8 =	simm.s32 @!p0 $0x1BF5;
	p2 =	por !p2, p0  }
0x20: {  	[sflag:s8] =	ssyncset.s32 @!p0 $0xFFFFF086;
	s6 =	sadd.s32 @!p0 s3, s7;
	s7 =	simm.s32 @!p0 $0x108  }
0x21: {  	s3 =	sadd.s32 s3, s9;
	s6 =	sadd.s32 @!p0 $0x88, s6;
	s7 =	simm.s32 @p2 $0x1082  }
0x22: {  	[simem:s7], [sflag:s8] =	dma.local @!p0 [hbm:s6], $0xF7A  }
0x23: {  	s9 =	sor.u32 $0xD0000000, s2;
	s6 =	simm.s32 $0x108;
	_ =	swait.ge @!p0 [sflag:s8], $0x0  }
0x24: {  	s3 =	sadd.s32 $0x88, s3;
	s6 =	simm.s32 @!p1 $0x1082;
	[sflag:s4] =	ssyncset.s32 $0xFFFFF086  }
0x25: {  	[simem:s6], [sflag:s4] =	dma.local [hbm:s3], $0xF7A  }
0x26: {  	[smem:$0x3F99] =	sst s1;
	(tag) =	ssettag s2;
	_ =	strace s9  }
0x27: {  	s1 =	sld [smem:$0x3FA9]  }
0x28: {  	s2 =	sld [smem:$0x3FAA]  }
0x29: {  	s4 =	sld [smem:$0x3FAC]  }
0x2a: {  	p0 =	seq.s32 s5, $0x0;
	s5 =	sld [smem:$0x3FAD]  }
0x2b: {  	s6 =	sld [smem:$0x3FAE]  }
0x2c: {  	s7 =	sld [smem:$0x3FAF]  }
0x2d: {  	s3 =	simm.s32 $0x108;
	s8 =	sld [smem:$0x3FB0]  }
0x2e: {  	s3 =	simm.s32 @!p0 $0x1082;
	s9 =	sld [smem:$0x3FB1]  }
0x2f: {  	lr =	sadd.s32 s0, s3;
	s0 =	sld [smem:$0x3FA8]  }
0x30: {  	s3 =	sld [smem:$0x3FAB]  }
0x31: {  	[smem:$0x3FB4] =	sst s10  }
0x32: {  	s10 =	sld [smem:$0x3FB2];
	_ =	sdelay $0x3  }
0x33: {  	p0 =	seq.s32 s10, $0x1;
	s10 =	sld [smem:$0x3FB4];
	_ =	sdelay $0x3  }
0x34: {  	[smem:$0x3FB4] =	sst s10  }
0x35: {  	s10 =	sld [smem:$0x3FB3];
	_ =	sdelay $0x3  }
0x36: {  	p1 =	seq.s32 s10, $0x1;
	s10 =	sld [smem:$0x3FB4];
	_ =	sdelay $0x3  }
0x37: {  	[smem:$0x3FB4] =	sst s10  }
0x38: {  	s10 =	sld [smem:$0x3FB5]  }
0x39: {  	_ = 	snop;
	(pc) =	sbr.ind lr, $3  }
0x3a: {  	_ = 	snop  }
0x3b: {  	_ = 	snop  }
0x3c: {  	p2 =	seq.s32 s10, $0x1;
	s10 =	sld [smem:$0x3FB4]  }
0x3d: {  	_ =	shalt  }
0x3e: {  	_ =	shalt  }
0x3f: {  	_ =	shalt  }
0x40: {  	_ =	shalt  }
0x41: {  	_ =	shalt  }
0x42: {  	_ =	shalt  }
0x43: {  	_ =	shalt  }
0x44: {  	_ =	shalt  }
0x45: {  	_ =	shalt  }
0x46: {  	_ =	shalt  }
0x47: {  	_ =	shalt  }
0x48: {  	_ =	shalt  }
0x49: {  	_ =	shalt  }
0x4a: {  	_ =	shalt  }
0x4b: {  	_ =	shalt  }
0x4c: {  	_ =	shalt  }
0x4d: {  	_ =	shalt  }
0x4e: {  	_ =	shalt  }
0x4f: {  	_ =	shalt  }
0x50: {  	_ =	shalt  }
0x51: {  	_ =	shalt  }
0x52: {  	_ =	shalt  }
0x53: {  	_ =	shalt  }
0x54: {  	_ =	shalt  }
0x55: {  	_ =	shalt  }
0x56: {  	_ =	shalt  }
0x57: {  	_ =	shalt  }
0x58: {  	_ =	shalt  }
0x59: {  	_ =	shalt  }
0x5a: {  	_ =	shalt  }
0x5b: {  	_ =	shalt  }
0x5c: {  	_ =	shalt  }
0x5d: {  	_ =	shalt  }
0x5e: {  	_ =	shalt  }
0x5f: {  	_ =	shalt  }
0x60: {  	_ =	shalt  }
0x61: {  	_ =	shalt  }
0x62: {  	_ =	shalt  }
0x63: {  	_ =	shalt  }
0x64: {  	_ =	shalt  }
0x65: {  	_ =	shalt  }
0x66: {  	_ =	shalt  }
0x67: {  	_ =	shalt  }
0x68: {  	_ =	shalt  }
0x69: {  	_ =	shalt  }
0x6a: {  	_ =	shalt  }
0x6b: {  	_ =	shalt  }
0x6c: {  	_ =	shalt  }
0x6d: {  	_ =	shalt  }
0x6e: {  	_ =	shalt  }
0x6f: {  	_ =	shalt  }
0x70: {  	_ =	shalt  }
0x71: {  	_ =	shalt  }
0x72: {  	_ =	shalt  }
0x73: {  	_ =	shalt  }
0x74: {  	_ =	shalt  }
0x75: {  	_ =	shalt  }
0x76: {  	_ =	shalt  }
0x77: {  	_ =	shalt  }
0x78: {  	_ =	shalt  }
0x79: {  	_ =	shalt  }
0x7a: {  	_ =	shalt  }
0x7b: {  	_ =	shalt  }
0x7c: {  	_ =	shalt  }
0x7d: {  	_ =	shalt  }
0x7e: {  	_ =	shalt  }
0x7f: {  	_ =	shalt  }
0x80: {  	_ =	shalt  }
0x81: {  	_ =	shalt  }
0x82: {  	_ =	shalt  }
0x83: {  	_ =	shalt  }
0x84: {  	_ =	shalt  }
0x85: {  	_ =	shalt  }
0x86: {  	_ =	shalt  }
0x87: {  	_ =	shalt  }
.Lfunc_end0:
.L_simem_size_0:
called_computation_lowered:
.L_overlay_start_0:
0x88: {  	s2 =	sld [smem:$0x3FD9]  }
0x89: {  	s3 =	sld [smem:$0x3FFE];
	_ =	sdelay $0x1  }
0x8a: {  	s1 =	srdreg.scid  }
0x8b: {  	s0 =	sand.u32 $0x1, s1  }
0x8c: {  	s17 =	sshll.u32 s0, $0xA;
	s2 =	sadd.s32 s3, s2  }
0x8d: {  	s2 =	sadd.s32 s2, s17  }
0x8e: {  	[smem:$0x3FC0] =	sst s2  }
0x8f: {  	_ = 	snop  }
0x90: {  	s2 =	sld [smem:$0x3FC9];
	(tm) =	ssettm $0x1  }
0x91: {  	s18 =	sld [smem:$0x3FFB];
	_ =	sdelay $0x3  }
0x92: {  	_ =	strace s18  }
0x93: {  	s3 =	sld [smem:$0x3FFC];
	_ =	sdelay $0x3  }
0x94: {  	_ =	strace s3  }
0x95: {  	s3 =	sld [smem:$0x3FFD];
	_ =	sdelay $0x3  }
0x96: {  	_ =	strace s3  }
0x97: {  	_ =	strace $0x8FFFFFFF  }
0x98: {  	s19 =	sld [smem:$0x3FDB];
	_ =	sdelay $0x1  }
0x99: {  	s4 =	simm.s32 $_scs_section_size  }
0x9a: {  	s5 =	simm.s32 $_size__tile_overlayer_lowered;
	s6 =	simm.s32 $_tile_overlayer_lowered  }
0x9b: {  	s22 =	simm.s32 $0x1BFF;
	s21 =	sshll.u32 s6, $0x1;
	s3 =	sadd.s32 s4, s19  }
0x9c: {  	s7 =	simm.s32 $0x0;
	s20 =	sshll.u32 s5, $0x1;
	s5 =	sadd.s32 s21, s3  }
0x9d: {  	[timem:s7], [sflag:s22] =	dma.local [hbm:s5], s20  }
0x9e: {  	_ =	swait.ge [sflag:s22], s20  }
0x9f: {  	s4 =	ssub.s32 $0x0, s20;
	[sflag:s22] =	ssyncset.done $0x0  }
0xa0: {  	[sflag:s22] =	ssyncadd.s32 s4;
	_ =	sdelay $0x1  }
0xa1: {  	s23 =	simm.s32 $0x1B8B  }
0xa2: {  	_ =	swait.ge [sflag:s23], $0x1  }
0xa3: {  	[sflag:s23] =	ssyncset.done $0x0  }
0xa4: {  	s25 =	simm.s32 $0x1B8E;
	s24 =	sld [smem:$0x3FFE];
	[sflag:s23] =	ssyncadd.s32 $0xFFFFFFFF  }
0xa5: {  	s26 =	simm.s32 $execute0_lowered;
	[smem:$0x3FD2] =	sst s25  }
0xa6: {  	s5 =	sshll.u32 s26, $0x1;
	_ =	strace $0x80000046;
	[dreg:$0x1] =	wrdreg $0xFFFFFFFF  }
0xa7: {  	s28 =	simm.s32 $_size_execute0_lowered;
	s3 =	sadd.s32 s3, s5;
	[dreg:$0x0] =	wrdreg $0x0  }
0xa8: {  	s5 =	sshll.u32 s28, $0x1;
	[dreg:$0x2] =	wrdreg s3  }
0xa9: {  	[dreg:$0x3] =	wrdreg s5  }
0xaa: {  	[dreg:$0x4] =	wrdreg $0xC0  }
0xab: {  	_ =	task [dreg:s7], $0x5FFFF  }
0xac: {  	[dreg:$0x1] =	wrdreg $0xFFFFFFFF  }
0xad: {  	[dreg:$0x0] =	wrdreg $0x60  }
0xae: {  	[dreg:$0x2] =	wrdreg s2  }
0xaf: {  	[dreg:$0x3] =	wrdreg s24  }
0xb0: {  	[dreg:$0x4] =	wrdreg $0x106800  }
0xb1: {  	[dreg:$0x5] =	wrdreg $0x1AF900  }
0xb2: {  	[dreg:$0x6] =	wrdreg $0x9  }
0xb3: {  	_ =	task.clear_ibuf [dreg:s7], $0x7FFFF;
	_ =	strace $0x90000046  }
0xb4: {  	s29 =	simm.s32 $0x9;
	_ =	strace $0x80000048  }
0xb5: {  	_ =	swait.ge [sflag:s29], $0x1  }
0xb6: {  	[sflag:s29] =	ssyncadd.s32 $0xFFFFFFFF  }
0xb7: {  	_ =	strace $0x90000048  }
0xb8: {  	_ =	sfence  }
0xb9: {  	s30 =	sld [smem:$0x0];
	_ =	sdelay $0x2  }
0xba: {  	s31 =	sshll.u32 s1, $0xD;
	s1 =	sshrl.u32 s1, $0x2  }
0xbb: {  	s3 =	sand.u32 $0x4000, s31;
	s1 =	sadd.s32 s1, s30  }
0xbc: {  	s0 =	sor.u32 s3, s0;
	s1 =	sshll.u32 s1, $0x11  }
0xbd: {  	s0 =	sor.u32 s1, s0  }
0xbe: {  	s0 =	sadd.s32 $0x8F2B, s0  }
0xbf: {  	[sflag:s0] =	ssyncadd.remote.s32 $0x1  }
0xc0: {  	_ =	sfence.sel $0xFFFF  }
0xc1: {  	[dreg:$0x0] =	wrdreg $0xFFFFFFFF;
	(pc) =	sbr.abs _section_cstart, $3  }
0xc2: {  	[dreg:$0x1] =	wrdreg $0xFFFFFFFF  }
0xc3: {  	_ =	task.clear_ibuf [dreg:s7], $0x2FFFF;
	_ =	strace $0x9FFFFFFF  }
0xc4: {  	(tm) =	ssettm $0x7FFFFFFF  }
0xc5: {  	_ =	shalt  }
tec
execute0_lowered:
.L_overlay_start_1:
0x0: {  	(tag) =	ssettag $0x1  }
0x1: {  	s1 =	rddreg [dreg:$0x0]  }
0x2: {  	s2 =	rddreg [dreg:$0x1]  }
0x3: {  	s3 =	rddreg [dreg:$0x2]  }
0x4: {  	s4 =	rddreg [dreg:$0x3];
	s14 =	stileid.u32  }
0x5: {  	s0 =	srdreg.scid;
	s5 =	smul.u32 $0x13880, s14  }
0x6: {  	s6 =	simm.s32 $0x0;
	s28 =	simm.s32 $0x4;
	s23 =	smul.u32 $0x9C4, s14  }
0x7: {  	s29 =	simm.s32 $0x5;
	s30 =	simm.s32 $0x10;
	s9 =	smul.u32 $0x27100, s14  }
0x8: {  	s31 =	simm.s32 $0x0;
	s0 =	sand.u32 $0x1, s0;
	s10 =	smul.u32 $0x271, s14  }
0x9: {  	[smem:$0x7FF] =	sst s6;
	s14 =	smul.u32 $0x9C40, s14;
	s7 =	sshll.u32 s0, $0x6  }
0xa: {  	_ =	strace $0x80000047;
	s8 =	sshll.u32 s0, $0x4;
	s24 =	ssub.s32 $0x2, s0  }
0xb: {  	s7 =	sor.u32 s7, s5;
	s6 =	sadd.s32 s23, s2;
	s5 =	sor.u32 s8, s5  }
0xc: {  	s25 =	sshrl.u32 s24, $0x1;
	s26 =	sshrl.u32 s9, $0x2;
	s11 =	sadd.s32 $0xB800, s6  }
0xd: {  	s6 =	sadd.s32 $0x1A00, s6;
	s8 =	sadd.s32 s26, s3;
	[dreg:$0x5] =	wrdreg s11  }
0xe: {  	s15 =	sadd.s32 $0x7D, s10;
	[dreg:$0x6] =	wrdreg s6;
	s12 =	sadd.s32 $0x640, s8  }
0xf: {  	s19 =	sadd.s32 $0xFA, s10;
	s13 =	sadd.s32 $0xC80, s8;
	[dreg:$0x7] =	wrdreg s12  }
0x10: {  	s22 =	sshrl.u32 s14, $0x2;
	s16 =	sadd.s32 $0x12C0, s8;
	[dreg:$0x8] =	wrdreg s13  }
0x11: {  	s18 =	sshll.u32 s15, $0x6;
	s17 =	sadd.s32 $0x1900, s8;
	[dreg:$0x9] =	wrdreg s16  }
0x12: {  	s7 =	sshrl.u32 s7, $0x3;
	s9 =	sadd.s32 s18, s3;
	[dreg:$0xa] =	wrdreg s17  }
0x13: {  	s5 =	sshrl.u32 s5, $0x3;
	s14 =	sadd.s32 $0x44C0, s8;
	[dreg:$0xb] =	wrdreg s9  }
0x14: {  	s6 =	sshll.u32 s15, $0x4;
	s15 =	sadd.s32 $0x4B00, s8;
	[dreg:$0x1a] =	wrdreg s14  }
0x15: {  	s7 =	sadd.s32 s7, s2;
	s18 =	sadd.s32 $0x5780, s8;
	[dreg:$0x1b] =	wrdreg s15  }
0x16: {  	s2 =	sadd.s32 s5, s2;
	s6 =	sadd.s32 s6, s4;
	[dreg:$0x1d] =	wrdreg s18  }
0x17: {  	s5 =	ssub.s32 s24, s25;
	s7 =	sadd.s32 $0x15600, s7;
	[dreg:$0xf] =	wrdreg s6  }
0x18: {  	s11 =	sadd.s32 $0x177, s10;
	s2 =	sadd.s32 $0x3C800, s2;
	[dreg:$0x13] =	wrdreg s7  }
0x19: {  	s13 =	sshll.u32 s11, $0x6;
	s9 =	smax.u32 s5, $0x1;
	[dreg:$0x14] =	wrdreg s2  }
0x1a: {  	s24 =	sshll.u32 s11, $0x4;
	s11 =	sadd.s32 $0x2BC0, s8;
	[dreg:$0x15] =	wrdreg s9  }
0x1b: {  	s23 =	sshll.u32 s19, $0x4;
	s16 =	sadd.s32 $0x5140, s8;
	[dreg:$0x17] =	wrdreg s11  }
0x1c: {  	s12 =	sshll.u32 s19, $0x6;
	s19 =	sadd.s32 $0x6400, s8;
	[dreg:$0x1c] =	wrdreg s16  }
0x1d: {  	s17 =	sadd.s32 s22, s4;
	s22 =	sadd.s32 $0x76C0, s8;
	[dreg:$0x1e] =	wrdreg s19  }
0x1e: {  	p0 =	seq.s32 s0, $0x1;
	s12 =	sadd.s32 s12, s3;
	[smem:$0x7F9] =	sst s22  }
0x1f: {  	s10 =	sadd.s32 $0x1F4, s10;
	s20 =	sadd.s32 s13, s3;
	[dreg:$0xc] =	wrdreg s12  }
0x20: {  	s21 =	sshll.u32 s10, $0x6;
	s6 =	sadd.s32 s23, s4;
	[dreg:$0xd] =	wrdreg s20  }
0x21: {  	s10 =	sshll.u32 s10, $0x4;
	s25 =	sadd.s32 s24, s4;
	[dreg:$0x10] =	wrdreg s6  }
0x22: {  	p1 =	por !p0, !p0;
	s26 =	sadd.s32 s10, s4;
	[dreg:$0x11] =	wrdreg s25  }
0x23: {  	s14 =	simm.s32 $0x6;
	s10 =	sadd.s32 $0x2580, s8;
	[dreg:$0x12] =	wrdreg s26  }
0x24: {  	s15 =	simm.s32 $0x10040;
	s13 =	sadd.s32 $0x3840, s8;
	[dreg:$0x16] =	wrdreg s10  }
0x25: {  	s18 =	simm.s32 $0x50;
	s23 =	sadd.s32 $0x8340, s8;
	[dreg:$0x19] =	wrdreg s13  }
0x26: {  	s24 =	sadd.s32 $0x8980, s8;
	s16 =	simm.s32 $0x1A7C0;
	[smem:$0x7FA] =	sst s23  }
0x27: {  	s19 =	simm.s32 $0x9C40;
	s12 =	sadd.s32 s21, s3;
	[smem:$0x7FB] =	sst s24  }
0x28: {  	s22 =	simm.s32 $0xD840;
	s20 =	sadd.s32 $0x6A40, s8;
	[dreg:$0xe] =	wrdreg s12  }
0x29: {  	s21 =	sadd.s32 $0x7080, s8;
	s25 =	sadd.s32 $0x8FC0, s8;
	[dreg:$0x1f] =	wrdreg s20  }
0x2a: {  	s26 =	sadd.s32 $0x9600, s8;
	s23 =	simm.s32 $0xEC40;
	[smem:$0x7F8] =	sst s21  }
0x2b: {  	s24 =	simm.s32 $0x1;
	s12 =	sadd.s32 $0x3200, s8;
	[smem:$0x7FC] =	sst s25  }
0x2c: {  	[smem:$0x7FD] =	sst s26;
	s20 =	simm.s32 $0xB040;
	s21 =	simm.s32 $0xC440  }
0x2d: {  	v1 =	vimm.f32 $0.0e+00;
	v2 =	vimm.f32 $1.000000000e+00;
	v0 =	vmov s0;
	s25 =	simm.s32 $0x2;
	s26 =	simm.s32 $0x3;
	[dreg:$0x18] =	wrdreg s12  }
.LBB2_1:
0x2e: {  	s0 =	simm.s32 $0x0;
	s2 =	rddreg [dreg:$0x5]  }
0x2f: {  	[tilespmem:s0], [sflag:$0x6] =	stream.linear.gather [hbm4b:s2+s0], $0x4E20, $0x38;
	[tilespmem:$0x1D6A0] =	vst v63  }
0x30: {  	_ =	swait.ge [sflag:s14], $0x4E20  }
0x31: {  	[sflag:s14] =	ssyncset.done $0x0  }
0x32: {  	s5 =	simm.s32 $0x4E20;
	s13 =	rddreg [dreg:$0x6];
	[sflag:s14] =	ssyncadd.s32 $0xFFFFB1E0  }
0x33: {  	[tilespmem:s5], [sflag:$0x6] =	stream.linear.gather [hbm4b:s13+s0], $0x4E20, $0x38;
	[tilespmem:$0x1D6A0] =	vst v63  }
0x34: {  	_ =	swait.ge [sflag:s14], $0x4E20  }
0x35: {  	[sflag:s14] =	ssyncset.done $0x0  }
0x36: {  	s2 =	simm.s32 $0x0;
	s0 =	simm.s32 $0x100;
	[sflag:s14] =	ssyncadd.s32 $0xFFFFB1E0  }
.LBB2_2:
0x37: {  	p2 =	sne.s32 s0, $0x1800;
	[tilespmem:s2+$0x10070] =	vst v1;
	s5 =	smov.u32 s0;
	s0 =	sadd.s32 $0x100, s0  }
.Ltmp0:
0x38: {  	[tilespmem:s2+$0x10060] =	vst v1;
	(pc) =	sbr.rel @p2 .LBB2_2-.Ltmp0, $3  }
0x39: {  	[tilespmem:s2+$0x10040] =	vst v1  }
0x3a: {  	[tilespmem:s2+$0x10050] =	vst v1;
	_ =	sdelay $0x1  }
0x3b: {  	s2 =	sshra.s32 s5, $0x2  }
0x3c: {  	[tilespmem:s2+$0x10070] =	vst v1  }
0x3d: {  	[tilespmem:s2+$0x10060] =	vst v1  }
0x3e: {  	[tilespmem:s2+$0x10040] =	vst v1  }
0x3f: {  	s0 =	simm.s32 $0x0;
	[tilespmem:s2+$0x10050] =	vst v1;
	s2 =	simm.s32 $0x40;
	s5 =	simm.s32 $0x0  }
.LBB2_4:
0x40: {  	p2 =	sne.s32 s2, $0x13C0;
	[tilespmem:s5+$0x1A2C0] =	vst v2;
	s5 =	smov.u32 s2;
	s2 =	sadd.s32 $0x40, s2  }
.Ltmp1:
0x41: {  	(pc) =	sbr.rel @p2 .LBB2_4-.Ltmp1, $2  }
0x42: {  	_ =	sdelay $0x2  }
0x43: {  	s5 =	sshra.s32 s5, $0x2  }
0x44: {  	[tilespmem:s5+$0x1A2C0] =	vst v2  }
.LBB2_6:
0x45: {  	p2 =	sne.s32 s0, $0x1F00  }
.Ltmp2:
0x46: {  	_ = 	snop;
	(pc) =	sbr.rel @p2 .LBB2_6-.Ltmp2, $3  }
0x47: {  	_ =	sdelay $0x1  }
0x48: {  	s2 =	sshra.s32 s0, $0x2  }
0x49: {  	s0 =	sadd.s32 $0x40, s0;
	[tilespmem:s2+$0x1A7C0] =	vst v1  }
0x4a: {  	s0 =	simm.s32 $0x40  }
0x4b: {  	v3 =	vld [tilespmem:s0+$0xFFFFFFC0]  }
0x4c: {  	v4 =	vld [tilespmem:s0+$0xFFFFFFD0]  }
0x4d: {  	v5 =	vld [tilespmem:s0+$0xFFFFFFE0]  }
0x4e: {  	v6 =	vld [tilespmem:s0+$0x0]  }
0x4f: {  	v7 =	vld [tilespmem:s0+$0xFFFFFFF0]  }
0x50: {  	v3 =	vshll.u32 v3, $0x1  }
0x51: {  	v4 =	vshll.u32 v4, $0x1;
	v3 =	vor.u32 v0, v3  }
0x52: {  	s2 =	simm.s32 $0x90;
	v5 =	vshll.u32 v5, $0x1;
	v4 =	vor.u32 v0, v4;
	[tilespmem:s0+$0xFFFFFFC0] =	vst v3  }
0x53: {  	v6 =	vshll.u32 v6, $0x1;
	v5 =	vor.u32 v0, v5;
	v3 =	vld [tilespmem:s2+$0xFFFFFFC0];
	[tilespmem:s0+$0xFFFFFFD0] =	vst v4  }
0x54: {  	v7 =	vshll.u32 v7, $0x1;
	v8 =	vor.u32 v0, v6;
	v4 =	vld [tilespmem:s2+$0xFFFFFFD0];
	[tilespmem:s0+$0xFFFFFFE0] =	vst v5  }
0x55: {  	s5 =	simm.s32 $0x380;
	v6 =	vor.u32 v0, v7;
	v5 =	vld [tilespmem:s2+$0xFFFFFFE0];
	[tilespmem:s0+$0x0] =	vst v8  }
.LBB2_8:
0x56: {  	p2 =	sne.s32 s5, $0x13840;
	v7 =	vld [tilespmem:s2+$0x0];
	[tilespmem:s0+$0xFFFFFFF0] =	vst v6;
	s0 =	smov.u32 s2  }
0x57: {  	v6 =	vld [tilespmem:s0+$0xFFFFFFF0]  }
0x58: {  	v3 =	vshll.u32 v3, $0x1  }
.Ltmp3:
0x59: {  	v3 =	vor.u32 v0, v3;
	v4 =	vshll.u32 v4, $0x1;
	(pc) =	sbr.rel @p2 .LBB2_8-.Ltmp3, $4  }
0x5a: {  	s2 =	sshra.s32 s5, $0x2;
	[tilespmem:s0+$0xFFFFFFC0] =	vst v3;
	v4 =	vor.u32 v0, v4;
	v5 =	vshll.u32 v5, $0x1  }
0x5b: {  	v3 =	vld [tilespmem:s2+$0xFFFFFFC0];
	[tilespmem:s0+$0xFFFFFFD0] =	vst v4;
	v5 =	vor.u32 v0, v5;
	v7 =	vshll.u32 v7, $0x1  }
0x5c: {  	v4 =	vld [tilespmem:s2+$0xFFFFFFD0];
	[tilespmem:s0+$0xFFFFFFE0] =	vst v5;
	v6 =	vshll.u32 v6, $0x1;
	v7 =	vor.u32 v0, v7  }
0x5d: {  	s5 =	sadd.s32 $0x140, s5;
	v5 =	vld [tilespmem:s2+$0xFFFFFFE0];
	v6 =	vor.u32 v0, v6;
	[tilespmem:s0+$0x0] =	vst v7  }
0x5e: {  	v7 =	vld [tilespmem:s2+$0x0];
	[tilespmem:s0+$0xFFFFFFF0] =	vst v6  }
0x5f: {  	v6 =	vld [tilespmem:s2+$0xFFFFFFF0]  }
0x60: {  	v3 =	vshll.u32 v3, $0x1  }
0x61: {  	v3 =	vor.u32 v0, v3;
	v4 =	vshll.u32 v4, $0x1  }
0x62: {  	[tilespmem:s2+$0xFFFFFFC0] =	vst v3;
	v3 =	vor.u32 v0, v4;
	v62 =	vshll.u32 v5, $0x1  }
0x63: {  	[tilespmem:s2+$0xFFFFFFD0] =	vst v3;
	v3 =	vor.u32 v0, v62;
	v63 =	vshll.u32 v7, $0x1  }
0x64: {  	[tilespmem:s2+$0xFFFFFFE0] =	vst v3;
	v3 =	vshll.u32 v6, $0x1;
	v4 =	vor.u32 v0, v63  }
0x65: {  	v3 =	vor.u32 v0, v3;
	[tilespmem:s2+$0x0] =	vst v4  }
0x66: {  	[tilespmem:s2+$0xFFFFFFF0] =	vst v3  }
0x67: {  	[spmem:s8] =	stream.linear.scatter [tilespmem:s15], [sflag:$0x6], $0x640, $0x38;
	[tilespmem:$0x1D6A0] =	vst v63  }
0x68: {  	_ =	swait.ge [sflag:s14], $0x640  }
0x69: {  	[sflag:s14] =	ssyncset.done $0x0  }
0x6a: {  	s10 =	rddreg [dreg:$0x7];
	[sflag:s14] =	ssyncadd.s32 $0xFFFFF9C0  }
0x6b: {  	[spmem:s10] =	stream.linear.scatter [tilespmem:s15], [sflag:$0x6], $0x640, $0x38;
	[tilespmem:$0x1D6A0] =	vst v63  }
0x6c: {  	_ =	swait.ge [sflag:s14], $0x640  }
0x6d: {  	[sflag:s14] =	ssyncset.done $0x0  }
0x6e: {  	s11 =	rddreg [dreg:$0x8];
	[sflag:s14] =	ssyncadd.s32 $0xFFFFF9C0  }
0x6f: {  	[spmem:s11] =	stream.linear.scatter [tilespmem:s15], [sflag:$0x6], $0x640, $0x38;
	[tilespmem:$0x1D6A0] =	vst v63  }
0x70: {  	_ =	swait.ge [sflag:s14], $0x640  }
0x71: {  	[sflag:s14] =	ssyncset.done $0x0  }
0x72: {  	s12 =	rddreg [dreg:$0x9];
	[sflag:s14] =	ssyncadd.s32 $0xFFFFF9C0  }
0x73: {  	[spmem:s12] =	stream.linear.scatter [tilespmem:s15], [sflag:$0x6], $0x640, $0x38;
	[tilespmem:$0x1D6A0] =	vst v63  }
0x74: {  	_ =	swait.ge [sflag:s14], $0x640  }
0x75: {  	[sflag:s14] =	ssyncset.done $0x0  }
0x76: {  	s13 =	rddreg [dreg:$0xa];
	[sflag:s14] =	ssyncadd.s32 $0xFFFFF9C0  }
0x77: {  	[spmem:s13] =	stream.linear.scatter [tilespmem:s15], [sflag:$0x6], $0x640, $0x38;
	[tilespmem:$0x1D6A0] =	vst v63  }
0x78: {  	_ =	swait.ge [sflag:s14], $0x640  }
0x79: {  	[sflag:s14] =	ssyncset.done $0x0  }
0x7a: {  	s2 =	rddreg [dreg:$0xb];
	[sflag:s14] =	ssyncadd.s32 $0xFFFFF9C0  }
0x7b: {  	[spmem:s2] =	stream.linear.scatter [tilespmem:s15], [sflag:$0x6], $0x640, $0x38;
	[tilespmem:$0x1D6A0] =	vst v63  }
0x7c: {  	_ =	swait.ge [sflag:s14], $0x640  }
0x7d: {  	[sflag:s14] =	ssyncset.done $0x0  }
0x7e: {  	s5 =	rddreg [dreg:$0x16];
	[sflag:s14] =	ssyncadd.s32 $0xFFFFF9C0  }
0x7f: {  	[spmem:s5] =	stream.linear.scatter [tilespmem:s15], [sflag:$0x6], $0x640, $0x38;
	[tilespmem:$0x1D6A0] =	vst v63  }
0x80: {  	_ =	swait.ge [sflag:s14], $0x640  }
0x81: {  	[sflag:s14] =	ssyncset.done $0x0  }
0x82: {  	s6 =	rddreg [dreg:$0x17];
	[sflag:s14] =	ssyncadd.s32 $0xFFFFF9C0  }
0x83: {  	[spmem:s6] =	stream.linear.scatter [tilespmem:s15], [sflag:$0x6], $0x640, $0x38;
	[tilespmem:$0x1D6A0] =	vst v63  }
0x84: {  	_ =	swait.ge [sflag:s14], $0x640  }
0x85: {  	[sflag:s14] =	ssyncset.done $0x0  }
0x86: {  	s7 =	rddreg [dreg:$0x18];
	[sflag:s14] =	ssyncadd.s32 $0xFFFFF9C0  }
0x87: {  	[spmem:s7] =	stream.linear.scatter [tilespmem:s15], [sflag:$0x6], $0x640, $0x38;
	[tilespmem:$0x1D6A0] =	vst v63  }
0x88: {  	_ =	swait.ge [sflag:s14], $0x640  }
0x89: {  	[sflag:s14] =	ssyncset.done $0x0  }
0x8a: {  	s9 =	rddreg [dreg:$0x19];
	[sflag:s14] =	ssyncadd.s32 $0xFFFFF9C0  }
0x8b: {  	[spmem:s9] =	stream.linear.scatter [tilespmem:s15], [sflag:$0x6], $0x640, $0x38;
	[tilespmem:$0x1D6A0] =	vst v63  }
0x8c: {  	_ =	swait.ge [sflag:s14], $0x640  }
0x8d: {  	[sflag:s14] =	ssyncset.done $0x0  }
0x8e: {  	s10 =	rddreg [dreg:$0xc];
	[sflag:s14] =	ssyncadd.s32 $0xFFFFF9C0  }
0x8f: {  	[spmem:s10] =	stream.linear.scatter [tilespmem:s15], [sflag:$0x6], $0x640, $0x38;
	[tilespmem:$0x1D6A0] =	vst v63  }
0x90: {  	_ =	swait.ge [sflag:s14], $0x640  }
0x91: {  	[sflag:s14] =	ssyncset.done $0x0  }
0x92: {  	s11 =	rddreg [dreg:$0x1a];
	[sflag:s14] =	ssyncadd.s32 $0xFFFFF9C0  }
0x93: {  	[spmem:s11] =	stream.linear.scatter [tilespmem:s15], [sflag:$0x6], $0x640, $0x38;
	[tilespmem:$0x1D6A0] =	vst v63  }
0x94: {  	_ =	swait.ge [sflag:s14], $0x640  }
0x95: {  	[sflag:s14] =	ssyncset.done $0x0  }
0x96: {  	s12 =	rddreg [dreg:$0x1b];
	[sflag:s14] =	ssyncadd.s32 $0xFFFFF9C0  }
0x97: {  	[spmem:s12] =	stream.linear.scatter [tilespmem:s15], [sflag:$0x6], $0x640, $0x38;
	[tilespmem:$0x1D6A0] =	vst v63  }
0x98: {  	_ =	swait.ge [sflag:s14], $0x640  }
0x99: {  	[sflag:s14] =	ssyncset.done $0x0  }
0x9a: {  	s13 =	rddreg [dreg:$0x1c];
	[sflag:s14] =	ssyncadd.s32 $0xFFFFF9C0  }
0x9b: {  	[spmem:s13] =	stream.linear.scatter [tilespmem:s15], [sflag:$0x6], $0x640, $0x38;
	[tilespmem:$0x1D6A0] =	vst v63  }
0x9c: {  	_ =	swait.ge [sflag:s14], $0x640  }
0x9d: {  	[sflag:s14] =	ssyncset.done $0x0  }
0x9e: {  	s2 =	rddreg [dreg:$0x1d];
	[sflag:s14] =	ssyncadd.s32 $0xFFFFF9C0  }
0x9f: {  	[spmem:s2] =	stream.linear.scatter [tilespmem:s15], [sflag:$0x6], $0x640, $0x38;
	[tilespmem:$0x1D6A0] =	vst v63  }
0xa0: {  	_ =	swait.ge [sflag:s14], $0x640  }
0xa1: {  	[sflag:s14] =	ssyncset.done $0x0  }
0xa2: {  	s5 =	rddreg [dreg:$0xd];
	[sflag:s14] =	ssyncadd.s32 $0xFFFFF9C0  }
0xa3: {  	[spmem:s5] =	stream.linear.scatter [tilespmem:s15], [sflag:$0x6], $0x640, $0x38;
	[tilespmem:$0x1D6A0] =	vst v63  }
0xa4: {  	_ =	swait.ge [sflag:s14], $0x640  }
0xa5: {  	[sflag:s14] =	ssyncset.done $0x0  }
0xa6: {  	s6 =	rddreg [dreg:$0x1e];
	[sflag:s14] =	ssyncadd.s32 $0xFFFFF9C0  }
0xa7: {  	[spmem:s6] =	stream.linear.scatter [tilespmem:s15], [sflag:$0x6], $0x640, $0x38;
	[tilespmem:$0x1D6A0] =	vst v63  }
0xa8: {  	_ =	swait.ge [sflag:s14], $0x640  }
0xa9: {  	[sflag:s14] =	ssyncset.done $0x0  }
0xaa: {  	s7 =	rddreg [dreg:$0x1f];
	[sflag:s14] =	ssyncadd.s32 $0xFFFFF9C0  }
0xab: {  	[spmem:s7] =	stream.linear.scatter [tilespmem:s15], [sflag:$0x6], $0x640, $0x38;
	[tilespmem:$0x1D6A0] =	vst v63  }
0xac: {  	_ =	swait.ge [sflag:s14], $0x640  }
0xad: {  	s9 =	sld [smem:$0x7F8]  }
0xae: {  	[sflag:s14] =	ssyncset.done $0x0  }
0xaf: {  	[sflag:s14] =	ssyncadd.s32 $0xFFFFF9C0  }
0xb0: {  	[spmem:s9] =	stream.linear.scatter [tilespmem:s15], [sflag:$0x6], $0x640, $0x38;
	[tilespmem:$0x1D6A0] =	vst v63  }
0xb1: {  	_ =	swait.ge [sflag:s14], $0x640  }
0xb2: {  	s10 =	sld [smem:$0x7F9]  }
0xb3: {  	[sflag:s14] =	ssyncset.done $0x0  }
0xb4: {  	[sflag:s14] =	ssyncadd.s32 $0xFFFFF9C0  }
0xb5: {  	[spmem:s10] =	stream.linear.scatter [tilespmem:s15], [sflag:$0x6], $0x640, $0x38;
	[tilespmem:$0x1D6A0] =	vst v63  }
0xb6: {  	_ =	swait.ge [sflag:s14], $0x640  }
0xb7: {  	[sflag:s14] =	ssyncset.done $0x0  }
0xb8: {  	s11 =	rddreg [dreg:$0xe];
	[sflag:s14] =	ssyncadd.s32 $0xFFFFF9C0  }
0xb9: {  	[spmem:s11] =	stream.linear.scatter [tilespmem:s15], [sflag:$0x6], $0x640, $0x38;
	[tilespmem:$0x1D6A0] =	vst v63  }
0xba: {  	_ =	swait.ge [sflag:s14], $0x640  }
0xbb: {  	s12 =	sld [smem:$0x7FA]  }
0xbc: {  	[sflag:s14] =	ssyncset.done $0x0  }
0xbd: {  	[sflag:s14] =	ssyncadd.s32 $0xFFFFF9C0  }
0xbe: {  	[spmem:s12] =	stream.linear.scatter [tilespmem:s15], [sflag:$0x6], $0x640, $0x38;
	[tilespmem:$0x1D6A0] =	vst v63  }
0xbf: {  	_ =	swait.ge [sflag:s14], $0x640  }
0xc0: {  	s13 =	sld [smem:$0x7FB]  }
0xc1: {  	[sflag:s14] =	ssyncset.done $0x0  }
0xc2: {  	[sflag:s14] =	ssyncadd.s32 $0xFFFFF9C0  }
0xc3: {  	[spmem:s13] =	stream.linear.scatter [tilespmem:s15], [sflag:$0x6], $0x640, $0x38;
	[tilespmem:$0x1D6A0] =	vst v63  }
0xc4: {  	_ =	swait.ge [sflag:s14], $0x640  }
0xc5: {  	s2 =	sld [smem:$0x7FC]  }
0xc6: {  	[sflag:s14] =	ssyncset.done $0x0  }
0xc7: {  	[sflag:s14] =	ssyncadd.s32 $0xFFFFF9C0  }
0xc8: {  	[spmem:s2] =	stream.linear.scatter [tilespmem:s15], [sflag:$0x6], $0x640, $0x38;
	[tilespmem:$0x1D6A0] =	vst v63  }
0xc9: {  	_ =	swait.ge [sflag:s14], $0x640  }
0xca: {  	s5 =	sld [smem:$0x7FD]  }
0xcb: {  	[sflag:s14] =	ssyncset.done $0x0  }
0xcc: {  	[sflag:s14] =	ssyncadd.s32 $0xFFFFF9C0  }
0xcd: {  	[spmem:s5] =	stream.linear.scatter [tilespmem:s15], [sflag:$0x6], $0x640, $0x38;
	[tilespmem:$0x1D6A0] =	vst v63  }
0xce: {  	_ =	swait.ge [sflag:s14], $0x640  }
0xcf: {  	[sflag:s14] =	ssyncset.done $0x0  }
0xd0: {  	[sflag:s14] =	ssyncadd.s32 $0xFFFFF9C0  }
0xd1: {  	[spmem:s17] =	stream.linear.scatter [tilespmem:s16], [sflag:$0x6], $0x7D0, $0x38;
	[tilespmem:$0x1D6A0] =	vst v63  }
0xd2: {  	_ =	swait.ge [sflag:s14], $0x7D0  }
0xd3: {  	[sflag:s14] =	ssyncset.done $0x0  }
0xd4: {  	s6 =	rddreg [dreg:$0xf];
	[sflag:s14] =	ssyncadd.s32 $0xFFFFF830  }
0xd5: {  	[spmem:s6] =	stream.linear.scatter [tilespmem:s16], [sflag:$0x6], $0x7D0, $0x38;
	[tilespmem:$0x1D6A0] =	vst v63  }
0xd6: {  	_ =	swait.ge [sflag:s14], $0x7D0  }
0xd7: {  	[sflag:s14] =	ssyncset.done $0x0  }
0xd8: {  	s7 =	rddreg [dreg:$0x10];
	[sflag:s14] =	ssyncadd.s32 $0xFFFFF830  }
0xd9: {  	[spmem:s7] =	stream.linear.scatter [tilespmem:s16], [sflag:$0x6], $0x7D0, $0x38;
	[tilespmem:$0x1D6A0] =	vst v63  }
0xda: {  	_ =	swait.ge [sflag:s14], $0x7D0  }
0xdb: {  	[sflag:s14] =	ssyncset.done $0x0  }
0xdc: {  	s9 =	rddreg [dreg:$0x11];
	[sflag:s14] =	ssyncadd.s32 $0xFFFFF830  }
0xdd: {  	[spmem:s9] =	stream.linear.scatter [tilespmem:s16], [sflag:$0x6], $0x7D0, $0x38;
	[tilespmem:$0x1D6A0] =	vst v63  }
0xde: {  	_ =	swait.ge [sflag:s14], $0x7D0  }
0xdf: {  	[sflag:s14] =	ssyncset.done $0x0  }
0xe0: {  	s10 =	rddreg [dreg:$0x12];
	[sflag:s14] =	ssyncadd.s32 $0xFFFFF830  }
0xe1: {  	[spmem:s10] =	stream.linear.scatter [tilespmem:s16], [sflag:$0x6], $0x7D0, $0x38;
	[tilespmem:$0x1D6A0] =	vst v63  }
0xe2: {  	_ =	swait.ge [sflag:s14], $0x7D0  }
0xe3: {  	[sflag:s14] =	ssyncset.done $0x0  }
0xe4: {  	[sflag:s14] =	ssyncadd.s32 $0xFFFFF830  }
0xe5: {  	s0 =	simm.s32 $0x0;
	[bflag:$0x0] =	sbarrier.arrive $0xFFFF  }
0xe6: {  	[tilespmem:s19], [sflag:$0x1] =	stream.indirect.gather [hbm4b:s1+s18], $0x40, s0, s18, $0xb8;
	[tilespmem:$0x1D6A0] =	vst v63  }
0xe7: {  	_ = 	snop  }
0xe8: {  	[tilespmem:s20], [sflag:$0x2] =	stream.indirect.gather [hbm4b:s1+s18], $0x40, s18, s18, $0xb8;
	[tilespmem:$0x1D6A0] =	vst v63  }
0xe9: {  	s11 =	simm.s32 $0xA0  }
0xea: {  	[tilespmem:s21], [sflag:$0x3] =	stream.indirect.gather [hbm4b:s1+s18], $0x40, s11, s18, $0xb8;
	[tilespmem:$0x1D6A0] =	vst v63  }
0xeb: {  	s12 =	simm.s32 $0xF0  }
0xec: {  	[tilespmem:s22], [sflag:$0x4] =	stream.indirect.gather [hbm4b:s1+s18], $0x40, s12, s18, $0xb8;
	[tilespmem:$0x1D6A0] =	vst v63  }
0xed: {  	s13 =	simm.s32 $0x140;
	s2 =	simm.s32 $0x0  }
0xee: {  	[tilespmem:s23], [sflag:$0x5] =	stream.indirect.gather [hbm4b:s1+s18], $0x40, s13, s18, $0xb8;
	[tilespmem:$0x1D6A0] =	vst v63  }
.LBB2_10:
0xef: {  	_ =	swait.ge [sflag:s24], $0x1400  }
0xf0: {  	s5 =	sshra.s32 s0, $0x2;
	[sflag:s24] =	ssyncset.done $0x0  }
0xf1: {  	s7 =	sadd.s32 $0x4E20, s5;
	[sflag:s24] =	ssyncadd.s32 $0xFFFFEC00  }
0xf2: {  	[spmem:s3] =	stream.indirect.scatter.add.f32 [tilespmem:s19], [sflag:$0x6], $0x40, s7, s18, $0xb8;
	[tilespmem:$0x1D6A0] =	vst v63  }
0xf3: {  	p3 =	slt.u32 s2, $0x19;
	p2 =	por p1, p1;
	_ =	swait.ge [sflag:s14], $0x1400  }
0xf4: {  	p2 =	por @!p3 p0, p0;
	[sflag:s14] =	ssyncset.done $0x0  }
0xf5: {  	s6 =	simm.s32 @p2 $0x50;
	s9 =	simm.s32 @p2 $0x1A2C0;
	[sflag:s14] =	ssyncadd.s32 $0xFFFFEC00  }
0xf6: {  	[spmem:s4] =	stream.indirect.scatter.add.f32 @p2 [tilespmem:s9], [sflag:$0x6], $0x10, s7, s6, $0xb8;
	[tilespmem:$0x1D6A0] =	vst v63  }
0xf7: {  	s7 =	simm.s32 @p2 $0x6  }
0xf8: {  	p3 =	seq.s32 s0, $0x13240;
	_ =	swait.ge @p2 [sflag:s7], $0x500  }
0xf9: {  	s10 =	sshra.s32 @!p3 s0, $0x2;
	s12 =	simm.s32 @!p3 $0x50;
	[sflag:s7] =	ssyncset.done @p2 $0x0  }
0xfa: {  	s13 =	simm.s32 @!p3 $0x9C40;
	s11 =	sadd.s32 @!p3 $0x190, s10;
	[sflag:s7] =	ssyncadd.s32 @p2 $0xFFFFFB00  }
0xfb: {  	[tilespmem:s13], [sflag:$0x1] =	stream.indirect.gather @!p3 [hbm4b:s1+s12], $0x40, s11, s12, $0xb8;
	[tilespmem:$0x1D6A0] =	vst v63  }
0xfc: {  	_ =	swait.ge [sflag:s25], $0x1400  }
0xfd: {  	[sflag:s25] =	ssyncset.done $0x0  }
0xfe: {  	s11 =	sadd.s32 $0x4E70, s5;
	[sflag:s25] =	ssyncadd.s32 $0xFFFFEC00  }
0xff: {  	[spmem:s3] =	stream.indirect.scatter.add.f32 [tilespmem:s20], [sflag:$0x6], $0x40, s11, s18, $0xb8;
	[tilespmem:$0x1D6A0] =	vst v63  }
0x100: {  	_ =	swait.ge [sflag:s14], $0x1400  }
0x101: {  	[sflag:s14] =	ssyncset.done $0x0  }
0x102: {  	[sflag:s14] =	ssyncadd.s32 $0xFFFFEC00  }
0x103: {  	[spmem:s4] =	stream.indirect.scatter.add.f32 @p2 [tilespmem:s9], [sflag:$0x6], $0x10, s11, s6, $0xb8;
	[tilespmem:$0x1D6A0] =	vst v63  }
0x104: {  	_ =	swait.ge @p2 [sflag:s7], $0x500  }
0x105: {  	[sflag:s7] =	ssyncset.done @p2 $0x0  }
0x106: {  	s13 =	simm.s32 @!p3 $0xB040;
	s11 =	sadd.s32 @!p3 $0x1E0, s10;
	[sflag:s7] =	ssyncadd.s32 @p2 $0xFFFFFB00  }
0x107: {  	[tilespmem:s13], [sflag:$0x2] =	stream.indirect.gather @!p3 [hbm4b:s1+s12], $0x40, s11, s12, $0xb8;
	[tilespmem:$0x1D6A0] =	vst v63  }
0x108: {  	_ =	swait.ge [sflag:s26], $0x1400  }
0x109: {  	[sflag:s26] =	ssyncset.done $0x0  }
0x10a: {  	s11 =	sadd.s32 $0x4EC0, s5;
	[sflag:s26] =	ssyncadd.s32 $0xFFFFEC00  }
0x10b: {  	[spmem:s3] =	stream.indirect.scatter.add.f32 [tilespmem:s21], [sflag:$0x6], $0x40, s11, s18, $0xb8;
	[tilespmem:$0x1D6A0] =	vst v63  }
0x10c: {  	_ =	swait.ge [sflag:s14], $0x1400  }
0x10d: {  	[sflag:s14] =	ssyncset.done $0x0  }
0x10e: {  	[sflag:s14] =	ssyncadd.s32 $0xFFFFEC00  }
0x10f: {  	[spmem:s4] =	stream.indirect.scatter.add.f32 @p2 [tilespmem:s9], [sflag:$0x6], $0x10, s11, s6, $0xb8;
	[tilespmem:$0x1D6A0] =	vst v63  }
0x110: {  	_ =	swait.ge @p2 [sflag:s7], $0x500  }
0x111: {  	[sflag:s7] =	ssyncset.done @p2 $0x0  }
0x112: {  	s13 =	simm.s32 @!p3 $0xC440;
	s11 =	sadd.s32 @!p3 $0x230, s10;
	[sflag:s7] =	ssyncadd.s32 @p2 $0xFFFFFB00  }
0x113: {  	[tilespmem:s13], [sflag:$0x3] =	stream.indirect.gather @!p3 [hbm4b:s1+s12], $0x40, s11, s12, $0xb8;
	[tilespmem:$0x1D6A0] =	vst v63  }
0x114: {  	_ =	swait.ge [sflag:s28], $0x1400  }
0x115: {  	[sflag:s28] =	ssyncset.done $0x0  }
0x116: {  	s11 =	sadd.s32 $0x4F10, s5;
	[sflag:s28] =	ssyncadd.s32 $0xFFFFEC00  }
0x117: {  	[spmem:s3] =	stream.indirect.scatter.add.f32 [tilespmem:s22], [sflag:$0x6], $0x40, s11, s18, $0xb8;
	[tilespmem:$0x1D6A0] =	vst v63  }
0x118: {  	_ =	swait.ge [sflag:s14], $0x1400  }
0x119: {  	[sflag:s14] =	ssyncset.done $0x0  }
0x11a: {  	[sflag:s14] =	ssyncadd.s32 $0xFFFFEC00  }
0x11b: {  	[spmem:s4] =	stream.indirect.scatter.add.f32 @p2 [tilespmem:s9], [sflag:$0x6], $0x10, s11, s6, $0xb8;
	[tilespmem:$0x1D6A0] =	vst v63  }
0x11c: {  	_ =	swait.ge @p2 [sflag:s7], $0x500  }
0x11d: {  	[sflag:s7] =	ssyncset.done @p2 $0x0  }
0x11e: {  	s13 =	simm.s32 @!p3 $0xD840;
	s11 =	sadd.s32 @!p3 $0x280, s10;
	[sflag:s7] =	ssyncadd.s32 @p2 $0xFFFFFB00  }
0x11f: {  	[tilespmem:s13], [sflag:$0x4] =	stream.indirect.gather @!p3 [hbm4b:s1+s12], $0x40, s11, s12, $0xb8;
	[tilespmem:$0x1D6A0] =	vst v63  }
0x120: {  	_ =	swait.ge [sflag:s29], $0x1400  }
0x121: {  	[sflag:s29] =	ssyncset.done $0x0  }
0x122: {  	s5 =	sadd.s32 $0x4F60, s5;
	[sflag:s29] =	ssyncadd.s32 $0xFFFFEC00  }
0x123: {  	[spmem:s3] =	stream.indirect.scatter.add.f32 [tilespmem:s23], [sflag:$0x6], $0x40, s5, s18, $0xb8;
	[tilespmem:$0x1D6A0] =	vst v63  }
0x124: {  	_ =	swait.ge [sflag:s14], $0x1400  }
0x125: {  	[sflag:s14] =	ssyncset.done $0x0  }
0x126: {  	[sflag:s14] =	ssyncadd.s32 $0xFFFFEC00  }
0x127: {  	[spmem:s4] =	stream.indirect.scatter.add.f32 @p2 [tilespmem:s9], [sflag:$0x6], $0x10, s5, s6, $0xb8;
	[tilespmem:$0x1D6A0] =	vst v63  }
0x128: {  	_ =	swait.ge @p2 [sflag:s7], $0x500  }
0x129: {  	s0 =	sadd.s32 @!p3 $0x640, s0;
	[sflag:s7] =	ssyncset.done @p2 $0x0  }
0x12a: {  	[sflag:s7] =	ssyncadd.s32 @p2 $0xFFFFFB00;
	p2 =	sne.s32 @!p3 s0, $0x13880  }
0x12b: {  	p2 =	por p3, !p2  }
.Ltmp4:
0x12c: {  	_ = 	snop;
	(pc) =	sbr.rel @!p2 .LBB2_10-.Ltmp4, $3  }
0x12d: {  	_ =	sdelay $0x1  }
0x12e: {  	s2 =	sadd.s32 @!p3 $0x1, s2;
	s5 =	sadd.s32 @!p3 $0x2D0, s10;
	s6 =	simm.s32 @!p3 $0xEC40  }
0x12f: {  	[tilespmem:s6], [sflag:$0x5] =	stream.indirect.gather @!p3 [hbm4b:s1+s12], $0x40, s5, s12, $0xb8;
	[tilespmem:$0x1D6A0] =	vst v63  }
0x130: {  	s0 =	stileid.u32  }
0x131: {  	[bflag:$0x0] =	sbarrier.arrive $0xFFFF;
	s2 =	sshrl.u32 s8, $0x3;
	s0 =	sshll.u32 s0, $0x6  }
0x132: {  	s6 =	simm.s32 $0x8;
	s5 =	rddreg [dreg:$0x13];
	s0 =	sor.u32 $0x1C06, s0  }
0x133: {  	[hbm:s5@s30], [sflag:s0] =	dma.strided [spmem:s2@s6], $0x1388, s24, $0x8   }
0x134: {  	_ =	swait.ge [sflag:s14], $0x1388  }
0x135: {  	[sflag:s14] =	ssyncset.done $0x0  }
0x136: {  	s11 =	sshrl.u32 s17, $0x3;
	s12 =	rddreg [dreg:$0x14];
	[sflag:s14] =	ssyncadd.s32 $0xFFFFEC78  }
0x137: {  	[hbm:s12@s30], [sflag:s0] =	dma.strided [spmem:s11@s25], $0x4E2, s24, $0x2   }
0x138: {  	_ =	swait.ge [sflag:s14], $0x4E2  }
0x139: {  	s31 =	sadd.s32 $0x1, s31;
	s13 =	rddreg [dreg:$0x15]  }
0x13a: {  	p2 =	sne.s32 s31, s13  }
.Ltmp5:
0x13b: {  	_ = 	snop;
	(pc) =	sbr.rel @p2 .LBB2_1-.Ltmp5, $3  }
0x13c: {  	_ =	sdelay $0x1  }
0x13d: {  	[sflag:s14] =	ssyncset.done $0x0  }
0x13e: {  	[sflag:s14] =	ssyncadd.s32 $0xFFFFFB1E  }
0x13f: {  	_ =	sfence.sel $0x180000  }
0x140: {  	[bflag:$0x0] =	sbarrier.arrive $0xFFFF  }
0x141: {  	_ =	strace $0x90000047  }
0x142: {  	s0 =	stileid.u32;
	[bflag:$0x2] =	sbarrier.arrive $0xFFFF  }
0x143: {  	p0 =	sne.s32 s0, $0x0;
	s0 =	rddreg [dreg:$0x4]  }
0x144: {  	s0 =	sadd.s32 @!p0 $0x100000, s0  }
0x145: {  	[sflag:s0] =	ssyncadd.tile.s32 @!p0 $0x1;
	_ =	shalt  }
.Lfunc_end2:
_tile_overlayer_lowered:
.L_overlay_start_2:
0x146: {  	(tag) =	ssettag $0x2  }
0x147: {  	s0 =	rddreg [dreg:$0x0];
	s2 =	stileid.u32  }
0x148: {  	s1 =	rddreg [dreg:$0x1];
	p0 =	sne.s32 s2, $0x0  }
0x149: {  	s3 =	rddreg [dreg:$0x2];
	[bflag:$0x3] =	sbarrier.arrive $0xFFFF;
	s2 =	simm.s32 @!p0 $0x1C06  }
0x14a: {  	[timem:s3], [sflag:s2] =	dma.local @!p0 [hbm:s0], s1  }
0x14b: {  	s0 =	simm.s32 @!p0 $0x6  }
0x14c: {  	_ =	swait.ge @!p0 [sflag:s0], s1  }
0x14d: {  	s1 =	ssub.s32 @!p0 $0x0, s1;
	[sflag:s0] =	ssyncset.done @!p0 $0x0  }
0x14e: {  	[sflag:s0] =	ssyncadd.s32 @!p0 s1  }
0x14f: {  	[bflag:$0x3] =	sbarrier.arrive $0xFFFF  }
0x150: {  	_ =	shalt  }

// kernel: kernel.9.cloned.1.call-start
scs
__scs_entry_jumppad:
0x0: {  	(pc) =	sbr.rel $0x88, $3  }
0x1: {  	(tag) =	ssettag $0x0;
	lr =	simm.s32 $0x1  }
0x2: {  	[smem:$0x3F99] =	sst lr;
	_ =	strace $0xD0000000  }
0x3: {  	_ = 	snop  }
0x4: {  	_ = 	snop  }
0x5: {  	_ = 	snop  }
0x6: {  	_ = 	snop  }
0x7: {  	_ = 	snop  }
__scs_overlays_trampoline_lowered:
0x8: {  	[smem:$0x3FA8] =	sst s0  }
0x9: {  	[smem:$0x3FA9] =	sst s1  }
0xa: {  	[smem:$0x3FAA] =	sst s2  }
0xb: {  	[smem:$0x3FAB] =	sst s3  }
0xc: {  	[smem:$0x3FAC] =	sst s4  }
0xd: {  	[smem:$0x3FAD] =	sst s5  }
0xe: {  	[smem:$0x3FAE] =	sst s6  }
0xf: {  	[smem:$0x3FAF] =	sst s7  }
0x10: {  	[smem:$0x3FB0] =	sst s8  }
0x11: {  	[smem:$0x3FB1] =	sst s9;
	s0 =	simm.s32 @!p0 $0x0  }
0x12: {  	s1 =	sld [smem:$0x3F97];
	s0 =	simm.s32 @p0 $0x1  }
0x13: {  	[smem:$0x3FB2] =	sst s0;
	s0 =	simm.s32 @!p1 $0x0  }
0x14: {  	s2 =	sld [smem:$0x3F96];
	s0 =	simm.s32 @p1 $0x1  }
0x15: {  	[smem:$0x3FB3] =	sst s0;
	s0 =	simm.s32 @!p2 $0x0  }
0x16: {  	s3 =	sld [smem:$0x3FDB];
	s0 =	simm.s32 @p2 $0x1  }
0x17: {  	s4 =	simm.s32 $0x1BF5;
	[smem:$0x3FB5] =	sst s0  }
0x18: {  	s0 =	sld [smem:$0x3F98];
	_ =	swait.ge [sflag:s4], $0x0  }
0x19: {  	s7 =	sld [smem:$0x3F99]  }
0x1a: {  	s8 =	sadd.s32 $0xFFFFE003, lr  }
0x1b: {  	s9 =	sadd.s32 $0xFFFFFEF7, lr;
	s5 =	simm.s32 $0xFFFFFFFF;
	p2 =	slt.u32 s8, $0xFFFFF086  }
0x1c: {  	p1 =	slt.u32 s9, $0xF7A;
	s5 =	simm.s32 @!p2 $0x0  }
0x1d: {  	s5 =	simm.s32 @p1 $0x1;
	p0 =	seq.s32 s7, s2  }
0x1e: {  	s7 =	smul.u32 @!p0 $0xF7A, s2;
	p2 =	seq.s32 @!p0 s5, $0x0  }
0x1f: {  	s9 =	smul.u32 $0xF7A, s1;
	s8 =	simm.s32 @!p0 $0x1BF5;
	p2 =	por !p2, p0  }
0x20: {  	[sflag:s8] =	ssyncset.s32 @!p0 $0xFFFFF086;
	s6 =	sadd.s32 @!p0 s3, s7;
	s7 =	simm.s32 @!p0 $0x108  }
0x21: {  	s3 =	sadd.s32 s3, s9;
	s6 =	sadd.s32 @!p0 $0x88, s6;
	s7 =	simm.s32 @p2 $0x1082  }
0x22: {  	[simem:s7], [sflag:s8] =	dma.local @!p0 [hbm:s6], $0xF7A  }
0x23: {  	s9 =	sor.u32 $0xD0000000, s2;
	s6 =	simm.s32 $0x108;
	_ =	swait.ge @!p0 [sflag:s8], $0x0  }
0x24: {  	s3 =	sadd.s32 $0x88, s3;
	s6 =	simm.s32 @!p1 $0x1082;
	[sflag:s4] =	ssyncset.s32 $0xFFFFF086  }
0x25: {  	[simem:s6], [sflag:s4] =	dma.local [hbm:s3], $0xF7A  }
0x26: {  	[smem:$0x3F99] =	sst s1;
	(tag) =	ssettag s2;
	_ =	strace s9  }
0x27: {  	s1 =	sld [smem:$0x3FA9]  }
0x28: {  	s2 =	sld [smem:$0x3FAA]  }
0x29: {  	s4 =	sld [smem:$0x3FAC]  }
0x2a: {  	p0 =	seq.s32 s5, $0x0;
	s5 =	sld [smem:$0x3FAD]  }
0x2b: {  	s6 =	sld [smem:$0x3FAE]  }
0x2c: {  	s7 =	sld [smem:$0x3FAF]  }
0x2d: {  	s3 =	simm.s32 $0x108;
	s8 =	sld [smem:$0x3FB0]  }
0x2e: {  	s3 =	simm.s32 @!p0 $0x1082;
	s9 =	sld [smem:$0x3FB1]  }
0x2f: {  	lr =	sadd.s32 s0, s3;
	s0 =	sld [smem:$0x3FA8]  }
0x30: {  	s3 =	sld [smem:$0x3FAB]  }
0x31: {  	[smem:$0x3FB4] =	sst s10  }
0x32: {  	s10 =	sld [smem:$0x3FB2];
	_ =	sdelay $0x3  }
0x33: {  	p0 =	seq.s32 s10, $0x1;
	s10 =	sld [smem:$0x3FB4];
	_ =	sdelay $0x3  }
0x34: {  	[smem:$0x3FB4] =	sst s10  }
0x35: {  	s10 =	sld [smem:$0x3FB3];
	_ =	sdelay $0x3  }
0x36: {  	p1 =	seq.s32 s10, $0x1;
	s10 =	sld [smem:$0x3FB4];
	_ =	sdelay $0x3  }
0x37: {  	[smem:$0x3FB4] =	sst s10  }
0x38: {  	s10 =	sld [smem:$0x3FB5]  }
0x39: {  	_ = 	snop;
	(pc) =	sbr.ind lr, $3  }
0x3a: {  	_ = 	snop  }
0x3b: {  	_ = 	snop  }
0x3c: {  	p2 =	seq.s32 s10, $0x1;
	s10 =	sld [smem:$0x3FB4]  }
0x3d: {  	_ =	shalt  }
0x3e: {  	_ =	shalt  }
0x3f: {  	_ =	shalt  }
0x40: {  	_ =	shalt  }
0x41: {  	_ =	shalt  }
0x42: {  	_ =	shalt  }
0x43: {  	_ =	shalt  }
0x44: {  	_ =	shalt  }
0x45: {  	_ =	shalt  }
0x46: {  	_ =	shalt  }
0x47: {  	_ =	shalt  }
0x48: {  	_ =	shalt  }
0x49: {  	_ =	shalt  }
0x4a: {  	_ =	shalt  }
0x4b: {  	_ =	shalt  }
0x4c: {  	_ =	shalt  }
0x4d: {  	_ =	shalt  }
0x4e: {  	_ =	shalt  }
0x4f: {  	_ =	shalt  }
0x50: {  	_ =	shalt  }
0x51: {  	_ =	shalt  }
0x52: {  	_ =	shalt  }
0x53: {  	_ =	shalt  }
0x54: {  	_ =	shalt  }
0x55: {  	_ =	shalt  }
0x56: {  	_ =	shalt  }
0x57: {  	_ =	shalt  }
0x58: {  	_ =	shalt  }
0x59: {  	_ =	shalt  }
0x5a: {  	_ =	shalt  }
0x5b: {  	_ =	shalt  }
0x5c: {  	_ =	shalt  }
0x5d: {  	_ =	shalt  }
0x5e: {  	_ =	shalt  }
0x5f: {  	_ =	shalt  }
0x60: {  	_ =	shalt  }
0x61: {  	_ =	shalt  }
0x62: {  	_ =	shalt  }
0x63: {  	_ =	shalt  }
0x64: {  	_ =	shalt  }
0x65: {  	_ =	shalt  }
0x66: {  	_ =	shalt  }
0x67: {  	_ =	shalt  }
0x68: {  	_ =	shalt  }
0x69: {  	_ =	shalt  }
0x6a: {  	_ =	shalt  }
0x6b: {  	_ =	shalt  }
0x6c: {  	_ =	shalt  }
0x6d: {  	_ =	shalt  }
0x6e: {  	_ =	shalt  }
0x6f: {  	_ =	shalt  }
0x70: {  	_ =	shalt  }
0x71: {  	_ =	shalt  }
0x72: {  	_ =	shalt  }
0x73: {  	_ =	shalt  }
0x74: {  	_ =	shalt  }
0x75: {  	_ =	shalt  }
0x76: {  	_ =	shalt  }
0x77: {  	_ =	shalt  }
0x78: {  	_ =	shalt  }
0x79: {  	_ =	shalt  }
0x7a: {  	_ =	shalt  }
0x7b: {  	_ =	shalt  }
0x7c: {  	_ =	shalt  }
0x7d: {  	_ =	shalt  }
0x7e: {  	_ =	shalt  }
0x7f: {  	_ =	shalt  }
0x80: {  	_ =	shalt  }
0x81: {  	_ =	shalt  }
0x82: {  	_ =	shalt  }
0x83: {  	_ =	shalt  }
0x84: {  	_ =	shalt  }
0x85: {  	_ =	shalt  }
0x86: {  	_ =	shalt  }
0x87: {  	_ =	shalt  }
.Lfunc_end0:
.L_simem_size_0:
called_computation.1_lowered:
.L_overlay_start_0:
0x88: {  	s2 =	sld [smem:$0x3FD9]  }
0x89: {  	s3 =	sld [smem:$0x3FFE];
	_ =	sdelay $0x1  }
0x8a: {  	s1 =	srdreg.scid  }
0x8b: {  	s0 =	sand.u32 $0x1, s1  }
0x8c: {  	s17 =	sshll.u32 s0, $0xA;
	s2 =	sadd.s32 s3, s2  }
0x8d: {  	s2 =	sadd.s32 s2, s17  }
0x8e: {  	[smem:$0x3FC0] =	sst s2  }
0x8f: {  	_ = 	snop  }
0x90: {  	s2 =	sld [smem:$0x3FD0];
	(tm) =	ssettm $0x1  }
0x91: {  	s18 =	sld [smem:$0x3FFB];
	_ =	sdelay $0x3  }
0x92: {  	_ =	strace s18  }
0x93: {  	s3 =	sld [smem:$0x3FFC];
	_ =	sdelay $0x3  }
0x94: {  	_ =	strace s3  }
0x95: {  	s3 =	sld [smem:$0x3FFD];
	_ =	sdelay $0x3  }
0x96: {  	_ =	strace s3  }
0x97: {  	_ =	strace $0x8FFFFFFF  }
0x98: {  	s19 =	sld [smem:$0x3FDB];
	_ =	sdelay $0x1  }
0x99: {  	s4 =	simm.s32 $_scs_section_size  }
0x9a: {  	s5 =	simm.s32 $_size__tile_overlayer_lowered;
	s6 =	simm.s32 $_tile_overlayer_lowered  }
0x9b: {  	s22 =	simm.s32 $0x1BFF;
	s21 =	sshll.u32 s6, $0x1;
	s3 =	sadd.s32 s4, s19  }
0x9c: {  	s7 =	simm.s32 $0x0;
	s20 =	sshll.u32 s5, $0x1;
	s5 =	sadd.s32 s21, s3  }
0x9d: {  	[timem:s7], [sflag:s22] =	dma.local [hbm:s5], s20  }
0x9e: {  	_ =	swait.ge [sflag:s22], s20  }
0x9f: {  	s4 =	ssub.s32 $0x0, s20;
	[sflag:s22] =	ssyncset.done $0x0  }
0xa0: {  	[sflag:s22] =	ssyncadd.s32 s4;
	_ =	sdelay $0x1  }
0xa1: {  	s23 =	simm.s32 $0x1B8B  }
0xa2: {  	_ =	swait.ge [sflag:s23], $0x1  }
0xa3: {  	[sflag:s23] =	ssyncset.done $0x0  }
0xa4: {  	s25 =	simm.s32 $0x1B8E;
	s24 =	sld [smem:$0x3FFE];
	[sflag:s23] =	ssyncadd.s32 $0xFFFFFFFF  }
0xa5: {  	s26 =	simm.s32 $execute0_lowered;
	[smem:$0x3FD2] =	sst s25  }
0xa6: {  	s5 =	sshll.u32 s26, $0x1;
	_ =	strace $0x80000049;
	[dreg:$0x1] =	wrdreg $0xFFFFFFFF  }
0xa7: {  	s28 =	simm.s32 $_size_execute0_lowered;
	s3 =	sadd.s32 s3, s5;
	[dreg:$0x0] =	wrdreg $0x0  }
0xa8: {  	s5 =	sshll.u32 s28, $0x1;
	[dreg:$0x2] =	wrdreg s3  }
0xa9: {  	[dreg:$0x3] =	wrdreg s5  }
0xaa: {  	[dreg:$0x4] =	wrdreg $0xC0  }
0xab: {  	_ =	task [dreg:s7], $0x5FFFF  }
0xac: {  	[dreg:$0x1] =	wrdreg $0xFFFFFFFF  }
0xad: {  	[dreg:$0x0] =	wrdreg $0x60  }
0xae: {  	[dreg:$0x2] =	wrdreg s2  }
0xaf: {  	[dreg:$0x3] =	wrdreg s24  }
0xb0: {  	[dreg:$0x4] =	wrdreg $0xB8600  }
0xb1: {  	[dreg:$0x5] =	wrdreg $0x9  }
0xb2: {  	_ =	task.clear_ibuf [dreg:s7], $0x6FFFF;
	_ =	strace $0x90000049  }
0xb3: {  	s29 =	simm.s32 $0x9;
	_ =	strace $0x8000004B  }
0xb4: {  	_ =	swait.ge [sflag:s29], $0x1  }
0xb5: {  	[sflag:s29] =	ssyncadd.s32 $0xFFFFFFFF  }
0xb6: {  	_ =	strace $0x9000004B  }
0xb7: {  	_ =	sfence  }
0xb8: {  	s30 =	sld [smem:$0x0];
	_ =	sdelay $0x2  }
0xb9: {  	s31 =	sshll.u32 s1, $0xD;
	s1 =	sshrl.u32 s1, $0x2  }
0xba: {  	s3 =	sand.u32 $0x4000, s31;
	s1 =	sadd.s32 s1, s30  }
0xbb: {  	s0 =	sor.u32 s3, s0;
	s1 =	sshll.u32 s1, $0x11  }
0xbc: {  	s0 =	sor.u32 s1, s0  }
0xbd: {  	s0 =	sadd.s32 $0x8F2B, s0  }
0xbe: {  	[sflag:s0] =	ssyncadd.remote.s32 $0x1  }
0xbf: {  	_ =	sfence.sel $0xFFFF  }
0xc0: {  	[dreg:$0x0] =	wrdreg $0xFFFFFFFF;
	(pc) =	sbr.abs _section_cstart, $3  }
0xc1: {  	[dreg:$0x1] =	wrdreg $0xFFFFFFFF  }
0xc2: {  	_ =	task.clear_ibuf [dreg:s7], $0x2FFFF;
	_ =	strace $0x9FFFFFFF  }
0xc3: {  	(tm) =	ssettm $0x7FFFFFFF  }
tec
execute0_lowered:
.L_overlay_start_1:
0x0: {  	(tag) =	ssettag $0x1  }
0x1: {  	s1 =	rddreg [dreg:$0x0]  }
0x2: {  	s0 =	srdreg.scid;
	s7 =	stileid.u32  }
0x3: {  	s2 =	rddreg [dreg:$0x1];
	s26 =	smul.u32 $0x27100, s7  }
0x4: {  	s3 =	rddreg [dreg:$0x2];
	s6 =	simm.s32 $0x0;
	s0 =	sand.u32 $0x1, s0  }
0x5: {  	s4 =	smul.u32 $0x4E20, s7;
	[smem:$0x7FF] =	sst s6;
	s9 =	sshrl.u32 s26, $0x2  }
0x6: {  	s24 =	smul.u32 $0x13880, s7;
	s6 =	simm.s32 $0xB220;
	s7 =	sadd.s32 s9, s3  }
0x7: {  	s5 =	smul.u32 $0x2710, s0;
	_ =	strace $0x8000004A;
	s11 =	sadd.s32 $0x640, s7  }
0x8: {  	s25 =	sshll.u32 s0, $0x6;
	s12 =	sadd.s32 $0xC80, s7;
	[dreg:$0x6] =	wrdreg s11  }
0x9: {  	s0 =	ssub.s32 $0x2, s0;
	s13 =	sadd.s32 $0x12C0, s7;
	[dreg:$0x7] =	wrdreg s12  }
0xa: {  	s8 =	sshrl.u32 s0, $0x1;
	s14 =	sadd.s32 $0x1900, s7;
	[dreg:$0x8] =	wrdreg s13  }
0xb: {  	s4 =	sadd.s32 s5, s4;
	s15 =	sadd.s32 $0x1F40, s7;
	[dreg:$0x9] =	wrdreg s14  }
0xc: {  	s5 =	sor.u32 s25, s24;
	s16 =	sadd.s32 $0x2580, s7;
	[dreg:$0xa] =	wrdreg s15  }
0xd: {  	s0 =	ssub.s32 s0, s8;
	s17 =	sadd.s32 $0x2BC0, s7;
	[dreg:$0xb] =	wrdreg s16  }
0xe: {  	s8 =	simm.s32 $0x50;
	s18 =	sadd.s32 $0x3200, s7;
	[dreg:$0xc] =	wrdreg s17  }
0xf: {  	s9 =	simm.s32 $0x4E20;
	s19 =	sadd.s32 $0x3840, s7;
	[dreg:$0xd] =	wrdreg s18  }
0x10: {  	s4 =	sshrl.u32 s4, $0x3;
	s20 =	sadd.s32 $0x3E80, s7;
	[dreg:$0xe] =	wrdreg s19  }
0x11: {  	s5 =	sshrl.u32 s5, $0x3;
	s21 =	sadd.s32 $0x44C0, s7;
	[dreg:$0xf] =	wrdreg s20  }
0x12: {  	s22 =	sadd.s32 $0x4B00, s7;
	s23 =	sadd.s32 $0x5140, s7;
	[dreg:$0x10] =	wrdreg s21  }
0x13: {  	s24 =	sadd.s32 $0x5780, s7;
	s25 =	sadd.s32 $0x5DC0, s7;
	[dreg:$0x11] =	wrdreg s22  }
0x14: {  	s26 =	sadd.s32 $0x6400, s7;
	s28 =	sadd.s32 $0x7080, s7;
	[dreg:$0x12] =	wrdreg s23  }
0x15: {  	s29 =	sadd.s32 $0x76C0, s7;
	s30 =	sadd.s32 $0x7D00, s7;
	[dreg:$0x13] =	wrdreg s24  }
0x16: {  	s31 =	sadd.s32 $0x8340, s7;
	s4 =	sadd.s32 s4, s2;
	[dreg:$0x14] =	wrdreg s25  }
0x17: {  	s2 =	sadd.s32 s5, s2;
	[dreg:$0x15] =	wrdreg s26;
	s25 =	smax.u32 s0, $0x1  }
0x18: {  	s26 =	sadd.s32 $0x6A40, s7;
	s0 =	sadd.s32 $0x8FC0, s7;
	s5 =	simm.s32 $0x6  }
0x19: {  	s11 =	simm.s32 $0x7620;
	s12 =	simm.s32 $0x8A20;
	s13 =	simm.s32 $0x9E20  }
0x1a: {  	s14 =	simm.s32 $0x1;
	s15 =	simm.s32 $0x2;
	s16 =	simm.s32 $0x3  }
0x1b: {  	s17 =	simm.s32 $0x4;
	s18 =	simm.s32 $0x5;
	s19 =	simm.s32 $0x0  }
0x1c: {  	s23 =	simm.s32 $0x8;
	s10 =	sadd.s32 $0xB800, s4;
	s4 =	sadd.s32 $0x1A00, s4  }
0x1d: {  	s24 =	sadd.s32 $0x15600, s2;
	s2 =	sadd.s32 $0x8980, s7;
	[dreg:$0x4] =	wrdreg s10  }
0x1e: {  	v0 =	vimm.f32 $0.0e+00;
	[dreg:$0x5] =	wrdreg s4;
	s4 =	sadd.s32 $0x9600, s7;
	s10 =	simm.s32 $0x6220  }
.LBB2_1:
0x1f: {  	s20 =	simm.s32 $0x0;
	s21 =	rddreg [dreg:$0x4]  }
0x20: {  	[tilespmem:s20], [sflag:$0x6] =	stream.linear.gather [hbm4b:s21+s20], $0x2710, $0x38;
	[tilespmem:$0x154A0] =	vst v63  }
0x21: {  	_ =	swait.ge [sflag:s5], $0x2710  }
0x22: {  	[sflag:s5] =	ssyncset.done $0x0  }
0x23: {  	s22 =	simm.s32 $0x2710;
	s21 =	rddreg [dreg:$0x5];
	[sflag:s5] =	ssyncadd.s32 $0xFFFFD8F0  }
0x24: {  	[tilespmem:s22], [sflag:$0x6] =	stream.linear.gather [hbm4b:s21+s20], $0x2710, $0x38;
	[tilespmem:$0x154A0] =	vst v63  }
0x25: {  	_ =	swait.ge [sflag:s5], $0x2710  }
0x26: {  	[sflag:s5] =	ssyncset.done $0x0  }
0x27: {  	s21 =	simm.s32 $0x100;
	s20 =	simm.s32 $0x0;
	[sflag:s5] =	ssyncadd.s32 $0xFFFFD8F0  }
.LBB2_2:
0x28: {  	p0 =	sne.s32 s21, $0x1800;
	[tilespmem:s20+$0xB250] =	vst v0;
	s22 =	smov.u32 s21;
	s21 =	sadd.s32 $0x100, s21  }
.Ltmp0:
0x29: {  	[tilespmem:s20+$0xB240] =	vst v0;
	(pc) =	sbr.rel @p0 .LBB2_2-.Ltmp0, $3  }
0x2a: {  	[tilespmem:s20+$0xB220] =	vst v0  }
0x2b: {  	[tilespmem:s20+$0xB230] =	vst v0;
	_ =	sdelay $0x1  }
0x2c: {  	s20 =	sshra.s32 s22, $0x2  }
0x2d: {  	[tilespmem:s20+$0xB250] =	vst v0  }
0x2e: {  	[tilespmem:s20+$0xB240] =	vst v0  }
0x2f: {  	[tilespmem:s20+$0xB220] =	vst v0  }
0x30: {  	[tilespmem:s20+$0xB230] =	vst v0  }
0x31: {  	[spmem:s7] =	stream.linear.scatter [tilespmem:s6], [sflag:$0x6], $0x640, $0x38;
	[tilespmem:$0x154A0] =	vst v63  }
0x32: {  	_ =	swait.ge [sflag:s5], $0x640  }
0x33: {  	[sflag:s5] =	ssyncset.done $0x0  }
0x34: {  	s22 =	rddreg [dreg:$0x6];
	[sflag:s5] =	ssyncadd.s32 $0xFFFFF9C0  }
0x35: {  	[spmem:s22] =	stream.linear.scatter [tilespmem:s6], [sflag:$0x6], $0x640, $0x38;
	[tilespmem:$0x154A0] =	vst v63  }
0x36: {  	_ =	swait.ge [sflag:s5], $0x640  }
0x37: {  	[sflag:s5] =	ssyncset.done $0x0  }
0x38: {  	s21 =	rddreg [dreg:$0x7];
	[sflag:s5] =	ssyncadd.s32 $0xFFFFF9C0  }
0x39: {  	[spmem:s21] =	stream.linear.scatter [tilespmem:s6], [sflag:$0x6], $0x640, $0x38;
	[tilespmem:$0x154A0] =	vst v63  }
0x3a: {  	_ =	swait.ge [sflag:s5], $0x640  }
0x3b: {  	[sflag:s5] =	ssyncset.done $0x0  }
0x3c: {  	s22 =	rddreg [dreg:$0x8];
	[sflag:s5] =	ssyncadd.s32 $0xFFFFF9C0  }
0x3d: {  	[spmem:s22] =	stream.linear.scatter [tilespmem:s6], [sflag:$0x6], $0x640, $0x38;
	[tilespmem:$0x154A0] =	vst v63  }
0x3e: {  	_ =	swait.ge [sflag:s5], $0x640  }
0x3f: {  	[sflag:s5] =	ssyncset.done $0x0  }
0x40: {  	s21 =	rddreg [dreg:$0x9];
	[sflag:s5] =	ssyncadd.s32 $0xFFFFF9C0  }
0x41: {  	[spmem:s21] =	stream.linear.scatter [tilespmem:s6], [sflag:$0x6], $0x640, $0x38;
	[tilespmem:$0x154A0] =	vst v63  }
0x42: {  	_ =	swait.ge [sflag:s5], $0x640  }
0x43: {  	[sflag:s5] =	ssyncset.done $0x0  }
0x44: {  	s22 =	rddreg [dreg:$0xa];
	[sflag:s5] =	ssyncadd.s32 $0xFFFFF9C0  }
0x45: {  	[spmem:s22] =	stream.linear.scatter [tilespmem:s6], [sflag:$0x6], $0x640, $0x38;
	[tilespmem:$0x154A0] =	vst v63  }
0x46: {  	_ =	swait.ge [sflag:s5], $0x640  }
0x47: {  	[sflag:s5] =	ssyncset.done $0x0  }
0x48: {  	s21 =	rddreg [dreg:$0xb];
	[sflag:s5] =	ssyncadd.s32 $0xFFFFF9C0  }
0x49: {  	[spmem:s21] =	stream.linear.scatter [tilespmem:s6], [sflag:$0x6], $0x640, $0x38;
	[tilespmem:$0x154A0] =	vst v63  }
0x4a: {  	_ =	swait.ge [sflag:s5], $0x640  }
0x4b: {  	[sflag:s5] =	ssyncset.done $0x0  }
0x4c: {  	s22 =	rddreg [dreg:$0xc];
	[sflag:s5] =	ssyncadd.s32 $0xFFFFF9C0  }
0x4d: {  	[spmem:s22] =	stream.linear.scatter [tilespmem:s6], [sflag:$0x6], $0x640, $0x38;
	[tilespmem:$0x154A0] =	vst v63  }
0x4e: {  	_ =	swait.ge [sflag:s5], $0x640  }
0x4f: {  	[sflag:s5] =	ssyncset.done $0x0  }
0x50: {  	s21 =	rddreg [dreg:$0xd];
	[sflag:s5] =	ssyncadd.s32 $0xFFFFF9C0  }
0x51: {  	[spmem:s21] =	stream.linear.scatter [tilespmem:s6], [sflag:$0x6], $0x640, $0x38;
	[tilespmem:$0x154A0] =	vst v63  }
0x52: {  	_ =	swait.ge [sflag:s5], $0x640  }
0x53: {  	[sflag:s5] =	ssyncset.done $0x0  }
0x54: {  	s22 =	rddreg [dreg:$0xe];
	[sflag:s5] =	ssyncadd.s32 $0xFFFFF9C0  }
0x55: {  	[spmem:s22] =	stream.linear.scatter [tilespmem:s6], [sflag:$0x6], $0x640, $0x38;
	[tilespmem:$0x154A0] =	vst v63  }
0x56: {  	_ =	swait.ge [sflag:s5], $0x640  }
0x57: {  	[sflag:s5] =	ssyncset.done $0x0  }
0x58: {  	s21 =	rddreg [dreg:$0xf];
	[sflag:s5] =	ssyncadd.s32 $0xFFFFF9C0  }
0x59: {  	[spmem:s21] =	stream.linear.scatter [tilespmem:s6], [sflag:$0x6], $0x640, $0x38;
	[tilespmem:$0x154A0] =	vst v63  }
0x5a: {  	_ =	swait.ge [sflag:s5], $0x640  }
0x5b: {  	[sflag:s5] =	ssyncset.done $0x0  }
0x5c: {  	s22 =	rddreg [dreg:$0x10];
	[sflag:s5] =	ssyncadd.s32 $0xFFFFF9C0  }
0x5d: {  	[spmem:s22] =	stream.linear.scatter [tilespmem:s6], [sflag:$0x6], $0x640, $0x38;
	[tilespmem:$0x154A0] =	vst v63  }
0x5e: {  	_ =	swait.ge [sflag:s5], $0x640  }
0x5f: {  	[sflag:s5] =	ssyncset.done $0x0  }
0x60: {  	s21 =	rddreg [dreg:$0x11];
	[sflag:s5] =	ssyncadd.s32 $0xFFFFF9C0  }
0x61: {  	[spmem:s21] =	stream.linear.scatter [tilespmem:s6], [sflag:$0x6], $0x640, $0x38;
	[tilespmem:$0x154A0] =	vst v63  }
0x62: {  	_ =	swait.ge [sflag:s5], $0x640  }
0x63: {  	[sflag:s5] =	ssyncset.done $0x0  }
0x64: {  	s22 =	rddreg [dreg:$0x12];
	[sflag:s5] =	ssyncadd.s32 $0xFFFFF9C0  }
0x65: {  	[spmem:s22] =	stream.linear.scatter [tilespmem:s6], [sflag:$0x6], $0x640, $0x38;
	[tilespmem:$0x154A0] =	vst v63  }
0x66: {  	_ =	swait.ge [sflag:s5], $0x640  }
0x67: {  	[sflag:s5] =	ssyncset.done $0x0  }
0x68: {  	s21 =	rddreg [dreg:$0x13];
	[sflag:s5] =	ssyncadd.s32 $0xFFFFF9C0  }
0x69: {  	[spmem:s21] =	stream.linear.scatter [tilespmem:s6], [sflag:$0x6], $0x640, $0x38;
	[tilespmem:$0x154A0] =	vst v63  }
0x6a: {  	_ =	swait.ge [sflag:s5], $0x640  }
0x6b: {  	[sflag:s5] =	ssyncset.done $0x0  }
0x6c: {  	s22 =	rddreg [dreg:$0x14];
	[sflag:s5] =	ssyncadd.s32 $0xFFFFF9C0  }
0x6d: {  	[spmem:s22] =	stream.linear.scatter [tilespmem:s6], [sflag:$0x6], $0x640, $0x38;
	[tilespmem:$0x154A0] =	vst v63  }
0x6e: {  	_ =	swait.ge [sflag:s5], $0x640  }
0x6f: {  	[sflag:s5] =	ssyncset.done $0x0  }
0x70: {  	s21 =	rddreg [dreg:$0x15];
	[sflag:s5] =	ssyncadd.s32 $0xFFFFF9C0  }
0x71: {  	[spmem:s21] =	stream.linear.scatter [tilespmem:s6], [sflag:$0x6], $0x640, $0x38;
	[tilespmem:$0x154A0] =	vst v63  }
0x72: {  	_ =	swait.ge [sflag:s5], $0x640  }
0x73: {  	[sflag:s5] =	ssyncset.done $0x0  }
0x74: {  	[sflag:s5] =	ssyncadd.s32 $0xFFFFF9C0  }
0x75: {  	[spmem:s26] =	stream.linear.scatter [tilespmem:s6], [sflag:$0x6], $0x640, $0x38;
	[tilespmem:$0x154A0] =	vst v63  }
0x76: {  	_ =	swait.ge [sflag:s5], $0x640  }
0x77: {  	[sflag:s5] =	ssyncset.done $0x0  }
0x78: {  	[sflag:s5] =	ssyncadd.s32 $0xFFFFF9C0  }
0x79: {  	[spmem:s28] =	stream.linear.scatter [tilespmem:s6], [sflag:$0x6], $0x640, $0x38;
	[tilespmem:$0x154A0] =	vst v63  }
0x7a: {  	_ =	swait.ge [sflag:s5], $0x640  }
0x7b: {  	[sflag:s5] =	ssyncset.done $0x0  }
0x7c: {  	[sflag:s5] =	ssyncadd.s32 $0xFFFFF9C0  }
0x7d: {  	[spmem:s29] =	stream.linear.scatter [tilespmem:s6], [sflag:$0x6], $0x640, $0x38;
	[tilespmem:$0x154A0] =	vst v63  }
0x7e: {  	_ =	swait.ge [sflag:s5], $0x640  }
0x7f: {  	[sflag:s5] =	ssyncset.done $0x0  }
0x80: {  	[sflag:s5] =	ssyncadd.s32 $0xFFFFF9C0  }
0x81: {  	[spmem:s30] =	stream.linear.scatter [tilespmem:s6], [sflag:$0x6], $0x640, $0x38;
	[tilespmem:$0x154A0] =	vst v63  }
0x82: {  	_ =	swait.ge [sflag:s5], $0x640  }
0x83: {  	[sflag:s5] =	ssyncset.done $0x0  }
0x84: {  	[sflag:s5] =	ssyncadd.s32 $0xFFFFF9C0  }
0x85: {  	[spmem:s31] =	stream.linear.scatter [tilespmem:s6], [sflag:$0x6], $0x640, $0x38;
	[tilespmem:$0x154A0] =	vst v63  }
0x86: {  	_ =	swait.ge [sflag:s5], $0x640  }
0x87: {  	[sflag:s5] =	ssyncset.done $0x0  }
0x88: {  	[sflag:s5] =	ssyncadd.s32 $0xFFFFF9C0  }
0x89: {  	[spmem:s2] =	stream.linear.scatter [tilespmem:s6], [sflag:$0x6], $0x640, $0x38;
	[tilespmem:$0x154A0] =	vst v63  }
0x8a: {  	_ =	swait.ge [sflag:s5], $0x640  }
0x8b: {  	[sflag:s5] =	ssyncset.done $0x0  }
0x8c: {  	[sflag:s5] =	ssyncadd.s32 $0xFFFFF9C0  }
0x8d: {  	[spmem:s0] =	stream.linear.scatter [tilespmem:s6], [sflag:$0x6], $0x640, $0x38;
	[tilespmem:$0x154A0] =	vst v63  }
0x8e: {  	_ =	swait.ge [sflag:s5], $0x640  }
0x8f: {  	[sflag:s5] =	ssyncset.done $0x0  }
0x90: {  	[sflag:s5] =	ssyncadd.s32 $0xFFFFF9C0  }
0x91: {  	[spmem:s4] =	stream.linear.scatter [tilespmem:s6], [sflag:$0x6], $0x640, $0x38;
	[tilespmem:$0x154A0] =	vst v63  }
0x92: {  	_ =	swait.ge [sflag:s5], $0x640  }
0x93: {  	[sflag:s5] =	ssyncset.done $0x0  }
0x94: {  	[sflag:s5] =	ssyncadd.s32 $0xFFFFF9C0  }
0x95: {  	s22 =	simm.s32 $0x0;
	[bflag:$0x0] =	sbarrier.arrive $0xFFFF  }
0x96: {  	[tilespmem:s9], [sflag:$0x1] =	stream.indirect.gather [hbm4b:s1+s8], $0x40, s22, s8, $0xb8;
	[tilespmem:$0x154A0] =	vst v63  }
0x97: {  	_ = 	snop  }
0x98: {  	[tilespmem:s10], [sflag:$0x2] =	stream.indirect.gather [hbm4b:s1+s8], $0x40, s8, s8, $0xb8;
	[tilespmem:$0x154A0] =	vst v63  }
0x99: {  	s21 =	simm.s32 $0xA0  }
0x9a: {  	[tilespmem:s11], [sflag:$0x3] =	stream.indirect.gather [hbm4b:s1+s8], $0x40, s21, s8, $0xb8;
	[tilespmem:$0x154A0] =	vst v63  }
0x9b: {  	s22 =	simm.s32 $0xF0  }
0x9c: {  	[tilespmem:s12], [sflag:$0x4] =	stream.indirect.gather [hbm4b:s1+s8], $0x40, s22, s8, $0xb8;
	[tilespmem:$0x154A0] =	vst v63  }
0x9d: {  	s21 =	simm.s32 $0x140  }
0x9e: {  	[tilespmem:s13], [sflag:$0x5] =	stream.indirect.gather [hbm4b:s1+s8], $0x40, s21, s8, $0xb8;
	[tilespmem:$0x154A0] =	vst v63  }
0x9f: {  	_ =	swait.ge [sflag:s14], $0x1400  }
0xa0: {  	[sflag:s14] =	ssyncset.done $0x0  }
0xa1: {  	s22 =	simm.s32 $0x2710;
	[sflag:s14] =	ssyncadd.s32 $0xFFFFEC00  }
0xa2: {  	[spmem:s3] =	stream.indirect.scatter.add.f32 [tilespmem:s9], [sflag:$0x6], $0x40, s22, s8, $0xb8;
	[tilespmem:$0x154A0] =	vst v63  }
0xa3: {  	_ =	swait.ge [sflag:s5], $0x1400  }
0xa4: {  	[sflag:s5] =	ssyncset.done $0x0  }
0xa5: {  	s21 =	simm.s32 $0x190;
	[sflag:s5] =	ssyncadd.s32 $0xFFFFEC00  }
0xa6: {  	[tilespmem:s9], [sflag:$0x1] =	stream.indirect.gather [hbm4b:s1+s8], $0x40, s21, s8, $0xb8;
	[tilespmem:$0x154A0] =	vst v63  }
0xa7: {  	_ =	swait.ge [sflag:s15], $0x1400  }
0xa8: {  	[sflag:s15] =	ssyncset.done $0x0  }
0xa9: {  	s22 =	simm.s32 $0x2760;
	[sflag:s15] =	ssyncadd.s32 $0xFFFFEC00  }
0xaa: {  	[spmem:s3] =	stream.indirect.scatter.add.f32 [tilespmem:s10], [sflag:$0x6], $0x40, s22, s8, $0xb8;
	[tilespmem:$0x154A0] =	vst v63  }
0xab: {  	_ =	swait.ge [sflag:s5], $0x1400  }
0xac: {  	[sflag:s5] =	ssyncset.done $0x0  }
0xad: {  	s21 =	simm.s32 $0x1E0;
	[sflag:s5] =	ssyncadd.s32 $0xFFFFEC00  }
0xae: {  	[tilespmem:s10], [sflag:$0x2] =	stream.indirect.gather [hbm4b:s1+s8], $0x40, s21, s8, $0xb8;
	[tilespmem:$0x154A0] =	vst v63  }
0xaf: {  	_ =	swait.ge [sflag:s16], $0x1400  }
0xb0: {  	[sflag:s16] =	ssyncset.done $0x0  }
0xb1: {  	s22 =	simm.s32 $0x27B0;
	[sflag:s16] =	ssyncadd.s32 $0xFFFFEC00  }
0xb2: {  	[spmem:s3] =	stream.indirect.scatter.add.f32 [tilespmem:s11], [sflag:$0x6], $0x40, s22, s8, $0xb8;
	[tilespmem:$0x154A0] =	vst v63  }
0xb3: {  	_ =	swait.ge [sflag:s5], $0x1400  }
0xb4: {  	[sflag:s5] =	ssyncset.done $0x0  }
0xb5: {  	s21 =	simm.s32 $0x230;
	[sflag:s5] =	ssyncadd.s32 $0xFFFFEC00  }
0xb6: {  	[tilespmem:s11], [sflag:$0x3] =	stream.indirect.gather [hbm4b:s1+s8], $0x40, s21, s8, $0xb8;
	[tilespmem:$0x154A0] =	vst v63  }
0xb7: {  	_ =	swait.ge [sflag:s17], $0x1400  }
0xb8: {  	[sflag:s17] =	ssyncset.done $0x0  }
0xb9: {  	s22 =	simm.s32 $0x2800;
	[sflag:s17] =	ssyncadd.s32 $0xFFFFEC00  }
0xba: {  	[spmem:s3] =	stream.indirect.scatter.add.f32 [tilespmem:s12], [sflag:$0x6], $0x40, s22, s8, $0xb8;
	[tilespmem:$0x154A0] =	vst v63  }
0xbb: {  	_ =	swait.ge [sflag:s5], $0x1400  }
0xbc: {  	[sflag:s5] =	ssyncset.done $0x0  }
0xbd: {  	s21 =	simm.s32 $0x280;
	[sflag:s5] =	ssyncadd.s32 $0xFFFFEC00  }
0xbe: {  	[tilespmem:s12], [sflag:$0x4] =	stream.indirect.gather [hbm4b:s1+s8], $0x40, s21, s8, $0xb8;
	[tilespmem:$0x154A0] =	vst v63  }
0xbf: {  	_ =	swait.ge [sflag:s18], $0x1400  }
0xc0: {  	[sflag:s18] =	ssyncset.done $0x0  }
0xc1: {  	s22 =	simm.s32 $0x2850;
	[sflag:s18] =	ssyncadd.s32 $0xFFFFEC00  }
0xc2: {  	[spmem:s3] =	stream.indirect.scatter.add.f32 [tilespmem:s13], [sflag:$0x6], $0x40, s22, s8, $0xb8;
	[tilespmem:$0x154A0] =	vst v63  }
0xc3: {  	_ =	swait.ge [sflag:s5], $0x1400  }
0xc4: {  	[sflag:s5] =	ssyncset.done $0x0  }
0xc5: {  	s20 =	simm.s32 $0x640;
	s21 =	simm.s32 $0x2D0;
	[sflag:s5] =	ssyncadd.s32 $0xFFFFEC00  }
.LBB2_4:
0xc6: {  	[tilespmem:s13], [sflag:$0x5] =	stream.indirect.gather [hbm4b:s1+s8], $0x40, s21, s8, $0xb8;
	[tilespmem:$0x154A0] =	vst v63  }
0xc7: {  	s21 =	smov.u32 s20  }
0xc8: {  	p0 =	sne.s32 s20, $0x8FC0;
	s20 =	sadd.s32 $0x640, s20;
	_ =	swait.ge [sflag:s14], $0x1400  }
0xc9: {  	s21 =	sshra.s32 s21, $0x2;
	[sflag:s14] =	ssyncset.done $0x0  }
0xca: {  	s22 =	sadd.s32 $0x2710, s21;
	[sflag:s14] =	ssyncadd.s32 $0xFFFFEC00  }
0xcb: {  	[spmem:s3] =	stream.indirect.scatter.add.f32 [tilespmem:s9], [sflag:$0x6], $0x40, s22, s8, $0xb8;
	[tilespmem:$0x154A0] =	vst v63  }
0xcc: {  	_ =	swait.ge [sflag:s5], $0x1400  }
0xcd: {  	[sflag:s5] =	ssyncset.done $0x0  }
0xce: {  	s22 =	sadd.s32 $0x190, s21;
	[sflag:s5] =	ssyncadd.s32 $0xFFFFEC00  }
0xcf: {  	[tilespmem:s9], [sflag:$0x1] =	stream.indirect.gather [hbm4b:s1+s8], $0x40, s22, s8, $0xb8;
	[tilespmem:$0x154A0] =	vst v63  }
0xd0: {  	_ =	swait.ge [sflag:s15], $0x1400  }
0xd1: {  	[sflag:s15] =	ssyncset.done $0x0  }
0xd2: {  	s22 =	sadd.s32 $0x2760, s21;
	[sflag:s15] =	ssyncadd.s32 $0xFFFFEC00  }
0xd3: {  	[spmem:s3] =	stream.indirect.scatter.add.f32 [tilespmem:s10], [sflag:$0x6], $0x40, s22, s8, $0xb8;
	[tilespmem:$0x154A0] =	vst v63  }
0xd4: {  	_ =	swait.ge [sflag:s5], $0x1400  }
0xd5: {  	[sflag:s5] =	ssyncset.done $0x0  }
0xd6: {  	s22 =	sadd.s32 $0x1E0, s21;
	[sflag:s5] =	ssyncadd.s32 $0xFFFFEC00  }
0xd7: {  	[tilespmem:s10], [sflag:$0x2] =	stream.indirect.gather [hbm4b:s1+s8], $0x40, s22, s8, $0xb8;
	[tilespmem:$0x154A0] =	vst v63  }
0xd8: {  	_ =	swait.ge [sflag:s16], $0x1400  }
0xd9: {  	[sflag:s16] =	ssyncset.done $0x0  }
0xda: {  	s22 =	sadd.s32 $0x27B0, s21;
	[sflag:s16] =	ssyncadd.s32 $0xFFFFEC00  }
0xdb: {  	[spmem:s3] =	stream.indirect.scatter.add.f32 [tilespmem:s11], [sflag:$0x6], $0x40, s22, s8, $0xb8;
	[tilespmem:$0x154A0] =	vst v63  }
0xdc: {  	_ =	swait.ge [sflag:s5], $0x1400  }
0xdd: {  	[sflag:s5] =	ssyncset.done $0x0  }
0xde: {  	s22 =	sadd.s32 $0x230, s21;
	[sflag:s5] =	ssyncadd.s32 $0xFFFFEC00  }
0xdf: {  	[tilespmem:s11], [sflag:$0x3] =	stream.indirect.gather [hbm4b:s1+s8], $0x40, s22, s8, $0xb8;
	[tilespmem:$0x154A0] =	vst v63  }
0xe0: {  	_ =	swait.ge [sflag:s17], $0x1400  }
0xe1: {  	[sflag:s17] =	ssyncset.done $0x0  }
0xe2: {  	s22 =	sadd.s32 $0x2800, s21;
	[sflag:s17] =	ssyncadd.s32 $0xFFFFEC00  }
0xe3: {  	[spmem:s3] =	stream.indirect.scatter.add.f32 [tilespmem:s12], [sflag:$0x6], $0x40, s22, s8, $0xb8;
	[tilespmem:$0x154A0] =	vst v63  }
0xe4: {  	_ =	swait.ge [sflag:s5], $0x1400  }
0xe5: {  	[sflag:s5] =	ssyncset.done $0x0  }
0xe6: {  	s22 =	sadd.s32 $0x280, s21;
	[sflag:s5] =	ssyncadd.s32 $0xFFFFEC00  }
0xe7: {  	[tilespmem:s12], [sflag:$0x4] =	stream.indirect.gather [hbm4b:s1+s8], $0x40, s22, s8, $0xb8;
	[tilespmem:$0x154A0] =	vst v63  }
0xe8: {  	_ =	swait.ge [sflag:s18], $0x1400  }
0xe9: {  	[sflag:s18] =	ssyncset.done $0x0  }
.Ltmp1:
0xea: {  	s22 =	sadd.s32 $0x2850, s21;
	[sflag:s18] =	ssyncadd.s32 $0xFFFFEC00;
	(pc) =	sbr.rel @p0 .LBB2_4-.Ltmp1, $4  }
0xeb: {  	[spmem:s3] =	stream.indirect.scatter.add.f32 [tilespmem:s13], [sflag:$0x6], $0x40, s22, s8, $0xb8;
	[tilespmem:$0x154A0] =	vst v63  }
0xec: {  	_ =	swait.ge [sflag:s5], $0x1400  }
0xed: {  	[sflag:s5] =	ssyncset.done $0x0  }
0xee: {  	s21 =	sadd.s32 $0x2D0, s21;
	[sflag:s5] =	ssyncadd.s32 $0xFFFFEC00  }
0xef: {  	[tilespmem:s13], [sflag:$0x5] =	stream.indirect.gather [hbm4b:s1+s8], $0x40, s21, s8, $0xb8;
	[tilespmem:$0x154A0] =	vst v63  }
0xf0: {  	_ =	swait.ge [sflag:s14], $0x1400  }
0xf1: {  	[sflag:s14] =	ssyncset.done $0x0  }
0xf2: {  	s20 =	simm.s32 $0x4C90;
	[sflag:s14] =	ssyncadd.s32 $0xFFFFEC00  }
0xf3: {  	[spmem:s3] =	stream.indirect.scatter.add.f32 [tilespmem:s9], [sflag:$0x6], $0x40, s20, s8, $0xb8;
	[tilespmem:$0x154A0] =	vst v63  }
0xf4: {  	_ =	swait.ge [sflag:s5], $0x1400  }
0xf5: {  	[sflag:s5] =	ssyncset.done $0x0  }
0xf6: {  	[sflag:s5] =	ssyncadd.s32 $0xFFFFEC00  }
0xf7: {  	_ =	swait.ge [sflag:s15], $0x1400  }
0xf8: {  	[sflag:s15] =	ssyncset.done $0x0  }
0xf9: {  	s22 =	simm.s32 $0x4CE0;
	[sflag:s15] =	ssyncadd.s32 $0xFFFFEC00  }
0xfa: {  	[spmem:s3] =	stream.indirect.scatter.add.f32 [tilespmem:s10], [sflag:$0x6], $0x40, s22, s8, $0xb8;
	[tilespmem:$0x154A0] =	vst v63  }
0xfb: {  	_ =	swait.ge [sflag:s5], $0x1400  }
0xfc: {  	[sflag:s5] =	ssyncset.done $0x0  }
0xfd: {  	[sflag:s5] =	ssyncadd.s32 $0xFFFFEC00  }
0xfe: {  	_ =	swait.ge [sflag:s16], $0x1400  }
0xff: {  	[sflag:s16] =	ssyncset.done $0x0  }
0x100: {  	s21 =	simm.s32 $0x4D30;
	[sflag:s16] =	ssyncadd.s32 $0xFFFFEC00  }
0x101: {  	[spmem:s3] =	stream.indirect.scatter.add.f32 [tilespmem:s11], [sflag:$0x6], $0x40, s21, s8, $0xb8;
	[tilespmem:$0x154A0] =	vst v63  }
0x102: {  	_ =	swait.ge [sflag:s5], $0x1400  }
0x103: {  	[sflag:s5] =	ssyncset.done $0x0  }
0x104: {  	[sflag:s5] =	ssyncadd.s32 $0xFFFFEC00  }
0x105: {  	_ =	swait.ge [sflag:s17], $0x1400  }
0x106: {  	[sflag:s17] =	ssyncset.done $0x0  }
0x107: {  	s22 =	simm.s32 $0x4D80;
	[sflag:s17] =	ssyncadd.s32 $0xFFFFEC00  }
0x108: {  	[spmem:s3] =	stream.indirect.scatter.add.f32 [tilespmem:s12], [sflag:$0x6], $0x40, s22, s8, $0xb8;
	[tilespmem:$0x154A0] =	vst v63  }
0x109: {  	_ =	swait.ge [sflag:s5], $0x1400  }
0x10a: {  	[sflag:s5] =	ssyncset.done $0x0  }
0x10b: {  	[sflag:s5] =	ssyncadd.s32 $0xFFFFEC00  }
0x10c: {  	_ =	swait.ge [sflag:s18], $0x1400  }
0x10d: {  	[sflag:s18] =	ssyncset.done $0x0  }
0x10e: {  	s21 =	simm.s32 $0x4DD0;
	[sflag:s18] =	ssyncadd.s32 $0xFFFFEC00  }
0x10f: {  	[spmem:s3] =	stream.indirect.scatter.add.f32 [tilespmem:s13], [sflag:$0x6], $0x40, s21, s8, $0xb8;
	[tilespmem:$0x154A0] =	vst v63  }
0x110: {  	s19 =	sadd.s32 $0x1, s19;
	s22 =	stileid.u32;
	_ =	swait.ge [sflag:s5], $0x1400  }
0x111: {  	p0 =	sne.s32 s19, s25;
	s20 =	sshll.u32 s22, $0x6;
	[sflag:s5] =	ssyncset.done $0x0  }
0x112: {  	s22 =	simm.s32 $0x10;
	s20 =	sor.u32 $0x1C06, s20;
	[sflag:s5] =	ssyncadd.s32 $0xFFFFEC00  }
.Ltmp2:
0x113: {  	s21 =	sshrl.u32 s7, $0x3;
	[bflag:$0x0] =	sbarrier.arrive $0xFFFF;
	(pc) =	sbr.rel @p0 .LBB2_1-.Ltmp2, $4  }
0x114: {  	[hbm:s24@s22], [sflag:s20] =	dma.strided [spmem:s21@s23], $0x1388, s14, $0x8   }
0x115: {  	_ =	swait.ge [sflag:s5], $0x1388  }
0x116: {  	[sflag:s5] =	ssyncset.done $0x0  }
0x117: {  	[sflag:s5] =	ssyncadd.s32 $0xFFFFEC78  }
0x118: {  	_ =	sfence.sel $0x180000  }
0x119: {  	[bflag:$0x0] =	sbarrier.arrive $0xFFFF  }
0x11a: {  	_ =	strace $0x9000004A  }
0x11b: {  	s0 =	stileid.u32;
	[bflag:$0x2] =	sbarrier.arrive $0xFFFF  }
0x11c: {  	p0 =	sne.s32 s0, $0x0;
	s0 =	rddreg [dreg:$0x3]  }
0x11d: {  	s0 =	sadd.s32 @!p0 $0x100000, s0  }
0x11e: {  	[sflag:s0] =	ssyncadd.tile.s32 @!p0 $0x1;
	_ =	shalt  }
.Lfunc_end2:
_tile_overlayer_lowered:
.L_overlay_start_2:
0x11f: {  	(tag) =	ssettag $0x2  }
0x120: {  	s0 =	rddreg [dreg:$0x0];
	s2 =	stileid.u32  }
0x121: {  	s1 =	rddreg [dreg:$0x1];
	p0 =	sne.s32 s2, $0x0  }
0x122: {  	s3 =	rddreg [dreg:$0x2];
	[bflag:$0x3] =	sbarrier.arrive $0xFFFF;
	s2 =	simm.s32 @!p0 $0x1C06  }
0x123: {  	[timem:s3], [sflag:s2] =	dma.local @!p0 [hbm:s0], s1  }
0x124: {  	s0 =	simm.s32 @!p0 $0x6  }
0x125: {  	_ =	swait.ge @!p0 [sflag:s0], s1  }
0x126: {  	s1 =	ssub.s32 @!p0 $0x0, s1;
	[sflag:s0] =	ssyncset.done @!p0 $0x0  }
0x127: {  	[sflag:s0] =	ssyncadd.s32 @!p0 s1  }
0x128: {  	[bflag:$0x3] =	sbarrier.arrive $0xFFFF  }
0x129: {  	_ =	shalt  }

</sc_bundles>
